<compile_context>
chip_gen: v7x
topology: tpu7x:2x2x1
jax: 0.10.2.dev20260603
libtpu: 0.0.44.dev20260713+nightly
codegen_flags: <defaults>
</compile_context>

<pallas_src>
import functools

import jax
import jax.numpy as jnp
from jax import lax
from jax.experimental import pallas as pl
from jax.experimental.pallas import tpu as pltpu
from jax.experimental.pallas import tpu_sc as plsc

N_FRAG = 320000
D = 128
N_GEN = 10000

NC = 2
NS = 16
GENE_SPLIT = 5008
ACC_ROWS = N_GEN + 8
W = 40
N_WIN = N_FRAG // W
NBUF = 8
SLACK = 2
N_PROBE = 5
GEN_SLICE = 312
SC0_REM_OFF = NS * GEN_SLICE
SC0_REM = GENE_SPLIT - SC0_REM_OFF
ZROWS = 48
ZN_FULL = 13
ZREM = 16


def _sc_segment_sum(embedding, idx32):
    mesh = plsc.VectorSubcoreMesh(core_axis_name="c", subcore_axis_name="s")

    @functools.partial(
        pl.kernel,
        out_type=jax.ShapeDtypeStruct((N_GEN, D), jnp.float32),
        mesh=mesh,
        scratch_types=[
            pltpu.VMEM((NBUF, W, D), jnp.float32),
            pltpu.VMEM((NBUF, W), jnp.int32),
            pltpu.VMEM((ZROWS, D), jnp.float32),
            pltpu.VMEM((128,), jnp.int32),
            pltpu.SMEM((128,), jnp.int32),
            pltpu.VMEM_SHARED((NS, 128), jnp.int32),
            pltpu.VMEM_SHARED((ACC_ROWS, D), jnp.float32),
        ] + [pltpu.SemaphoreType.DMA] * (3 * NBUF + 1),
    )
    def k(emb_hbm, idx_hbm, out_hbm, rows_v, idx_v, zbuf, probe_v, probe_s,
          probe_sh, acc, *sems):
        c = lax.axis_index("c")
        s = lax.axis_index("s")
        rsems = sems[:NBUF]
        isems = sems[NBUF:2 * NBUF]
        ssems = sems[2 * NBUF:3 * NBUF]
        psem = sems[3 * NBUF]

        def zrow(i, _):
            def zcol(jj, _):
                zbuf[i, pl.ds(jj * 16, 16)] = jnp.zeros((16,), jnp.float32)
                return 0
            return lax.fori_loop(0, D // 16, zcol, 0)
        lax.fori_loop(0, ZROWS, zrow, 0)

        def zcopy(z, _):
            pltpu.sync_copy(
                zbuf, acc.at[pl.ds(s * (ZN_FULL * ZROWS) + z * ZROWS, ZROWS)])
            return 0
        lax.fori_loop(0, ZN_FULL, zcopy, 0)

        @pl.when(s == NS - 1)
        def _():
            pltpu.sync_copy(zbuf.at[pl.ds(0, ZREM)],
                            acc.at[pl.ds(NS * ZN_FULL * ZROWS, ZREM)])

        def probe(_, carry):
            lo_b, hi_b = carry
            span_b = hi_b - lo_b
            for i in range(16):
                m_i = jnp.minimum(
                    lo_b + (span_b * (i + 1)) // 16, N_FRAG - 1)
                w_i = pl.multiple_of(
                    jnp.minimum(m_i & -8, N_FRAG - 8), 8)
                pltpu.async_copy(idx_hbm.at[pl.ds(w_i, 8)],
                                 probe_v.at[pl.ds(i * 8, 8)], psem)
            for i in range(16):
                pltpu.make_async_copy(idx_hbm.at[pl.ds(0, 8)],
                                      probe_v.at[pl.ds(i * 8, 8)],
                                      psem).wait()
            pltpu.sync_copy(probe_v, probe_sh.at[s])
            pltpu.sync_copy(probe_sh.at[s], probe_s)
            lo_n, hi_n = lo_b, hi_b
            for i in range(15, -1, -1):
                m_i = lo_b + (span_b * (i + 1)) // 16
                m_c = jnp.minimum(m_i, N_FRAG - 1)
                w_i = jnp.minimum(m_c & -8, N_FRAG - 8)
                v_i = probe_s[i * 8 + (m_c - w_i)]
                ge_i = v_i >= GENE_SPLIT
                hi_n = jnp.where(ge_i, m_i, hi_n)
            for i in range(16):
                m_i = lo_b + (span_b * (i + 1)) // 16
                m_c = jnp.minimum(m_i, N_FRAG - 1)
                w_i = jnp.minimum(m_c & -8, N_FRAG - 8)
                v_i = probe_s[i * 8 + (m_c - w_i)]
                lo_n = jnp.where(v_i >= GENE_SPLIT, lo_n, m_i + 1)
            return jnp.minimum(lo_n, hi_n), hi_n
        split, _ = lax.fori_loop(0, N_PROBE, probe, (0, N_FRAG))

        w0 = jnp.where(c == 0, 0, split // W)
        w1 = jnp.where(c == 0, (split + W - 1) // W, N_WIN)
        nw = w1 - w0
        ws = w0 + (nw * s) // NS
        nwin = w0 + (nw * (s + 1)) // NS - ws

        def start_gather(t, b):
            off = (ws + t) * W
            pltpu.async_copy(emb_hbm.at[pl.ds(off, W)], rows_v.at[b],
                             rsems[b])
            pltpu.async_copy(idx_hbm.at[pl.ds(off, W)], idx_v.at[b],
                             isems[b])

        def wait_gather(b):
            pltpu.make_async_copy(
                emb_hbm.at[pl.ds(0, W)], rows_v.at[b], rsems[b]).wait()
            pltpu.make_async_copy(
                idx_hbm.at[pl.ds(0, W)], idx_v.at[b], isems[b]).wait()

        def wait_scatter(b):
            pltpu.make_async_copy(
                rows_v.at[b], acc.at[idx_v.at[b]], ssems[b]).wait()

        for b in range(NBUF - SLACK):
            @pl.when(b < nwin)
            def _():
                start_gather(b, b)

        plsc.subcore_barrier()

        def group_body(q, _):
            for b in range(NBUF):
                t = NBUF * q + b

                @pl.when(t < nwin)
                def _():
                    wait_gather(b)
                    pltpu.async_copy(rows_v.at[b], acc.at[idx_v.at[b]],
                                     ssems[b], add=True)
                    tt = t + (NBUF - SLACK)
                    bb = (b + NBUF - SLACK) % NBUF

                    @pl.when(tt < nwin)
                    def _():
                        @pl.when(tt >= NBUF)
                        def _():
                            wait_scatter(bb)
                        start_gather(tt, bb)
            return 0
        lax.fori_loop(0, (nwin + NBUF - 1) // NBUF, group_body, 0)

        for b in range(NBUF):
            @pl.when(b < nwin)
            def _():
                wait_scatter(b)

        plsc.subcore_barrier()

        pltpu.sync_copy(
            acc.at[pl.ds(c * GENE_SPLIT + s * GEN_SLICE, GEN_SLICE)],
            out_hbm.at[pl.ds(c * GENE_SPLIT + s * GEN_SLICE, GEN_SLICE)])

        @pl.when((s == NS - 1) & (c == 0))
        def _():
            pltpu.sync_copy(
                acc.at[pl.ds(SC0_REM_OFF, SC0_REM)],
                out_hbm.at[pl.ds(SC0_REM_OFF, SC0_REM)])

    return k(embedding, idx32)


def kernel(embedding, local_gene_ix, n_genes):
    idx32 = local_gene_ix.astype(jnp.int32)
    return _sc_segment_sum(embedding, idx32)

# --- scband reference (transcript-rebuilt; emitter-appended) ---
"""Pipeline reference for scband-site-embedding-gene-pooler-59760174956785 (READ-ONLY COPY).

The authoritative reference and input builder live on the scoring server;
editing this copy changes nothing except your own understanding.
"""

import jax, jax.numpy as jnp
import numpy as np

N_FRAGMENTS = 320000
D_FEAT = 128
N_GENES = 10000


def setup_inputs(seed: int = 0) -> dict:
    key = jax.random.key(seed)
    k1, k2 = jax.random.split(key)
    embedding = jax.random.normal(k1, (N_FRAGMENTS, D_FEAT), dtype=jnp.float32)
    local_gene_ix = jnp.sort(
        jax.random.randint(k2, (N_FRAGMENTS,), 0, N_GENES, dtype=jnp.int32)
    ).astype(jnp.int64)
    return {
        "embedding": embedding,
        "local_gene_ix": local_gene_ix,
        "n_genes": N_GENES,
    }


def reference(embedding, local_gene_ix, n_genes):
    # Faithful translation of torch_scatter.segment_sum_coo(embedding, ix, dim_size=n_genes)
    gene_embedding = jax.ops.segment_sum(
        embedding, local_gene_ix.astype(jnp.int32), num_segments=N_GENES
    )
    gene_embedding = jnp.where(n_genes > 0, gene_embedding, gene_embedding)
    return gene_embedding

if __name__ == "__main__":
    import jax
    _d = setup_inputs()
    print(jax.jit(kernel)(*tuple(_d.values())))

</pallas_src>

<mosaic_0001>
#map = affine_map<(d0, d1) -> (0, 0)>
#map1 = affine_map<(d0, d1) -> (0)>
module attributes {stable_mosaic.version = 14 : i64} {
  func.func @k(%arg0: i32, %arg1: i32, %arg2: memref<320000x128xf32, #tpu.memory_space<hbm>>, %arg3: memref<320000xi32, #tpu.memory_space<hbm>>, %arg4: memref<10000x128xf32, #tpu.memory_space<hbm>>, %arg5: memref<8x40x128xf32, #tpu.memory_space<vmem>>, %arg6: memref<8x40xi32, #tpu.memory_space<vmem>>, %arg7: memref<48x128xf32, #tpu.memory_space<vmem>>, %arg8: memref<128xi32, #tpu.memory_space<vmem>>, %arg9: memref<128xi32, #tpu.memory_space<smem>>, %arg10: memref<16x128xi32, #tpu.memory_space<vmem_shared>>, %arg11: memref<10008x128xf32, #tpu.memory_space<vmem_shared>>, %arg12: memref<!tpu.dma_semaphore, #tpu.memory_space<semaphore_mem>>, %arg13: memref<!tpu.dma_semaphore, #tpu.memory_space<semaphore_mem>>, %arg14: memref<!tpu.dma_semaphore, #tpu.memory_space<semaphore_mem>>, %arg15: memref<!tpu.dma_semaphore, #tpu.memory_space<semaphore_mem>>, %arg16: memref<!tpu.dma_semaphore, #tpu.memory_space<semaphore_mem>>, %arg17: memref<!tpu.dma_semaphore, #tpu.memory_space<semaphore_mem>>, %arg18: memref<!tpu.dma_semaphore, #tpu.memory_space<semaphore_mem>>, %arg19: memref<!tpu.dma_semaphore, #tpu.memory_space<semaphore_mem>>, %arg20: memref<!tpu.dma_semaphore, #tpu.memory_space<semaphore_mem>>, %arg21: memref<!tpu.dma_semaphore, #tpu.memory_space<semaphore_mem>>, %arg22: memref<!tpu.dma_semaphore, #tpu.memory_space<semaphore_mem>>, %arg23: memref<!tpu.dma_semaphore, #tpu.memory_space<semaphore_mem>>, %arg24: memref<!tpu.dma_semaphore, #tpu.memory_space<semaphore_mem>>, %arg25: memref<!tpu.dma_semaphore, #tpu.memory_space<semaphore_mem>>, %arg26: memref<!tpu.dma_semaphore, #tpu.memory_space<semaphore_mem>>, %arg27: memref<!tpu.dma_semaphore, #tpu.memory_space<semaphore_mem>>, %arg28: memref<!tpu.dma_semaphore, #tpu.memory_space<semaphore_mem>>, %arg29: memref<!tpu.dma_semaphore, #tpu.memory_space<semaphore_mem>>, %arg30: memref<!tpu.dma_semaphore, #tpu.memory_space<semaphore_mem>>, %arg31: memref<!tpu.dma_semaphore, #tpu.memory_space<semaphore_mem>>, %arg32: memref<!tpu.dma_semaphore, #tpu.memory_space<semaphore_mem>>, %arg33: memref<!tpu.dma_semaphore, #tpu.memory_space<semaphore_mem>>, %arg34: memref<!tpu.dma_semaphore, #tpu.memory_space<semaphore_mem>>, %arg35: memref<!tpu.dma_semaphore, #tpu.memory_space<semaphore_mem>>, %arg36: memref<!tpu.dma_semaphore, #tpu.memory_space<semaphore_mem>>) attributes {dimension_semantics = [#tpu.dimension_semantics<core_parallel>, #tpu.dimension_semantics<subcore_parallel>], iteration_bounds = array<i64: 2, 16>, scalar_prefetch = 0 : i64, scratch_operands = 32 : i64, tpu.core_type = #tpu.core_type<sc_vector_subcore>, window_params = [{transform_indices = #map}, {transform_indices = #map1}, {transform_indices = #map}]} {
    %scan3A = arith.constant 0 : i32
    %scan3A_0 = arith.constant 0 : i32
    %scan3A_1 = arith.constant 48 : i32
    %scan3A_2 = arith.addi %scan3A_0, %scan3A_1 : i32
    %scan3A_3 = arith.constant 1 : i32
    %scan3A_4 = scf.for %scan3A_256 = %scan3A_0 to %scan3A_2 step %scan3A_3 iter_args(%scan3A_257 = %scan3A) -> (i32)  : i32 {
      %scan3A_258 = arith.constant 0 : i32
      %scan3A_259 = arith.constant 0 : i32
      %scan3A_260 = arith.constant 8 : i32
      %scan3A_261 = arith.addi %scan3A_259, %scan3A_260 : i32
      %scan3A_262 = arith.constant 1 : i32
      %scan3A_263 = scf.for %scan3A_265 = %scan3A_259 to %scan3A_261 step %scan3A_262 iter_args(%scan3A_266 = %scan3A_258) -> (i32)  : i32 {
        %broadcast_in_dim3A = arith.constant 0.000000e+00 : f32
        %broadcast_in_dim3A_267 = vector.broadcast %broadcast_in_dim3A : f32 to vector<16xf32>
        %mul3A_268 = arith.constant 16 : i32
        %mul3A_269 = arith.muli %scan3A_265, %mul3A_268 : i32
        %swap3A = arith.index_cast %scan3A_256 : i32 to index
        %swap3A_270 = arith.index_cast %mul3A_269 : i32 to index
        %swap3A_271 = tpu.vector_load %arg7[%swap3A, %swap3A_270] {strides = array<i32>} : memref<48x128xf32, #tpu.memory_space<vmem>>, vector<1x16xf32>,
        %swap3A_272 = vector.shape_cast %swap3A_271 : vector<1x16xf32> to vector<16xf32>
        %swap3A_273 = vector.shape_cast %broadcast_in_dim3A_267 : vector<16xf32> to vector<1x16xf32>
        tpu.vector_store %arg7[%swap3A, %swap3A_270], %swap3A_273 {strides = array<i32>} : memref<48x128xf32, #tpu.memory_space<vmem>>, vector<1x16xf32>,
        %scan3A_274 = arith.constant 0 : i32
        scf.yield %scan3A_274 : i32
      }
      %scan3A_264 = arith.constant 8 : i32
      scf.yield %scan3A_263 : i32
    }
    %scan3A_5 = arith.constant 48 : i32
    %scan3A_6 = arith.constant 0 : i32
    %scan3A_7 = arith.constant 0 : i32
    %scan3A_8 = arith.constant 13 : i32
    %scan3A_9 = arith.addi %scan3A_7, %scan3A_8 : i32
    %scan3A_10 = arith.constant 1 : i32
    %scan3A_11 = scf.for %scan3A_256 = %scan3A_7 to %scan3A_9 step %scan3A_10 iter_args(%scan3A_257 = %scan3A_6) -> (i32)  : i32 {
      %mul3A_258 = arith.constant 624 : i32
      %mul3A_259 = arith.muli %arg1, %mul3A_258 : i32
      %mul3A_260 = arith.constant 48 : i32
      %mul3A_261 = arith.muli %scan3A_256, %mul3A_260 : i32
      %add3A_262 = arith.addi %mul3A_259, %mul3A_261 : i32
      "tpu.region"() ({
        %run_scoped3A = tpu.sem_alloc : memref<!tpu.dma_semaphore, #tpu.memory_space<semaphore_mem>>
        %dma_start3A = arith.constant 0 : i32
        %dma_start3A_264 = tpu.memref_slice %arg11[%add3A_262, %dma_start3A] : memref<10008x128xf32, #tpu.memory_space<vmem_shared>> -> memref<48x128xf32, #tpu.memory_space<vmem_shared>>
        %dma_start3A_265 = arith.constant 0 : i32
        %dma_start3A_266 = tpu.memref_slice %arg11[%add3A_262, %dma_start3A_265] : memref<10008x128xf32, #tpu.memory_space<vmem_shared>> -> memref<48x128xf32, #tpu.memory_space<vmem_shared>>
        tpu.enqueue_dma source(%arg7 : memref<48x128xf32, #tpu.memory_space<vmem>>) target(%dma_start3A_266 : memref<48x128xf32, #tpu.memory_space<vmem_shared>>) target_semaphore(%run_scoped3A : memref<!tpu.dma_semaphore, #tpu.memory_space<semaphore_mem>>)
        %dma_wait3A = arith.constant 0 : i32
        %dma_wait3A_267 = tpu.memref_slice %arg11[%add3A_262, %dma_wait3A] : memref<10008x128xf32, #tpu.memory_space<vmem_shared>> -> memref<48x128xf32, #tpu.memory_space<vmem_shared>>
        %dma_wait3A_268 = arith.constant 0 : i32
        %dma_wait3A_269 = tpu.memref_slice %arg11[%add3A_262, %dma_wait3A_268] : memref<10008x128xf32, #tpu.memory_space<vmem_shared>> -> memref<48x128xf32, #tpu.memory_space<vmem_shared>>
        tpu.wait_dma2 semaphore(%run_scoped3A : memref<!tpu.dma_semaphore, #tpu.memory_space<semaphore_mem>>) src(%arg7 : memref<48x128xf32, #tpu.memory_space<vmem>>) dst(%dma_wait3A_269 : memref<48x128xf32, #tpu.memory_space<vmem_shared>>)
        tpu.yield
      }) : () -> ()
      %scan3A_263 = arith.constant 0 : i32
      scf.yield %scan3A_263 : i32
    }
    %scan3A_12 = arith.constant 13 : i32
    %eq3A = arith.constant 15 : i32
    %eq3A_13 = arith.cmpi eq, %arg1, %eq3A : i32
    %convert_element_type3A = arith.extui %eq3A_13 : i1 to i32
    %cond3A = arith.constant 0 : i32
    %cond3A_14 = arith.cmpi ne, %convert_element_type3A, %cond3A : i32
    scf.if %cond3A_14 {
      "tpu.region"() ({
        %run_scoped3A = tpu.sem_alloc : memref<!tpu.dma_semaphore, #tpu.memory_space<semaphore_mem>>
        %dma_start3A = arith.constant 0 : i32
        %dma_start3A_256 = arith.constant 0 : i32
        %dma_start3A_257 = tpu.memref_slice %arg7[%dma_start3A, %dma_start3A_256] : memref<48x128xf32, #tpu.memory_space<vmem>> -> memref<16x128xf32, #tpu.memory_space<vmem>>
        %dma_start3A_258 = arith.constant 9984 : i32
        %dma_start3A_259 = arith.constant 0 : i32
        %dma_start3A_260 = tpu.memref_slice %arg11[%dma_start3A_258, %dma_start3A_259] : memref<10008x128xf32, #tpu.memory_space<vmem_shared>> -> memref<16x128xf32, #tpu.memory_space<vmem_shared>>
        %dma_start3A_261 = arith.constant 9984 : i32
        %dma_start3A_262 = arith.constant 0 : i32
        %dma_start3A_263 = tpu.memref_slice %arg11[%dma_start3A_261, %dma_start3A_262] : memref<10008x128xf32, #tpu.memory_space<vmem_shared>> -> memref<16x128xf32, #tpu.memory_space<vmem_shared>>
        %dma_start3A_264 = arith.constant 0 : i32
        %dma_start3A_265 = arith.constant 0 : i32
        %dma_start3A_266 = tpu.memref_slice %arg7[%dma_start3A_264, %dma_start3A_265] : memref<48x128xf32, #tpu.memory_space<vmem>> -> memref<16x128xf32, #tpu.memory_space<vmem>>
        tpu.enqueue_dma source(%dma_start3A_266 : memref<16x128xf32, #tpu.memory_space<vmem>>) target(%dma_start3A_263 : memref<16x128xf32, #tpu.memory_space<vmem_shared>>) target_semaphore(%run_scoped3A : memref<!tpu.dma_semaphore, #tpu.memory_space<semaphore_mem>>)
        %dma_wait3A = arith.constant 0 : i32
        %dma_wait3A_267 = arith.constant 0 : i32
        %dma_wait3A_268 = tpu.memref_slice %arg7[%dma_wait3A, %dma_wait3A_267] : memref<48x128xf32, #tpu.memory_space<vmem>> -> memref<16x128xf32, #tpu.memory_space<vmem>>
        %dma_wait3A_269 = arith.constant 9984 : i32
        %dma_wait3A_270 = arith.constant 0 : i32
        %dma_wait3A_271 = tpu.memref_slice %arg11[%dma_wait3A_269, %dma_wait3A_270] : memref<10008x128xf32, #tpu.memory_space<vmem_shared>> -> memref<16x128xf32, #tpu.memory_space<vmem_shared>>
        %dma_wait3A_272 = arith.constant 9984 : i32
        %dma_wait3A_273 = arith.constant 0 : i32
        %dma_wait3A_274 = tpu.memref_slice %arg11[%dma_wait3A_272, %dma_wait3A_273] : memref<10008x128xf32, #tpu.memory_space<vmem_shared>> -> memref<16x128xf32, #tpu.memory_space<vmem_shared>>
        %dma_wait3A_275 = arith.constant 0 : i32
        %dma_wait3A_276 = arith.constant 0 : i32
        %dma_wait3A_277 = tpu.memref_slice %arg7[%dma_wait3A_275, %dma_wait3A_276] : memref<48x128xf32, #tpu.memory_space<vmem>> -> memref<16x128xf32, #tpu.memory_space<vmem>>
        tpu.wait_dma2 semaphore(%run_scoped3A : memref<!tpu.dma_semaphore, #tpu.memory_space<semaphore_mem>>) src(%dma_wait3A_277 : memref<16x128xf32, #tpu.memory_space<vmem>>) dst(%dma_wait3A_274 : memref<16x128xf32, #tpu.memory_space<vmem_shared>>)
        tpu.yield
      }) : () -> ()
    } else {
    }
    %scan3A_15 = arith.constant 0 : i32
    %scan3A_16 = arith.constant 320000 : i32
    %scan3A_17 = arith.constant 0 : i32
    %scan3A_18 = arith.constant 5 : i32
    %scan3A_19 = arith.addi %scan3A_17, %scan3A_18 : i32
    %scan3A_20 = arith.constant 1 : i32
    %scan3A_21:2 = scf.for %scan3A_256 = %scan3A_17 to %scan3A_19 step %scan3A_20 iter_args(%scan3A_257 = %scan3A_15, %scan3A_258 = %scan3A_16) -> (i32, i32)  : i32 {
      %sub3A_259 = arith.subi %scan3A_258, %scan3A_257 : i32
      %mul3A_260 = arith.constant 1 : i32
      %mul3A_261 = arith.muli %sub3A_259, %mul3A_260 : i32
      %jit3A_262 = arith.constant 16 : i32
      %div3A_263 = arith.divsi %mul3A_261, %jit3A_262 : i32
      %sign3A_264 = arith.constant 0 : i32
      %sign3A_265 = arith.cmpi sgt, %mul3A_261, %sign3A_264 : i32
      %sign3A_266 = arith.extui %sign3A_265 : i1 to i32
      %sign3A_267 = arith.constant 0 : i32
      %sign3A_268 = arith.cmpi slt, %mul3A_261, %sign3A_267 : i32
      %sign3A_269 = arith.extui %sign3A_268 : i1 to i32
      %sign3A_270 = arith.subi %sign3A_266, %sign3A_269 : i32
      %sign3A_271 = arith.constant 0 : i32
      %sign3A_272 = arith.cmpi sgt, %jit3A_262, %sign3A_271 : i32
      %sign3A_273 = arith.extui %sign3A_272 : i1 to i32
      %sign3A_274 = arith.constant 0 : i32
      %sign3A_275 = arith.cmpi slt, %jit3A_262, %sign3A_274 : i32
      %sign3A_276 = arith.extui %sign3A_275 : i1 to i32
      %sign3A_277 = arith.subi %sign3A_273, %sign3A_276 : i32
      %ne3A_278 = arith.cmpi ne, %sign3A_270, %sign3A_277 : i32
      %rem3A_279 = arith.remsi %mul3A_261, %jit3A_262 : i32
      %ne3A_280 = arith.constant 0 : i32
      %ne3A_281 = arith.cmpi ne, %rem3A_279, %ne3A_280 : i32
      %and3A_282 = arith.andi %ne3A_278, %ne3A_281 : i1
      %sub3A_283 = arith.constant 1 : i32
      %sub3A_284 = arith.subi %div3A_263, %sub3A_283 : i32
      %select_n3A_285 = arith.select %and3A_282, %sub3A_284, %div3A_263 : i32
      %add3A_286 = arith.addi %scan3A_257, %select_n3A_285 : i32
      %min3A = arith.constant 319999 : i32
      %min3A_287 = arith.minsi %add3A_286, %min3A : i32
      %and3A_288 = arith.constant -8 : i32
      %and3A_289 = arith.andi %min3A_287, %and3A_288 : i32
      %min3A_290 = arith.constant 319992 : i32
      %min3A_291 = arith.minsi %and3A_289, %min3A_290 : i32
      %multiple_of3A = tpu.assume_multiple %min3A_291, 8 : i32
      %dma_start3A = arith.constant 0 : i32
      %dma_start3A_292 = tpu.memref_slice %arg8[%dma_start3A] : memref<128xi32, #tpu.memory_space<vmem>> -> memref<8xi32, #tpu.memory_space<vmem>>
      %dma_start3A_293 = tpu.memref_slice %arg3[%multiple_of3A] : memref<320000xi32, #tpu.memory_space<hbm>> -> memref<8xi32, #tpu.memory_space<hbm>>
      %dma_start3A_294 = arith.constant 0 : i32
      %dma_start3A_295 = tpu.memref_slice %arg8[%dma_start3A_294] : memref<128xi32, #tpu.memory_space<vmem>> -> memref<8xi32, #tpu.memory_space<vmem>>
      %dma_start3A_296 = tpu.memref_slice %arg3[%multiple_of3A] : memref<320000xi32, #tpu.memory_space<hbm>> -> memref<8xi32, #tpu.memory_space<hbm>>
      tpu.enqueue_dma source(%dma_start3A_296 : memref<8xi32, #tpu.memory_space<hbm>>) target(%dma_start3A_295 : memref<8xi32, #tpu.memory_space<vmem>>) target_semaphore(%arg36 : memref<!tpu.dma_semaphore, #tpu.memory_space<semaphore_mem>>)
      %mul3A_297 = arith.constant 2 : i32
      %mul3A_298 = arith.muli %sub3A_259, %mul3A_297 : i32
      %jit3A_299 = arith.constant 16 : i32
      %div3A_300 = arith.divsi %mul3A_298, %jit3A_299 : i32
      %sign3A_301 = arith.constant 0 : i32
      %sign3A_302 = arith.cmpi sgt, %mul3A_298, %sign3A_301 : i32
      %sign3A_303 = arith.extui %sign3A_302 : i1 to i32
      %sign3A_304 = arith.constant 0 : i32
      %sign3A_305 = arith.cmpi slt, %mul3A_298, %sign3A_304 : i32
      %sign3A_306 = arith.extui %sign3A_305 : i1 to i32
      %sign3A_307 = arith.subi %sign3A_303, %sign3A_306 : i32
      %sign3A_308 = arith.constant 0 : i32
      %sign3A_309 = arith.cmpi sgt, %jit3A_299, %sign3A_308 : i32
      %sign3A_310 = arith.extui %sign3A_309 : i1 to i32
      %sign3A_311 = arith.constant 0 : i32
      %sign3A_312 = arith.cmpi slt, %jit3A_299, %sign3A_311 : i32
      %sign3A_313 = arith.extui %sign3A_312 : i1 to i32
      %sign3A_314 = arith.subi %sign3A_310, %sign3A_313 : i32
      %ne3A_315 = arith.cmpi ne, %sign3A_307, %sign3A_314 : i32
      %rem3A_316 = arith.remsi %mul3A_298, %jit3A_299 : i32
      %ne3A_317 = arith.constant 0 : i32
      %ne3A_318 = arith.cmpi ne, %rem3A_316, %ne3A_317 : i32
      %and3A_319 = arith.andi %ne3A_315, %ne3A_318 : i1
      %sub3A_320 = arith.constant 1 : i32
      %sub3A_321 = arith.subi %div3A_300, %sub3A_320 : i32
      %select_n3A_322 = arith.select %and3A_319, %sub3A_321, %div3A_300 : i32
      %add3A_323 = arith.addi %scan3A_257, %select_n3A_322 : i32
      %min3A_324 = arith.constant 319999 : i32
      %min3A_325 = arith.minsi %add3A_323, %min3A_324 : i32
      %and3A_326 = arith.constant -8 : i32
      %and3A_327 = arith.andi %min3A_325, %and3A_326 : i32
      %min3A_328 = arith.constant 319992 : i32
      %min3A_329 = arith.minsi %and3A_327, %min3A_328 : i32
      %multiple_of3A_330 = tpu.assume_multiple %min3A_329, 8 : i32
      %dma_start3A_331 = arith.constant 8 : i32
      %dma_start3A_332 = tpu.memref_slice %arg8[%dma_start3A_331] : memref<128xi32, #tpu.memory_space<vmem>> -> memref<8xi32, #tpu.memory_space<vmem>>
      %dma_start3A_333 = tpu.memref_slice %arg3[%multiple_of3A_330] : memref<320000xi32, #tpu.memory_space<hbm>> -> memref<8xi32, #tpu.memory_space<hbm>>
      %dma_start3A_334 = arith.constant 8 : i32
      %dma_start3A_335 = tpu.memref_slice %arg8[%dma_start3A_334] : memref<128xi32, #tpu.memory_space<vmem>> -> memref<8xi32, #tpu.memory_space<vmem>>
      %dma_start3A_336 = tpu.memref_slice %arg3[%multiple_of3A_330] : memref<320000xi32, #tpu.memory_space<hbm>> -> memref<8xi32, #tpu.memory_space<hbm>>
      tpu.enqueue_dma source(%dma_start3A_336 : memref<8xi32, #tpu.memory_space<hbm>>) target(%dma_start3A_335 : memref<8xi32, #tpu.memory_space<vmem>>) target_semaphore(%arg36 : memref<!tpu.dma_semaphore, #tpu.memory_space<semaphore_mem>>)
      %mul3A_337 = arith.constant 3 : i32
      %mul3A_338 = arith.muli %sub3A_259, %mul3A_337 : i32
      %jit3A_339 = arith.constant 16 : i32
      %div3A_340 = arith.divsi %mul3A_338, %jit3A_339 : i32
      %sign3A_341 = arith.constant 0 : i32
      %sign3A_342 = arith.cmpi sgt, %mul3A_338, %sign3A_341 : i32
      %sign3A_343 = arith.extui %sign3A_342 : i1 to i32
      %sign3A_344 = arith.constant 0 : i32
      %sign3A_345 = arith.cmpi slt, %mul3A_338, %sign3A_344 : i32
      %sign3A_346 = arith.extui %sign3A_345 : i1 to i32
      %sign3A_347 = arith.subi %sign3A_343, %sign3A_346 : i32
      %sign3A_348 = arith.constant 0 : i32
      %sign3A_349 = arith.cmpi sgt, %jit3A_339, %sign3A_348 : i32
      %sign3A_350 = arith.extui %sign3A_349 : i1 to i32
      %sign3A_351 = arith.constant 0 : i32
      %sign3A_352 = arith.cmpi slt, %jit3A_339, %sign3A_351 : i32
      %sign3A_353 = arith.extui %sign3A_352 : i1 to i32
      %sign3A_354 = arith.subi %sign3A_350, %sign3A_353 : i32
      %ne3A_355 = arith.cmpi ne, %sign3A_347, %sign3A_354 : i32
      %rem3A_356 = arith.remsi %mul3A_338, %jit3A_339 : i32
      %ne3A_357 = arith.constant 0 : i32
      %ne3A_358 = arith.cmpi ne, %rem3A_356, %ne3A_357 : i32
      %and3A_359 = arith.andi %ne3A_355, %ne3A_358 : i1
      %sub3A_360 = arith.constant 1 : i32
      %sub3A_361 = arith.subi %div3A_340, %sub3A_360 : i32
      %select_n3A_362 = arith.select %and3A_359, %sub3A_361, %div3A_340 : i32
      %add3A_363 = arith.addi %scan3A_257, %select_n3A_362 : i32
      %min3A_364 = arith.constant 319999 : i32
      %min3A_365 = arith.minsi %add3A_363, %min3A_364 : i32
      %and3A_366 = arith.constant -8 : i32
      %and3A_367 = arith.andi %min3A_365, %and3A_366 : i32
      %min3A_368 = arith.constant 319992 : i32
      %min3A_369 = arith.minsi %and3A_367, %min3A_368 : i32
      %multiple_of3A_370 = tpu.assume_multiple %min3A_369, 8 : i32
      %dma_start3A_371 = arith.constant 16 : i32
      %dma_start3A_372 = tpu.memref_slice %arg8[%dma_start3A_371] : memref<128xi32, #tpu.memory_space<vmem>> -> memref<8xi32, #tpu.memory_space<vmem>>
      %dma_start3A_373 = tpu.memref_slice %arg3[%multiple_of3A_370] : memref<320000xi32, #tpu.memory_space<hbm>> -> memref<8xi32, #tpu.memory_space<hbm>>
      %dma_start3A_374 = arith.constant 16 : i32
      %dma_start3A_375 = tpu.memref_slice %arg8[%dma_start3A_374] : memref<128xi32, #tpu.memory_space<vmem>> -> memref<8xi32, #tpu.memory_space<vmem>>
      %dma_start3A_376 = tpu.memref_slice %arg3[%multiple_of3A_370] : memref<320000xi32, #tpu.memory_space<hbm>> -> memref<8xi32, #tpu.memory_space<hbm>>
      tpu.enqueue_dma source(%dma_start3A_376 : memref<8xi32, #tpu.memory_space<hbm>>) target(%dma_start3A_375 : memref<8xi32, #tpu.memory_space<vmem>>) target_semaphore(%arg36 : memref<!tpu.dma_semaphore, #tpu.memory_space<semaphore_mem>>)
      %mul3A_377 = arith.constant 4 : i32
      %mul3A_378 = arith.muli %sub3A_259, %mul3A_377 : i32
      %jit3A_379 = arith.constant 16 : i32
      %div3A_380 = arith.divsi %mul3A_378, %jit3A_379 : i32
      %sign3A_381 = arith.constant 0 : i32
      %sign3A_382 = arith.cmpi sgt, %mul3A_378, %sign3A_381 : i32
      %sign3A_383 = arith.extui %sign3A_382 : i1 to i32
      %sign3A_384 = arith.constant 0 : i32
      %sign3A_385 = arith.cmpi slt, %mul3A_378, %sign3A_384 : i32
      %sign3A_386 = arith.extui %sign3A_385 : i1 to i32
      %sign3A_387 = arith.subi %sign3A_383, %sign3A_386 : i32
      %sign3A_388 = arith.constant 0 : i32
      %sign3A_389 = arith.cmpi sgt, %jit3A_379, %sign3A_388 : i32
      %sign3A_390 = arith.extui %sign3A_389 : i1 to i32
      %sign3A_391 = arith.constant 0 : i32
      %sign3A_392 = arith.cmpi slt, %jit3A_379, %sign3A_391 : i32
      %sign3A_393 = arith.extui %sign3A_392 : i1 to i32
      %sign3A_394 = arith.subi %sign3A_390, %sign3A_393 : i32
      %ne3A_395 = arith.cmpi ne, %sign3A_387, %sign3A_394 : i32
      %rem3A_396 = arith.remsi %mul3A_378, %jit3A_379 : i32
      %ne3A_397 = arith.constant 0 : i32
      %ne3A_398 = arith.cmpi ne, %rem3A_396, %ne3A_397 : i32
      %and3A_399 = arith.andi %ne3A_395, %ne3A_398 : i1
      %sub3A_400 = arith.constant 1 : i32
      %sub3A_401 = arith.subi %div3A_380, %sub3A_400 : i32
      %select_n3A_402 = arith.select %and3A_399, %sub3A_401, %div3A_380 : i32
      %add3A_403 = arith.addi %scan3A_257, %select_n3A_402 : i32
      %min3A_404 = arith.constant 319999 : i32
      %min3A_405 = arith.minsi %add3A_403, %min3A_404 : i32
      %and3A_406 = arith.constant -8 : i32
      %and3A_407 = arith.andi %min3A_405, %and3A_406 : i32
      %min3A_408 = arith.constant 319992 : i32
      %min3A_409 = arith.minsi %and3A_407, %min3A_408 : i32
      %multiple_of3A_410 = tpu.assume_multiple %min3A_409, 8 : i32
      %dma_start3A_411 = arith.constant 24 : i32
      %dma_start3A_412 = tpu.memref_slice %arg8[%dma_start3A_411] : memref<128xi32, #tpu.memory_space<vmem>> -> memref<8xi32, #tpu.memory_space<vmem>>
      %dma_start3A_413 = tpu.memref_slice %arg3[%multiple_of3A_410] : memref<320000xi32, #tpu.memory_space<hbm>> -> memref<8xi32, #tpu.memory_space<hbm>>
      %dma_start3A_414 = arith.constant 24 : i32
      %dma_start3A_415 = tpu.memref_slice %arg8[%dma_start3A_414] : memref<128xi32, #tpu.memory_space<vmem>> -> memref<8xi32, #tpu.memory_space<vmem>>
      %dma_start3A_416 = tpu.memref_slice %arg3[%multiple_of3A_410] : memref<320000xi32, #tpu.memory_space<hbm>> -> memref<8xi32, #tpu.memory_space<hbm>>
      tpu.enqueue_dma source(%dma_start3A_416 : memref<8xi32, #tpu.memory_space<hbm>>) target(%dma_start3A_415 : memref<8xi32, #tpu.memory_space<vmem>>) target_semaphore(%arg36 : memref<!tpu.dma_semaphore, #tpu.memory_space<semaphore_mem>>)
      %mul3A_417 = arith.constant 5 : i32
      %mul3A_418 = arith.muli %sub3A_259, %mul3A_417 : i32
      %jit3A_419 = arith.constant 16 : i32
      %div3A_420 = arith.divsi %mul3A_418, %jit3A_419 : i32
      %sign3A_421 = arith.constant 0 : i32
      %sign3A_422 = arith.cmpi sgt, %mul3A_418, %sign3A_421 : i32
      %sign3A_423 = arith.extui %sign3A_422 : i1 to i32
      %sign3A_424 = arith.constant 0 : i32
      %sign3A_425 = arith.cmpi slt, %mul3A_418, %sign3A_424 : i32
      %sign3A_426 = arith.extui %sign3A_425 : i1 to i32
      %sign3A_427 = arith.subi %sign3A_423, %sign3A_426 : i32
      %sign3A_428 = arith.constant 0 : i32
      %sign3A_429 = arith.cmpi sgt, %jit3A_419, %sign3A_428 : i32
      %sign3A_430 = arith.extui %sign3A_429 : i1 to i32
      %sign3A_431 = arith.constant 0 : i32
      %sign3A_432 = arith.cmpi slt, %jit3A_419, %sign3A_431 : i32
      %sign3A_433 = arith.extui %sign3A_432 : i1 to i32
      %sign3A_434 = arith.subi %sign3A_430, %sign3A_433 : i32
      %ne3A_435 = arith.cmpi ne, %sign3A_427, %sign3A_434 : i32
      %rem3A_436 = arith.remsi %mul3A_418, %jit3A_419 : i32
      %ne3A_437 = arith.constant 0 : i32
      %ne3A_438 = arith.cmpi ne, %rem3A_436, %ne3A_437 : i32
      %and3A_439 = arith.andi %ne3A_435, %ne3A_438 : i1
      %sub3A_440 = arith.constant 1 : i32
      %sub3A_441 = arith.subi %div3A_420, %sub3A_440 : i32
      %select_n3A_442 = arith.select %and3A_439, %sub3A_441, %div3A_420 : i32
      %add3A_443 = arith.addi %scan3A_257, %select_n3A_442 : i32
      %min3A_444 = arith.constant 319999 : i32
      %min3A_445 = arith.minsi %add3A_443, %min3A_444 : i32
      %and3A_446 = arith.constant -8 : i32
      %and3A_447 = arith.andi %min3A_445, %and3A_446 : i32
      %min3A_448 = arith.constant 319992 : i32
      %min3A_449 = arith.minsi %and3A_447, %min3A_448 : i32
      %multiple_of3A_450 = tpu.assume_multiple %min3A_449, 8 : i32
      %dma_start3A_451 = arith.constant 32 : i32
      %dma_start3A_452 = tpu.memref_slice %arg8[%dma_start3A_451] : memref<128xi32, #tpu.memory_space<vmem>> -> memref<8xi32, #tpu.memory_space<vmem>>
      %dma_start3A_453 = tpu.memref_slice %arg3[%multiple_of3A_450] : memref<320000xi32, #tpu.memory_space<hbm>> -> memref<8xi32, #tpu.memory_space<hbm>>
      %dma_start3A_454 = arith.constant 32 : i32
      %dma_start3A_455 = tpu.memref_slice %arg8[%dma_start3A_454] : memref<128xi32, #tpu.memory_space<vmem>> -> memref<8xi32, #tpu.memory_space<vmem>>
      %dma_start3A_456 = tpu.memref_slice %arg3[%multiple_of3A_450] : memref<320000xi32, #tpu.memory_space<hbm>> -> memref<8xi32, #tpu.memory_space<hbm>>
      tpu.enqueue_dma source(%dma_start3A_456 : memref<8xi32, #tpu.memory_space<hbm>>) target(%dma_start3A_455 : memref<8xi32, #tpu.memory_space<vmem>>) target_semaphore(%arg36 : memref<!tpu.dma_semaphore, #tpu.memory_space<semaphore_mem>>)
      %mul3A_457 = arith.constant 6 : i32
      %mul3A_458 = arith.muli %sub3A_259, %mul3A_457 : i32
      %jit3A_459 = arith.constant 16 : i32
      %div3A_460 = arith.divsi %mul3A_458, %jit3A_459 : i32
      %sign3A_461 = arith.constant 0 : i32
      %sign3A_462 = arith.cmpi sgt, %mul3A_458, %sign3A_461 : i32
      %sign3A_463 = arith.extui %sign3A_462 : i1 to i32
      %sign3A_464 = arith.constant 0 : i32
      %sign3A_465 = arith.cmpi slt, %mul3A_458, %sign3A_464 : i32
      %sign3A_466 = arith.extui %sign3A_465 : i1 to i32
      %sign3A_467 = arith.subi %sign3A_463, %sign3A_466 : i32
      %sign3A_468 = arith.constant 0 : i32
      %sign3A_469 = arith.cmpi sgt, %jit3A_459, %sign3A_468 : i32
      %sign3A_470 = arith.extui %sign3A_469 : i1 to i32
      %sign3A_471 = arith.constant 0 : i32
      %sign3A_472 = arith.cmpi slt, %jit3A_459, %sign3A_471 : i32
      %sign3A_473 = arith.extui %sign3A_472 : i1 to i32
      %sign3A_474 = arith.subi %sign3A_470, %sign3A_473 : i32
      %ne3A_475 = arith.cmpi ne, %sign3A_467, %sign3A_474 : i32
      %rem3A_476 = arith.remsi %mul3A_458, %jit3A_459 : i32
      %ne3A_477 = arith.constant 0 : i32
      %ne3A_478 = arith.cmpi ne, %rem3A_476, %ne3A_477 : i32
      %and3A_479 = arith.andi %ne3A_475, %ne3A_478 : i1
      %sub3A_480 = arith.constant 1 : i32
      %sub3A_481 = arith.subi %div3A_460, %sub3A_480 : i32
      %select_n3A_482 = arith.select %and3A_479, %sub3A_481, %div3A_460 : i32
      %add3A_483 = arith.addi %scan3A_257, %select_n3A_482 : i32
      %min3A_484 = arith.constant 319999 : i32
      %min3A_485 = arith.minsi %add3A_483, %min3A_484 : i32
      %and3A_486 = arith.constant -8 : i32
      %and3A_487 = arith.andi %min3A_485, %and3A_486 : i32
      %min3A_488 = arith.constant 319992 : i32
      %min3A_489 = arith.minsi %and3A_487, %min3A_488 : i32
      %multiple_of3A_490 = tpu.assume_multiple %min3A_489, 8 : i32
      %dma_start3A_491 = arith.constant 40 : i32
      %dma_start3A_492 = tpu.memref_slice %arg8[%dma_start3A_491] : memref<128xi32, #tpu.memory_space<vmem>> -> memref<8xi32, #tpu.memory_space<vmem>>
      %dma_start3A_493 = tpu.memref_slice %arg3[%multiple_of3A_490] : memref<320000xi32, #tpu.memory_space<hbm>> -> memref<8xi32, #tpu.memory_space<hbm>>
      %dma_start3A_494 = arith.constant 40 : i32
      %dma_start3A_495 = tpu.memref_slice %arg8[%dma_start3A_494] : memref<128xi32, #tpu.memory_space<vmem>> -> memref<8xi32, #tpu.memory_space<vmem>>
      %dma_start3A_496 = tpu.memref_slice %arg3[%multiple_of3A_490] : memref<320000xi32, #tpu.memory_space<hbm>> -> memref<8xi32, #tpu.memory_space<hbm>>
      tpu.enqueue_dma source(%dma_start3A_496 : memref<8xi32, #tpu.memory_space<hbm>>) target(%dma_start3A_495 : memref<8xi32, #tpu.memory_space<vmem>>) target_semaphore(%arg36 : memref<!tpu.dma_semaphore, #tpu.memory_space<semaphore_mem>>)
      %mul3A_497 = arith.constant 7 : i32
      %mul3A_498 = arith.muli %sub3A_259, %mul3A_497 : i32
      %jit3A_499 = arith.constant 16 : i32
      %div3A_500 = arith.divsi %mul3A_498, %jit3A_499 : i32
      %sign3A_501 = arith.constant 0 : i32
      %sign3A_502 = arith.cmpi sgt, %mul3A_498, %sign3A_501 : i32
      %sign3A_503 = arith.extui %sign3A_502 : i1 to i32
      %sign3A_504 = arith.constant 0 : i32
      %sign3A_505 = arith.cmpi slt, %mul3A_498, %sign3A_504 : i32
      %sign3A_506 = arith.extui %sign3A_505 : i1 to i32
      %sign3A_507 = arith.subi %sign3A_503, %sign3A_506 : i32
      %sign3A_508 = arith.constant 0 : i32
      %sign3A_509 = arith.cmpi sgt, %jit3A_499, %sign3A_508 : i32
      %sign3A_510 = arith.extui %sign3A_509 : i1 to i32
      %sign3A_511 = arith.constant 0 : i32
      %sign3A_512 = arith.cmpi slt, %jit3A_499, %sign3A_511 : i32
      %sign3A_513 = arith.extui %sign3A_512 : i1 to i32
      %sign3A_514 = arith.subi %sign3A_510, %sign3A_513 : i32
      %ne3A_515 = arith.cmpi ne, %sign3A_507, %sign3A_514 : i32
      %rem3A_516 = arith.remsi %mul3A_498, %jit3A_499 : i32
      %ne3A_517 = arith.constant 0 : i32
      %ne3A_518 = arith.cmpi ne, %rem3A_516, %ne3A_517 : i32
      %and3A_519 = arith.andi %ne3A_515, %ne3A_518 : i1
      %sub3A_520 = arith.constant 1 : i32
      %sub3A_521 = arith.subi %div3A_500, %sub3A_520 : i32
      %select_n3A_522 = arith.select %and3A_519, %sub3A_521, %div3A_500 : i32
      %add3A_523 = arith.addi %scan3A_257, %select_n3A_522 : i32
      %min3A_524 = arith.constant 319999 : i32
      %min3A_525 = arith.minsi %add3A_523, %min3A_524 : i32
      %and3A_526 = arith.constant -8 : i32
      %and3A_527 = arith.andi %min3A_525, %and3A_526 : i32
      %min3A_528 = arith.constant 319992 : i32
      %min3A_529 = arith.minsi %and3A_527, %min3A_528 : i32
      %multiple_of3A_530 = tpu.assume_multiple %min3A_529, 8 : i32
      %dma_start3A_531 = arith.constant 48 : i32
      %dma_start3A_532 = tpu.memref_slice %arg8[%dma_start3A_531] : memref<128xi32, #tpu.memory_space<vmem>> -> memref<8xi32, #tpu.memory_space<vmem>>
      %dma_start3A_533 = tpu.memref_slice %arg3[%multiple_of3A_530] : memref<320000xi32, #tpu.memory_space<hbm>> -> memref<8xi32, #tpu.memory_space<hbm>>
      %dma_start3A_534 = arith.constant 48 : i32
      %dma_start3A_535 = tpu.memref_slice %arg8[%dma_start3A_534] : memref<128xi32, #tpu.memory_space<vmem>> -> memref<8xi32, #tpu.memory_space<vmem>>
      %dma_start3A_536 = tpu.memref_slice %arg3[%multiple_of3A_530] : memref<320000xi32, #tpu.memory_space<hbm>> -> memref<8xi32, #tpu.memory_space<hbm>>
      tpu.enqueue_dma source(%dma_start3A_536 : memref<8xi32, #tpu.memory_space<hbm>>) target(%dma_start3A_535 : memref<8xi32, #tpu.memory_space<vmem>>) target_semaphore(%arg36 : memref<!tpu.dma_semaphore, #tpu.memory_space<semaphore_mem>>)
      %mul3A_537 = arith.constant 8 : i32
      %mul3A_538 = arith.muli %sub3A_259, %mul3A_537 : i32
      %jit3A_539 = arith.constant 16 : i32
      %div3A_540 = arith.divsi %mul3A_538, %jit3A_539 : i32
      %sign3A_541 = arith.constant 0 : i32
      %sign3A_542 = arith.cmpi sgt, %mul3A_538, %sign3A_541 : i32
      %sign3A_543 = arith.extui %sign3A_542 : i1 to i32
      %sign3A_544 = arith.constant 0 : i32
      %sign3A_545 = arith.cmpi slt, %mul3A_538, %sign3A_544 : i32
      %sign3A_546 = arith.extui %sign3A_545 : i1 to i32
      %sign3A_547 = arith.subi %sign3A_543, %sign3A_546 : i32
      %sign3A_548 = arith.constant 0 : i32
      %sign3A_549 = arith.cmpi sgt, %jit3A_539, %sign3A_548 : i32
      %sign3A_550 = arith.extui %sign3A_549 : i1 to i32
      %sign3A_551 = arith.constant 0 : i32
      %sign3A_552 = arith.cmpi slt, %jit3A_539, %sign3A_551 : i32
      %sign3A_553 = arith.extui %sign3A_552 : i1 to i32
      %sign3A_554 = arith.subi %sign3A_550, %sign3A_553 : i32
      %ne3A_555 = arith.cmpi ne, %sign3A_547, %sign3A_554 : i32
      %rem3A_556 = arith.remsi %mul3A_538, %jit3A_539 : i32
      %ne3A_557 = arith.constant 0 : i32
      %ne3A_558 = arith.cmpi ne, %rem3A_556, %ne3A_557 : i32
      %and3A_559 = arith.andi %ne3A_555, %ne3A_558 : i1
      %sub3A_560 = arith.constant 1 : i32
      %sub3A_561 = arith.subi %div3A_540, %sub3A_560 : i32
      %select_n3A_562 = arith.select %and3A_559, %sub3A_561, %div3A_540 : i32
      %add3A_563 = arith.addi %scan3A_257, %select_n3A_562 : i32
      %min3A_564 = arith.constant 319999 : i32
      %min3A_565 = arith.minsi %add3A_563, %min3A_564 : i32
      %and3A_566 = arith.constant -8 : i32
      %and3A_567 = arith.andi %min3A_565, %and3A_566 : i32
      %min3A_568 = arith.constant 319992 : i32
      %min3A_569 = arith.minsi %and3A_567, %min3A_568 : i32
      %multiple_of3A_570 = tpu.assume_multiple %min3A_569, 8 : i32
      %dma_start3A_571 = arith.constant 56 : i32
      %dma_start3A_572 = tpu.memref_slice %arg8[%dma_start3A_571] : memref<128xi32, #tpu.memory_space<vmem>> -> memref<8xi32, #tpu.memory_space<vmem>>
      %dma_start3A_573 = tpu.memref_slice %arg3[%multiple_of3A_570] : memref<320000xi32, #tpu.memory_space<hbm>> -> memref<8xi32, #tpu.memory_space<hbm>>
      %dma_start3A_574 = arith.constant 56 : i32
      %dma_start3A_575 = tpu.memref_slice %arg8[%dma_start3A_574] : memref<128xi32, #tpu.memory_space<vmem>> -> memref<8xi32, #tpu.memory_space<vmem>>
      %dma_start3A_576 = tpu.memref_slice %arg3[%multiple_of3A_570] : memref<320000xi32, #tpu.memory_space<hbm>> -> memref<8xi32, #tpu.memory_space<hbm>>
      tpu.enqueue_dma source(%dma_start3A_576 : memref<8xi32, #tpu.memory_space<hbm>>) target(%dma_start3A_575 : memref<8xi32, #tpu.memory_space<vmem>>) target_semaphore(%arg36 : memref<!tpu.dma_semaphore, #tpu.memory_space<semaphore_mem>>)
      %mul3A_577 = arith.constant 9 : i32
      %mul3A_578 = arith.muli %sub3A_259, %mul3A_577 : i32
      %jit3A_579 = arith.constant 16 : i32
      %div3A_580 = arith.divsi %mul3A_578, %jit3A_579 : i32
      %sign3A_581 = arith.constant 0 : i32
      %sign3A_582 = arith.cmpi sgt, %mul3A_578, %sign3A_581 : i32
      %sign3A_583 = arith.extui %sign3A_582 : i1 to i32
      %sign3A_584 = arith.constant 0 : i32
      %sign3A_585 = arith.cmpi slt, %mul3A_578, %sign3A_584 : i32
      %sign3A_586 = arith.extui %sign3A_585 : i1 to i32
      %sign3A_587 = arith.subi %sign3A_583, %sign3A_586 : i32
      %sign3A_588 = arith.constant 0 : i32
      %sign3A_589 = arith.cmpi sgt, %jit3A_579, %sign3A_588 : i32
      %sign3A_590 = arith.extui %sign3A_589 : i1 to i32
      %sign3A_591 = arith.constant 0 : i32
      %sign3A_592 = arith.cmpi slt, %jit3A_579, %sign3A_591 : i32
      %sign3A_593 = arith.extui %sign3A_592 : i1 to i32
      %sign3A_594 = arith.subi %sign3A_590, %sign3A_593 : i32
      %ne3A_595 = arith.cmpi ne, %sign3A_587, %sign3A_594 : i32
      %rem3A_596 = arith.remsi %mul3A_578, %jit3A_579 : i32
      %ne3A_597 = arith.constant 0 : i32
      %ne3A_598 = arith.cmpi ne, %rem3A_596, %ne3A_597 : i32
      %and3A_599 = arith.andi %ne3A_595, %ne3A_598 : i1
      %sub3A_600 = arith.constant 1 : i32
      %sub3A_601 = arith.subi %div3A_580, %sub3A_600 : i32
      %select_n3A_602 = arith.select %and3A_599, %sub3A_601, %div3A_580 : i32
      %add3A_603 = arith.addi %scan3A_257, %select_n3A_602 : i32
      %min3A_604 = arith.constant 319999 : i32
      %min3A_605 = arith.minsi %add3A_603, %min3A_604 : i32
      %and3A_606 = arith.constant -8 : i32
      %and3A_607 = arith.andi %min3A_605, %and3A_606 : i32
      %min3A_608 = arith.constant 319992 : i32
      %min3A_609 = arith.minsi %and3A_607, %min3A_608 : i32
      %multiple_of3A_610 = tpu.assume_multiple %min3A_609, 8 : i32
      %dma_start3A_611 = arith.constant 64 : i32
      %dma_start3A_612 = tpu.memref_slice %arg8[%dma_start3A_611] : memref<128xi32, #tpu.memory_space<vmem>> -> memref<8xi32, #tpu.memory_space<vmem>>
      %dma_start3A_613 = tpu.memref_slice %arg3[%multiple_of3A_610] : memref<320000xi32, #tpu.memory_space<hbm>> -> memref<8xi32, #tpu.memory_space<hbm>>
      %dma_start3A_614 = arith.constant 64 : i32
      %dma_start3A_615 = tpu.memref_slice %arg8[%dma_start3A_614] : memref<128xi32, #tpu.memory_space<vmem>> -> memref<8xi32, #tpu.memory_space<vmem>>
      %dma_start3A_616 = tpu.memref_slice %arg3[%multiple_of3A_610] : memref<320000xi32, #tpu.memory_space<hbm>> -> memref<8xi32, #tpu.memory_space<hbm>>
      tpu.enqueue_dma source(%dma_start3A_616 : memref<8xi32, #tpu.memory_space<hbm>>) target(%dma_start3A_615 : memref<8xi32, #tpu.memory_space<vmem>>) target_semaphore(%arg36 : memref<!tpu.dma_semaphore, #tpu.memory_space<semaphore_mem>>)
      %mul3A_617 = arith.constant 10 : i32
      %mul3A_618 = arith.muli %sub3A_259, %mul3A_617 : i32
      %jit3A_619 = arith.constant 16 : i32
      %div3A_620 = arith.divsi %mul3A_618, %jit3A_619 : i32
      %sign3A_621 = arith.constant 0 : i32
      %sign3A_622 = arith.cmpi sgt, %mul3A_618, %sign3A_621 : i32
      %sign3A_623 = arith.extui %sign3A_622 : i1 to i32
      %sign3A_624 = arith.constant 0 : i32
      %sign3A_625 = arith.cmpi slt, %mul3A_618, %sign3A_624 : i32
      %sign3A_626 = arith.extui %sign3A_625 : i1 to i32
      %sign3A_627 = arith.subi %sign3A_623, %sign3A_626 : i32
      %sign3A_628 = arith.constant 0 : i32
      %sign3A_629 = arith.cmpi sgt, %jit3A_619, %sign3A_628 : i32
      %sign3A_630 = arith.extui %sign3A_629 : i1 to i32
      %sign3A_631 = arith.constant 0 : i32
      %sign3A_632 = arith.cmpi slt, %jit3A_619, %sign3A_631 : i32
      %sign3A_633 = arith.extui %sign3A_632 : i1 to i32
      %sign3A_634 = arith.subi %sign3A_630, %sign3A_633 : i32
      %ne3A_635 = arith.cmpi ne, %sign3A_627, %sign3A_634 : i32
      %rem3A_636 = arith.remsi %mul3A_618, %jit3A_619 : i32
      %ne3A_637 = arith.constant 0 : i32
      %ne3A_638 = arith.cmpi ne, %rem3A_636, %ne3A_637 : i32
      %and3A_639 = arith.andi %ne3A_635, %ne3A_638 : i1
      %sub3A_640 = arith.constant 1 : i32
      %sub3A_641 = arith.subi %div3A_620, %sub3A_640 : i32
      %select_n3A_642 = arith.select %and3A_639, %sub3A_641, %div3A_620 : i32
      %add3A_643 = arith.addi %scan3A_257, %select_n3A_642 : i32
      %min3A_644 = arith.constant 319999 : i32
      %min3A_645 = arith.minsi %add3A_643, %min3A_644 : i32
      %and3A_646 = arith.constant -8 : i32
      %and3A_647 = arith.andi %min3A_645, %and3A_646 : i32
      %min3A_648 = arith.constant 319992 : i32
      %min3A_649 = arith.minsi %and3A_647, %min3A_648 : i32
      %multiple_of3A_650 = tpu.assume_multiple %min3A_649, 8 : i32
      %dma_start3A_651 = arith.constant 72 : i32
      %dma_start3A_652 = tpu.memref_slice %arg8[%dma_start3A_651] : memref<128xi32, #tpu.memory_space<vmem>> -> memref<8xi32, #tpu.memory_space<vmem>>
      %dma_start3A_653 = tpu.memref_slice %arg3[%multiple_of3A_650] : memref<320000xi32, #tpu.memory_space<hbm>> -> memref<8xi32, #tpu.memory_space<hbm>>
      %dma_start3A_654 = arith.constant 72 : i32
      %dma_start3A_655 = tpu.memref_slice %arg8[%dma_start3A_654] : memref<128xi32, #tpu.memory_space<vmem>> -> memref<8xi32, #tpu.memory_space<vmem>>
      %dma_start3A_656 = tpu.memref_slice %arg3[%multiple_of3A_650] : memref<320000xi32, #tpu.memory_space<hbm>> -> memref<8xi32, #tpu.memory_space<hbm>>
      tpu.enqueue_dma source(%dma_start3A_656 : memref<8xi32, #tpu.memory_space<hbm>>) target(%dma_start3A_655 : memref<8xi32, #tpu.memory_space<vmem>>) target_semaphore(%arg36 : memref<!tpu.dma_semaphore, #tpu.memory_space<semaphore_mem>>)
      %mul3A_657 = arith.constant 11 : i32
      %mul3A_658 = arith.muli %sub3A_259, %mul3A_657 : i32
      %jit3A_659 = arith.constant 16 : i32
      %div3A_660 = arith.divsi %mul3A_658, %jit3A_659 : i32
      %sign3A_661 = arith.constant 0 : i32
      %sign3A_662 = arith.cmpi sgt, %mul3A_658, %sign3A_661 : i32
      %sign3A_663 = arith.extui %sign3A_662 : i1 to i32
      %sign3A_664 = arith.constant 0 : i32
      %sign3A_665 = arith.cmpi slt, %mul3A_658, %sign3A_664 : i32
      %sign3A_666 = arith.extui %sign3A_665 : i1 to i32
      %sign3A_667 = arith.subi %sign3A_663, %sign3A_666 : i32
      %sign3A_668 = arith.constant 0 : i32
      %sign3A_669 = arith.cmpi sgt, %jit3A_659, %sign3A_668 : i32
      %sign3A_670 = arith.extui %sign3A_669 : i1 to i32
      %sign3A_671 = arith.constant 0 : i32
      %sign3A_672 = arith.cmpi slt, %jit3A_659, %sign3A_671 : i32
      %sign3A_673 = arith.extui %sign3A_672 : i1 to i32
      %sign3A_674 = arith.subi %sign3A_670, %sign3A_673 : i32
      %ne3A_675 = arith.cmpi ne, %sign3A_667, %sign3A_674 : i32
      %rem3A_676 = arith.remsi %mul3A_658, %jit3A_659 : i32
      %ne3A_677 = arith.constant 0 : i32
      %ne3A_678 = arith.cmpi ne, %rem3A_676, %ne3A_677 : i32
      %and3A_679 = arith.andi %ne3A_675, %ne3A_678 : i1
      %sub3A_680 = arith.constant 1 : i32
      %sub3A_681 = arith.subi %div3A_660, %sub3A_680 : i32
      %select_n3A_682 = arith.select %and3A_679, %sub3A_681, %div3A_660 : i32
      %add3A_683 = arith.addi %scan3A_257, %select_n3A_682 : i32
      %min3A_684 = arith.constant 319999 : i32
      %min3A_685 = arith.minsi %add3A_683, %min3A_684 : i32
      %and3A_686 = arith.constant -8 : i32
      %and3A_687 = arith.andi %min3A_685, %and3A_686 : i32
      %min3A_688 = arith.constant 319992 : i32
      %min3A_689 = arith.minsi %and3A_687, %min3A_688 : i32
      %multiple_of3A_690 = tpu.assume_multiple %min3A_689, 8 : i32
      %dma_start3A_691 = arith.constant 80 : i32
      %dma_start3A_692 = tpu.memref_slice %arg8[%dma_start3A_691] : memref<128xi32, #tpu.memory_space<vmem>> -> memref<8xi32, #tpu.memory_space<vmem>>
      %dma_start3A_693 = tpu.memref_slice %arg3[%multiple_of3A_690] : memref<320000xi32, #tpu.memory_space<hbm>> -> memref<8xi32, #tpu.memory_space<hbm>>
      %dma_start3A_694 = arith.constant 80 : i32
      %dma_start3A_695 = tpu.memref_slice %arg8[%dma_start3A_694] : memref<128xi32, #tpu.memory_space<vmem>> -> memref<8xi32, #tpu.memory_space<vmem>>
      %dma_start3A_696 = tpu.memref_slice %arg3[%multiple_of3A_690] : memref<320000xi32, #tpu.memory_space<hbm>> -> memref<8xi32, #tpu.memory_space<hbm>>
      tpu.enqueue_dma source(%dma_start3A_696 : memref<8xi32, #tpu.memory_space<hbm>>) target(%dma_start3A_695 : memref<8xi32, #tpu.memory_space<vmem>>) target_semaphore(%arg36 : memref<!tpu.dma_semaphore, #tpu.memory_space<semaphore_mem>>)
      %mul3A_697 = arith.constant 12 : i32
      %mul3A_698 = arith.muli %sub3A_259, %mul3A_697 : i32
      %jit3A_699 = arith.constant 16 : i32
      %div3A_700 = arith.divsi %mul3A_698, %jit3A_699 : i32
      %sign3A_701 = arith.constant 0 : i32
      %sign3A_702 = arith.cmpi sgt, %mul3A_698, %sign3A_701 : i32
      %sign3A_703 = arith.extui %sign3A_702 : i1 to i32
      %sign3A_704 = arith.constant 0 : i32
      %sign3A_705 = arith.cmpi slt, %mul3A_698, %sign3A_704 : i32
      %sign3A_706 = arith.extui %sign3A_705 : i1 to i32
      %sign3A_707 = arith.subi %sign3A_703, %sign3A_706 : i32
      %sign3A_708 = arith.constant 0 : i32
      %sign3A_709 = arith.cmpi sgt, %jit3A_699, %sign3A_708 : i32
      %sign3A_710 = arith.extui %sign3A_709 : i1 to i32
      %sign3A_711 = arith.constant 0 : i32
      %sign3A_712 = arith.cmpi slt, %jit3A_699, %sign3A_711 : i32
      %sign3A_713 = arith.extui %sign3A_712 : i1 to i32
      %sign3A_714 = arith.subi %sign3A_710, %sign3A_713 : i32
      %ne3A_715 = arith.cmpi ne, %sign3A_707, %sign3A_714 : i32
      %rem3A_716 = arith.remsi %mul3A_698, %jit3A_699 : i32
      %ne3A_717 = arith.constant 0 : i32
      %ne3A_718 = arith.cmpi ne, %rem3A_716, %ne3A_717 : i32
      %and3A_719 = arith.andi %ne3A_715, %ne3A_718 : i1
      %sub3A_720 = arith.constant 1 : i32
      %sub3A_721 = arith.subi %div3A_700, %sub3A_720 : i32
      %select_n3A_722 = arith.select %and3A_719, %sub3A_721, %div3A_700 : i32
      %add3A_723 = arith.addi %scan3A_257, %select_n3A_722 : i32
      %min3A_724 = arith.constant 319999 : i32
      %min3A_725 = arith.minsi %add3A_723, %min3A_724 : i32
      %and3A_726 = arith.constant -8 : i32
      %and3A_727 = arith.andi %min3A_725, %and3A_726 : i32
      %min3A_728 = arith.constant 319992 : i32
      %min3A_729 = arith.minsi %and3A_727, %min3A_728 : i32
      %multiple_of3A_730 = tpu.assume_multiple %min3A_729, 8 : i32
      %dma_start3A_731 = arith.constant 88 : i32
      %dma_start3A_732 = tpu.memref_slice %arg8[%dma_start3A_731] : memref<128xi32, #tpu.memory_space<vmem>> -> memref<8xi32, #tpu.memory_space<vmem>>
      %dma_start3A_733 = tpu.memref_slice %arg3[%multiple_of3A_730] : memref<320000xi32, #tpu.memory_space<hbm>> -> memref<8xi32, #tpu.memory_space<hbm>>
      %dma_start3A_734 = arith.constant 88 : i32
      %dma_start3A_735 = tpu.memref_slice %arg8[%dma_start3A_734] : memref<128xi32, #tpu.memory_space<vmem>> -> memref<8xi32, #tpu.memory_space<vmem>>
      %dma_start3A_736 = tpu.memref_slice %arg3[%multiple_of3A_730] : memref<320000xi32, #tpu.memory_space<hbm>> -> memref<8xi32, #tpu.memory_space<hbm>>
      tpu.enqueue_dma source(%dma_start3A_736 : memref<8xi32, #tpu.memory_space<hbm>>) target(%dma_start3A_735 : memref<8xi32, #tpu.memory_space<vmem>>) target_semaphore(%arg36 : memref<!tpu.dma_semaphore, #tpu.memory_space<semaphore_mem>>)
      %mul3A_737 = arith.constant 13 : i32
      %mul3A_738 = arith.muli %sub3A_259, %mul3A_737 : i32
      %jit3A_739 = arith.constant 16 : i32
      %div3A_740 = arith.divsi %mul3A_738, %jit3A_739 : i32
      %sign3A_741 = arith.constant 0 : i32
      %sign3A_742 = arith.cmpi sgt, %mul3A_738, %sign3A_741 : i32
      %sign3A_743 = arith.extui %sign3A_742 : i1 to i32
      %sign3A_744 = arith.constant 0 : i32
      %sign3A_745 = arith.cmpi slt, %mul3A_738, %sign3A_744 : i32
      %sign3A_746 = arith.extui %sign3A_745 : i1 to i32
      %sign3A_747 = arith.subi %sign3A_743, %sign3A_746 : i32
      %sign3A_748 = arith.constant 0 : i32
      %sign3A_749 = arith.cmpi sgt, %jit3A_739, %sign3A_748 : i32
      %sign3A_750 = arith.extui %sign3A_749 : i1 to i32
      %sign3A_751 = arith.constant 0 : i32
      %sign3A_752 = arith.cmpi slt, %jit3A_739, %sign3A_751 : i32
      %sign3A_753 = arith.extui %sign3A_752 : i1 to i32
      %sign3A_754 = arith.subi %sign3A_750, %sign3A_753 : i32
      %ne3A_755 = arith.cmpi ne, %sign3A_747, %sign3A_754 : i32
      %rem3A_756 = arith.remsi %mul3A_738, %jit3A_739 : i32
      %ne3A_757 = arith.constant 0 : i32
      %ne3A_758 = arith.cmpi ne, %rem3A_756, %ne3A_757 : i32
      %and3A_759 = arith.andi %ne3A_755, %ne3A_758 : i1
      %sub3A_760 = arith.constant 1 : i32
      %sub3A_761 = arith.subi %div3A_740, %sub3A_760 : i32
      %select_n3A_762 = arith.select %and3A_759, %sub3A_761, %div3A_740 : i32
      %add3A_763 = arith.addi %scan3A_257, %select_n3A_762 : i32
      %min3A_764 = arith.constant 319999 : i32
      %min3A_765 = arith.minsi %add3A_763, %min3A_764 : i32
      %and3A_766 = arith.constant -8 : i32
      %and3A_767 = arith.andi %min3A_765, %and3A_766 : i32
      %min3A_768 = arith.constant 319992 : i32
      %min3A_769 = arith.minsi %and3A_767, %min3A_768 : i32
      %multiple_of3A_770 = tpu.assume_multiple %min3A_769, 8 : i32
      %dma_start3A_771 = arith.constant 96 : i32
      %dma_start3A_772 = tpu.memref_slice %arg8[%dma_start3A_771] : memref<128xi32, #tpu.memory_space<vmem>> -> memref<8xi32, #tpu.memory_space<vmem>>
      %dma_start3A_773 = tpu.memref_slice %arg3[%multiple_of3A_770] : memref<320000xi32, #tpu.memory_space<hbm>> -> memref<8xi32, #tpu.memory_space<hbm>>
      %dma_start3A_774 = arith.constant 96 : i32
      %dma_start3A_775 = tpu.memref_slice %arg8[%dma_start3A_774] : memref<128xi32, #tpu.memory_space<vmem>> -> memref<8xi32, #tpu.memory_space<vmem>>
      %dma_start3A_776 = tpu.memref_slice %arg3[%multiple_of3A_770] : memref<320000xi32, #tpu.memory_space<hbm>> -> memref<8xi32, #tpu.memory_space<hbm>>
      tpu.enqueue_dma source(%dma_start3A_776 : memref<8xi32, #tpu.memory_space<hbm>>) target(%dma_start3A_775 : memref<8xi32, #tpu.memory_space<vmem>>) target_semaphore(%arg36 : memref<!tpu.dma_semaphore, #tpu.memory_space<semaphore_mem>>)
      %mul3A_777 = arith.constant 14 : i32
      %mul3A_778 = arith.muli %sub3A_259, %mul3A_777 : i32
      %jit3A_779 = arith.constant 16 : i32
      %div3A_780 = arith.divsi %mul3A_778, %jit3A_779 : i32
      %sign3A_781 = arith.constant 0 : i32
      %sign3A_782 = arith.cmpi sgt, %mul3A_778, %sign3A_781 : i32
      %sign3A_783 = arith.extui %sign3A_782 : i1 to i32
      %sign3A_784 = arith.constant 0 : i32
      %sign3A_785 = arith.cmpi slt, %mul3A_778, %sign3A_784 : i32
      %sign3A_786 = arith.extui %sign3A_785 : i1 to i32
      %sign3A_787 = arith.subi %sign3A_783, %sign3A_786 : i32
      %sign3A_788 = arith.constant 0 : i32
      %sign3A_789 = arith.cmpi sgt, %jit3A_779, %sign3A_788 : i32
      %sign3A_790 = arith.extui %sign3A_789 : i1 to i32
      %sign3A_791 = arith.constant 0 : i32
      %sign3A_792 = arith.cmpi slt, %jit3A_779, %sign3A_791 : i32
      %sign3A_793 = arith.extui %sign3A_792 : i1 to i32
      %sign3A_794 = arith.subi %sign3A_790, %sign3A_793 : i32
      %ne3A_795 = arith.cmpi ne, %sign3A_787, %sign3A_794 : i32
      %rem3A_796 = arith.remsi %mul3A_778, %jit3A_779 : i32
      %ne3A_797 = arith.constant 0 : i32
      %ne3A_798 = arith.cmpi ne, %rem3A_796, %ne3A_797 : i32
      %and3A_799 = arith.andi %ne3A_795, %ne3A_798 : i1
      %sub3A_800 = arith.constant 1 : i32
      %sub3A_801 = arith.subi %div3A_780, %sub3A_800 : i32
      %select_n3A_802 = arith.select %and3A_799, %sub3A_801, %div3A_780 : i32
      %add3A_803 = arith.addi %scan3A_257, %select_n3A_802 : i32
      %min3A_804 = arith.constant 319999 : i32
      %min3A_805 = arith.minsi %add3A_803, %min3A_804 : i32
      %and3A_806 = arith.constant -8 : i32
      %and3A_807 = arith.andi %min3A_805, %and3A_806 : i32
      %min3A_808 = arith.constant 319992 : i32
      %min3A_809 = arith.minsi %and3A_807, %min3A_808 : i32
      %multiple_of3A_810 = tpu.assume_multiple %min3A_809, 8 : i32
      %dma_start3A_811 = arith.constant 104 : i32
      %dma_start3A_812 = tpu.memref_slice %arg8[%dma_start3A_811] : memref<128xi32, #tpu.memory_space<vmem>> -> memref<8xi32, #tpu.memory_space<vmem>>
      %dma_start3A_813 = tpu.memref_slice %arg3[%multiple_of3A_810] : memref<320000xi32, #tpu.memory_space<hbm>> -> memref<8xi32, #tpu.memory_space<hbm>>
      %dma_start3A_814 = arith.constant 104 : i32
      %dma_start3A_815 = tpu.memref_slice %arg8[%dma_start3A_814] : memref<128xi32, #tpu.memory_space<vmem>> -> memref<8xi32, #tpu.memory_space<vmem>>
      %dma_start3A_816 = tpu.memref_slice %arg3[%multiple_of3A_810] : memref<320000xi32, #tpu.memory_space<hbm>> -> memref<8xi32, #tpu.memory_space<hbm>>
      tpu.enqueue_dma source(%dma_start3A_816 : memref<8xi32, #tpu.memory_space<hbm>>) target(%dma_start3A_815 : memref<8xi32, #tpu.memory_space<vmem>>) target_semaphore(%arg36 : memref<!tpu.dma_semaphore, #tpu.memory_space<semaphore_mem>>)
      %mul3A_817 = arith.constant 15 : i32
      %mul3A_818 = arith.muli %sub3A_259, %mul3A_817 : i32
      %jit3A_819 = arith.constant 16 : i32
      %div3A_820 = arith.divsi %mul3A_818, %jit3A_819 : i32
      %sign3A_821 = arith.constant 0 : i32
      %sign3A_822 = arith.cmpi sgt, %mul3A_818, %sign3A_821 : i32
      %sign3A_823 = arith.extui %sign3A_822 : i1 to i32
      %sign3A_824 = arith.constant 0 : i32
      %sign3A_825 = arith.cmpi slt, %mul3A_818, %sign3A_824 : i32
      %sign3A_826 = arith.extui %sign3A_825 : i1 to i32
      %sign3A_827 = arith.subi %sign3A_823, %sign3A_826 : i32
      %sign3A_828 = arith.constant 0 : i32
      %sign3A_829 = arith.cmpi sgt, %jit3A_819, %sign3A_828 : i32
      %sign3A_830 = arith.extui %sign3A_829 : i1 to i32
      %sign3A_831 = arith.constant 0 : i32
      %sign3A_832 = arith.cmpi slt, %jit3A_819, %sign3A_831 : i32
      %sign3A_833 = arith.extui %sign3A_832 : i1 to i32
      %sign3A_834 = arith.subi %sign3A_830, %sign3A_833 : i32
      %ne3A_835 = arith.cmpi ne, %sign3A_827, %sign3A_834 : i32
      %rem3A_836 = arith.remsi %mul3A_818, %jit3A_819 : i32
      %ne3A_837 = arith.constant 0 : i32
      %ne3A_838 = arith.cmpi ne, %rem3A_836, %ne3A_837 : i32
      %and3A_839 = arith.andi %ne3A_835, %ne3A_838 : i1
      %sub3A_840 = arith.constant 1 : i32
      %sub3A_841 = arith.subi %div3A_820, %sub3A_840 : i32
      %select_n3A_842 = arith.select %and3A_839, %sub3A_841, %div3A_820 : i32
      %add3A_843 = arith.addi %scan3A_257, %select_n3A_842 : i32
      %min3A_844 = arith.constant 319999 : i32
      %min3A_845 = arith.minsi %add3A_843, %min3A_844 : i32
      %and3A_846 = arith.constant -8 : i32
      %and3A_847 = arith.andi %min3A_845, %and3A_846 : i32
      %min3A_848 = arith.constant 319992 : i32
      %min3A_849 = arith.minsi %and3A_847, %min3A_848 : i32
      %multiple_of3A_850 = tpu.assume_multiple %min3A_849, 8 : i32
      %dma_start3A_851 = arith.constant 112 : i32
      %dma_start3A_852 = tpu.memref_slice %arg8[%dma_start3A_851] : memref<128xi32, #tpu.memory_space<vmem>> -> memref<8xi32, #tpu.memory_space<vmem>>
      %dma_start3A_853 = tpu.memref_slice %arg3[%multiple_of3A_850] : memref<320000xi32, #tpu.memory_space<hbm>> -> memref<8xi32, #tpu.memory_space<hbm>>
      %dma_start3A_854 = arith.constant 112 : i32
      %dma_start3A_855 = tpu.memref_slice %arg8[%dma_start3A_854] : memref<128xi32, #tpu.memory_space<vmem>> -> memref<8xi32, #tpu.memory_space<vmem>>
      %dma_start3A_856 = tpu.memref_slice %arg3[%multiple_of3A_850] : memref<320000xi32, #tpu.memory_space<hbm>> -> memref<8xi32, #tpu.memory_space<hbm>>
      tpu.enqueue_dma source(%dma_start3A_856 : memref<8xi32, #tpu.memory_space<hbm>>) target(%dma_start3A_855 : memref<8xi32, #tpu.memory_space<vmem>>) target_semaphore(%arg36 : memref<!tpu.dma_semaphore, #tpu.memory_space<semaphore_mem>>)
      %mul3A_857 = arith.constant 16 : i32
      %mul3A_858 = arith.muli %sub3A_259, %mul3A_857 : i32
      %jit3A_859 = arith.constant 16 : i32
      %div3A_860 = arith.divsi %mul3A_858, %jit3A_859 : i32
      %sign3A_861 = arith.constant 0 : i32
      %sign3A_862 = arith.cmpi sgt, %mul3A_858, %sign3A_861 : i32
      %sign3A_863 = arith.extui %sign3A_862 : i1 to i32
      %sign3A_864 = arith.constant 0 : i32
      %sign3A_865 = arith.cmpi slt, %mul3A_858, %sign3A_864 : i32
      %sign3A_866 = arith.extui %sign3A_865 : i1 to i32
      %sign3A_867 = arith.subi %sign3A_863, %sign3A_866 : i32
      %sign3A_868 = arith.constant 0 : i32
      %sign3A_869 = arith.cmpi sgt, %jit3A_859, %sign3A_868 : i32
      %sign3A_870 = arith.extui %sign3A_869 : i1 to i32
      %sign3A_871 = arith.constant 0 : i32
      %sign3A_872 = arith.cmpi slt, %jit3A_859, %sign3A_871 : i32
      %sign3A_873 = arith.extui %sign3A_872 : i1 to i32
      %sign3A_874 = arith.subi %sign3A_870, %sign3A_873 : i32
      %ne3A_875 = arith.cmpi ne, %sign3A_867, %sign3A_874 : i32
      %rem3A_876 = arith.remsi %mul3A_858, %jit3A_859 : i32
      %ne3A_877 = arith.constant 0 : i32
      %ne3A_878 = arith.cmpi ne, %rem3A_876, %ne3A_877 : i32
      %and3A_879 = arith.andi %ne3A_875, %ne3A_878 : i1
      %sub3A_880 = arith.constant 1 : i32
      %sub3A_881 = arith.subi %div3A_860, %sub3A_880 : i32
      %select_n3A_882 = arith.select %and3A_879, %sub3A_881, %div3A_860 : i32
      %add3A_883 = arith.addi %scan3A_257, %select_n3A_882 : i32
      %min3A_884 = arith.constant 319999 : i32
      %min3A_885 = arith.minsi %add3A_883, %min3A_884 : i32
      %and3A_886 = arith.constant -8 : i32
      %and3A_887 = arith.andi %min3A_885, %and3A_886 : i32
      %min3A_888 = arith.constant 319992 : i32
      %min3A_889 = arith.minsi %and3A_887, %min3A_888 : i32
      %multiple_of3A_890 = tpu.assume_multiple %min3A_889, 8 : i32
      %dma_start3A_891 = arith.constant 120 : i32
      %dma_start3A_892 = tpu.memref_slice %arg8[%dma_start3A_891] : memref<128xi32, #tpu.memory_space<vmem>> -> memref<8xi32, #tpu.memory_space<vmem>>
      %dma_start3A_893 = tpu.memref_slice %arg3[%multiple_of3A_890] : memref<320000xi32, #tpu.memory_space<hbm>> -> memref<8xi32, #tpu.memory_space<hbm>>
      %dma_start3A_894 = arith.constant 120 : i32
      %dma_start3A_895 = tpu.memref_slice %arg8[%dma_start3A_894] : memref<128xi32, #tpu.memory_space<vmem>> -> memref<8xi32, #tpu.memory_space<vmem>>
      %dma_start3A_896 = tpu.memref_slice %arg3[%multiple_of3A_890] : memref<320000xi32, #tpu.memory_space<hbm>> -> memref<8xi32, #tpu.memory_space<hbm>>
      tpu.enqueue_dma source(%dma_start3A_896 : memref<8xi32, #tpu.memory_space<hbm>>) target(%dma_start3A_895 : memref<8xi32, #tpu.memory_space<vmem>>) target_semaphore(%arg36 : memref<!tpu.dma_semaphore, #tpu.memory_space<semaphore_mem>>)
      %dma_wait3A = arith.constant 0 : i32
      %dma_wait3A_897 = tpu.memref_slice %arg8[%dma_wait3A] : memref<128xi32, #tpu.memory_space<vmem>> -> memref<8xi32, #tpu.memory_space<vmem>>
      %dma_wait3A_898 = arith.constant 0 : i32
      %dma_wait3A_899 = tpu.memref_slice %arg3[%dma_wait3A_898] : memref<320000xi32, #tpu.memory_space<hbm>> -> memref<8xi32, #tpu.memory_space<hbm>>
      %dma_wait3A_900 = arith.constant 0 : i32
      %dma_wait3A_901 = tpu.memref_slice %arg8[%dma_wait3A_900] : memref<128xi32, #tpu.memory_space<vmem>> -> memref<8xi32, #tpu.memory_space<vmem>>
      %dma_wait3A_902 = arith.constant 0 : i32
      %dma_wait3A_903 = tpu.memref_slice %arg3[%dma_wait3A_902] : memref<320000xi32, #tpu.memory_space<hbm>> -> memref<8xi32, #tpu.memory_space<hbm>>
      tpu.wait_dma2 semaphore(%arg36 : memref<!tpu.dma_semaphore, #tpu.memory_space<semaphore_mem>>) src(%dma_wait3A_903 : memref<8xi32, #tpu.memory_space<hbm>>) dst(%dma_wait3A_901 : memref<8xi32, #tpu.memory_space<vmem>>)
      %dma_wait3A_904 = arith.constant 8 : i32
      %dma_wait3A_905 = tpu.memref_slice %arg8[%dma_wait3A_904] : memref<128xi32, #tpu.memory_space<vmem>> -> memref<8xi32, #tpu.memory_space<vmem>>
      %dma_wait3A_906 = arith.constant 0 : i32
      %dma_wait3A_907 = tpu.memref_slice %arg3[%dma_wait3A_906] : memref<320000xi32, #tpu.memory_space<hbm>> -> memref<8xi32, #tpu.memory_space<hbm>>
      %dma_wait3A_908 = arith.constant 8 : i32
      %dma_wait3A_909 = tpu.memref_slice %arg8[%dma_wait3A_908] : memref<128xi32, #tpu.memory_space<vmem>> -> memref<8xi32, #tpu.memory_space<vmem>>
      %dma_wait3A_910 = arith.constant 0 : i32
      %dma_wait3A_911 = tpu.memref_slice %arg3[%dma_wait3A_910] : memref<320000xi32, #tpu.memory_space<hbm>> -> memref<8xi32, #tpu.memory_space<hbm>>
      tpu.wait_dma2 semaphore(%arg36 : memref<!tpu.dma_semaphore, #tpu.memory_space<semaphore_mem>>) src(%dma_wait3A_911 : memref<8xi32, #tpu.memory_space<hbm>>) dst(%dma_wait3A_909 : memref<8xi32, #tpu.memory_space<vmem>>)
      %dma_wait3A_912 = arith.constant 16 : i32
      %dma_wait3A_913 = tpu.memref_slice %arg8[%dma_wait3A_912] : memref<128xi32, #tpu.memory_space<vmem>> -> memref<8xi32, #tpu.memory_space<vmem>>
      %dma_wait3A_914 = arith.constant 0 : i32
      %dma_wait3A_915 = tpu.memref_slice %arg3[%dma_wait3A_914] : memref<320000xi32, #tpu.memory_space<hbm>> -> memref<8xi32, #tpu.memory_space<hbm>>
      %dma_wait3A_916 = arith.constant 16 : i32
      %dma_wait3A_917 = tpu.memref_slice %arg8[%dma_wait3A_916] : memref<128xi32, #tpu.memory_space<vmem>> -> memref<8xi32, #tpu.memory_space<vmem>>
      %dma_wait3A_918 = arith.constant 0 : i32
      %dma_wait3A_919 = tpu.memref_slice %arg3[%dma_wait3A_918] : memref<320000xi32, #tpu.memory_space<hbm>> -> memref<8xi32, #tpu.memory_space<hbm>>
      tpu.wait_dma2 semaphore(%arg36 : memref<!tpu.dma_semaphore, #tpu.memory_space<semaphore_mem>>) src(%dma_wait3A_919 : memref<8xi32, #tpu.memory_space<hbm>>) dst(%dma_wait3A_917 : memref<8xi32, #tpu.memory_space<vmem>>)
      %dma_wait3A_920 = arith.constant 24 : i32
      %dma_wait3A_921 = tpu.memref_slice %arg8[%dma_wait3A_920] : memref<128xi32, #tpu.memory_space<vmem>> -> memref<8xi32, #tpu.memory_space<vmem>>
      %dma_wait3A_922 = arith.constant 0 : i32
      %dma_wait3A_923 = tpu.memref_slice %arg3[%dma_wait3A_922] : memref<320000xi32, #tpu.memory_space<hbm>> -> memref<8xi32, #tpu.memory_space<hbm>>
      %dma_wait3A_924 = arith.constant 24 : i32
      %dma_wait3A_925 = tpu.memref_slice %arg8[%dma_wait3A_924] : memref<128xi32, #tpu.memory_space<vmem>> -> memref<8xi32, #tpu.memory_space<vmem>>
      %dma_wait3A_926 = arith.constant 0 : i32
      %dma_wait3A_927 = tpu.memref_slice %arg3[%dma_wait3A_926] : memref<320000xi32, #tpu.memory_space<hbm>> -> memref<8xi32, #tpu.memory_space<hbm>>
      tpu.wait_dma2 semaphore(%arg36 : memref<!tpu.dma_semaphore, #tpu.memory_space<semaphore_mem>>) src(%dma_wait3A_927 : memref<8xi32, #tpu.memory_space<hbm>>) dst(%dma_wait3A_925 : memref<8xi32, #tpu.memory_space<vmem>>)
      %dma_wait3A_928 = arith.constant 32 : i32
      %dma_wait3A_929 = tpu.memref_slice %arg8[%dma_wait3A_928] : memref<128xi32, #tpu.memory_space<vmem>> -> memref<8xi32, #tpu.memory_space<vmem>>
      %dma_wait3A_930 = arith.constant 0 : i32
      %dma_wait3A_931 = tpu.memref_slice %arg3[%dma_wait3A_930] : memref<320000xi32, #tpu.memory_space<hbm>> -> memref<8xi32, #tpu.memory_space<hbm>>
      %dma_wait3A_932 = arith.constant 32 : i32
      %dma_wait3A_933 = tpu.memref_slice %arg8[%dma_wait3A_932] : memref<128xi32, #tpu.memory_space<vmem>> -> memref<8xi32, #tpu.memory_space<vmem>>
      %dma_wait3A_934 = arith.constant 0 : i32
      %dma_wait3A_935 = tpu.memref_slice %arg3[%dma_wait3A_934] : memref<320000xi32, #tpu.memory_space<hbm>> -> memref<8xi32, #tpu.memory_space<hbm>>
      tpu.wait_dma2 semaphore(%arg36 : memref<!tpu.dma_semaphore, #tpu.memory_space<semaphore_mem>>) src(%dma_wait3A_935 : memref<8xi32, #tpu.memory_space<hbm>>) dst(%dma_wait3A_933 : memref<8xi32, #tpu.memory_space<vmem>>)
      %dma_wait3A_936 = arith.constant 40 : i32
      %dma_wait3A_937 = tpu.memref_slice %arg8[%dma_wait3A_936] : memref<128xi32, #tpu.memory_space<vmem>> -> memref<8xi32, #tpu.memory_space<vmem>>
      %dma_wait3A_938 = arith.constant 0 : i32
      %dma_wait3A_939 = tpu.memref_slice %arg3[%dma_wait3A_938] : memref<320000xi32, #tpu.memory_space<hbm>> -> memref<8xi32, #tpu.memory_space<hbm>>
      %dma_wait3A_940 = arith.constant 40 : i32
      %dma_wait3A_941 = tpu.memref_slice %arg8[%dma_wait3A_940] : memref<128xi32, #tpu.memory_space<vmem>> -> memref<8xi32, #tpu.memory_space<vmem>>
      %dma_wait3A_942 = arith.constant 0 : i32
      %dma_wait3A_943 = tpu.memref_slice %arg3[%dma_wait3A_942] : memref<320000xi32, #tpu.memory_space<hbm>> -> memref<8xi32, #tpu.memory_space<hbm>>
      tpu.wait_dma2 semaphore(%arg36 : memref<!tpu.dma_semaphore, #tpu.memory_space<semaphore_mem>>) src(%dma_wait3A_943 : memref<8xi32, #tpu.memory_space<hbm>>) dst(%dma_wait3A_941 : memref<8xi32, #tpu.memory_space<vmem>>)
      %dma_wait3A_944 = arith.constant 48 : i32
      %dma_wait3A_945 = tpu.memref_slice %arg8[%dma_wait3A_944] : memref<128xi32, #tpu.memory_space<vmem>> -> memref<8xi32, #tpu.memory_space<vmem>>
      %dma_wait3A_946 = arith.constant 0 : i32
      %dma_wait3A_947 = tpu.memref_slice %arg3[%dma_wait3A_946] : memref<320000xi32, #tpu.memory_space<hbm>> -> memref<8xi32, #tpu.memory_space<hbm>>
      %dma_wait3A_948 = arith.constant 48 : i32
      %dma_wait3A_949 = tpu.memref_slice %arg8[%dma_wait3A_948] : memref<128xi32, #tpu.memory_space<vmem>> -> memref<8xi32, #tpu.memory_space<vmem>>
      %dma_wait3A_950 = arith.constant 0 : i32
      %dma_wait3A_951 = tpu.memref_slice %arg3[%dma_wait3A_950] : memref<320000xi32, #tpu.memory_space<hbm>> -> memref<8xi32, #tpu.memory_space<hbm>>
      tpu.wait_dma2 semaphore(%arg36 : memref<!tpu.dma_semaphore, #tpu.memory_space<semaphore_mem>>) src(%dma_wait3A_951 : memref<8xi32, #tpu.memory_space<hbm>>) dst(%dma_wait3A_949 : memref<8xi32, #tpu.memory_space<vmem>>)
      %dma_wait3A_952 = arith.constant 56 : i32
      %dma_wait3A_953 = tpu.memref_slice %arg8[%dma_wait3A_952] : memref<128xi32, #tpu.memory_space<vmem>> -> memref<8xi32, #tpu.memory_space<vmem>>
      %dma_wait3A_954 = arith.constant 0 : i32
      %dma_wait3A_955 = tpu.memref_slice %arg3[%dma_wait3A_954] : memref<320000xi32, #tpu.memory_space<hbm>> -> memref<8xi32, #tpu.memory_space<hbm>>
      %dma_wait3A_956 = arith.constant 56 : i32
      %dma_wait3A_957 = tpu.memref_slice %arg8[%dma_wait3A_956] : memref<128xi32, #tpu.memory_space<vmem>> -> memref<8xi32, #tpu.memory_space<vmem>>
      %dma_wait3A_958 = arith.constant 0 : i32
      %dma_wait3A_959 = tpu.memref_slice %arg3[%dma_wait3A_958] : memref<320000xi32, #tpu.memory_space<hbm>> -> memref<8xi32, #tpu.memory_space<hbm>>
      tpu.wait_dma2 semaphore(%arg36 : memref<!tpu.dma_semaphore, #tpu.memory_space<semaphore_mem>>) src(%dma_wait3A_959 : memref<8xi32, #tpu.memory_space<hbm>>) dst(%dma_wait3A_957 : memref<8xi32, #tpu.memory_space<vmem>>)
      %dma_wait3A_960 = arith.constant 64 : i32
      %dma_wait3A_961 = tpu.memref_slice %arg8[%dma_wait3A_960] : memref<128xi32, #tpu.memory_space<vmem>> -> memref<8xi32, #tpu.memory_space<vmem>>
      %dma_wait3A_962 = arith.constant 0 : i32
      %dma_wait3A_963 = tpu.memref_slice %arg3[%dma_wait3A_962] : memref<320000xi32, #tpu.memory_space<hbm>> -> memref<8xi32, #tpu.memory_space<hbm>>
      %dma_wait3A_964 = arith.constant 64 : i32
      %dma_wait3A_965 = tpu.memref_slice %arg8[%dma_wait3A_964] : memref<128xi32, #tpu.memory_space<vmem>> -> memref<8xi32, #tpu.memory_space<vmem>>
      %dma_wait3A_966 = arith.constant 0 : i32
      %dma_wait3A_967 = tpu.memref_slice %arg3[%dma_wait3A_966] : memref<320000xi32, #tpu.memory_space<hbm>> -> memref<8xi32, #tpu.memory_space<hbm>>
      tpu.wait_dma2 semaphore(%arg36 : memref<!tpu.dma_semaphore, #tpu.memory_space<semaphore_mem>>) src(%dma_wait3A_967 : memref<8xi32, #tpu.memory_space<hbm>>) dst(%dma_wait3A_965 : memref<8xi32, #tpu.memory_space<vmem>>)
      %dma_wait3A_968 = arith.constant 72 : i32
      %dma_wait3A_969 = tpu.memref_slice %arg8[%dma_wait3A_968] : memref<128xi32, #tpu.memory_space<vmem>> -> memref<8xi32, #tpu.memory_space<vmem>>
      %dma_wait3A_970 = arith.constant 0 : i32
      %dma_wait3A_971 = tpu.memref_slice %arg3[%dma_wait3A_970] : memref<320000xi32, #tpu.memory_space<hbm>> -> memref<8xi32, #tpu.memory_space<hbm>>
      %dma_wait3A_972 = arith.constant 72 : i32
      %dma_wait3A_973 = tpu.memref_slice %arg8[%dma_wait3A_972] : memref<128xi32, #tpu.memory_space<vmem>> -> memref<8xi32, #tpu.memory_space<vmem>>
      %dma_wait3A_974 = arith.constant 0 : i32
      %dma_wait3A_975 = tpu.memref_slice %arg3[%dma_wait3A_974] : memref<320000xi32, #tpu.memory_space<hbm>> -> memref<8xi32, #tpu.memory_space<hbm>>
      tpu.wait_dma2 semaphore(%arg36 : memref<!tpu.dma_semaphore, #tpu.memory_space<semaphore_mem>>) src(%dma_wait3A_975 : memref<8xi32, #tpu.memory_space<hbm>>) dst(%dma_wait3A_973 : memref<8xi32, #tpu.memory_space<vmem>>)
      %dma_wait3A_976 = arith.constant 80 : i32
      %dma_wait3A_977 = tpu.memref_slice %arg8[%dma_wait3A_976] : memref<128xi32, #tpu.memory_space<vmem>> -> memref<8xi32, #tpu.memory_space<vmem>>
      %dma_wait3A_978 = arith.constant 0 : i32
      %dma_wait3A_979 = tpu.memref_slice %arg3[%dma_wait3A_978] : memref<320000xi32, #tpu.memory_space<hbm>> -> memref<8xi32, #tpu.memory_space<hbm>>
      %dma_wait3A_980 = arith.constant 80 : i32
      %dma_wait3A_981 = tpu.memref_slice %arg8[%dma_wait3A_980] : memref<128xi32, #tpu.memory_space<vmem>> -> memref<8xi32, #tpu.memory_space<vmem>>
      %dma_wait3A_982 = arith.constant 0 : i32
      %dma_wait3A_983 = tpu.memref_slice %arg3[%dma_wait3A_982] : memref<320000xi32, #tpu.memory_space<hbm>> -> memref<8xi32, #tpu.memory_space<hbm>>
      tpu.wait_dma2 semaphore(%arg36 : memref<!tpu.dma_semaphore, #tpu.memory_space<semaphore_mem>>) src(%dma_wait3A_983 : memref<8xi32, #tpu.memory_space<hbm>>) dst(%dma_wait3A_981 : memref<8xi32, #tpu.memory_space<vmem>>)
      %dma_wait3A_984 = arith.constant 88 : i32
      %dma_wait3A_985 = tpu.memref_slice %arg8[%dma_wait3A_984] : memref<128xi32, #tpu.memory_space<vmem>> -> memref<8xi32, #tpu.memory_space<vmem>>
      %dma_wait3A_986 = arith.constant 0 : i32
      %dma_wait3A_987 = tpu.memref_slice %arg3[%dma_wait3A_986] : memref<320000xi32, #tpu.memory_space<hbm>> -> memref<8xi32, #tpu.memory_space<hbm>>
      %dma_wait3A_988 = arith.constant 88 : i32
      %dma_wait3A_989 = tpu.memref_slice %arg8[%dma_wait3A_988] : memref<128xi32, #tpu.memory_space<vmem>> -> memref<8xi32, #tpu.memory_space<vmem>>
      %dma_wait3A_990 = arith.constant 0 : i32
      %dma_wait3A_991 = tpu.memref_slice %arg3[%dma_wait3A_990] : memref<320000xi32, #tpu.memory_space<hbm>> -> memref<8xi32, #tpu.memory_space<hbm>>
      tpu.wait_dma2 semaphore(%arg36 : memref<!tpu.dma_semaphore, #tpu.memory_space<semaphore_mem>>) src(%dma_wait3A_991 : memref<8xi32, #tpu.memory_space<hbm>>) dst(%dma_wait3A_989 : memref<8xi32, #tpu.memory_space<vmem>>)
      %dma_wait3A_992 = arith.constant 96 : i32
      %dma_wait3A_993 = tpu.memref_slice %arg8[%dma_wait3A_992] : memref<128xi32, #tpu.memory_space<vmem>> -> memref<8xi32, #tpu.memory_space<vmem>>
      %dma_wait3A_994 = arith.constant 0 : i32
      %dma_wait3A_995 = tpu.memref_slice %arg3[%dma_wait3A_994] : memref<320000xi32, #tpu.memory_space<hbm>> -> memref<8xi32, #tpu.memory_space<hbm>>
      %dma_wait3A_996 = arith.constant 96 : i32
      %dma_wait3A_997 = tpu.memref_slice %arg8[%dma_wait3A_996] : memref<128xi32, #tpu.memory_space<vmem>> -> memref<8xi32, #tpu.memory_space<vmem>>
      %dma_wait3A_998 = arith.constant 0 : i32
      %dma_wait3A_999 = tpu.memref_slice %arg3[%dma_wait3A_998] : memref<320000xi32, #tpu.memory_space<hbm>> -> memref<8xi32, #tpu.memory_space<hbm>>
      tpu.wait_dma2 semaphore(%arg36 : memref<!tpu.dma_semaphore, #tpu.memory_space<semaphore_mem>>) src(%dma_wait3A_999 : memref<8xi32, #tpu.memory_space<hbm>>) dst(%dma_wait3A_997 : memref<8xi32, #tpu.memory_space<vmem>>)
      %dma_wait3A_1000 = arith.constant 104 : i32
      %dma_wait3A_1001 = tpu.memref_slice %arg8[%dma_wait3A_1000] : memref<128xi32, #tpu.memory_space<vmem>> -> memref<8xi32, #tpu.memory_space<vmem>>
      %dma_wait3A_1002 = arith.constant 0 : i32
      %dma_wait3A_1003 = tpu.memref_slice %arg3[%dma_wait3A_1002] : memref<320000xi32, #tpu.memory_space<hbm>> -> memref<8xi32, #tpu.memory_space<hbm>>
      %dma_wait3A_1004 = arith.constant 104 : i32
      %dma_wait3A_1005 = tpu.memref_slice %arg8[%dma_wait3A_1004] : memref<128xi32, #tpu.memory_space<vmem>> -> memref<8xi32, #tpu.memory_space<vmem>>
      %dma_wait3A_1006 = arith.constant 0 : i32
      %dma_wait3A_1007 = tpu.memref_slice %arg3[%dma_wait3A_1006] : memref<320000xi32, #tpu.memory_space<hbm>> -> memref<8xi32, #tpu.memory_space<hbm>>
      tpu.wait_dma2 semaphore(%arg36 : memref<!tpu.dma_semaphore, #tpu.memory_space<semaphore_mem>>) src(%dma_wait3A_1007 : memref<8xi32, #tpu.memory_space<hbm>>) dst(%dma_wait3A_1005 : memref<8xi32, #tpu.memory_space<vmem>>)
      %dma_wait3A_1008 = arith.constant 112 : i32
      %dma_wait3A_1009 = tpu.memref_slice %arg8[%dma_wait3A_1008] : memref<128xi32, #tpu.memory_space<vmem>> -> memref<8xi32, #tpu.memory_space<vmem>>
      %dma_wait3A_1010 = arith.constant 0 : i32
      %dma_wait3A_1011 = tpu.memref_slice %arg3[%dma_wait3A_1010] : memref<320000xi32, #tpu.memory_space<hbm>> -> memref<8xi32, #tpu.memory_space<hbm>>
      %dma_wait3A_1012 = arith.constant 112 : i32
      %dma_wait3A_1013 = tpu.memref_slice %arg8[%dma_wait3A_1012] : memref<128xi32, #tpu.memory_space<vmem>> -> memref<8xi32, #tpu.memory_space<vmem>>
      %dma_wait3A_1014 = arith.constant 0 : i32
      %dma_wait3A_1015 = tpu.memref_slice %arg3[%dma_wait3A_1014] : memref<320000xi32, #tpu.memory_space<hbm>> -> memref<8xi32, #tpu.memory_space<hbm>>
      tpu.wait_dma2 semaphore(%arg36 : memref<!tpu.dma_semaphore, #tpu.memory_space<semaphore_mem>>) src(%dma_wait3A_1015 : memref<8xi32, #tpu.memory_space<hbm>>) dst(%dma_wait3A_1013 : memref<8xi32, #tpu.memory_space<vmem>>)
      %dma_wait3A_1016 = arith.constant 120 : i32
      %dma_wait3A_1017 = tpu.memref_slice %arg8[%dma_wait3A_1016] : memref<128xi32, #tpu.memory_space<vmem>> -> memref<8xi32, #tpu.memory_space<vmem>>
      %dma_wait3A_1018 = arith.constant 0 : i32
      %dma_wait3A_1019 = tpu.memref_slice %arg3[%dma_wait3A_1018] : memref<320000xi32, #tpu.memory_space<hbm>> -> memref<8xi32, #tpu.memory_space<hbm>>
      %dma_wait3A_1020 = arith.constant 120 : i32
      %dma_wait3A_1021 = tpu.memref_slice %arg8[%dma_wait3A_1020] : memref<128xi32, #tpu.memory_space<vmem>> -> memref<8xi32, #tpu.memory_space<vmem>>
      %dma_wait3A_1022 = arith.constant 0 : i32
      %dma_wait3A_1023 = tpu.memref_slice %arg3[%dma_wait3A_1022] : memref<320000xi32, #tpu.memory_space<hbm>> -> memref<8xi32, #tpu.memory_space<hbm>>
      tpu.wait_dma2 semaphore(%arg36 : memref<!tpu.dma_semaphore, #tpu.memory_space<semaphore_mem>>) src(%dma_wait3A_1023 : memref<8xi32, #tpu.memory_space<hbm>>) dst(%dma_wait3A_1021 : memref<8xi32, #tpu.memory_space<vmem>>)
      "tpu.region"() ({
        %run_scoped3A = tpu.sem_alloc : memref<!tpu.dma_semaphore, #tpu.memory_space<semaphore_mem>>
        %dma_start3A_2367 = arith.constant 0 : i32
        %dma_start3A_2368 = tpu.memref_slice %arg10[%arg1, %dma_start3A_2367] : memref<16x128xi32, #tpu.memory_space<vmem_shared>> -> memref<1x128xi32, #tpu.memory_space<vmem_shared>>
        %dma_start3A_2369 = tpu.memref_squeeze %dma_start3A_2368 : memref<1x128xi32, #tpu.memory_space<vmem_shared>> -> memref<128xi32, #tpu.memory_space<vmem_shared>>
        %dma_start3A_2370 = arith.constant 0 : i32
        %dma_start3A_2371 = tpu.memref_slice %arg10[%arg1, %dma_start3A_2370] : memref<16x128xi32, #tpu.memory_space<vmem_shared>> -> memref<1x128xi32, #tpu.memory_space<vmem_shared>>
        %dma_start3A_2372 = tpu.memref_squeeze %dma_start3A_2371 : memref<1x128xi32, #tpu.memory_space<vmem_shared>> -> memref<128xi32, #tpu.memory_space<vmem_shared>>
        tpu.enqueue_dma source(%arg8 : memref<128xi32, #tpu.memory_space<vmem>>) target(%dma_start3A_2372 : memref<128xi32, #tpu.memory_space<vmem_shared>>) target_semaphore(%run_scoped3A : memref<!tpu.dma_semaphore, #tpu.memory_space<semaphore_mem>>)
        %dma_wait3A_2373 = arith.constant 0 : i32
        %dma_wait3A_2374 = tpu.memref_slice %arg10[%arg1, %dma_wait3A_2373] : memref<16x128xi32, #tpu.memory_space<vmem_shared>> -> memref<1x128xi32, #tpu.memory_space<vmem_shared>>
        %dma_wait3A_2375 = tpu.memref_squeeze %dma_wait3A_2374 : memref<1x128xi32, #tpu.memory_space<vmem_shared>> -> memref<128xi32, #tpu.memory_space<vmem_shared>>
        %dma_wait3A_2376 = arith.constant 0 : i32
        %dma_wait3A_2377 = tpu.memref_slice %arg10[%arg1, %dma_wait3A_2376] : memref<16x128xi32, #tpu.memory_space<vmem_shared>> -> memref<1x128xi32, #tpu.memory_space<vmem_shared>>
        %dma_wait3A_2378 = tpu.memref_squeeze %dma_wait3A_2377 : memref<1x128xi32, #tpu.memory_space<vmem_shared>> -> memref<128xi32, #tpu.memory_space<vmem_shared>>
        tpu.wait_dma2 semaphore(%run_scoped3A : memref<!tpu.dma_semaphore, #tpu.memory_space<semaphore_mem>>) src(%arg8 : memref<128xi32, #tpu.memory_space<vmem>>) dst(%dma_wait3A_2378 : memref<128xi32, #tpu.memory_space<vmem_shared>>)
        tpu.yield
      }) : () -> ()
      "tpu.region"() ({
        %run_scoped3A = tpu.sem_alloc : memref<!tpu.dma_semaphore, #tpu.memory_space<semaphore_mem>>
        %dma_start3A_2367 = arith.constant 0 : i32
        %dma_start3A_2368 = tpu.memref_slice %arg10[%arg1, %dma_start3A_2367] : memref<16x128xi32, #tpu.memory_space<vmem_shared>> -> memref<1x128xi32, #tpu.memory_space<vmem_shared>>
        %dma_start3A_2369 = tpu.memref_squeeze %dma_start3A_2368 : memref<1x128xi32, #tpu.memory_space<vmem_shared>> -> memref<128xi32, #tpu.memory_space<vmem_shared>>
        tpu.enqueue_dma source(%dma_start3A_2369 : memref<128xi32, #tpu.memory_space<vmem_shared>>) target(%arg9 : memref<128xi32, #tpu.memory_space<smem>>) target_semaphore(%run_scoped3A : memref<!tpu.dma_semaphore, #tpu.memory_space<semaphore_mem>>)
        %dma_wait3A_2370 = arith.constant 0 : i32
        %dma_wait3A_2371 = tpu.memref_slice %arg10[%arg1, %dma_wait3A_2370] : memref<16x128xi32, #tpu.memory_space<vmem_shared>> -> memref<1x128xi32, #tpu.memory_space<vmem_shared>>
        %dma_wait3A_2372 = tpu.memref_squeeze %dma_wait3A_2371 : memref<1x128xi32, #tpu.memory_space<vmem_shared>> -> memref<128xi32, #tpu.memory_space<vmem_shared>>
        tpu.wait_dma2 semaphore(%run_scoped3A : memref<!tpu.dma_semaphore, #tpu.memory_space<semaphore_mem>>) src(%dma_wait3A_2372 : memref<128xi32, #tpu.memory_space<vmem_shared>>) dst(%arg9 : memref<128xi32, #tpu.memory_space<smem>>)
        tpu.yield
      }) : () -> ()
      %mul3A_1024 = arith.constant 16 : i32
      %mul3A_1025 = arith.muli %sub3A_259, %mul3A_1024 : i32
      %jit3A_1026 = arith.constant 16 : i32
      %div3A_1027 = arith.divsi %mul3A_1025, %jit3A_1026 : i32
      %sign3A_1028 = arith.constant 0 : i32
      %sign3A_1029 = arith.cmpi sgt, %mul3A_1025, %sign3A_1028 : i32
      %sign3A_1030 = arith.extui %sign3A_1029 : i1 to i32
      %sign3A_1031 = arith.constant 0 : i32
      %sign3A_1032 = arith.cmpi slt, %mul3A_1025, %sign3A_1031 : i32
      %sign3A_1033 = arith.extui %sign3A_1032 : i1 to i32
      %sign3A_1034 = arith.subi %sign3A_1030, %sign3A_1033 : i32
      %sign3A_1035 = arith.constant 0 : i32
      %sign3A_1036 = arith.cmpi sgt, %jit3A_1026, %sign3A_1035 : i32
      %sign3A_1037 = arith.extui %sign3A_1036 : i1 to i32
      %sign3A_1038 = arith.constant 0 : i32
      %sign3A_1039 = arith.cmpi slt, %jit3A_1026, %sign3A_1038 : i32
      %sign3A_1040 = arith.extui %sign3A_1039 : i1 to i32
      %sign3A_1041 = arith.subi %sign3A_1037, %sign3A_1040 : i32
      %ne3A_1042 = arith.cmpi ne, %sign3A_1034, %sign3A_1041 : i32
      %rem3A_1043 = arith.remsi %mul3A_1025, %jit3A_1026 : i32
      %ne3A_1044 = arith.constant 0 : i32
      %ne3A_1045 = arith.cmpi ne, %rem3A_1043, %ne3A_1044 : i32
      %and3A_1046 = arith.andi %ne3A_1042, %ne3A_1045 : i1
      %sub3A_1047 = arith.constant 1 : i32
      %sub3A_1048 = arith.subi %div3A_1027, %sub3A_1047 : i32
      %select_n3A_1049 = arith.select %and3A_1046, %sub3A_1048, %div3A_1027 : i32
      %add3A_1050 = arith.addi %scan3A_257, %select_n3A_1049 : i32
      %min3A_1051 = arith.constant 319999 : i32
      %min3A_1052 = arith.minsi %add3A_1050, %min3A_1051 : i32
      %and3A_1053 = arith.constant -8 : i32
      %and3A_1054 = arith.andi %min3A_1052, %and3A_1053 : i32
      %min3A_1055 = arith.constant 319992 : i32
      %min3A_1056 = arith.minsi %and3A_1054, %min3A_1055 : i32
      %sub3A_1057 = arith.subi %min3A_1052, %min3A_1056 : i32
      %add3A_1058 = arith.constant 120 : i32
      %add3A_1059 = arith.addi %add3A_1058, %sub3A_1057 : i32
      %get3A = arith.index_cast %add3A_1059 : i32 to index
      %get3A_1060 = memref.load %arg9[%get3A] : memref<128xi32, #tpu.memory_space<smem>>
      %ge3A = arith.constant 5008 : i32
      %ge3A_1061 = arith.cmpi sge, %get3A_1060, %ge3A : i32
      %select_n3A_1062 = arith.select %ge3A_1061, %add3A_1050, %scan3A_258 : i32
      %mul3A_1063 = arith.constant 15 : i32
      %mul3A_1064 = arith.muli %sub3A_259, %mul3A_1063 : i32
      %jit3A_1065 = arith.constant 16 : i32
      %div3A_1066 = arith.divsi %mul3A_1064, %jit3A_1065 : i32
      %sign3A_1067 = arith.constant 0 : i32
      %sign3A_1068 = arith.cmpi sgt, %mul3A_1064, %sign3A_1067 : i32
      %sign3A_1069 = arith.extui %sign3A_1068 : i1 to i32
      %sign3A_1070 = arith.constant 0 : i32
      %sign3A_1071 = arith.cmpi slt, %mul3A_1064, %sign3A_1070 : i32
      %sign3A_1072 = arith.extui %sign3A_1071 : i1 to i32
      %sign3A_1073 = arith.subi %sign3A_1069, %sign3A_1072 : i32
      %sign3A_1074 = arith.constant 0 : i32
      %sign3A_1075 = arith.cmpi sgt, %jit3A_1065, %sign3A_1074 : i32
      %sign3A_1076 = arith.extui %sign3A_1075 : i1 to i32
      %sign3A_1077 = arith.constant 0 : i32
      %sign3A_1078 = arith.cmpi slt, %jit3A_1065, %sign3A_1077 : i32
      %sign3A_1079 = arith.extui %sign3A_1078 : i1 to i32
      %sign3A_1080 = arith.subi %sign3A_1076, %sign3A_1079 : i32
      %ne3A_1081 = arith.cmpi ne, %sign3A_1073, %sign3A_1080 : i32
      %rem3A_1082 = arith.remsi %mul3A_1064, %jit3A_1065 : i32
      %ne3A_1083 = arith.constant 0 : i32
      %ne3A_1084 = arith.cmpi ne, %rem3A_1082, %ne3A_1083 : i32
      %and3A_1085 = arith.andi %ne3A_1081, %ne3A_1084 : i1
      %sub3A_1086 = arith.constant 1 : i32
      %sub3A_1087 = arith.subi %div3A_1066, %sub3A_1086 : i32
      %select_n3A_1088 = arith.select %and3A_1085, %sub3A_1087, %div3A_1066 : i32
      %add3A_1089 = arith.addi %scan3A_257, %select_n3A_1088 : i32
      %min3A_1090 = arith.constant 319999 : i32
      %min3A_1091 = arith.minsi %add3A_1089, %min3A_1090 : i32
      %and3A_1092 = arith.constant -8 : i32
      %and3A_1093 = arith.andi %min3A_1091, %and3A_1092 : i32
      %min3A_1094 = arith.constant 319992 : i32
      %min3A_1095 = arith.minsi %and3A_1093, %min3A_1094 : i32
      %sub3A_1096 = arith.subi %min3A_1091, %min3A_1095 : i32
      %add3A_1097 = arith.constant 112 : i32
      %add3A_1098 = arith.addi %add3A_1097, %sub3A_1096 : i32
      %get3A_1099 = arith.index_cast %add3A_1098 : i32 to index
      %get3A_1100 = memref.load %arg9[%get3A_1099] : memref<128xi32, #tpu.memory_space<smem>>
      %ge3A_1101 = arith.constant 5008 : i32
      %ge3A_1102 = arith.cmpi sge, %get3A_1100, %ge3A_1101 : i32
      %select_n3A_1103 = arith.select %ge3A_1102, %add3A_1089, %select_n3A_1062 : i32
      %mul3A_1104 = arith.constant 14 : i32
      %mul3A_1105 = arith.muli %sub3A_259, %mul3A_1104 : i32
      %jit3A_1106 = arith.constant 16 : i32
      %div3A_1107 = arith.divsi %mul3A_1105, %jit3A_1106 : i32
      %sign3A_1108 = arith.constant 0 : i32
      %sign3A_1109 = arith.cmpi sgt, %mul3A_1105, %sign3A_1108 : i32
      %sign3A_1110 = arith.extui %sign3A_1109 : i1 to i32
      %sign3A_1111 = arith.constant 0 : i32
      %sign3A_1112 = arith.cmpi slt, %mul3A_1105, %sign3A_1111 : i32
      %sign3A_1113 = arith.extui %sign3A_1112 : i1 to i32
      %sign3A_1114 = arith.subi %sign3A_1110, %sign3A_1113 : i32
      %sign3A_1115 = arith.constant 0 : i32
      %sign3A_1116 = arith.cmpi sgt, %jit3A_1106, %sign3A_1115 : i32
      %sign3A_1117 = arith.extui %sign3A_1116 : i1 to i32
      %sign3A_1118 = arith.constant 0 : i32
      %sign3A_1119 = arith.cmpi slt, %jit3A_1106, %sign3A_1118 : i32
      %sign3A_1120 = arith.extui %sign3A_1119 : i1 to i32
      %sign3A_1121 = arith.subi %sign3A_1117, %sign3A_1120 : i32
      %ne3A_1122 = arith.cmpi ne, %sign3A_1114, %sign3A_1121 : i32
      %rem3A_1123 = arith.remsi %mul3A_1105, %jit3A_1106 : i32
      %ne3A_1124 = arith.constant 0 : i32
      %ne3A_1125 = arith.cmpi ne, %rem3A_1123, %ne3A_1124 : i32
      %and3A_1126 = arith.andi %ne3A_1122, %ne3A_1125 : i1
      %sub3A_1127 = arith.constant 1 : i32
      %sub3A_1128 = arith.subi %div3A_1107, %sub3A_1127 : i32
      %select_n3A_1129 = arith.select %and3A_1126, %sub3A_1128, %div3A_1107 : i32
      %add3A_1130 = arith.addi %scan3A_257, %select_n3A_1129 : i32
      %min3A_1131 = arith.constant 319999 : i32
      %min3A_1132 = arith.minsi %add3A_1130, %min3A_1131 : i32
      %and3A_1133 = arith.constant -8 : i32
      %and3A_1134 = arith.andi %min3A_1132, %and3A_1133 : i32
      %min3A_1135 = arith.constant 319992 : i32
      %min3A_1136 = arith.minsi %and3A_1134, %min3A_1135 : i32
      %sub3A_1137 = arith.subi %min3A_1132, %min3A_1136 : i32
      %add3A_1138 = arith.constant 104 : i32
      %add3A_1139 = arith.addi %add3A_1138, %sub3A_1137 : i32
      %get3A_1140 = arith.index_cast %add3A_1139 : i32 to index
      %get3A_1141 = memref.load %arg9[%get3A_1140] : memref<128xi32, #tpu.memory_space<smem>>
      %ge3A_1142 = arith.constant 5008 : i32
      %ge3A_1143 = arith.cmpi sge, %get3A_1141, %ge3A_1142 : i32
      %select_n3A_1144 = arith.select %ge3A_1143, %add3A_1130, %select_n3A_1103 : i32
      %mul3A_1145 = arith.constant 13 : i32
      %mul3A_1146 = arith.muli %sub3A_259, %mul3A_1145 : i32
      %jit3A_1147 = arith.constant 16 : i32
      %div3A_1148 = arith.divsi %mul3A_1146, %jit3A_1147 : i32
      %sign3A_1149 = arith.constant 0 : i32
      %sign3A_1150 = arith.cmpi sgt, %mul3A_1146, %sign3A_1149 : i32
      %sign3A_1151 = arith.extui %sign3A_1150 : i1 to i32
      %sign3A_1152 = arith.constant 0 : i32
      %sign3A_1153 = arith.cmpi slt, %mul3A_1146, %sign3A_1152 : i32
      %sign3A_1154 = arith.extui %sign3A_1153 : i1 to i32
      %sign3A_1155 = arith.subi %sign3A_1151, %sign3A_1154 : i32
      %sign3A_1156 = arith.constant 0 : i32
      %sign3A_1157 = arith.cmpi sgt, %jit3A_1147, %sign3A_1156 : i32
      %sign3A_1158 = arith.extui %sign3A_1157 : i1 to i32
      %sign3A_1159 = arith.constant 0 : i32
      %sign3A_1160 = arith.cmpi slt, %jit3A_1147, %sign3A_1159 : i32
      %sign3A_1161 = arith.extui %sign3A_1160 : i1 to i32
      %sign3A_1162 = arith.subi %sign3A_1158, %sign3A_1161 : i32
      %ne3A_1163 = arith.cmpi ne, %sign3A_1155, %sign3A_1162 : i32
      %rem3A_1164 = arith.remsi %mul3A_1146, %jit3A_1147 : i32
      %ne3A_1165 = arith.constant 0 : i32
      %ne3A_1166 = arith.cmpi ne, %rem3A_1164, %ne3A_1165 : i32
      %and3A_1167 = arith.andi %ne3A_1163, %ne3A_1166 : i1
      %sub3A_1168 = arith.constant 1 : i32
      %sub3A_1169 = arith.subi %div3A_1148, %sub3A_1168 : i32
      %select_n3A_1170 = arith.select %and3A_1167, %sub3A_1169, %div3A_1148 : i32
      %add3A_1171 = arith.addi %scan3A_257, %select_n3A_1170 : i32
      %min3A_1172 = arith.constant 319999 : i32
      %min3A_1173 = arith.minsi %add3A_1171, %min3A_1172 : i32
      %and3A_1174 = arith.constant -8 : i32
      %and3A_1175 = arith.andi %min3A_1173, %and3A_1174 : i32
      %min3A_1176 = arith.constant 319992 : i32
      %min3A_1177 = arith.minsi %and3A_1175, %min3A_1176 : i32
      %sub3A_1178 = arith.subi %min3A_1173, %min3A_1177 : i32
      %add3A_1179 = arith.constant 96 : i32
      %add3A_1180 = arith.addi %add3A_1179, %sub3A_1178 : i32
      %get3A_1181 = arith.index_cast %add3A_1180 : i32 to index
      %get3A_1182 = memref.load %arg9[%get3A_1181] : memref<128xi32, #tpu.memory_space<smem>>
      %ge3A_1183 = arith.constant 5008 : i32
      %ge3A_1184 = arith.cmpi sge, %get3A_1182, %ge3A_1183 : i32
      %select_n3A_1185 = arith.select %ge3A_1184, %add3A_1171, %select_n3A_1144 : i32
      %mul3A_1186 = arith.constant 12 : i32
      %mul3A_1187 = arith.muli %sub3A_259, %mul3A_1186 : i32
      %jit3A_1188 = arith.constant 16 : i32
      %div3A_1189 = arith.divsi %mul3A_1187, %jit3A_1188 : i32
      %sign3A_1190 = arith.constant 0 : i32
      %sign3A_1191 = arith.cmpi sgt, %mul3A_1187, %sign3A_1190 : i32
      %sign3A_1192 = arith.extui %sign3A_1191 : i1 to i32
      %sign3A_1193 = arith.constant 0 : i32
      %sign3A_1194 = arith.cmpi slt, %mul3A_1187, %sign3A_1193 : i32
      %sign3A_1195 = arith.extui %sign3A_1194 : i1 to i32
      %sign3A_1196 = arith.subi %sign3A_1192, %sign3A_1195 : i32
      %sign3A_1197 = arith.constant 0 : i32
      %sign3A_1198 = arith.cmpi sgt, %jit3A_1188, %sign3A_1197 : i32
      %sign3A_1199 = arith.extui %sign3A_1198 : i1 to i32
      %sign3A_1200 = arith.constant 0 : i32
      %sign3A_1201 = arith.cmpi slt, %jit3A_1188, %sign3A_1200 : i32
      %sign3A_1202 = arith.extui %sign3A_1201 : i1 to i32
      %sign3A_1203 = arith.subi %sign3A_1199, %sign3A_1202 : i32
      %ne3A_1204 = arith.cmpi ne, %sign3A_1196, %sign3A_1203 : i32
      %rem3A_1205 = arith.remsi %mul3A_1187, %jit3A_1188 : i32
      %ne3A_1206 = arith.constant 0 : i32
      %ne3A_1207 = arith.cmpi ne, %rem3A_1205, %ne3A_1206 : i32
      %and3A_1208 = arith.andi %ne3A_1204, %ne3A_1207 : i1
      %sub3A_1209 = arith.constant 1 : i32
      %sub3A_1210 = arith.subi %div3A_1189, %sub3A_1209 : i32
      %select_n3A_1211 = arith.select %and3A_1208, %sub3A_1210, %div3A_1189 : i32
      %add3A_1212 = arith.addi %scan3A_257, %select_n3A_1211 : i32
      %min3A_1213 = arith.constant 319999 : i32
      %min3A_1214 = arith.minsi %add3A_1212, %min3A_1213 : i32
      %and3A_1215 = arith.constant -8 : i32
      %and3A_1216 = arith.andi %min3A_1214, %and3A_1215 : i32
      %min3A_1217 = arith.constant 319992 : i32
      %min3A_1218 = arith.minsi %and3A_1216, %min3A_1217 : i32
      %sub3A_1219 = arith.subi %min3A_1214, %min3A_1218 : i32
      %add3A_1220 = arith.constant 88 : i32
      %add3A_1221 = arith.addi %add3A_1220, %sub3A_1219 : i32
      %get3A_1222 = arith.index_cast %add3A_1221 : i32 to index
      %get3A_1223 = memref.load %arg9[%get3A_1222] : memref<128xi32, #tpu.memory_space<smem>>
      %ge3A_1224 = arith.constant 5008 : i32
      %ge3A_1225 = arith.cmpi sge, %get3A_1223, %ge3A_1224 : i32
      %select_n3A_1226 = arith.select %ge3A_1225, %add3A_1212, %select_n3A_1185 : i32
      %mul3A_1227 = arith.constant 11 : i32
      %mul3A_1228 = arith.muli %sub3A_259, %mul3A_1227 : i32
      %jit3A_1229 = arith.constant 16 : i32
      %div3A_1230 = arith.divsi %mul3A_1228, %jit3A_1229 : i32
      %sign3A_1231 = arith.constant 0 : i32
      %sign3A_1232 = arith.cmpi sgt, %mul3A_1228, %sign3A_1231 : i32
      %sign3A_1233 = arith.extui %sign3A_1232 : i1 to i32
      %sign3A_1234 = arith.constant 0 : i32
      %sign3A_1235 = arith.cmpi slt, %mul3A_1228, %sign3A_1234 : i32
      %sign3A_1236 = arith.extui %sign3A_1235 : i1 to i32
      %sign3A_1237 = arith.subi %sign3A_1233, %sign3A_1236 : i32
      %sign3A_1238 = arith.constant 0 : i32
      %sign3A_1239 = arith.cmpi sgt, %jit3A_1229, %sign3A_1238 : i32
      %sign3A_1240 = arith.extui %sign3A_1239 : i1 to i32
      %sign3A_1241 = arith.constant 0 : i32
      %sign3A_1242 = arith.cmpi slt, %jit3A_1229, %sign3A_1241 : i32
      %sign3A_1243 = arith.extui %sign3A_1242 : i1 to i32
      %sign3A_1244 = arith.subi %sign3A_1240, %sign3A_1243 : i32
      %ne3A_1245 = arith.cmpi ne, %sign3A_1237, %sign3A_1244 : i32
      %rem3A_1246 = arith.remsi %mul3A_1228, %jit3A_1229 : i32
      %ne3A_1247 = arith.constant 0 : i32
      %ne3A_1248 = arith.cmpi ne, %rem3A_1246, %ne3A_1247 : i32
      %and3A_1249 = arith.andi %ne3A_1245, %ne3A_1248 : i1
      %sub3A_1250 = arith.constant 1 : i32
      %sub3A_1251 = arith.subi %div3A_1230, %sub3A_1250 : i32
      %select_n3A_1252 = arith.select %and3A_1249, %sub3A_1251, %div3A_1230 : i32
      %add3A_1253 = arith.addi %scan3A_257, %select_n3A_1252 : i32
      %min3A_1254 = arith.constant 319999 : i32
      %min3A_1255 = arith.minsi %add3A_1253, %min3A_1254 : i32
      %and3A_1256 = arith.constant -8 : i32
      %and3A_1257 = arith.andi %min3A_1255, %and3A_1256 : i32
      %min3A_1258 = arith.constant 319992 : i32
      %min3A_1259 = arith.minsi %and3A_1257, %min3A_1258 : i32
      %sub3A_1260 = arith.subi %min3A_1255, %min3A_1259 : i32
      %add3A_1261 = arith.constant 80 : i32
      %add3A_1262 = arith.addi %add3A_1261, %sub3A_1260 : i32
      %get3A_1263 = arith.index_cast %add3A_1262 : i32 to index
      %get3A_1264 = memref.load %arg9[%get3A_1263] : memref<128xi32, #tpu.memory_space<smem>>
      %ge3A_1265 = arith.constant 5008 : i32
      %ge3A_1266 = arith.cmpi sge, %get3A_1264, %ge3A_1265 : i32
      %select_n3A_1267 = arith.select %ge3A_1266, %add3A_1253, %select_n3A_1226 : i32
      %mul3A_1268 = arith.constant 10 : i32
      %mul3A_1269 = arith.muli %sub3A_259, %mul3A_1268 : i32
      %jit3A_1270 = arith.constant 16 : i32
      %div3A_1271 = arith.divsi %mul3A_1269, %jit3A_1270 : i32
      %sign3A_1272 = arith.constant 0 : i32
      %sign3A_1273 = arith.cmpi sgt, %mul3A_1269, %sign3A_1272 : i32
      %sign3A_1274 = arith.extui %sign3A_1273 : i1 to i32
      %sign3A_1275 = arith.constant 0 : i32
      %sign3A_1276 = arith.cmpi slt, %mul3A_1269, %sign3A_1275 : i32
      %sign3A_1277 = arith.extui %sign3A_1276 : i1 to i32
      %sign3A_1278 = arith.subi %sign3A_1274, %sign3A_1277 : i32
      %sign3A_1279 = arith.constant 0 : i32
      %sign3A_1280 = arith.cmpi sgt, %jit3A_1270, %sign3A_1279 : i32
      %sign3A_1281 = arith.extui %sign3A_1280 : i1 to i32
      %sign3A_1282 = arith.constant 0 : i32
      %sign3A_1283 = arith.cmpi slt, %jit3A_1270, %sign3A_1282 : i32
      %sign3A_1284 = arith.extui %sign3A_1283 : i1 to i32
      %sign3A_1285 = arith.subi %sign3A_1281, %sign3A_1284 : i32
      %ne3A_1286 = arith.cmpi ne, %sign3A_1278, %sign3A_1285 : i32
      %rem3A_1287 = arith.remsi %mul3A_1269, %jit3A_1270 : i32
      %ne3A_1288 = arith.constant 0 : i32
      %ne3A_1289 = arith.cmpi ne, %rem3A_1287, %ne3A_1288 : i32
      %and3A_1290 = arith.andi %ne3A_1286, %ne3A_1289 : i1
      %sub3A_1291 = arith.constant 1 : i32
      %sub3A_1292 = arith.subi %div3A_1271, %sub3A_1291 : i32
      %select_n3A_1293 = arith.select %and3A_1290, %sub3A_1292, %div3A_1271 : i32
      %add3A_1294 = arith.addi %scan3A_257, %select_n3A_1293 : i32
      %min3A_1295 = arith.constant 319999 : i32
      %min3A_1296 = arith.minsi %add3A_1294, %min3A_1295 : i32
      %and3A_1297 = arith.constant -8 : i32
      %and3A_1298 = arith.andi %min3A_1296, %and3A_1297 : i32
      %min3A_1299 = arith.constant 319992 : i32
      %min3A_1300 = arith.minsi %and3A_1298, %min3A_1299 : i32
      %sub3A_1301 = arith.subi %min3A_1296, %min3A_1300 : i32
      %add3A_1302 = arith.constant 72 : i32
      %add3A_1303 = arith.addi %add3A_1302, %sub3A_1301 : i32
      %get3A_1304 = arith.index_cast %add3A_1303 : i32 to index
      %get3A_1305 = memref.load %arg9[%get3A_1304] : memref<128xi32, #tpu.memory_space<smem>>
      %ge3A_1306 = arith.constant 5008 : i32
      %ge3A_1307 = arith.cmpi sge, %get3A_1305, %ge3A_1306 : i32
      %select_n3A_1308 = arith.select %ge3A_1307, %add3A_1294, %select_n3A_1267 : i32
      %mul3A_1309 = arith.constant 9 : i32
      %mul3A_1310 = arith.muli %sub3A_259, %mul3A_1309 : i32
      %jit3A_1311 = arith.constant 16 : i32
      %div3A_1312 = arith.divsi %mul3A_1310, %jit3A_1311 : i32
      %sign3A_1313 = arith.constant 0 : i32
      %sign3A_1314 = arith.cmpi sgt, %mul3A_1310, %sign3A_1313 : i32
      %sign3A_1315 = arith.extui %sign3A_1314 : i1 to i32
      %sign3A_1316 = arith.constant 0 : i32
      %sign3A_1317 = arith.cmpi slt, %mul3A_1310, %sign3A_1316 : i32
      %sign3A_1318 = arith.extui %sign3A_1317 : i1 to i32
      %sign3A_1319 = arith.subi %sign3A_1315, %sign3A_1318 : i32
      %sign3A_1320 = arith.constant 0 : i32
      %sign3A_1321 = arith.cmpi sgt, %jit3A_1311, %sign3A_1320 : i32
      %sign3A_1322 = arith.extui %sign3A_1321 : i1 to i32
      %sign3A_1323 = arith.constant 0 : i32
      %sign3A_1324 = arith.cmpi slt, %jit3A_1311, %sign3A_1323 : i32
      %sign3A_1325 = arith.extui %sign3A_1324 : i1 to i32
      %sign3A_1326 = arith.subi %sign3A_1322, %sign3A_1325 : i32
      %ne3A_1327 = arith.cmpi ne, %sign3A_1319, %sign3A_1326 : i32
      %rem3A_1328 = arith.remsi %mul3A_1310, %jit3A_1311 : i32
      %ne3A_1329 = arith.constant 0 : i32
      %ne3A_1330 = arith.cmpi ne, %rem3A_1328, %ne3A_1329 : i32
      %and3A_1331 = arith.andi %ne3A_1327, %ne3A_1330 : i1
      %sub3A_1332 = arith.constant 1 : i32
      %sub3A_1333 = arith.subi %div3A_1312, %sub3A_1332 : i32
      %select_n3A_1334 = arith.select %and3A_1331, %sub3A_1333, %div3A_1312 : i32
      %add3A_1335 = arith.addi %scan3A_257, %select_n3A_1334 : i32
      %min3A_1336 = arith.constant 319999 : i32
      %min3A_1337 = arith.minsi %add3A_1335, %min3A_1336 : i32
      %and3A_1338 = arith.constant -8 : i32
      %and3A_1339 = arith.andi %min3A_1337, %and3A_1338 : i32
      %min3A_1340 = arith.constant 319992 : i32
      %min3A_1341 = arith.minsi %and3A_1339, %min3A_1340 : i32
      %sub3A_1342 = arith.subi %min3A_1337, %min3A_1341 : i32
      %add3A_1343 = arith.constant 64 : i32
      %add3A_1344 = arith.addi %add3A_1343, %sub3A_1342 : i32
      %get3A_1345 = arith.index_cast %add3A_1344 : i32 to index
      %get3A_1346 = memref.load %arg9[%get3A_1345] : memref<128xi32, #tpu.memory_space<smem>>
      %ge3A_1347 = arith.constant 5008 : i32
      %ge3A_1348 = arith.cmpi sge, %get3A_1346, %ge3A_1347 : i32
      %select_n3A_1349 = arith.select %ge3A_1348, %add3A_1335, %select_n3A_1308 : i32
      %mul3A_1350 = arith.constant 8 : i32
      %mul3A_1351 = arith.muli %sub3A_259, %mul3A_1350 : i32
      %jit3A_1352 = arith.constant 16 : i32
      %div3A_1353 = arith.divsi %mul3A_1351, %jit3A_1352 : i32
      %sign3A_1354 = arith.constant 0 : i32
      %sign3A_1355 = arith.cmpi sgt, %mul3A_1351, %sign3A_1354 : i32
      %sign3A_1356 = arith.extui %sign3A_1355 : i1 to i32
      %sign3A_1357 = arith.constant 0 : i32
      %sign3A_1358 = arith.cmpi slt, %mul3A_1351, %sign3A_1357 : i32
      %sign3A_1359 = arith.extui %sign3A_1358 : i1 to i32
      %sign3A_1360 = arith.subi %sign3A_1356, %sign3A_1359 : i32
      %sign3A_1361 = arith.constant 0 : i32
      %sign3A_1362 = arith.cmpi sgt, %jit3A_1352, %sign3A_1361 : i32
      %sign3A_1363 = arith.extui %sign3A_1362 : i1 to i32
      %sign3A_1364 = arith.constant 0 : i32
      %sign3A_1365 = arith.cmpi slt, %jit3A_1352, %sign3A_1364 : i32
      %sign3A_1366 = arith.extui %sign3A_1365 : i1 to i32
      %sign3A_1367 = arith.subi %sign3A_1363, %sign3A_1366 : i32
      %ne3A_1368 = arith.cmpi ne, %sign3A_1360, %sign3A_1367 : i32
      %rem3A_1369 = arith.remsi %mul3A_1351, %jit3A_1352 : i32
      %ne3A_1370 = arith.constant 0 : i32
      %ne3A_1371 = arith.cmpi ne, %rem3A_1369, %ne3A_1370 : i32
      %and3A_1372 = arith.andi %ne3A_1368, %ne3A_1371 : i1
      %sub3A_1373 = arith.constant 1 : i32
      %sub3A_1374 = arith.subi %div3A_1353, %sub3A_1373 : i32
      %select_n3A_1375 = arith.select %and3A_1372, %sub3A_1374, %div3A_1353 : i32
      %add3A_1376 = arith.addi %scan3A_257, %select_n3A_1375 : i32
      %min3A_1377 = arith.constant 319999 : i32
      %min3A_1378 = arith.minsi %add3A_1376, %min3A_1377 : i32
      %and3A_1379 = arith.constant -8 : i32
      %and3A_1380 = arith.andi %min3A_1378, %and3A_1379 : i32
      %min3A_1381 = arith.constant 319992 : i32
      %min3A_1382 = arith.minsi %and3A_1380, %min3A_1381 : i32
      %sub3A_1383 = arith.subi %min3A_1378, %min3A_1382 : i32
      %add3A_1384 = arith.constant 56 : i32
      %add3A_1385 = arith.addi %add3A_1384, %sub3A_1383 : i32
      %get3A_1386 = arith.index_cast %add3A_1385 : i32 to index
      %get3A_1387 = memref.load %arg9[%get3A_1386] : memref<128xi32, #tpu.memory_space<smem>>
      %ge3A_1388 = arith.constant 5008 : i32
      %ge3A_1389 = arith.cmpi sge, %get3A_1387, %ge3A_1388 : i32
      %select_n3A_1390 = arith.select %ge3A_1389, %add3A_1376, %select_n3A_1349 : i32
      %mul3A_1391 = arith.constant 7 : i32
      %mul3A_1392 = arith.muli %sub3A_259, %mul3A_1391 : i32
      %jit3A_1393 = arith.constant 16 : i32
      %div3A_1394 = arith.divsi %mul3A_1392, %jit3A_1393 : i32
      %sign3A_1395 = arith.constant 0 : i32
      %sign3A_1396 = arith.cmpi sgt, %mul3A_1392, %sign3A_1395 : i32
      %sign3A_1397 = arith.extui %sign3A_1396 : i1 to i32
      %sign3A_1398 = arith.constant 0 : i32
      %sign3A_1399 = arith.cmpi slt, %mul3A_1392, %sign3A_1398 : i32
      %sign3A_1400 = arith.extui %sign3A_1399 : i1 to i32
      %sign3A_1401 = arith.subi %sign3A_1397, %sign3A_1400 : i32
      %sign3A_1402 = arith.constant 0 : i32
      %sign3A_1403 = arith.cmpi sgt, %jit3A_1393, %sign3A_1402 : i32
      %sign3A_1404 = arith.extui %sign3A_1403 : i1 to i32
      %sign3A_1405 = arith.constant 0 : i32
      %sign3A_1406 = arith.cmpi slt, %jit3A_1393, %sign3A_1405 : i32
      %sign3A_1407 = arith.extui %sign3A_1406 : i1 to i32
      %sign3A_1408 = arith.subi %sign3A_1404, %sign3A_1407 : i32
      %ne3A_1409 = arith.cmpi ne, %sign3A_1401, %sign3A_1408 : i32
      %rem3A_1410 = arith.remsi %mul3A_1392, %jit3A_1393 : i32
      %ne3A_1411 = arith.constant 0 : i32
      %ne3A_1412 = arith.cmpi ne, %rem3A_1410, %ne3A_1411 : i32
      %and3A_1413 = arith.andi %ne3A_1409, %ne3A_1412 : i1
      %sub3A_1414 = arith.constant 1 : i32
      %sub3A_1415 = arith.subi %div3A_1394, %sub3A_1414 : i32
      %select_n3A_1416 = arith.select %and3A_1413, %sub3A_1415, %div3A_1394 : i32
      %add3A_1417 = arith.addi %scan3A_257, %select_n3A_1416 : i32
      %min3A_1418 = arith.constant 319999 : i32
      %min3A_1419 = arith.minsi %add3A_1417, %min3A_1418 : i32
      %and3A_1420 = arith.constant -8 : i32
      %and3A_1421 = arith.andi %min3A_1419, %and3A_1420 : i32
      %min3A_1422 = arith.constant 319992 : i32
      %min3A_1423 = arith.minsi %and3A_1421, %min3A_1422 : i32
      %sub3A_1424 = arith.subi %min3A_1419, %min3A_1423 : i32
      %add3A_1425 = arith.constant 48 : i32
      %add3A_1426 = arith.addi %add3A_1425, %sub3A_1424 : i32
      %get3A_1427 = arith.index_cast %add3A_1426 : i32 to index
      %get3A_1428 = memref.load %arg9[%get3A_1427] : memref<128xi32, #tpu.memory_space<smem>>
      %ge3A_1429 = arith.constant 5008 : i32
      %ge3A_1430 = arith.cmpi sge, %get3A_1428, %ge3A_1429 : i32
      %select_n3A_1431 = arith.select %ge3A_1430, %add3A_1417, %select_n3A_1390 : i32
      %mul3A_1432 = arith.constant 6 : i32
      %mul3A_1433 = arith.muli %sub3A_259, %mul3A_1432 : i32
      %jit3A_1434 = arith.constant 16 : i32
      %div3A_1435 = arith.divsi %mul3A_1433, %jit3A_1434 : i32
      %sign3A_1436 = arith.constant 0 : i32
      %sign3A_1437 = arith.cmpi sgt, %mul3A_1433, %sign3A_1436 : i32
      %sign3A_1438 = arith.extui %sign3A_1437 : i1 to i32
      %sign3A_1439 = arith.constant 0 : i32
      %sign3A_1440 = arith.cmpi slt, %mul3A_1433, %sign3A_1439 : i32
      %sign3A_1441 = arith.extui %sign3A_1440 : i1 to i32
      %sign3A_1442 = arith.subi %sign3A_1438, %sign3A_1441 : i32
      %sign3A_1443 = arith.constant 0 : i32
      %sign3A_1444 = arith.cmpi sgt, %jit3A_1434, %sign3A_1443 : i32
      %sign3A_1445 = arith.extui %sign3A_1444 : i1 to i32
      %sign3A_1446 = arith.constant 0 : i32
      %sign3A_1447 = arith.cmpi slt, %jit3A_1434, %sign3A_1446 : i32
      %sign3A_1448 = arith.extui %sign3A_1447 : i1 to i32
      %sign3A_1449 = arith.subi %sign3A_1445, %sign3A_1448 : i32
      %ne3A_1450 = arith.cmpi ne, %sign3A_1442, %sign3A_1449 : i32
      %rem3A_1451 = arith.remsi %mul3A_1433, %jit3A_1434 : i32
      %ne3A_1452 = arith.constant 0 : i32
      %ne3A_1453 = arith.cmpi ne, %rem3A_1451, %ne3A_1452 : i32
      %and3A_1454 = arith.andi %ne3A_1450, %ne3A_1453 : i1
      %sub3A_1455 = arith.constant 1 : i32
      %sub3A_1456 = arith.subi %div3A_1435, %sub3A_1455 : i32
      %select_n3A_1457 = arith.select %and3A_1454, %sub3A_1456, %div3A_1435 : i32
      %add3A_1458 = arith.addi %scan3A_257, %select_n3A_1457 : i32
      %min3A_1459 = arith.constant 319999 : i32
      %min3A_1460 = arith.minsi %add3A_1458, %min3A_1459 : i32
      %and3A_1461 = arith.constant -8 : i32
      %and3A_1462 = arith.andi %min3A_1460, %and3A_1461 : i32
      %min3A_1463 = arith.constant 319992 : i32
      %min3A_1464 = arith.minsi %and3A_1462, %min3A_1463 : i32
      %sub3A_1465 = arith.subi %min3A_1460, %min3A_1464 : i32
      %add3A_1466 = arith.constant 40 : i32
      %add3A_1467 = arith.addi %add3A_1466, %sub3A_1465 : i32
      %get3A_1468 = arith.index_cast %add3A_1467 : i32 to index
      %get3A_1469 = memref.load %arg9[%get3A_1468] : memref<128xi32, #tpu.memory_space<smem>>
      %ge3A_1470 = arith.constant 5008 : i32
      %ge3A_1471 = arith.cmpi sge, %get3A_1469, %ge3A_1470 : i32
      %select_n3A_1472 = arith.select %ge3A_1471, %add3A_1458, %select_n3A_1431 : i32
      %mul3A_1473 = arith.constant 5 : i32
      %mul3A_1474 = arith.muli %sub3A_259, %mul3A_1473 : i32
      %jit3A_1475 = arith.constant 16 : i32
      %div3A_1476 = arith.divsi %mul3A_1474, %jit3A_1475 : i32
      %sign3A_1477 = arith.constant 0 : i32
      %sign3A_1478 = arith.cmpi sgt, %mul3A_1474, %sign3A_1477 : i32
      %sign3A_1479 = arith.extui %sign3A_1478 : i1 to i32
      %sign3A_1480 = arith.constant 0 : i32
      %sign3A_1481 = arith.cmpi slt, %mul3A_1474, %sign3A_1480 : i32
      %sign3A_1482 = arith.extui %sign3A_1481 : i1 to i32
      %sign3A_1483 = arith.subi %sign3A_1479, %sign3A_1482 : i32
      %sign3A_1484 = arith.constant 0 : i32
      %sign3A_1485 = arith.cmpi sgt, %jit3A_1475, %sign3A_1484 : i32
      %sign3A_1486 = arith.extui %sign3A_1485 : i1 to i32
      %sign3A_1487 = arith.constant 0 : i32
      %sign3A_1488 = arith.cmpi slt, %jit3A_1475, %sign3A_1487 : i32
      %sign3A_1489 = arith.extui %sign3A_1488 : i1 to i32
      %sign3A_1490 = arith.subi %sign3A_1486, %sign3A_1489 : i32
      %ne3A_1491 = arith.cmpi ne, %sign3A_1483, %sign3A_1490 : i32
      %rem3A_1492 = arith.remsi %mul3A_1474, %jit3A_1475 : i32
      %ne3A_1493 = arith.constant 0 : i32
      %ne3A_1494 = arith.cmpi ne, %rem3A_1492, %ne3A_1493 : i32
      %and3A_1495 = arith.andi %ne3A_1491, %ne3A_1494 : i1
      %sub3A_1496 = arith.constant 1 : i32
      %sub3A_1497 = arith.subi %div3A_1476, %sub3A_1496 : i32
      %select_n3A_1498 = arith.select %and3A_1495, %sub3A_1497, %div3A_1476 : i32
      %add3A_1499 = arith.addi %scan3A_257, %select_n3A_1498 : i32
      %min3A_1500 = arith.constant 319999 : i32
      %min3A_1501 = arith.minsi %add3A_1499, %min3A_1500 : i32
      %and3A_1502 = arith.constant -8 : i32
      %and3A_1503 = arith.andi %min3A_1501, %and3A_1502 : i32
      %min3A_1504 = arith.constant 319992 : i32
      %min3A_1505 = arith.minsi %and3A_1503, %min3A_1504 : i32
      %sub3A_1506 = arith.subi %min3A_1501, %min3A_1505 : i32
      %add3A_1507 = arith.constant 32 : i32
      %add3A_1508 = arith.addi %add3A_1507, %sub3A_1506 : i32
      %get3A_1509 = arith.index_cast %add3A_1508 : i32 to index
      %get3A_1510 = memref.load %arg9[%get3A_1509] : memref<128xi32, #tpu.memory_space<smem>>
      %ge3A_1511 = arith.constant 5008 : i32
      %ge3A_1512 = arith.cmpi sge, %get3A_1510, %ge3A_1511 : i32
      %select_n3A_1513 = arith.select %ge3A_1512, %add3A_1499, %select_n3A_1472 : i32
      %mul3A_1514 = arith.constant 4 : i32
      %mul3A_1515 = arith.muli %sub3A_259, %mul3A_1514 : i32
      %jit3A_1516 = arith.constant 16 : i32
      %div3A_1517 = arith.divsi %mul3A_1515, %jit3A_1516 : i32
      %sign3A_1518 = arith.constant 0 : i32
      %sign3A_1519 = arith.cmpi sgt, %mul3A_1515, %sign3A_1518 : i32
      %sign3A_1520 = arith.extui %sign3A_1519 : i1 to i32
      %sign3A_1521 = arith.constant 0 : i32
      %sign3A_1522 = arith.cmpi slt, %mul3A_1515, %sign3A_1521 : i32
      %sign3A_1523 = arith.extui %sign3A_1522 : i1 to i32
      %sign3A_1524 = arith.subi %sign3A_1520, %sign3A_1523 : i32
      %sign3A_1525 = arith.constant 0 : i32
      %sign3A_1526 = arith.cmpi sgt, %jit3A_1516, %sign3A_1525 : i32
      %sign3A_1527 = arith.extui %sign3A_1526 : i1 to i32
      %sign3A_1528 = arith.constant 0 : i32
      %sign3A_1529 = arith.cmpi slt, %jit3A_1516, %sign3A_1528 : i32
      %sign3A_1530 = arith.extui %sign3A_1529 : i1 to i32
      %sign3A_1531 = arith.subi %sign3A_1527, %sign3A_1530 : i32
      %ne3A_1532 = arith.cmpi ne, %sign3A_1524, %sign3A_1531 : i32
      %rem3A_1533 = arith.remsi %mul3A_1515, %jit3A_1516 : i32
      %ne3A_1534 = arith.constant 0 : i32
      %ne3A_1535 = arith.cmpi ne, %rem3A_1533, %ne3A_1534 : i32
      %and3A_1536 = arith.andi %ne3A_1532, %ne3A_1535 : i1
      %sub3A_1537 = arith.constant 1 : i32
      %sub3A_1538 = arith.subi %div3A_1517, %sub3A_1537 : i32
      %select_n3A_1539 = arith.select %and3A_1536, %sub3A_1538, %div3A_1517 : i32
      %add3A_1540 = arith.addi %scan3A_257, %select_n3A_1539 : i32
      %min3A_1541 = arith.constant 319999 : i32
      %min3A_1542 = arith.minsi %add3A_1540, %min3A_1541 : i32
      %and3A_1543 = arith.constant -8 : i32
      %and3A_1544 = arith.andi %min3A_1542, %and3A_1543 : i32
      %min3A_1545 = arith.constant 319992 : i32
      %min3A_1546 = arith.minsi %and3A_1544, %min3A_1545 : i32
      %sub3A_1547 = arith.subi %min3A_1542, %min3A_1546 : i32
      %add3A_1548 = arith.constant 24 : i32
      %add3A_1549 = arith.addi %add3A_1548, %sub3A_1547 : i32
      %get3A_1550 = arith.index_cast %add3A_1549 : i32 to index
      %get3A_1551 = memref.load %arg9[%get3A_1550] : memref<128xi32, #tpu.memory_space<smem>>
      %ge3A_1552 = arith.constant 5008 : i32
      %ge3A_1553 = arith.cmpi sge, %get3A_1551, %ge3A_1552 : i32
      %select_n3A_1554 = arith.select %ge3A_1553, %add3A_1540, %select_n3A_1513 : i32
      %mul3A_1555 = arith.constant 3 : i32
      %mul3A_1556 = arith.muli %sub3A_259, %mul3A_1555 : i32
      %jit3A_1557 = arith.constant 16 : i32
      %div3A_1558 = arith.divsi %mul3A_1556, %jit3A_1557 : i32
      %sign3A_1559 = arith.constant 0 : i32
      %sign3A_1560 = arith.cmpi sgt, %mul3A_1556, %sign3A_1559 : i32
      %sign3A_1561 = arith.extui %sign3A_1560 : i1 to i32
      %sign3A_1562 = arith.constant 0 : i32
      %sign3A_1563 = arith.cmpi slt, %mul3A_1556, %sign3A_1562 : i32
      %sign3A_1564 = arith.extui %sign3A_1563 : i1 to i32
      %sign3A_1565 = arith.subi %sign3A_1561, %sign3A_1564 : i32
      %sign3A_1566 = arith.constant 0 : i32
      %sign3A_1567 = arith.cmpi sgt, %jit3A_1557, %sign3A_1566 : i32
      %sign3A_1568 = arith.extui %sign3A_1567 : i1 to i32
      %sign3A_1569 = arith.constant 0 : i32
      %sign3A_1570 = arith.cmpi slt, %jit3A_1557, %sign3A_1569 : i32
      %sign3A_1571 = arith.extui %sign3A_1570 : i1 to i32
      %sign3A_1572 = arith.subi %sign3A_1568, %sign3A_1571 : i32
      %ne3A_1573 = arith.cmpi ne, %sign3A_1565, %sign3A_1572 : i32
      %rem3A_1574 = arith.remsi %mul3A_1556, %jit3A_1557 : i32
      %ne3A_1575 = arith.constant 0 : i32
      %ne3A_1576 = arith.cmpi ne, %rem3A_1574, %ne3A_1575 : i32
      %and3A_1577 = arith.andi %ne3A_1573, %ne3A_1576 : i1
      %sub3A_1578 = arith.constant 1 : i32
      %sub3A_1579 = arith.subi %div3A_1558, %sub3A_1578 : i32
      %select_n3A_1580 = arith.select %and3A_1577, %sub3A_1579, %div3A_1558 : i32
      %add3A_1581 = arith.addi %scan3A_257, %select_n3A_1580 : i32
      %min3A_1582 = arith.constant 319999 : i32
      %min3A_1583 = arith.minsi %add3A_1581, %min3A_1582 : i32
      %and3A_1584 = arith.constant -8 : i32
      %and3A_1585 = arith.andi %min3A_1583, %and3A_1584 : i32
      %min3A_1586 = arith.constant 319992 : i32
      %min3A_1587 = arith.minsi %and3A_1585, %min3A_1586 : i32
      %sub3A_1588 = arith.subi %min3A_1583, %min3A_1587 : i32
      %add3A_1589 = arith.constant 16 : i32
      %add3A_1590 = arith.addi %add3A_1589, %sub3A_1588 : i32
      %get3A_1591 = arith.index_cast %add3A_1590 : i32 to index
      %get3A_1592 = memref.load %arg9[%get3A_1591] : memref<128xi32, #tpu.memory_space<smem>>
      %ge3A_1593 = arith.constant 5008 : i32
      %ge3A_1594 = arith.cmpi sge, %get3A_1592, %ge3A_1593 : i32
      %select_n3A_1595 = arith.select %ge3A_1594, %add3A_1581, %select_n3A_1554 : i32
      %mul3A_1596 = arith.constant 2 : i32
      %mul3A_1597 = arith.muli %sub3A_259, %mul3A_1596 : i32
      %jit3A_1598 = arith.constant 16 : i32
      %div3A_1599 = arith.divsi %mul3A_1597, %jit3A_1598 : i32
      %sign3A_1600 = arith.constant 0 : i32
      %sign3A_1601 = arith.cmpi sgt, %mul3A_1597, %sign3A_1600 : i32
      %sign3A_1602 = arith.extui %sign3A_1601 : i1 to i32
      %sign3A_1603 = arith.constant 0 : i32
      %sign3A_1604 = arith.cmpi slt, %mul3A_1597, %sign3A_1603 : i32
      %sign3A_1605 = arith.extui %sign3A_1604 : i1 to i32
      %sign3A_1606 = arith.subi %sign3A_1602, %sign3A_1605 : i32
      %sign3A_1607 = arith.constant 0 : i32
      %sign3A_1608 = arith.cmpi sgt, %jit3A_1598, %sign3A_1607 : i32
      %sign3A_1609 = arith.extui %sign3A_1608 : i1 to i32
      %sign3A_1610 = arith.constant 0 : i32
      %sign3A_1611 = arith.cmpi slt, %jit3A_1598, %sign3A_1610 : i32
      %sign3A_1612 = arith.extui %sign3A_1611 : i1 to i32
      %sign3A_1613 = arith.subi %sign3A_1609, %sign3A_1612 : i32
      %ne3A_1614 = arith.cmpi ne, %sign3A_1606, %sign3A_1613 : i32
      %rem3A_1615 = arith.remsi %mul3A_1597, %jit3A_1598 : i32
      %ne3A_1616 = arith.constant 0 : i32
      %ne3A_1617 = arith.cmpi ne, %rem3A_1615, %ne3A_1616 : i32
      %and3A_1618 = arith.andi %ne3A_1614, %ne3A_1617 : i1
      %sub3A_1619 = arith.constant 1 : i32
      %sub3A_1620 = arith.subi %div3A_1599, %sub3A_1619 : i32
      %select_n3A_1621 = arith.select %and3A_1618, %sub3A_1620, %div3A_1599 : i32
      %add3A_1622 = arith.addi %scan3A_257, %select_n3A_1621 : i32
      %min3A_1623 = arith.constant 319999 : i32
      %min3A_1624 = arith.minsi %add3A_1622, %min3A_1623 : i32
      %and3A_1625 = arith.constant -8 : i32
      %and3A_1626 = arith.andi %min3A_1624, %and3A_1625 : i32
      %min3A_1627 = arith.constant 319992 : i32
      %min3A_1628 = arith.minsi %and3A_1626, %min3A_1627 : i32
      %sub3A_1629 = arith.subi %min3A_1624, %min3A_1628 : i32
      %add3A_1630 = arith.constant 8 : i32
      %add3A_1631 = arith.addi %add3A_1630, %sub3A_1629 : i32
      %get3A_1632 = arith.index_cast %add3A_1631 : i32 to index
      %get3A_1633 = memref.load %arg9[%get3A_1632] : memref<128xi32, #tpu.memory_space<smem>>
      %ge3A_1634 = arith.constant 5008 : i32
      %ge3A_1635 = arith.cmpi sge, %get3A_1633, %ge3A_1634 : i32
      %select_n3A_1636 = arith.select %ge3A_1635, %add3A_1622, %select_n3A_1595 : i32
      %mul3A_1637 = arith.constant 1 : i32
      %mul3A_1638 = arith.muli %sub3A_259, %mul3A_1637 : i32
      %jit3A_1639 = arith.constant 16 : i32
      %div3A_1640 = arith.divsi %mul3A_1638, %jit3A_1639 : i32
      %sign3A_1641 = arith.constant 0 : i32
      %sign3A_1642 = arith.cmpi sgt, %mul3A_1638, %sign3A_1641 : i32
      %sign3A_1643 = arith.extui %sign3A_1642 : i1 to i32
      %sign3A_1644 = arith.constant 0 : i32
      %sign3A_1645 = arith.cmpi slt, %mul3A_1638, %sign3A_1644 : i32
      %sign3A_1646 = arith.extui %sign3A_1645 : i1 to i32
      %sign3A_1647 = arith.subi %sign3A_1643, %sign3A_1646 : i32
      %sign3A_1648 = arith.constant 0 : i32
      %sign3A_1649 = arith.cmpi sgt, %jit3A_1639, %sign3A_1648 : i32
      %sign3A_1650 = arith.extui %sign3A_1649 : i1 to i32
      %sign3A_1651 = arith.constant 0 : i32
      %sign3A_1652 = arith.cmpi slt, %jit3A_1639, %sign3A_1651 : i32
      %sign3A_1653 = arith.extui %sign3A_1652 : i1 to i32
      %sign3A_1654 = arith.subi %sign3A_1650, %sign3A_1653 : i32
      %ne3A_1655 = arith.cmpi ne, %sign3A_1647, %sign3A_1654 : i32
      %rem3A_1656 = arith.remsi %mul3A_1638, %jit3A_1639 : i32
      %ne3A_1657 = arith.constant 0 : i32
      %ne3A_1658 = arith.cmpi ne, %rem3A_1656, %ne3A_1657 : i32
      %and3A_1659 = arith.andi %ne3A_1655, %ne3A_1658 : i1
      %sub3A_1660 = arith.constant 1 : i32
      %sub3A_1661 = arith.subi %div3A_1640, %sub3A_1660 : i32
      %select_n3A_1662 = arith.select %and3A_1659, %sub3A_1661, %div3A_1640 : i32
      %add3A_1663 = arith.addi %scan3A_257, %select_n3A_1662 : i32
      %min3A_1664 = arith.constant 319999 : i32
      %min3A_1665 = arith.minsi %add3A_1663, %min3A_1664 : i32
      %and3A_1666 = arith.constant -8 : i32
      %and3A_1667 = arith.andi %min3A_1665, %and3A_1666 : i32
      %min3A_1668 = arith.constant 319992 : i32
      %min3A_1669 = arith.minsi %and3A_1667, %min3A_1668 : i32
      %sub3A_1670 = arith.subi %min3A_1665, %min3A_1669 : i32
      %add3A_1671 = arith.constant 0 : i32
      %add3A_1672 = arith.addi %add3A_1671, %sub3A_1670 : i32
      %get3A_1673 = arith.index_cast %add3A_1672 : i32 to index
      %get3A_1674 = memref.load %arg9[%get3A_1673] : memref<128xi32, #tpu.memory_space<smem>>
      %ge3A_1675 = arith.constant 5008 : i32
      %ge3A_1676 = arith.cmpi sge, %get3A_1674, %ge3A_1675 : i32
      %select_n3A_1677 = arith.select %ge3A_1676, %add3A_1663, %select_n3A_1636 : i32
      %mul3A_1678 = arith.constant 1 : i32
      %mul3A_1679 = arith.muli %sub3A_259, %mul3A_1678 : i32
      %jit3A_1680 = arith.constant 16 : i32
      %div3A_1681 = arith.divsi %mul3A_1679, %jit3A_1680 : i32
      %sign3A_1682 = arith.constant 0 : i32
      %sign3A_1683 = arith.cmpi sgt, %mul3A_1679, %sign3A_1682 : i32
      %sign3A_1684 = arith.extui %sign3A_1683 : i1 to i32
      %sign3A_1685 = arith.constant 0 : i32
      %sign3A_1686 = arith.cmpi slt, %mul3A_1679, %sign3A_1685 : i32
      %sign3A_1687 = arith.extui %sign3A_1686 : i1 to i32
      %sign3A_1688 = arith.subi %sign3A_1684, %sign3A_1687 : i32
      %sign3A_1689 = arith.constant 0 : i32
      %sign3A_1690 = arith.cmpi sgt, %jit3A_1680, %sign3A_1689 : i32
      %sign3A_1691 = arith.extui %sign3A_1690 : i1 to i32
      %sign3A_1692 = arith.constant 0 : i32
      %sign3A_1693 = arith.cmpi slt, %jit3A_1680, %sign3A_1692 : i32
      %sign3A_1694 = arith.extui %sign3A_1693 : i1 to i32
      %sign3A_1695 = arith.subi %sign3A_1691, %sign3A_1694 : i32
      %ne3A_1696 = arith.cmpi ne, %sign3A_1688, %sign3A_1695 : i32
      %rem3A_1697 = arith.remsi %mul3A_1679, %jit3A_1680 : i32
      %ne3A_1698 = arith.constant 0 : i32
      %ne3A_1699 = arith.cmpi ne, %rem3A_1697, %ne3A_1698 : i32
      %and3A_1700 = arith.andi %ne3A_1696, %ne3A_1699 : i1
      %sub3A_1701 = arith.constant 1 : i32
      %sub3A_1702 = arith.subi %div3A_1681, %sub3A_1701 : i32
      %select_n3A_1703 = arith.select %and3A_1700, %sub3A_1702, %div3A_1681 : i32
      %add3A_1704 = arith.addi %scan3A_257, %select_n3A_1703 : i32
      %min3A_1705 = arith.constant 319999 : i32
      %min3A_1706 = arith.minsi %add3A_1704, %min3A_1705 : i32
      %and3A_1707 = arith.constant -8 : i32
      %and3A_1708 = arith.andi %min3A_1706, %and3A_1707 : i32
      %min3A_1709 = arith.constant 319992 : i32
      %min3A_1710 = arith.minsi %and3A_1708, %min3A_1709 : i32
      %sub3A_1711 = arith.subi %min3A_1706, %min3A_1710 : i32
      %add3A_1712 = arith.constant 0 : i32
      %add3A_1713 = arith.addi %add3A_1712, %sub3A_1711 : i32
      %get3A_1714 = arith.index_cast %add3A_1713 : i32 to index
      %get3A_1715 = memref.load %arg9[%get3A_1714] : memref<128xi32, #tpu.memory_space<smem>>
      %ge3A_1716 = arith.constant 5008 : i32
      %ge3A_1717 = arith.cmpi sge, %get3A_1715, %ge3A_1716 : i32
      %add3A_1718 = arith.constant 1 : i32
      %add3A_1719 = arith.addi %add3A_1704, %add3A_1718 : i32
      %select_n3A_1720 = arith.select %ge3A_1717, %scan3A_257, %add3A_1719 : i32
      %mul3A_1721 = arith.constant 2 : i32
      %mul3A_1722 = arith.muli %sub3A_259, %mul3A_1721 : i32
      %jit3A_1723 = arith.constant 16 : i32
      %div3A_1724 = arith.divsi %mul3A_1722, %jit3A_1723 : i32
      %sign3A_1725 = arith.constant 0 : i32
      %sign3A_1726 = arith.cmpi sgt, %mul3A_1722, %sign3A_1725 : i32
      %sign3A_1727 = arith.extui %sign3A_1726 : i1 to i32
      %sign3A_1728 = arith.constant 0 : i32
      %sign3A_1729 = arith.cmpi slt, %mul3A_1722, %sign3A_1728 : i32
      %sign3A_1730 = arith.extui %sign3A_1729 : i1 to i32
      %sign3A_1731 = arith.subi %sign3A_1727, %sign3A_1730 : i32
      %sign3A_1732 = arith.constant 0 : i32
      %sign3A_1733 = arith.cmpi sgt, %jit3A_1723, %sign3A_1732 : i32
      %sign3A_1734 = arith.extui %sign3A_1733 : i1 to i32
      %sign3A_1735 = arith.constant 0 : i32
      %sign3A_1736 = arith.cmpi slt, %jit3A_1723, %sign3A_1735 : i32
      %sign3A_1737 = arith.extui %sign3A_1736 : i1 to i32
      %sign3A_1738 = arith.subi %sign3A_1734, %sign3A_1737 : i32
      %ne3A_1739 = arith.cmpi ne, %sign3A_1731, %sign3A_1738 : i32
      %rem3A_1740 = arith.remsi %mul3A_1722, %jit3A_1723 : i32
      %ne3A_1741 = arith.constant 0 : i32
      %ne3A_1742 = arith.cmpi ne, %rem3A_1740, %ne3A_1741 : i32
      %and3A_1743 = arith.andi %ne3A_1739, %ne3A_1742 : i1
      %sub3A_1744 = arith.constant 1 : i32
      %sub3A_1745 = arith.subi %div3A_1724, %sub3A_1744 : i32
      %select_n3A_1746 = arith.select %and3A_1743, %sub3A_1745, %div3A_1724 : i32
      %add3A_1747 = arith.addi %scan3A_257, %select_n3A_1746 : i32
      %min3A_1748 = arith.constant 319999 : i32
      %min3A_1749 = arith.minsi %add3A_1747, %min3A_1748 : i32
      %and3A_1750 = arith.constant -8 : i32
      %and3A_1751 = arith.andi %min3A_1749, %and3A_1750 : i32
      %min3A_1752 = arith.constant 319992 : i32
      %min3A_1753 = arith.minsi %and3A_1751, %min3A_1752 : i32
      %sub3A_1754 = arith.subi %min3A_1749, %min3A_1753 : i32
      %add3A_1755 = arith.constant 8 : i32
      %add3A_1756 = arith.addi %add3A_1755, %sub3A_1754 : i32
      %get3A_1757 = arith.index_cast %add3A_1756 : i32 to index
      %get3A_1758 = memref.load %arg9[%get3A_1757] : memref<128xi32, #tpu.memory_space<smem>>
      %ge3A_1759 = arith.constant 5008 : i32
      %ge3A_1760 = arith.cmpi sge, %get3A_1758, %ge3A_1759 : i32
      %add3A_1761 = arith.constant 1 : i32
      %add3A_1762 = arith.addi %add3A_1747, %add3A_1761 : i32
      %select_n3A_1763 = arith.select %ge3A_1760, %select_n3A_1720, %add3A_1762 : i32
      %mul3A_1764 = arith.constant 3 : i32
      %mul3A_1765 = arith.muli %sub3A_259, %mul3A_1764 : i32
      %jit3A_1766 = arith.constant 16 : i32
      %div3A_1767 = arith.divsi %mul3A_1765, %jit3A_1766 : i32
      %sign3A_1768 = arith.constant 0 : i32
      %sign3A_1769 = arith.cmpi sgt, %mul3A_1765, %sign3A_1768 : i32
      %sign3A_1770 = arith.extui %sign3A_1769 : i1 to i32
      %sign3A_1771 = arith.constant 0 : i32
      %sign3A_1772 = arith.cmpi slt, %mul3A_1765, %sign3A_1771 : i32
      %sign3A_1773 = arith.extui %sign3A_1772 : i1 to i32
      %sign3A_1774 = arith.subi %sign3A_1770, %sign3A_1773 : i32
      %sign3A_1775 = arith.constant 0 : i32
      %sign3A_1776 = arith.cmpi sgt, %jit3A_1766, %sign3A_1775 : i32
      %sign3A_1777 = arith.extui %sign3A_1776 : i1 to i32
      %sign3A_1778 = arith.constant 0 : i32
      %sign3A_1779 = arith.cmpi slt, %jit3A_1766, %sign3A_1778 : i32
      %sign3A_1780 = arith.extui %sign3A_1779 : i1 to i32
      %sign3A_1781 = arith.subi %sign3A_1777, %sign3A_1780 : i32
      %ne3A_1782 = arith.cmpi ne, %sign3A_1774, %sign3A_1781 : i32
      %rem3A_1783 = arith.remsi %mul3A_1765, %jit3A_1766 : i32
      %ne3A_1784 = arith.constant 0 : i32
      %ne3A_1785 = arith.cmpi ne, %rem3A_1783, %ne3A_1784 : i32
      %and3A_1786 = arith.andi %ne3A_1782, %ne3A_1785 : i1
      %sub3A_1787 = arith.constant 1 : i32
      %sub3A_1788 = arith.subi %div3A_1767, %sub3A_1787 : i32
      %select_n3A_1789 = arith.select %and3A_1786, %sub3A_1788, %div3A_1767 : i32
      %add3A_1790 = arith.addi %scan3A_257, %select_n3A_1789 : i32
      %min3A_1791 = arith.constant 319999 : i32
      %min3A_1792 = arith.minsi %add3A_1790, %min3A_1791 : i32
      %and3A_1793 = arith.constant -8 : i32
      %and3A_1794 = arith.andi %min3A_1792, %and3A_1793 : i32
      %min3A_1795 = arith.constant 319992 : i32
      %min3A_1796 = arith.minsi %and3A_1794, %min3A_1795 : i32
      %sub3A_1797 = arith.subi %min3A_1792, %min3A_1796 : i32
      %add3A_1798 = arith.constant 16 : i32
      %add3A_1799 = arith.addi %add3A_1798, %sub3A_1797 : i32
      %get3A_1800 = arith.index_cast %add3A_1799 : i32 to index
      %get3A_1801 = memref.load %arg9[%get3A_1800] : memref<128xi32, #tpu.memory_space<smem>>
      %ge3A_1802 = arith.constant 5008 : i32
      %ge3A_1803 = arith.cmpi sge, %get3A_1801, %ge3A_1802 : i32
      %add3A_1804 = arith.constant 1 : i32
      %add3A_1805 = arith.addi %add3A_1790, %add3A_1804 : i32
      %select_n3A_1806 = arith.select %ge3A_1803, %select_n3A_1763, %add3A_1805 : i32
      %mul3A_1807 = arith.constant 4 : i32
      %mul3A_1808 = arith.muli %sub3A_259, %mul3A_1807 : i32
      %jit3A_1809 = arith.constant 16 : i32
      %div3A_1810 = arith.divsi %mul3A_1808, %jit3A_1809 : i32
      %sign3A_1811 = arith.constant 0 : i32
      %sign3A_1812 = arith.cmpi sgt, %mul3A_1808, %sign3A_1811 : i32
      %sign3A_1813 = arith.extui %sign3A_1812 : i1 to i32
      %sign3A_1814 = arith.constant 0 : i32
      %sign3A_1815 = arith.cmpi slt, %mul3A_1808, %sign3A_1814 : i32
      %sign3A_1816 = arith.extui %sign3A_1815 : i1 to i32
      %sign3A_1817 = arith.subi %sign3A_1813, %sign3A_1816 : i32
      %sign3A_1818 = arith.constant 0 : i32
      %sign3A_1819 = arith.cmpi sgt, %jit3A_1809, %sign3A_1818 : i32
      %sign3A_1820 = arith.extui %sign3A_1819 : i1 to i32
      %sign3A_1821 = arith.constant 0 : i32
      %sign3A_1822 = arith.cmpi slt, %jit3A_1809, %sign3A_1821 : i32
      %sign3A_1823 = arith.extui %sign3A_1822 : i1 to i32
      %sign3A_1824 = arith.subi %sign3A_1820, %sign3A_1823 : i32
      %ne3A_1825 = arith.cmpi ne, %sign3A_1817, %sign3A_1824 : i32
      %rem3A_1826 = arith.remsi %mul3A_1808, %jit3A_1809 : i32
      %ne3A_1827 = arith.constant 0 : i32
      %ne3A_1828 = arith.cmpi ne, %rem3A_1826, %ne3A_1827 : i32
      %and3A_1829 = arith.andi %ne3A_1825, %ne3A_1828 : i1
      %sub3A_1830 = arith.constant 1 : i32
      %sub3A_1831 = arith.subi %div3A_1810, %sub3A_1830 : i32
      %select_n3A_1832 = arith.select %and3A_1829, %sub3A_1831, %div3A_1810 : i32
      %add3A_1833 = arith.addi %scan3A_257, %select_n3A_1832 : i32
      %min3A_1834 = arith.constant 319999 : i32
      %min3A_1835 = arith.minsi %add3A_1833, %min3A_1834 : i32
      %and3A_1836 = arith.constant -8 : i32
      %and3A_1837 = arith.andi %min3A_1835, %and3A_1836 : i32
      %min3A_1838 = arith.constant 319992 : i32
      %min3A_1839 = arith.minsi %and3A_1837, %min3A_1838 : i32
      %sub3A_1840 = arith.subi %min3A_1835, %min3A_1839 : i32
      %add3A_1841 = arith.constant 24 : i32
      %add3A_1842 = arith.addi %add3A_1841, %sub3A_1840 : i32
      %get3A_1843 = arith.index_cast %add3A_1842 : i32 to index
      %get3A_1844 = memref.load %arg9[%get3A_1843] : memref<128xi32, #tpu.memory_space<smem>>
      %ge3A_1845 = arith.constant 5008 : i32
      %ge3A_1846 = arith.cmpi sge, %get3A_1844, %ge3A_1845 : i32
      %add3A_1847 = arith.constant 1 : i32
      %add3A_1848 = arith.addi %add3A_1833, %add3A_1847 : i32
      %select_n3A_1849 = arith.select %ge3A_1846, %select_n3A_1806, %add3A_1848 : i32
      %mul3A_1850 = arith.constant 5 : i32
      %mul3A_1851 = arith.muli %sub3A_259, %mul3A_1850 : i32
      %jit3A_1852 = arith.constant 16 : i32
      %div3A_1853 = arith.divsi %mul3A_1851, %jit3A_1852 : i32
      %sign3A_1854 = arith.constant 0 : i32
      %sign3A_1855 = arith.cmpi sgt, %mul3A_1851, %sign3A_1854 : i32
      %sign3A_1856 = arith.extui %sign3A_1855 : i1 to i32
      %sign3A_1857 = arith.constant 0 : i32
      %sign3A_1858 = arith.cmpi slt, %mul3A_1851, %sign3A_1857 : i32
      %sign3A_1859 = arith.extui %sign3A_1858 : i1 to i32
      %sign3A_1860 = arith.subi %sign3A_1856, %sign3A_1859 : i32
      %sign3A_1861 = arith.constant 0 : i32
      %sign3A_1862 = arith.cmpi sgt, %jit3A_1852, %sign3A_1861 : i32
      %sign3A_1863 = arith.extui %sign3A_1862 : i1 to i32
      %sign3A_1864 = arith.constant 0 : i32
      %sign3A_1865 = arith.cmpi slt, %jit3A_1852, %sign3A_1864 : i32
      %sign3A_1866 = arith.extui %sign3A_1865 : i1 to i32
      %sign3A_1867 = arith.subi %sign3A_1863, %sign3A_1866 : i32
      %ne3A_1868 = arith.cmpi ne, %sign3A_1860, %sign3A_1867 : i32
      %rem3A_1869 = arith.remsi %mul3A_1851, %jit3A_1852 : i32
      %ne3A_1870 = arith.constant 0 : i32
      %ne3A_1871 = arith.cmpi ne, %rem3A_1869, %ne3A_1870 : i32
      %and3A_1872 = arith.andi %ne3A_1868, %ne3A_1871 : i1
      %sub3A_1873 = arith.constant 1 : i32
      %sub3A_1874 = arith.subi %div3A_1853, %sub3A_1873 : i32
      %select_n3A_1875 = arith.select %and3A_1872, %sub3A_1874, %div3A_1853 : i32
      %add3A_1876 = arith.addi %scan3A_257, %select_n3A_1875 : i32
      %min3A_1877 = arith.constant 319999 : i32
      %min3A_1878 = arith.minsi %add3A_1876, %min3A_1877 : i32
      %and3A_1879 = arith.constant -8 : i32
      %and3A_1880 = arith.andi %min3A_1878, %and3A_1879 : i32
      %min3A_1881 = arith.constant 319992 : i32
      %min3A_1882 = arith.minsi %and3A_1880, %min3A_1881 : i32
      %sub3A_1883 = arith.subi %min3A_1878, %min3A_1882 : i32
      %add3A_1884 = arith.constant 32 : i32
      %add3A_1885 = arith.addi %add3A_1884, %sub3A_1883 : i32
      %get3A_1886 = arith.index_cast %add3A_1885 : i32 to index
      %get3A_1887 = memref.load %arg9[%get3A_1886] : memref<128xi32, #tpu.memory_space<smem>>
      %ge3A_1888 = arith.constant 5008 : i32
      %ge3A_1889 = arith.cmpi sge, %get3A_1887, %ge3A_1888 : i32
      %add3A_1890 = arith.constant 1 : i32
      %add3A_1891 = arith.addi %add3A_1876, %add3A_1890 : i32
      %select_n3A_1892 = arith.select %ge3A_1889, %select_n3A_1849, %add3A_1891 : i32
      %mul3A_1893 = arith.constant 6 : i32
      %mul3A_1894 = arith.muli %sub3A_259, %mul3A_1893 : i32
      %jit3A_1895 = arith.constant 16 : i32
      %div3A_1896 = arith.divsi %mul3A_1894, %jit3A_1895 : i32
      %sign3A_1897 = arith.constant 0 : i32
      %sign3A_1898 = arith.cmpi sgt, %mul3A_1894, %sign3A_1897 : i32
      %sign3A_1899 = arith.extui %sign3A_1898 : i1 to i32
      %sign3A_1900 = arith.constant 0 : i32
      %sign3A_1901 = arith.cmpi slt, %mul3A_1894, %sign3A_1900 : i32
      %sign3A_1902 = arith.extui %sign3A_1901 : i1 to i32
      %sign3A_1903 = arith.subi %sign3A_1899, %sign3A_1902 : i32
      %sign3A_1904 = arith.constant 0 : i32
      %sign3A_1905 = arith.cmpi sgt, %jit3A_1895, %sign3A_1904 : i32
      %sign3A_1906 = arith.extui %sign3A_1905 : i1 to i32
      %sign3A_1907 = arith.constant 0 : i32
      %sign3A_1908 = arith.cmpi slt, %jit3A_1895, %sign3A_1907 : i32
      %sign3A_1909 = arith.extui %sign3A_1908 : i1 to i32
      %sign3A_1910 = arith.subi %sign3A_1906, %sign3A_1909 : i32
      %ne3A_1911 = arith.cmpi ne, %sign3A_1903, %sign3A_1910 : i32
      %rem3A_1912 = arith.remsi %mul3A_1894, %jit3A_1895 : i32
      %ne3A_1913 = arith.constant 0 : i32
      %ne3A_1914 = arith.cmpi ne, %rem3A_1912, %ne3A_1913 : i32
      %and3A_1915 = arith.andi %ne3A_1911, %ne3A_1914 : i1
      %sub3A_1916 = arith.constant 1 : i32
      %sub3A_1917 = arith.subi %div3A_1896, %sub3A_1916 : i32
      %select_n3A_1918 = arith.select %and3A_1915, %sub3A_1917, %div3A_1896 : i32
      %add3A_1919 = arith.addi %scan3A_257, %select_n3A_1918 : i32
      %min3A_1920 = arith.constant 319999 : i32
      %min3A_1921 = arith.minsi %add3A_1919, %min3A_1920 : i32
      %and3A_1922 = arith.constant -8 : i32
      %and3A_1923 = arith.andi %min3A_1921, %and3A_1922 : i32
      %min3A_1924 = arith.constant 319992 : i32
      %min3A_1925 = arith.minsi %and3A_1923, %min3A_1924 : i32
      %sub3A_1926 = arith.subi %min3A_1921, %min3A_1925 : i32
      %add3A_1927 = arith.constant 40 : i32
      %add3A_1928 = arith.addi %add3A_1927, %sub3A_1926 : i32
      %get3A_1929 = arith.index_cast %add3A_1928 : i32 to index
      %get3A_1930 = memref.load %arg9[%get3A_1929] : memref<128xi32, #tpu.memory_space<smem>>
      %ge3A_1931 = arith.constant 5008 : i32
      %ge3A_1932 = arith.cmpi sge, %get3A_1930, %ge3A_1931 : i32
      %add3A_1933 = arith.constant 1 : i32
      %add3A_1934 = arith.addi %add3A_1919, %add3A_1933 : i32
      %select_n3A_1935 = arith.select %ge3A_1932, %select_n3A_1892, %add3A_1934 : i32
      %mul3A_1936 = arith.constant 7 : i32
      %mul3A_1937 = arith.muli %sub3A_259, %mul3A_1936 : i32
      %jit3A_1938 = arith.constant 16 : i32
      %div3A_1939 = arith.divsi %mul3A_1937, %jit3A_1938 : i32
      %sign3A_1940 = arith.constant 0 : i32
      %sign3A_1941 = arith.cmpi sgt, %mul3A_1937, %sign3A_1940 : i32
      %sign3A_1942 = arith.extui %sign3A_1941 : i1 to i32
      %sign3A_1943 = arith.constant 0 : i32
      %sign3A_1944 = arith.cmpi slt, %mul3A_1937, %sign3A_1943 : i32
      %sign3A_1945 = arith.extui %sign3A_1944 : i1 to i32
      %sign3A_1946 = arith.subi %sign3A_1942, %sign3A_1945 : i32
      %sign3A_1947 = arith.constant 0 : i32
      %sign3A_1948 = arith.cmpi sgt, %jit3A_1938, %sign3A_1947 : i32
      %sign3A_1949 = arith.extui %sign3A_1948 : i1 to i32
      %sign3A_1950 = arith.constant 0 : i32
      %sign3A_1951 = arith.cmpi slt, %jit3A_1938, %sign3A_1950 : i32
      %sign3A_1952 = arith.extui %sign3A_1951 : i1 to i32
      %sign3A_1953 = arith.subi %sign3A_1949, %sign3A_1952 : i32
      %ne3A_1954 = arith.cmpi ne, %sign3A_1946, %sign3A_1953 : i32
      %rem3A_1955 = arith.remsi %mul3A_1937, %jit3A_1938 : i32
      %ne3A_1956 = arith.constant 0 : i32
      %ne3A_1957 = arith.cmpi ne, %rem3A_1955, %ne3A_1956 : i32
      %and3A_1958 = arith.andi %ne3A_1954, %ne3A_1957 : i1
      %sub3A_1959 = arith.constant 1 : i32
      %sub3A_1960 = arith.subi %div3A_1939, %sub3A_1959 : i32
      %select_n3A_1961 = arith.select %and3A_1958, %sub3A_1960, %div3A_1939 : i32
      %add3A_1962 = arith.addi %scan3A_257, %select_n3A_1961 : i32
      %min3A_1963 = arith.constant 319999 : i32
      %min3A_1964 = arith.minsi %add3A_1962, %min3A_1963 : i32
      %and3A_1965 = arith.constant -8 : i32
      %and3A_1966 = arith.andi %min3A_1964, %and3A_1965 : i32
      %min3A_1967 = arith.constant 319992 : i32
      %min3A_1968 = arith.minsi %and3A_1966, %min3A_1967 : i32
      %sub3A_1969 = arith.subi %min3A_1964, %min3A_1968 : i32
      %add3A_1970 = arith.constant 48 : i32
      %add3A_1971 = arith.addi %add3A_1970, %sub3A_1969 : i32
      %get3A_1972 = arith.index_cast %add3A_1971 : i32 to index
      %get3A_1973 = memref.load %arg9[%get3A_1972] : memref<128xi32, #tpu.memory_space<smem>>
      %ge3A_1974 = arith.constant 5008 : i32
      %ge3A_1975 = arith.cmpi sge, %get3A_1973, %ge3A_1974 : i32
      %add3A_1976 = arith.constant 1 : i32
      %add3A_1977 = arith.addi %add3A_1962, %add3A_1976 : i32
      %select_n3A_1978 = arith.select %ge3A_1975, %select_n3A_1935, %add3A_1977 : i32
      %mul3A_1979 = arith.constant 8 : i32
      %mul3A_1980 = arith.muli %sub3A_259, %mul3A_1979 : i32
      %jit3A_1981 = arith.constant 16 : i32
      %div3A_1982 = arith.divsi %mul3A_1980, %jit3A_1981 : i32
      %sign3A_1983 = arith.constant 0 : i32
      %sign3A_1984 = arith.cmpi sgt, %mul3A_1980, %sign3A_1983 : i32
      %sign3A_1985 = arith.extui %sign3A_1984 : i1 to i32
      %sign3A_1986 = arith.constant 0 : i32
      %sign3A_1987 = arith.cmpi slt, %mul3A_1980, %sign3A_1986 : i32
      %sign3A_1988 = arith.extui %sign3A_1987 : i1 to i32
      %sign3A_1989 = arith.subi %sign3A_1985, %sign3A_1988 : i32
      %sign3A_1990 = arith.constant 0 : i32
      %sign3A_1991 = arith.cmpi sgt, %jit3A_1981, %sign3A_1990 : i32
      %sign3A_1992 = arith.extui %sign3A_1991 : i1 to i32
      %sign3A_1993 = arith.constant 0 : i32
      %sign3A_1994 = arith.cmpi slt, %jit3A_1981, %sign3A_1993 : i32
      %sign3A_1995 = arith.extui %sign3A_1994 : i1 to i32
      %sign3A_1996 = arith.subi %sign3A_1992, %sign3A_1995 : i32
      %ne3A_1997 = arith.cmpi ne, %sign3A_1989, %sign3A_1996 : i32
      %rem3A_1998 = arith.remsi %mul3A_1980, %jit3A_1981 : i32
      %ne3A_1999 = arith.constant 0 : i32
      %ne3A_2000 = arith.cmpi ne, %rem3A_1998, %ne3A_1999 : i32
      %and3A_2001 = arith.andi %ne3A_1997, %ne3A_2000 : i1
      %sub3A_2002 = arith.constant 1 : i32
      %sub3A_2003 = arith.subi %div3A_1982, %sub3A_2002 : i32
      %select_n3A_2004 = arith.select %and3A_2001, %sub3A_2003, %div3A_1982 : i32
      %add3A_2005 = arith.addi %scan3A_257, %select_n3A_2004 : i32
      %min3A_2006 = arith.constant 319999 : i32
      %min3A_2007 = arith.minsi %add3A_2005, %min3A_2006 : i32
      %and3A_2008 = arith.constant -8 : i32
      %and3A_2009 = arith.andi %min3A_2007, %and3A_2008 : i32
      %min3A_2010 = arith.constant 319992 : i32
      %min3A_2011 = arith.minsi %and3A_2009, %min3A_2010 : i32
      %sub3A_2012 = arith.subi %min3A_2007, %min3A_2011 : i32
      %add3A_2013 = arith.constant 56 : i32
      %add3A_2014 = arith.addi %add3A_2013, %sub3A_2012 : i32
      %get3A_2015 = arith.index_cast %add3A_2014 : i32 to index
      %get3A_2016 = memref.load %arg9[%get3A_2015] : memref<128xi32, #tpu.memory_space<smem>>
      %ge3A_2017 = arith.constant 5008 : i32
      %ge3A_2018 = arith.cmpi sge, %get3A_2016, %ge3A_2017 : i32
      %add3A_2019 = arith.constant 1 : i32
      %add3A_2020 = arith.addi %add3A_2005, %add3A_2019 : i32
      %select_n3A_2021 = arith.select %ge3A_2018, %select_n3A_1978, %add3A_2020 : i32
      %mul3A_2022 = arith.constant 9 : i32
      %mul3A_2023 = arith.muli %sub3A_259, %mul3A_2022 : i32
      %jit3A_2024 = arith.constant 16 : i32
      %div3A_2025 = arith.divsi %mul3A_2023, %jit3A_2024 : i32
      %sign3A_2026 = arith.constant 0 : i32
      %sign3A_2027 = arith.cmpi sgt, %mul3A_2023, %sign3A_2026 : i32
      %sign3A_2028 = arith.extui %sign3A_2027 : i1 to i32
      %sign3A_2029 = arith.constant 0 : i32
      %sign3A_2030 = arith.cmpi slt, %mul3A_2023, %sign3A_2029 : i32
      %sign3A_2031 = arith.extui %sign3A_2030 : i1 to i32
      %sign3A_2032 = arith.subi %sign3A_2028, %sign3A_2031 : i32
      %sign3A_2033 = arith.constant 0 : i32
      %sign3A_2034 = arith.cmpi sgt, %jit3A_2024, %sign3A_2033 : i32
      %sign3A_2035 = arith.extui %sign3A_2034 : i1 to i32
      %sign3A_2036 = arith.constant 0 : i32
      %sign3A_2037 = arith.cmpi slt, %jit3A_2024, %sign3A_2036 : i32
      %sign3A_2038 = arith.extui %sign3A_2037 : i1 to i32
      %sign3A_2039 = arith.subi %sign3A_2035, %sign3A_2038 : i32
      %ne3A_2040 = arith.cmpi ne, %sign3A_2032, %sign3A_2039 : i32
      %rem3A_2041 = arith.remsi %mul3A_2023, %jit3A_2024 : i32
      %ne3A_2042 = arith.constant 0 : i32
      %ne3A_2043 = arith.cmpi ne, %rem3A_2041, %ne3A_2042 : i32
      %and3A_2044 = arith.andi %ne3A_2040, %ne3A_2043 : i1
      %sub3A_2045 = arith.constant 1 : i32
      %sub3A_2046 = arith.subi %div3A_2025, %sub3A_2045 : i32
      %select_n3A_2047 = arith.select %and3A_2044, %sub3A_2046, %div3A_2025 : i32
      %add3A_2048 = arith.addi %scan3A_257, %select_n3A_2047 : i32
      %min3A_2049 = arith.constant 319999 : i32
      %min3A_2050 = arith.minsi %add3A_2048, %min3A_2049 : i32
      %and3A_2051 = arith.constant -8 : i32
      %and3A_2052 = arith.andi %min3A_2050, %and3A_2051 : i32
      %min3A_2053 = arith.constant 319992 : i32
      %min3A_2054 = arith.minsi %and3A_2052, %min3A_2053 : i32
      %sub3A_2055 = arith.subi %min3A_2050, %min3A_2054 : i32
      %add3A_2056 = arith.constant 64 : i32
      %add3A_2057 = arith.addi %add3A_2056, %sub3A_2055 : i32
      %get3A_2058 = arith.index_cast %add3A_2057 : i32 to index
      %get3A_2059 = memref.load %arg9[%get3A_2058] : memref<128xi32, #tpu.memory_space<smem>>
      %ge3A_2060 = arith.constant 5008 : i32
      %ge3A_2061 = arith.cmpi sge, %get3A_2059, %ge3A_2060 : i32
      %add3A_2062 = arith.constant 1 : i32
      %add3A_2063 = arith.addi %add3A_2048, %add3A_2062 : i32
      %select_n3A_2064 = arith.select %ge3A_2061, %select_n3A_2021, %add3A_2063 : i32
      %mul3A_2065 = arith.constant 10 : i32
      %mul3A_2066 = arith.muli %sub3A_259, %mul3A_2065 : i32
      %jit3A_2067 = arith.constant 16 : i32
      %div3A_2068 = arith.divsi %mul3A_2066, %jit3A_2067 : i32
      %sign3A_2069 = arith.constant 0 : i32
      %sign3A_2070 = arith.cmpi sgt, %mul3A_2066, %sign3A_2069 : i32
      %sign3A_2071 = arith.extui %sign3A_2070 : i1 to i32
      %sign3A_2072 = arith.constant 0 : i32
      %sign3A_2073 = arith.cmpi slt, %mul3A_2066, %sign3A_2072 : i32
      %sign3A_2074 = arith.extui %sign3A_2073 : i1 to i32
      %sign3A_2075 = arith.subi %sign3A_2071, %sign3A_2074 : i32
      %sign3A_2076 = arith.constant 0 : i32
      %sign3A_2077 = arith.cmpi sgt, %jit3A_2067, %sign3A_2076 : i32
      %sign3A_2078 = arith.extui %sign3A_2077 : i1 to i32
      %sign3A_2079 = arith.constant 0 : i32
      %sign3A_2080 = arith.cmpi slt, %jit3A_2067, %sign3A_2079 : i32
      %sign3A_2081 = arith.extui %sign3A_2080 : i1 to i32
      %sign3A_2082 = arith.subi %sign3A_2078, %sign3A_2081 : i32
      %ne3A_2083 = arith.cmpi ne, %sign3A_2075, %sign3A_2082 : i32
      %rem3A_2084 = arith.remsi %mul3A_2066, %jit3A_2067 : i32
      %ne3A_2085 = arith.constant 0 : i32
      %ne3A_2086 = arith.cmpi ne, %rem3A_2084, %ne3A_2085 : i32
      %and3A_2087 = arith.andi %ne3A_2083, %ne3A_2086 : i1
      %sub3A_2088 = arith.constant 1 : i32
      %sub3A_2089 = arith.subi %div3A_2068, %sub3A_2088 : i32
      %select_n3A_2090 = arith.select %and3A_2087, %sub3A_2089, %div3A_2068 : i32
      %add3A_2091 = arith.addi %scan3A_257, %select_n3A_2090 : i32
      %min3A_2092 = arith.constant 319999 : i32
      %min3A_2093 = arith.minsi %add3A_2091, %min3A_2092 : i32
      %and3A_2094 = arith.constant -8 : i32
      %and3A_2095 = arith.andi %min3A_2093, %and3A_2094 : i32
      %min3A_2096 = arith.constant 319992 : i32
      %min3A_2097 = arith.minsi %and3A_2095, %min3A_2096 : i32
      %sub3A_2098 = arith.subi %min3A_2093, %min3A_2097 : i32
      %add3A_2099 = arith.constant 72 : i32
      %add3A_2100 = arith.addi %add3A_2099, %sub3A_2098 : i32
      %get3A_2101 = arith.index_cast %add3A_2100 : i32 to index
      %get3A_2102 = memref.load %arg9[%get3A_2101] : memref<128xi32, #tpu.memory_space<smem>>
      %ge3A_2103 = arith.constant 5008 : i32
      %ge3A_2104 = arith.cmpi sge, %get3A_2102, %ge3A_2103 : i32
      %add3A_2105 = arith.constant 1 : i32
      %add3A_2106 = arith.addi %add3A_2091, %add3A_2105 : i32
      %select_n3A_2107 = arith.select %ge3A_2104, %select_n3A_2064, %add3A_2106 : i32
      %mul3A_2108 = arith.constant 11 : i32
      %mul3A_2109 = arith.muli %sub3A_259, %mul3A_2108 : i32
      %jit3A_2110 = arith.constant 16 : i32
      %div3A_2111 = arith.divsi %mul3A_2109, %jit3A_2110 : i32
      %sign3A_2112 = arith.constant 0 : i32
      %sign3A_2113 = arith.cmpi sgt, %mul3A_2109, %sign3A_2112 : i32
      %sign3A_2114 = arith.extui %sign3A_2113 : i1 to i32
      %sign3A_2115 = arith.constant 0 : i32
      %sign3A_2116 = arith.cmpi slt, %mul3A_2109, %sign3A_2115 : i32
      %sign3A_2117 = arith.extui %sign3A_2116 : i1 to i32
      %sign3A_2118 = arith.subi %sign3A_2114, %sign3A_2117 : i32
      %sign3A_2119 = arith.constant 0 : i32
      %sign3A_2120 = arith.cmpi sgt, %jit3A_2110, %sign3A_2119 : i32
      %sign3A_2121 = arith.extui %sign3A_2120 : i1 to i32
      %sign3A_2122 = arith.constant 0 : i32
      %sign3A_2123 = arith.cmpi slt, %jit3A_2110, %sign3A_2122 : i32
      %sign3A_2124 = arith.extui %sign3A_2123 : i1 to i32
      %sign3A_2125 = arith.subi %sign3A_2121, %sign3A_2124 : i32
      %ne3A_2126 = arith.cmpi ne, %sign3A_2118, %sign3A_2125 : i32
      %rem3A_2127 = arith.remsi %mul3A_2109, %jit3A_2110 : i32
      %ne3A_2128 = arith.constant 0 : i32
      %ne3A_2129 = arith.cmpi ne, %rem3A_2127, %ne3A_2128 : i32
      %and3A_2130 = arith.andi %ne3A_2126, %ne3A_2129 : i1
      %sub3A_2131 = arith.constant 1 : i32
      %sub3A_2132 = arith.subi %div3A_2111, %sub3A_2131 : i32
      %select_n3A_2133 = arith.select %and3A_2130, %sub3A_2132, %div3A_2111 : i32
      %add3A_2134 = arith.addi %scan3A_257, %select_n3A_2133 : i32
      %min3A_2135 = arith.constant 319999 : i32
      %min3A_2136 = arith.minsi %add3A_2134, %min3A_2135 : i32
      %and3A_2137 = arith.constant -8 : i32
      %and3A_2138 = arith.andi %min3A_2136, %and3A_2137 : i32
      %min3A_2139 = arith.constant 319992 : i32
      %min3A_2140 = arith.minsi %and3A_2138, %min3A_2139 : i32
      %sub3A_2141 = arith.subi %min3A_2136, %min3A_2140 : i32
      %add3A_2142 = arith.constant 80 : i32
      %add3A_2143 = arith.addi %add3A_2142, %sub3A_2141 : i32
      %get3A_2144 = arith.index_cast %add3A_2143 : i32 to index
      %get3A_2145 = memref.load %arg9[%get3A_2144] : memref<128xi32, #tpu.memory_space<smem>>
      %ge3A_2146 = arith.constant 5008 : i32
      %ge3A_2147 = arith.cmpi sge, %get3A_2145, %ge3A_2146 : i32
      %add3A_2148 = arith.constant 1 : i32
      %add3A_2149 = arith.addi %add3A_2134, %add3A_2148 : i32
      %select_n3A_2150 = arith.select %ge3A_2147, %select_n3A_2107, %add3A_2149 : i32
      %mul3A_2151 = arith.constant 12 : i32
      %mul3A_2152 = arith.muli %sub3A_259, %mul3A_2151 : i32
      %jit3A_2153 = arith.constant 16 : i32
      %div3A_2154 = arith.divsi %mul3A_2152, %jit3A_2153 : i32
      %sign3A_2155 = arith.constant 0 : i32
      %sign3A_2156 = arith.cmpi sgt, %mul3A_2152, %sign3A_2155 : i32
      %sign3A_2157 = arith.extui %sign3A_2156 : i1 to i32
      %sign3A_2158 = arith.constant 0 : i32
      %sign3A_2159 = arith.cmpi slt, %mul3A_2152, %sign3A_2158 : i32
      %sign3A_2160 = arith.extui %sign3A_2159 : i1 to i32
      %sign3A_2161 = arith.subi %sign3A_2157, %sign3A_2160 : i32
      %sign3A_2162 = arith.constant 0 : i32
      %sign3A_2163 = arith.cmpi sgt, %jit3A_2153, %sign3A_2162 : i32
      %sign3A_2164 = arith.extui %sign3A_2163 : i1 to i32
      %sign3A_2165 = arith.constant 0 : i32
      %sign3A_2166 = arith.cmpi slt, %jit3A_2153, %sign3A_2165 : i32
      %sign3A_2167 = arith.extui %sign3A_2166 : i1 to i32
      %sign3A_2168 = arith.subi %sign3A_2164, %sign3A_2167 : i32
      %ne3A_2169 = arith.cmpi ne, %sign3A_2161, %sign3A_2168 : i32
      %rem3A_2170 = arith.remsi %mul3A_2152, %jit3A_2153 : i32
      %ne3A_2171 = arith.constant 0 : i32
      %ne3A_2172 = arith.cmpi ne, %rem3A_2170, %ne3A_2171 : i32
      %and3A_2173 = arith.andi %ne3A_2169, %ne3A_2172 : i1
      %sub3A_2174 = arith.constant 1 : i32
      %sub3A_2175 = arith.subi %div3A_2154, %sub3A_2174 : i32
      %select_n3A_2176 = arith.select %and3A_2173, %sub3A_2175, %div3A_2154 : i32
      %add3A_2177 = arith.addi %scan3A_257, %select_n3A_2176 : i32
      %min3A_2178 = arith.constant 319999 : i32
      %min3A_2179 = arith.minsi %add3A_2177, %min3A_2178 : i32
      %and3A_2180 = arith.constant -8 : i32
      %and3A_2181 = arith.andi %min3A_2179, %and3A_2180 : i32
      %min3A_2182 = arith.constant 319992 : i32
      %min3A_2183 = arith.minsi %and3A_2181, %min3A_2182 : i32
      %sub3A_2184 = arith.subi %min3A_2179, %min3A_2183 : i32
      %add3A_2185 = arith.constant 88 : i32
      %add3A_2186 = arith.addi %add3A_2185, %sub3A_2184 : i32
      %get3A_2187 = arith.index_cast %add3A_2186 : i32 to index
      %get3A_2188 = memref.load %arg9[%get3A_2187] : memref<128xi32, #tpu.memory_space<smem>>
      %ge3A_2189 = arith.constant 5008 : i32
      %ge3A_2190 = arith.cmpi sge, %get3A_2188, %ge3A_2189 : i32
      %add3A_2191 = arith.constant 1 : i32
      %add3A_2192 = arith.addi %add3A_2177, %add3A_2191 : i32
      %select_n3A_2193 = arith.select %ge3A_2190, %select_n3A_2150, %add3A_2192 : i32
      %mul3A_2194 = arith.constant 13 : i32
      %mul3A_2195 = arith.muli %sub3A_259, %mul3A_2194 : i32
      %jit3A_2196 = arith.constant 16 : i32
      %div3A_2197 = arith.divsi %mul3A_2195, %jit3A_2196 : i32
      %sign3A_2198 = arith.constant 0 : i32
      %sign3A_2199 = arith.cmpi sgt, %mul3A_2195, %sign3A_2198 : i32
      %sign3A_2200 = arith.extui %sign3A_2199 : i1 to i32
      %sign3A_2201 = arith.constant 0 : i32
      %sign3A_2202 = arith.cmpi slt, %mul3A_2195, %sign3A_2201 : i32
      %sign3A_2203 = arith.extui %sign3A_2202 : i1 to i32
      %sign3A_2204 = arith.subi %sign3A_2200, %sign3A_2203 : i32
      %sign3A_2205 = arith.constant 0 : i32
      %sign3A_2206 = arith.cmpi sgt, %jit3A_2196, %sign3A_2205 : i32
      %sign3A_2207 = arith.extui %sign3A_2206 : i1 to i32
      %sign3A_2208 = arith.constant 0 : i32
      %sign3A_2209 = arith.cmpi slt, %jit3A_2196, %sign3A_2208 : i32
      %sign3A_2210 = arith.extui %sign3A_2209 : i1 to i32
      %sign3A_2211 = arith.subi %sign3A_2207, %sign3A_2210 : i32
      %ne3A_2212 = arith.cmpi ne, %sign3A_2204, %sign3A_2211 : i32
      %rem3A_2213 = arith.remsi %mul3A_2195, %jit3A_2196 : i32
      %ne3A_2214 = arith.constant 0 : i32
      %ne3A_2215 = arith.cmpi ne, %rem3A_2213, %ne3A_2214 : i32
      %and3A_2216 = arith.andi %ne3A_2212, %ne3A_2215 : i1
      %sub3A_2217 = arith.constant 1 : i32
      %sub3A_2218 = arith.subi %div3A_2197, %sub3A_2217 : i32
      %select_n3A_2219 = arith.select %and3A_2216, %sub3A_2218, %div3A_2197 : i32
      %add3A_2220 = arith.addi %scan3A_257, %select_n3A_2219 : i32
      %min3A_2221 = arith.constant 319999 : i32
      %min3A_2222 = arith.minsi %add3A_2220, %min3A_2221 : i32
      %and3A_2223 = arith.constant -8 : i32
      %and3A_2224 = arith.andi %min3A_2222, %and3A_2223 : i32
      %min3A_2225 = arith.constant 319992 : i32
      %min3A_2226 = arith.minsi %and3A_2224, %min3A_2225 : i32
      %sub3A_2227 = arith.subi %min3A_2222, %min3A_2226 : i32
      %add3A_2228 = arith.constant 96 : i32
      %add3A_2229 = arith.addi %add3A_2228, %sub3A_2227 : i32
      %get3A_2230 = arith.index_cast %add3A_2229 : i32 to index
      %get3A_2231 = memref.load %arg9[%get3A_2230] : memref<128xi32, #tpu.memory_space<smem>>
      %ge3A_2232 = arith.constant 5008 : i32
      %ge3A_2233 = arith.cmpi sge, %get3A_2231, %ge3A_2232 : i32
      %add3A_2234 = arith.constant 1 : i32
      %add3A_2235 = arith.addi %add3A_2220, %add3A_2234 : i32
      %select_n3A_2236 = arith.select %ge3A_2233, %select_n3A_2193, %add3A_2235 : i32
      %mul3A_2237 = arith.constant 14 : i32
      %mul3A_2238 = arith.muli %sub3A_259, %mul3A_2237 : i32
      %jit3A_2239 = arith.constant 16 : i32
      %div3A_2240 = arith.divsi %mul3A_2238, %jit3A_2239 : i32
      %sign3A_2241 = arith.constant 0 : i32
      %sign3A_2242 = arith.cmpi sgt, %mul3A_2238, %sign3A_2241 : i32
      %sign3A_2243 = arith.extui %sign3A_2242 : i1 to i32
      %sign3A_2244 = arith.constant 0 : i32
      %sign3A_2245 = arith.cmpi slt, %mul3A_2238, %sign3A_2244 : i32
      %sign3A_2246 = arith.extui %sign3A_2245 : i1 to i32
      %sign3A_2247 = arith.subi %sign3A_2243, %sign3A_2246 : i32
      %sign3A_2248 = arith.constant 0 : i32
      %sign3A_2249 = arith.cmpi sgt, %jit3A_2239, %sign3A_2248 : i32
      %sign3A_2250 = arith.extui %sign3A_2249 : i1 to i32
      %sign3A_2251 = arith.constant 0 : i32
      %sign3A_2252 = arith.cmpi slt, %jit3A_2239, %sign3A_2251 : i32
      %sign3A_2253 = arith.extui %sign3A_2252 : i1 to i32
      %sign3A_2254 = arith.subi %sign3A_2250, %sign3A_2253 : i32
      %ne3A_2255 = arith.cmpi ne, %sign3A_2247, %sign3A_2254 : i32
      %rem3A_2256 = arith.remsi %mul3A_2238, %jit3A_2239 : i32
      %ne3A_2257 = arith.constant 0 : i32
      %ne3A_2258 = arith.cmpi ne, %rem3A_2256, %ne3A_2257 : i32
      %and3A_2259 = arith.andi %ne3A_2255, %ne3A_2258 : i1
      %sub3A_2260 = arith.constant 1 : i32
      %sub3A_2261 = arith.subi %div3A_2240, %sub3A_2260 : i32
      %select_n3A_2262 = arith.select %and3A_2259, %sub3A_2261, %div3A_2240 : i32
      %add3A_2263 = arith.addi %scan3A_257, %select_n3A_2262 : i32
      %min3A_2264 = arith.constant 319999 : i32
      %min3A_2265 = arith.minsi %add3A_2263, %min3A_2264 : i32
      %and3A_2266 = arith.constant -8 : i32
      %and3A_2267 = arith.andi %min3A_2265, %and3A_2266 : i32
      %min3A_2268 = arith.constant 319992 : i32
      %min3A_2269 = arith.minsi %and3A_2267, %min3A_2268 : i32
      %sub3A_2270 = arith.subi %min3A_2265, %min3A_2269 : i32
      %add3A_2271 = arith.constant 104 : i32
      %add3A_2272 = arith.addi %add3A_2271, %sub3A_2270 : i32
      %get3A_2273 = arith.index_cast %add3A_2272 : i32 to index
      %get3A_2274 = memref.load %arg9[%get3A_2273] : memref<128xi32, #tpu.memory_space<smem>>
      %ge3A_2275 = arith.constant 5008 : i32
      %ge3A_2276 = arith.cmpi sge, %get3A_2274, %ge3A_2275 : i32
      %add3A_2277 = arith.constant 1 : i32
      %add3A_2278 = arith.addi %add3A_2263, %add3A_2277 : i32
      %select_n3A_2279 = arith.select %ge3A_2276, %select_n3A_2236, %add3A_2278 : i32
      %mul3A_2280 = arith.constant 15 : i32
      %mul3A_2281 = arith.muli %sub3A_259, %mul3A_2280 : i32
      %jit3A_2282 = arith.constant 16 : i32
      %div3A_2283 = arith.divsi %mul3A_2281, %jit3A_2282 : i32
      %sign3A_2284 = arith.constant 0 : i32
      %sign3A_2285 = arith.cmpi sgt, %mul3A_2281, %sign3A_2284 : i32
      %sign3A_2286 = arith.extui %sign3A_2285 : i1 to i32
      %sign3A_2287 = arith.constant 0 : i32
      %sign3A_2288 = arith.cmpi slt, %mul3A_2281, %sign3A_2287 : i32
      %sign3A_2289 = arith.extui %sign3A_2288 : i1 to i32
      %sign3A_2290 = arith.subi %sign3A_2286, %sign3A_2289 : i32
      %sign3A_2291 = arith.constant 0 : i32
      %sign3A_2292 = arith.cmpi sgt, %jit3A_2282, %sign3A_2291 : i32
      %sign3A_2293 = arith.extui %sign3A_2292 : i1 to i32
      %sign3A_2294 = arith.constant 0 : i32
      %sign3A_2295 = arith.cmpi slt, %jit3A_2282, %sign3A_2294 : i32
      %sign3A_2296 = arith.extui %sign3A_2295 : i1 to i32
      %sign3A_2297 = arith.subi %sign3A_2293, %sign3A_2296 : i32
      %ne3A_2298 = arith.cmpi ne, %sign3A_2290, %sign3A_2297 : i32
      %rem3A_2299 = arith.remsi %mul3A_2281, %jit3A_2282 : i32
      %ne3A_2300 = arith.constant 0 : i32
      %ne3A_2301 = arith.cmpi ne, %rem3A_2299, %ne3A_2300 : i32
      %and3A_2302 = arith.andi %ne3A_2298, %ne3A_2301 : i1
      %sub3A_2303 = arith.constant 1 : i32
      %sub3A_2304 = arith.subi %div3A_2283, %sub3A_2303 : i32
      %select_n3A_2305 = arith.select %and3A_2302, %sub3A_2304, %div3A_2283 : i32
      %add3A_2306 = arith.addi %scan3A_257, %select_n3A_2305 : i32
      %min3A_2307 = arith.constant 319999 : i32
      %min3A_2308 = arith.minsi %add3A_2306, %min3A_2307 : i32
      %and3A_2309 = arith.constant -8 : i32
      %and3A_2310 = arith.andi %min3A_2308, %and3A_2309 : i32
      %min3A_2311 = arith.constant 319992 : i32
      %min3A_2312 = arith.minsi %and3A_2310, %min3A_2311 : i32
      %sub3A_2313 = arith.subi %min3A_2308, %min3A_2312 : i32
      %add3A_2314 = arith.constant 112 : i32
      %add3A_2315 = arith.addi %add3A_2314, %sub3A_2313 : i32
      %get3A_2316 = arith.index_cast %add3A_2315 : i32 to index
      %get3A_2317 = memref.load %arg9[%get3A_2316] : memref<128xi32, #tpu.memory_space<smem>>
      %ge3A_2318 = arith.constant 5008 : i32
      %ge3A_2319 = arith.cmpi sge, %get3A_2317, %ge3A_2318 : i32
      %add3A_2320 = arith.constant 1 : i32
      %add3A_2321 = arith.addi %add3A_2306, %add3A_2320 : i32
      %select_n3A_2322 = arith.select %ge3A_2319, %select_n3A_2279, %add3A_2321 : i32
      %mul3A_2323 = arith.constant 16 : i32
      %mul3A_2324 = arith.muli %sub3A_259, %mul3A_2323 : i32
      %jit3A_2325 = arith.constant 16 : i32
      %div3A_2326 = arith.divsi %mul3A_2324, %jit3A_2325 : i32
      %sign3A_2327 = arith.constant 0 : i32
      %sign3A_2328 = arith.cmpi sgt, %mul3A_2324, %sign3A_2327 : i32
      %sign3A_2329 = arith.extui %sign3A_2328 : i1 to i32
      %sign3A_2330 = arith.constant 0 : i32
      %sign3A_2331 = arith.cmpi slt, %mul3A_2324, %sign3A_2330 : i32
      %sign3A_2332 = arith.extui %sign3A_2331 : i1 to i32
      %sign3A_2333 = arith.subi %sign3A_2329, %sign3A_2332 : i32
      %sign3A_2334 = arith.constant 0 : i32
      %sign3A_2335 = arith.cmpi sgt, %jit3A_2325, %sign3A_2334 : i32
      %sign3A_2336 = arith.extui %sign3A_2335 : i1 to i32
      %sign3A_2337 = arith.constant 0 : i32
      %sign3A_2338 = arith.cmpi slt, %jit3A_2325, %sign3A_2337 : i32
      %sign3A_2339 = arith.extui %sign3A_2338 : i1 to i32
      %sign3A_2340 = arith.subi %sign3A_2336, %sign3A_2339 : i32
      %ne3A_2341 = arith.cmpi ne, %sign3A_2333, %sign3A_2340 : i32
      %rem3A_2342 = arith.remsi %mul3A_2324, %jit3A_2325 : i32
      %ne3A_2343 = arith.constant 0 : i32
      %ne3A_2344 = arith.cmpi ne, %rem3A_2342, %ne3A_2343 : i32
      %and3A_2345 = arith.andi %ne3A_2341, %ne3A_2344 : i1
      %sub3A_2346 = arith.constant 1 : i32
      %sub3A_2347 = arith.subi %div3A_2326, %sub3A_2346 : i32
      %select_n3A_2348 = arith.select %and3A_2345, %sub3A_2347, %div3A_2326 : i32
      %add3A_2349 = arith.addi %scan3A_257, %select_n3A_2348 : i32
      %min3A_2350 = arith.constant 319999 : i32
      %min3A_2351 = arith.minsi %add3A_2349, %min3A_2350 : i32
      %and3A_2352 = arith.constant -8 : i32
      %and3A_2353 = arith.andi %min3A_2351, %and3A_2352 : i32
      %min3A_2354 = arith.constant 319992 : i32
      %min3A_2355 = arith.minsi %and3A_2353, %min3A_2354 : i32
      %sub3A_2356 = arith.subi %min3A_2351, %min3A_2355 : i32
      %add3A_2357 = arith.constant 120 : i32
      %add3A_2358 = arith.addi %add3A_2357, %sub3A_2356 : i32
      %get3A_2359 = arith.index_cast %add3A_2358 : i32 to index
      %get3A_2360 = memref.load %arg9[%get3A_2359] : memref<128xi32, #tpu.memory_space<smem>>
      %ge3A_2361 = arith.constant 5008 : i32
      %ge3A_2362 = arith.cmpi sge, %get3A_2360, %ge3A_2361 : i32
      %add3A_2363 = arith.constant 1 : i32
      %add3A_2364 = arith.addi %add3A_2349, %add3A_2363 : i32
      %select_n3A_2365 = arith.select %ge3A_2362, %select_n3A_2322, %add3A_2364 : i32
      %min3A_2366 = arith.minsi %select_n3A_2365, %select_n3A_1677 : i32
      scf.yield %min3A_2366, %select_n3A_1677 : i32, i32
    }
    %scan3A_22 = arith.constant 5 : i32
    %eq3A_23 = arith.constant 0 : i32
    %eq3A_24 = arith.cmpi eq, %arg0, %eq3A_23 : i32
    %jit3A = arith.constant 40 : i32
    %div3A = arith.divsi %scan3A_21#0, %jit3A : i32
    %sign3A = arith.constant 0 : i32
    %sign3A_25 = arith.cmpi sgt, %scan3A_21#0, %sign3A : i32
    %sign3A_26 = arith.extui %sign3A_25 : i1 to i32
    %sign3A_27 = arith.constant 0 : i32
    %sign3A_28 = arith.cmpi slt, %scan3A_21#0, %sign3A_27 : i32
    %sign3A_29 = arith.extui %sign3A_28 : i1 to i32
    %sign3A_30 = arith.subi %sign3A_26, %sign3A_29 : i32
    %sign3A_31 = arith.constant 0 : i32
    %sign3A_32 = arith.cmpi sgt, %jit3A, %sign3A_31 : i32
    %sign3A_33 = arith.extui %sign3A_32 : i1 to i32
    %sign3A_34 = arith.constant 0 : i32
    %sign3A_35 = arith.cmpi slt, %jit3A, %sign3A_34 : i32
    %sign3A_36 = arith.extui %sign3A_35 : i1 to i32
    %sign3A_37 = arith.subi %sign3A_33, %sign3A_36 : i32
    %ne3A = arith.cmpi ne, %sign3A_30, %sign3A_37 : i32
    %rem3A = arith.remsi %scan3A_21#0, %jit3A : i32
    %ne3A_38 = arith.constant 0 : i32
    %ne3A_39 = arith.cmpi ne, %rem3A, %ne3A_38 : i32
    %and3A = arith.andi %ne3A, %ne3A_39 : i1
    %sub3A = arith.constant 1 : i32
    %sub3A_40 = arith.subi %div3A, %sub3A : i32
    %select_n3A = arith.select %and3A, %sub3A_40, %div3A : i32
    %jit3A_41 = arith.constant 0 : i32
    %select_n3A_42 = arith.select %eq3A_24, %jit3A_41, %select_n3A : i32
    %eq3A_43 = arith.constant 0 : i32
    %eq3A_44 = arith.cmpi eq, %arg0, %eq3A_43 : i32
    %add3A = arith.constant 40 : i32
    %add3A_45 = arith.addi %scan3A_21#0, %add3A : i32
    %sub3A_46 = arith.constant 1 : i32
    %sub3A_47 = arith.subi %add3A_45, %sub3A_46 : i32
    %jit3A_48 = arith.constant 40 : i32
    %div3A_49 = arith.divsi %sub3A_47, %jit3A_48 : i32
    %sign3A_50 = arith.constant 0 : i32
    %sign3A_51 = arith.cmpi sgt, %sub3A_47, %sign3A_50 : i32
    %sign3A_52 = arith.extui %sign3A_51 : i1 to i32
    %sign3A_53 = arith.constant 0 : i32
    %sign3A_54 = arith.cmpi slt, %sub3A_47, %sign3A_53 : i32
    %sign3A_55 = arith.extui %sign3A_54 : i1 to i32
    %sign3A_56 = arith.subi %sign3A_52, %sign3A_55 : i32
    %sign3A_57 = arith.constant 0 : i32
    %sign3A_58 = arith.cmpi sgt, %jit3A_48, %sign3A_57 : i32
    %sign3A_59 = arith.extui %sign3A_58 : i1 to i32
    %sign3A_60 = arith.constant 0 : i32
    %sign3A_61 = arith.cmpi slt, %jit3A_48, %sign3A_60 : i32
    %sign3A_62 = arith.extui %sign3A_61 : i1 to i32
    %sign3A_63 = arith.subi %sign3A_59, %sign3A_62 : i32
    %ne3A_64 = arith.cmpi ne, %sign3A_56, %sign3A_63 : i32
    %rem3A_65 = arith.remsi %sub3A_47, %jit3A_48 : i32
    %ne3A_66 = arith.constant 0 : i32
    %ne3A_67 = arith.cmpi ne, %rem3A_65, %ne3A_66 : i32
    %and3A_68 = arith.andi %ne3A_64, %ne3A_67 : i1
    %sub3A_69 = arith.constant 1 : i32
    %sub3A_70 = arith.subi %div3A_49, %sub3A_69 : i32
    %select_n3A_71 = arith.select %and3A_68, %sub3A_70, %div3A_49 : i32
    %jit3A_72 = arith.constant 8000 : i32
    %select_n3A_73 = arith.select %eq3A_44, %select_n3A_71, %jit3A_72 : i32
    %sub3A_74 = arith.subi %select_n3A_73, %select_n3A_42 : i32
    %mul3A = arith.muli %sub3A_74, %arg1 : i32
    %jit3A_75 = arith.constant 16 : i32
    %div3A_76 = arith.divsi %mul3A, %jit3A_75 : i32
    %sign3A_77 = arith.constant 0 : i32
    %sign3A_78 = arith.cmpi sgt, %mul3A, %sign3A_77 : i32
    %sign3A_79 = arith.extui %sign3A_78 : i1 to i32
    %sign3A_80 = arith.constant 0 : i32
    %sign3A_81 = arith.cmpi slt, %mul3A, %sign3A_80 : i32
    %sign3A_82 = arith.extui %sign3A_81 : i1 to i32
    %sign3A_83 = arith.subi %sign3A_79, %sign3A_82 : i32
    %sign3A_84 = arith.constant 0 : i32
    %sign3A_85 = arith.cmpi sgt, %jit3A_75, %sign3A_84 : i32
    %sign3A_86 = arith.extui %sign3A_85 : i1 to i32
    %sign3A_87 = arith.constant 0 : i32
    %sign3A_88 = arith.cmpi slt, %jit3A_75, %sign3A_87 : i32
    %sign3A_89 = arith.extui %sign3A_88 : i1 to i32
    %sign3A_90 = arith.subi %sign3A_86, %sign3A_89 : i32
    %ne3A_91 = arith.cmpi ne, %sign3A_83, %sign3A_90 : i32
    %rem3A_92 = arith.remsi %mul3A, %jit3A_75 : i32
    %ne3A_93 = arith.constant 0 : i32
    %ne3A_94 = arith.cmpi ne, %rem3A_92, %ne3A_93 : i32
    %and3A_95 = arith.andi %ne3A_91, %ne3A_94 : i1
    %sub3A_96 = arith.constant 1 : i32
    %sub3A_97 = arith.subi %div3A_76, %sub3A_96 : i32
    %select_n3A_98 = arith.select %and3A_95, %sub3A_97, %div3A_76 : i32
    %add3A_99 = arith.addi %select_n3A_42, %select_n3A_98 : i32
    %add3A_100 = arith.constant 1 : i32
    %add3A_101 = arith.addi %arg1, %add3A_100 : i32
    %mul3A_102 = arith.muli %sub3A_74, %add3A_101 : i32
    %jit3A_103 = arith.constant 16 : i32
    %div3A_104 = arith.divsi %mul3A_102, %jit3A_103 : i32
    %sign3A_105 = arith.constant 0 : i32
    %sign3A_106 = arith.cmpi sgt, %mul3A_102, %sign3A_105 : i32
    %sign3A_107 = arith.extui %sign3A_106 : i1 to i32
    %sign3A_108 = arith.constant 0 : i32
    %sign3A_109 = arith.cmpi slt, %mul3A_102, %sign3A_108 : i32
    %sign3A_110 = arith.extui %sign3A_109 : i1 to i32
    %sign3A_111 = arith.subi %sign3A_107, %sign3A_110 : i32
    %sign3A_112 = arith.constant 0 : i32
    %sign3A_113 = arith.cmpi sgt, %jit3A_103, %sign3A_112 : i32
    %sign3A_114 = arith.extui %sign3A_113 : i1 to i32
    %sign3A_115 = arith.constant 0 : i32
    %sign3A_116 = arith.cmpi slt, %jit3A_103, %sign3A_115 : i32
    %sign3A_117 = arith.extui %sign3A_116 : i1 to i32
    %sign3A_118 = arith.subi %sign3A_114, %sign3A_117 : i32
    %ne3A_119 = arith.cmpi ne, %sign3A_111, %sign3A_118 : i32
    %rem3A_120 = arith.remsi %mul3A_102, %jit3A_103 : i32
    %ne3A_121 = arith.constant 0 : i32
    %ne3A_122 = arith.cmpi ne, %rem3A_120, %ne3A_121 : i32
    %and3A_123 = arith.andi %ne3A_119, %ne3A_122 : i1
    %sub3A_124 = arith.constant 1 : i32
    %sub3A_125 = arith.subi %div3A_104, %sub3A_124 : i32
    %select_n3A_126 = arith.select %and3A_123, %sub3A_125, %div3A_104 : i32
    %add3A_127 = arith.addi %select_n3A_42, %select_n3A_126 : i32
    %sub3A_128 = arith.subi %add3A_127, %add3A_99 : i32
    %gt3A = arith.constant 0 : i32
    %gt3A_129 = arith.cmpi sgt, %sub3A_128, %gt3A : i32
    %convert_element_type3A_130 = arith.extui %gt3A_129 : i1 to i32
    %cond3A_131 = arith.constant 0 : i32
    %cond3A_132 = arith.cmpi ne, %convert_element_type3A_130, %cond3A_131 : i32
    scf.if %cond3A_132 {
      %add3A_256 = arith.constant 0 : i32
      %add3A_257 = arith.addi %add3A_99, %add3A_256 : i32
      %mul3A_258 = arith.constant 40 : i32
      %mul3A_259 = arith.muli %add3A_257, %mul3A_258 : i32
      %dma_start3A = arith.constant 0 : i32
      %dma_start3A_260 = arith.constant 0 : i32
      %dma_start3A_261 = arith.constant 0 : i32
      %dma_start3A_262 = tpu.memref_slice %arg5[%dma_start3A, %dma_start3A_260, %dma_start3A_261] : memref<8x40x128xf32, #tpu.memory_space<vmem>> -> memref<1x40x128xf32, #tpu.memory_space<vmem>>
      %dma_start3A_263 = tpu.memref_squeeze %dma_start3A_262 : memref<1x40x128xf32, #tpu.memory_space<vmem>> -> memref<40x128xf32, #tpu.memory_space<vmem>>
      %dma_start3A_264 = arith.constant 0 : i32
      %dma_start3A_265 = tpu.memref_slice %arg2[%mul3A_259, %dma_start3A_264] : memref<320000x128xf32, #tpu.memory_space<hbm>> -> memref<40x128xf32, #tpu.memory_space<hbm>>
      %dma_start3A_266 = arith.constant 0 : i32
      %dma_start3A_267 = arith.constant 0 : i32
      %dma_start3A_268 = tpu.memref_slice %arg5[%dma_start3A, %dma_start3A_266, %dma_start3A_267] : memref<8x40x128xf32, #tpu.memory_space<vmem>> -> memref<1x40x128xf32, #tpu.memory_space<vmem>>
      %dma_start3A_269 = tpu.memref_squeeze %dma_start3A_268 : memref<1x40x128xf32, #tpu.memory_space<vmem>> -> memref<40x128xf32, #tpu.memory_space<vmem>>
      %dma_start3A_270 = arith.constant 0 : i32
      %dma_start3A_271 = tpu.memref_slice %arg2[%mul3A_259, %dma_start3A_270] : memref<320000x128xf32, #tpu.memory_space<hbm>> -> memref<40x128xf32, #tpu.memory_space<hbm>>
      tpu.enqueue_dma source(%dma_start3A_271 : memref<40x128xf32, #tpu.memory_space<hbm>>) target(%dma_start3A_269 : memref<40x128xf32, #tpu.memory_space<vmem>>) target_semaphore(%arg12 : memref<!tpu.dma_semaphore, #tpu.memory_space<semaphore_mem>>)
      %dma_start3A_272 = arith.constant 0 : i32
      %dma_start3A_273 = arith.constant 0 : i32
      %dma_start3A_274 = tpu.memref_slice %arg6[%dma_start3A_272, %dma_start3A_273] : memref<8x40xi32, #tpu.memory_space<vmem>> -> memref<1x40xi32, #tpu.memory_space<vmem>>
      %dma_start3A_275 = tpu.memref_squeeze %dma_start3A_274 : memref<1x40xi32, #tpu.memory_space<vmem>> -> memref<40xi32, #tpu.memory_space<vmem>>
      %dma_start3A_276 = tpu.memref_slice %arg3[%mul3A_259] : memref<320000xi32, #tpu.memory_space<hbm>> -> memref<40xi32, #tpu.memory_space<hbm>>
      %dma_start3A_277 = arith.constant 0 : i32
      %dma_start3A_278 = tpu.memref_slice %arg6[%dma_start3A_272, %dma_start3A_277] : memref<8x40xi32, #tpu.memory_space<vmem>> -> memref<1x40xi32, #tpu.memory_space<vmem>>
      %dma_start3A_279 = tpu.memref_squeeze %dma_start3A_278 : memref<1x40xi32, #tpu.memory_space<vmem>> -> memref<40xi32, #tpu.memory_space<vmem>>
      %dma_start3A_280 = tpu.memref_slice %arg3[%mul3A_259] : memref<320000xi32, #tpu.memory_space<hbm>> -> memref<40xi32, #tpu.memory_space<hbm>>
      tpu.enqueue_dma source(%dma_start3A_280 : memref<40xi32, #tpu.memory_space<hbm>>) target(%dma_start3A_279 : memref<40xi32, #tpu.memory_space<vmem>>) target_semaphore(%arg20 : memref<!tpu.dma_semaphore, #tpu.memory_space<semaphore_mem>>)
    } else {
    }
    %gt3A_133 = arith.constant 1 : i32
    %gt3A_134 = arith.cmpi sgt, %sub3A_128, %gt3A_133 : i32
    %convert_element_type3A_135 = arith.extui %gt3A_134 : i1 to i32
    %cond3A_136 = arith.constant 0 : i32
    %cond3A_137 = arith.cmpi ne, %convert_element_type3A_135, %cond3A_136 : i32
    scf.if %cond3A_137 {
      %add3A_256 = arith.constant 1 : i32
      %add3A_257 = arith.addi %add3A_99, %add3A_256 : i32
      %mul3A_258 = arith.constant 40 : i32
      %mul3A_259 = arith.muli %add3A_257, %mul3A_258 : i32
      %dma_start3A = arith.constant 1 : i32
      %dma_start3A_260 = arith.constant 0 : i32
      %dma_start3A_261 = arith.constant 0 : i32
      %dma_start3A_262 = tpu.memref_slice %arg5[%dma_start3A, %dma_start3A_260, %dma_start3A_261] : memref<8x40x128xf32, #tpu.memory_space<vmem>> -> memref<1x40x128xf32, #tpu.memory_space<vmem>>
      %dma_start3A_263 = tpu.memref_squeeze %dma_start3A_262 : memref<1x40x128xf32, #tpu.memory_space<vmem>> -> memref<40x128xf32, #tpu.memory_space<vmem>>
      %dma_start3A_264 = arith.constant 0 : i32
      %dma_start3A_265 = tpu.memref_slice %arg2[%mul3A_259, %dma_start3A_264] : memref<320000x128xf32, #tpu.memory_space<hbm>> -> memref<40x128xf32, #tpu.memory_space<hbm>>
      %dma_start3A_266 = arith.constant 0 : i32
      %dma_start3A_267 = arith.constant 0 : i32
      %dma_start3A_268 = tpu.memref_slice %arg5[%dma_start3A, %dma_start3A_266, %dma_start3A_267] : memref<8x40x128xf32, #tpu.memory_space<vmem>> -> memref<1x40x128xf32, #tpu.memory_space<vmem>>
      %dma_start3A_269 = tpu.memref_squeeze %dma_start3A_268 : memref<1x40x128xf32, #tpu.memory_space<vmem>> -> memref<40x128xf32, #tpu.memory_space<vmem>>
      %dma_start3A_270 = arith.constant 0 : i32
      %dma_start3A_271 = tpu.memref_slice %arg2[%mul3A_259, %dma_start3A_270] : memref<320000x128xf32, #tpu.memory_space<hbm>> -> memref<40x128xf32, #tpu.memory_space<hbm>>
      tpu.enqueue_dma source(%dma_start3A_271 : memref<40x128xf32, #tpu.memory_space<hbm>>) target(%dma_start3A_269 : memref<40x128xf32, #tpu.memory_space<vmem>>) target_semaphore(%arg13 : memref<!tpu.dma_semaphore, #tpu.memory_space<semaphore_mem>>)
      %dma_start3A_272 = arith.constant 1 : i32
      %dma_start3A_273 = arith.constant 0 : i32
      %dma_start3A_274 = tpu.memref_slice %arg6[%dma_start3A_272, %dma_start3A_273] : memref<8x40xi32, #tpu.memory_space<vmem>> -> memref<1x40xi32, #tpu.memory_space<vmem>>
      %dma_start3A_275 = tpu.memref_squeeze %dma_start3A_274 : memref<1x40xi32, #tpu.memory_space<vmem>> -> memref<40xi32, #tpu.memory_space<vmem>>
      %dma_start3A_276 = tpu.memref_slice %arg3[%mul3A_259] : memref<320000xi32, #tpu.memory_space<hbm>> -> memref<40xi32, #tpu.memory_space<hbm>>
      %dma_start3A_277 = arith.constant 0 : i32
      %dma_start3A_278 = tpu.memref_slice %arg6[%dma_start3A_272, %dma_start3A_277] : memref<8x40xi32, #tpu.memory_space<vmem>> -> memref<1x40xi32, #tpu.memory_space<vmem>>
      %dma_start3A_279 = tpu.memref_squeeze %dma_start3A_278 : memref<1x40xi32, #tpu.memory_space<vmem>> -> memref<40xi32, #tpu.memory_space<vmem>>
      %dma_start3A_280 = tpu.memref_slice %arg3[%mul3A_259] : memref<320000xi32, #tpu.memory_space<hbm>> -> memref<40xi32, #tpu.memory_space<hbm>>
      tpu.enqueue_dma source(%dma_start3A_280 : memref<40xi32, #tpu.memory_space<hbm>>) target(%dma_start3A_279 : memref<40xi32, #tpu.memory_space<vmem>>) target_semaphore(%arg21 : memref<!tpu.dma_semaphore, #tpu.memory_space<semaphore_mem>>)
    } else {
    }
    %gt3A_138 = arith.constant 2 : i32
    %gt3A_139 = arith.cmpi sgt, %sub3A_128, %gt3A_138 : i32
    %convert_element_type3A_140 = arith.extui %gt3A_139 : i1 to i32
    %cond3A_141 = arith.constant 0 : i32
    %cond3A_142 = arith.cmpi ne, %convert_element_type3A_140, %cond3A_141 : i32
    scf.if %cond3A_142 {
      %add3A_256 = arith.constant 2 : i32
      %add3A_257 = arith.addi %add3A_99, %add3A_256 : i32
      %mul3A_258 = arith.constant 40 : i32
      %mul3A_259 = arith.muli %add3A_257, %mul3A_258 : i32
      %dma_start3A = arith.constant 2 : i32
      %dma_start3A_260 = arith.constant 0 : i32
      %dma_start3A_261 = arith.constant 0 : i32
      %dma_start3A_262 = tpu.memref_slice %arg5[%dma_start3A, %dma_start3A_260, %dma_start3A_261] : memref<8x40x128xf32, #tpu.memory_space<vmem>> -> memref<1x40x128xf32, #tpu.memory_space<vmem>>
      %dma_start3A_263 = tpu.memref_squeeze %dma_start3A_262 : memref<1x40x128xf32, #tpu.memory_space<vmem>> -> memref<40x128xf32, #tpu.memory_space<vmem>>
      %dma_start3A_264 = arith.constant 0 : i32
      %dma_start3A_265 = tpu.memref_slice %arg2[%mul3A_259, %dma_start3A_264] : memref<320000x128xf32, #tpu.memory_space<hbm>> -> memref<40x128xf32, #tpu.memory_space<hbm>>
      %dma_start3A_266 = arith.constant 0 : i32
      %dma_start3A_267 = arith.constant 0 : i32
      %dma_start3A_268 = tpu.memref_slice %arg5[%dma_start3A, %dma_start3A_266, %dma_start3A_267] : memref<8x40x128xf32, #tpu.memory_space<vmem>> -> memref<1x40x128xf32, #tpu.memory_space<vmem>>
      %dma_start3A_269 = tpu.memref_squeeze %dma_start3A_268 : memref<1x40x128xf32, #tpu.memory_space<vmem>> -> memref<40x128xf32, #tpu.memory_space<vmem>>
      %dma_start3A_270 = arith.constant 0 : i32
      %dma_start3A_271 = tpu.memref_slice %arg2[%mul3A_259, %dma_start3A_270] : memref<320000x128xf32, #tpu.memory_space<hbm>> -> memref<40x128xf32, #tpu.memory_space<hbm>>
      tpu.enqueue_dma source(%dma_start3A_271 : memref<40x128xf32, #tpu.memory_space<hbm>>) target(%dma_start3A_269 : memref<40x128xf32, #tpu.memory_space<vmem>>) target_semaphore(%arg14 : memref<!tpu.dma_semaphore, #tpu.memory_space<semaphore_mem>>)
      %dma_start3A_272 = arith.constant 2 : i32
      %dma_start3A_273 = arith.constant 0 : i32
      %dma_start3A_274 = tpu.memref_slice %arg6[%dma_start3A_272, %dma_start3A_273] : memref<8x40xi32, #tpu.memory_space<vmem>> -> memref<1x40xi32, #tpu.memory_space<vmem>>
      %dma_start3A_275 = tpu.memref_squeeze %dma_start3A_274 : memref<1x40xi32, #tpu.memory_space<vmem>> -> memref<40xi32, #tpu.memory_space<vmem>>
      %dma_start3A_276 = tpu.memref_slice %arg3[%mul3A_259] : memref<320000xi32, #tpu.memory_space<hbm>> -> memref<40xi32, #tpu.memory_space<hbm>>
      %dma_start3A_277 = arith.constant 0 : i32
      %dma_start3A_278 = tpu.memref_slice %arg6[%dma_start3A_272, %dma_start3A_277] : memref<8x40xi32, #tpu.memory_space<vmem>> -> memref<1x40xi32, #tpu.memory_space<vmem>>
      %dma_start3A_279 = tpu.memref_squeeze %dma_start3A_278 : memref<1x40xi32, #tpu.memory_space<vmem>> -> memref<40xi32, #tpu.memory_space<vmem>>
      %dma_start3A_280 = tpu.memref_slice %arg3[%mul3A_259] : memref<320000xi32, #tpu.memory_space<hbm>> -> memref<40xi32, #tpu.memory_space<hbm>>
      tpu.enqueue_dma source(%dma_start3A_280 : memref<40xi32, #tpu.memory_space<hbm>>) target(%dma_start3A_279 : memref<40xi32, #tpu.memory_space<vmem>>) target_semaphore(%arg22 : memref<!tpu.dma_semaphore, #tpu.memory_space<semaphore_mem>>)
    } else {
    }
    %gt3A_143 = arith.constant 3 : i32
    %gt3A_144 = arith.cmpi sgt, %sub3A_128, %gt3A_143 : i32
    %convert_element_type3A_145 = arith.extui %gt3A_144 : i1 to i32
    %cond3A_146 = arith.constant 0 : i32
    %cond3A_147 = arith.cmpi ne, %convert_element_type3A_145, %cond3A_146 : i32
    scf.if %cond3A_147 {
      %add3A_256 = arith.constant 3 : i32
      %add3A_257 = arith.addi %add3A_99, %add3A_256 : i32
      %mul3A_258 = arith.constant 40 : i32
      %mul3A_259 = arith.muli %add3A_257, %mul3A_258 : i32
      %dma_start3A = arith.constant 3 : i32
      %dma_start3A_260 = arith.constant 0 : i32
      %dma_start3A_261 = arith.constant 0 : i32
      %dma_start3A_262 = tpu.memref_slice %arg5[%dma_start3A, %dma_start3A_260, %dma_start3A_261] : memref<8x40x128xf32, #tpu.memory_space<vmem>> -> memref<1x40x128xf32, #tpu.memory_space<vmem>>
      %dma_start3A_263 = tpu.memref_squeeze %dma_start3A_262 : memref<1x40x128xf32, #tpu.memory_space<vmem>> -> memref<40x128xf32, #tpu.memory_space<vmem>>
      %dma_start3A_264 = arith.constant 0 : i32
      %dma_start3A_265 = tpu.memref_slice %arg2[%mul3A_259, %dma_start3A_264] : memref<320000x128xf32, #tpu.memory_space<hbm>> -> memref<40x128xf32, #tpu.memory_space<hbm>>
      %dma_start3A_266 = arith.constant 0 : i32
      %dma_start3A_267 = arith.constant 0 : i32
      %dma_start3A_268 = tpu.memref_slice %arg5[%dma_start3A, %dma_start3A_266, %dma_start3A_267] : memref<8x40x128xf32, #tpu.memory_space<vmem>> -> memref<1x40x128xf32, #tpu.memory_space<vmem>>
      %dma_start3A_269 = tpu.memref_squeeze %dma_start3A_268 : memref<1x40x128xf32, #tpu.memory_space<vmem>> -> memref<40x128xf32, #tpu.memory_space<vmem>>
      %dma_start3A_270 = arith.constant 0 : i32
      %dma_start3A_271 = tpu.memref_slice %arg2[%mul3A_259, %dma_start3A_270] : memref<320000x128xf32, #tpu.memory_space<hbm>> -> memref<40x128xf32, #tpu.memory_space<hbm>>
      tpu.enqueue_dma source(%dma_start3A_271 : memref<40x128xf32, #tpu.memory_space<hbm>>) target(%dma_start3A_269 : memref<40x128xf32, #tpu.memory_space<vmem>>) target_semaphore(%arg15 : memref<!tpu.dma_semaphore, #tpu.memory_space<semaphore_mem>>)
      %dma_start3A_272 = arith.constant 3 : i32
      %dma_start3A_273 = arith.constant 0 : i32
      %dma_start3A_274 = tpu.memref_slice %arg6[%dma_start3A_272, %dma_start3A_273] : memref<8x40xi32, #tpu.memory_space<vmem>> -> memref<1x40xi32, #tpu.memory_space<vmem>>
      %dma_start3A_275 = tpu.memref_squeeze %dma_start3A_274 : memref<1x40xi32, #tpu.memory_space<vmem>> -> memref<40xi32, #tpu.memory_space<vmem>>
      %dma_start3A_276 = tpu.memref_slice %arg3[%mul3A_259] : memref<320000xi32, #tpu.memory_space<hbm>> -> memref<40xi32, #tpu.memory_space<hbm>>
      %dma_start3A_277 = arith.constant 0 : i32
      %dma_start3A_278 = tpu.memref_slice %arg6[%dma_start3A_272, %dma_start3A_277] : memref<8x40xi32, #tpu.memory_space<vmem>> -> memref<1x40xi32, #tpu.memory_space<vmem>>
      %dma_start3A_279 = tpu.memref_squeeze %dma_start3A_278 : memref<1x40xi32, #tpu.memory_space<vmem>> -> memref<40xi32, #tpu.memory_space<vmem>>
      %dma_start3A_280 = tpu.memref_slice %arg3[%mul3A_259] : memref<320000xi32, #tpu.memory_space<hbm>> -> memref<40xi32, #tpu.memory_space<hbm>>
      tpu.enqueue_dma source(%dma_start3A_280 : memref<40xi32, #tpu.memory_space<hbm>>) target(%dma_start3A_279 : memref<40xi32, #tpu.memory_space<vmem>>) target_semaphore(%arg23 : memref<!tpu.dma_semaphore, #tpu.memory_space<semaphore_mem>>)
    } else {
    }
    %gt3A_148 = arith.constant 4 : i32
    %gt3A_149 = arith.cmpi sgt, %sub3A_128, %gt3A_148 : i32
    %convert_element_type3A_150 = arith.extui %gt3A_149 : i1 to i32
    %cond3A_151 = arith.constant 0 : i32
    %cond3A_152 = arith.cmpi ne, %convert_element_type3A_150, %cond3A_151 : i32
    scf.if %cond3A_152 {
      %add3A_256 = arith.constant 4 : i32
      %add3A_257 = arith.addi %add3A_99, %add3A_256 : i32
      %mul3A_258 = arith.constant 40 : i32
      %mul3A_259 = arith.muli %add3A_257, %mul3A_258 : i32
      %dma_start3A = arith.constant 4 : i32
      %dma_start3A_260 = arith.constant 0 : i32
      %dma_start3A_261 = arith.constant 0 : i32
      %dma_start3A_262 = tpu.memref_slice %arg5[%dma_start3A, %dma_start3A_260, %dma_start3A_261] : memref<8x40x128xf32, #tpu.memory_space<vmem>> -> memref<1x40x128xf32, #tpu.memory_space<vmem>>
      %dma_start3A_263 = tpu.memref_squeeze %dma_start3A_262 : memref<1x40x128xf32, #tpu.memory_space<vmem>> -> memref<40x128xf32, #tpu.memory_space<vmem>>
      %dma_start3A_264 = arith.constant 0 : i32
      %dma_start3A_265 = tpu.memref_slice %arg2[%mul3A_259, %dma_start3A_264] : memref<320000x128xf32, #tpu.memory_space<hbm>> -> memref<40x128xf32, #tpu.memory_space<hbm>>
      %dma_start3A_266 = arith.constant 0 : i32
      %dma_start3A_267 = arith.constant 0 : i32
      %dma_start3A_268 = tpu.memref_slice %arg5[%dma_start3A, %dma_start3A_266, %dma_start3A_267] : memref<8x40x128xf32, #tpu.memory_space<vmem>> -> memref<1x40x128xf32, #tpu.memory_space<vmem>>
      %dma_start3A_269 = tpu.memref_squeeze %dma_start3A_268 : memref<1x40x128xf32, #tpu.memory_space<vmem>> -> memref<40x128xf32, #tpu.memory_space<vmem>>
      %dma_start3A_270 = arith.constant 0 : i32
      %dma_start3A_271 = tpu.memref_slice %arg2[%mul3A_259, %dma_start3A_270] : memref<320000x128xf32, #tpu.memory_space<hbm>> -> memref<40x128xf32, #tpu.memory_space<hbm>>
      tpu.enqueue_dma source(%dma_start3A_271 : memref<40x128xf32, #tpu.memory_space<hbm>>) target(%dma_start3A_269 : memref<40x128xf32, #tpu.memory_space<vmem>>) target_semaphore(%arg16 : memref<!tpu.dma_semaphore, #tpu.memory_space<semaphore_mem>>)
      %dma_start3A_272 = arith.constant 4 : i32
      %dma_start3A_273 = arith.constant 0 : i32
      %dma_start3A_274 = tpu.memref_slice %arg6[%dma_start3A_272, %dma_start3A_273] : memref<8x40xi32, #tpu.memory_space<vmem>> -> memref<1x40xi32, #tpu.memory_space<vmem>>
      %dma_start3A_275 = tpu.memref_squeeze %dma_start3A_274 : memref<1x40xi32, #tpu.memory_space<vmem>> -> memref<40xi32, #tpu.memory_space<vmem>>
      %dma_start3A_276 = tpu.memref_slice %arg3[%mul3A_259] : memref<320000xi32, #tpu.memory_space<hbm>> -> memref<40xi32, #tpu.memory_space<hbm>>
      %dma_start3A_277 = arith.constant 0 : i32
      %dma_start3A_278 = tpu.memref_slice %arg6[%dma_start3A_272, %dma_start3A_277] : memref<8x40xi32, #tpu.memory_space<vmem>> -> memref<1x40xi32, #tpu.memory_space<vmem>>
      %dma_start3A_279 = tpu.memref_squeeze %dma_start3A_278 : memref<1x40xi32, #tpu.memory_space<vmem>> -> memref<40xi32, #tpu.memory_space<vmem>>
      %dma_start3A_280 = tpu.memref_slice %arg3[%mul3A_259] : memref<320000xi32, #tpu.memory_space<hbm>> -> memref<40xi32, #tpu.memory_space<hbm>>
      tpu.enqueue_dma source(%dma_start3A_280 : memref<40xi32, #tpu.memory_space<hbm>>) target(%dma_start3A_279 : memref<40xi32, #tpu.memory_space<vmem>>) target_semaphore(%arg24 : memref<!tpu.dma_semaphore, #tpu.memory_space<semaphore_mem>>)
    } else {
    }
    %gt3A_153 = arith.constant 5 : i32
    %gt3A_154 = arith.cmpi sgt, %sub3A_128, %gt3A_153 : i32
    %convert_element_type3A_155 = arith.extui %gt3A_154 : i1 to i32
    %cond3A_156 = arith.constant 0 : i32
    %cond3A_157 = arith.cmpi ne, %convert_element_type3A_155, %cond3A_156 : i32
    scf.if %cond3A_157 {
      %add3A_256 = arith.constant 5 : i32
      %add3A_257 = arith.addi %add3A_99, %add3A_256 : i32
      %mul3A_258 = arith.constant 40 : i32
      %mul3A_259 = arith.muli %add3A_257, %mul3A_258 : i32
      %dma_start3A = arith.constant 5 : i32
      %dma_start3A_260 = arith.constant 0 : i32
      %dma_start3A_261 = arith.constant 0 : i32
      %dma_start3A_262 = tpu.memref_slice %arg5[%dma_start3A, %dma_start3A_260, %dma_start3A_261] : memref<8x40x128xf32, #tpu.memory_space<vmem>> -> memref<1x40x128xf32, #tpu.memory_space<vmem>>
      %dma_start3A_263 = tpu.memref_squeeze %dma_start3A_262 : memref<1x40x128xf32, #tpu.memory_space<vmem>> -> memref<40x128xf32, #tpu.memory_space<vmem>>
      %dma_start3A_264 = arith.constant 0 : i32
      %dma_start3A_265 = tpu.memref_slice %arg2[%mul3A_259, %dma_start3A_264] : memref<320000x128xf32, #tpu.memory_space<hbm>> -> memref<40x128xf32, #tpu.memory_space<hbm>>
      %dma_start3A_266 = arith.constant 0 : i32
      %dma_start3A_267 = arith.constant 0 : i32
      %dma_start3A_268 = tpu.memref_slice %arg5[%dma_start3A, %dma_start3A_266, %dma_start3A_267] : memref<8x40x128xf32, #tpu.memory_space<vmem>> -> memref<1x40x128xf32, #tpu.memory_space<vmem>>
      %dma_start3A_269 = tpu.memref_squeeze %dma_start3A_268 : memref<1x40x128xf32, #tpu.memory_space<vmem>> -> memref<40x128xf32, #tpu.memory_space<vmem>>
      %dma_start3A_270 = arith.constant 0 : i32
      %dma_start3A_271 = tpu.memref_slice %arg2[%mul3A_259, %dma_start3A_270] : memref<320000x128xf32, #tpu.memory_space<hbm>> -> memref<40x128xf32, #tpu.memory_space<hbm>>
      tpu.enqueue_dma source(%dma_start3A_271 : memref<40x128xf32, #tpu.memory_space<hbm>>) target(%dma_start3A_269 : memref<40x128xf32, #tpu.memory_space<vmem>>) target_semaphore(%arg17 : memref<!tpu.dma_semaphore, #tpu.memory_space<semaphore_mem>>)
      %dma_start3A_272 = arith.constant 5 : i32
      %dma_start3A_273 = arith.constant 0 : i32
      %dma_start3A_274 = tpu.memref_slice %arg6[%dma_start3A_272, %dma_start3A_273] : memref<8x40xi32, #tpu.memory_space<vmem>> -> memref<1x40xi32, #tpu.memory_space<vmem>>
      %dma_start3A_275 = tpu.memref_squeeze %dma_start3A_274 : memref<1x40xi32, #tpu.memory_space<vmem>> -> memref<40xi32, #tpu.memory_space<vmem>>
      %dma_start3A_276 = tpu.memref_slice %arg3[%mul3A_259] : memref<320000xi32, #tpu.memory_space<hbm>> -> memref<40xi32, #tpu.memory_space<hbm>>
      %dma_start3A_277 = arith.constant 0 : i32
      %dma_start3A_278 = tpu.memref_slice %arg6[%dma_start3A_272, %dma_start3A_277] : memref<8x40xi32, #tpu.memory_space<vmem>> -> memref<1x40xi32, #tpu.memory_space<vmem>>
      %dma_start3A_279 = tpu.memref_squeeze %dma_start3A_278 : memref<1x40xi32, #tpu.memory_space<vmem>> -> memref<40xi32, #tpu.memory_space<vmem>>
      %dma_start3A_280 = tpu.memref_slice %arg3[%mul3A_259] : memref<320000xi32, #tpu.memory_space<hbm>> -> memref<40xi32, #tpu.memory_space<hbm>>
      tpu.enqueue_dma source(%dma_start3A_280 : memref<40xi32, #tpu.memory_space<hbm>>) target(%dma_start3A_279 : memref<40xi32, #tpu.memory_space<vmem>>) target_semaphore(%arg25 : memref<!tpu.dma_semaphore, #tpu.memory_space<semaphore_mem>>)
    } else {
    }
    %barrier3A = arith.constant 0 : index
    tpu.barrier barrier_id(%barrier3A)
    %add3A_158 = arith.constant 8 : i32
    %add3A_159 = arith.addi %sub3A_128, %add3A_158 : i32
    %sub3A_160 = arith.constant 1 : i32
    %sub3A_161 = arith.subi %add3A_159, %sub3A_160 : i32
    %jit3A_162 = arith.constant 8 : i32
    %div3A_163 = arith.divsi %sub3A_161, %jit3A_162 : i32
    %sign3A_164 = arith.constant 0 : i32
    %sign3A_165 = arith.cmpi sgt, %sub3A_161, %sign3A_164 : i32
    %sign3A_166 = arith.extui %sign3A_165 : i1 to i32
    %sign3A_167 = arith.constant 0 : i32
    %sign3A_168 = arith.cmpi slt, %sub3A_161, %sign3A_167 : i32
    %sign3A_169 = arith.extui %sign3A_168 : i1 to i32
    %sign3A_170 = arith.subi %sign3A_166, %sign3A_169 : i32
    %sign3A_171 = arith.constant 0 : i32
    %sign3A_172 = arith.cmpi sgt, %jit3A_162, %sign3A_171 : i32
    %sign3A_173 = arith.extui %sign3A_172 : i1 to i32
    %sign3A_174 = arith.constant 0 : i32
    %sign3A_175 = arith.cmpi slt, %jit3A_162, %sign3A_174 : i32
    %sign3A_176 = arith.extui %sign3A_175 : i1 to i32
    %sign3A_177 = arith.subi %sign3A_173, %sign3A_176 : i32
    %ne3A_178 = arith.cmpi ne, %sign3A_170, %sign3A_177 : i32
    %rem3A_179 = arith.remsi %sub3A_161, %jit3A_162 : i32
    %ne3A_180 = arith.constant 0 : i32
    %ne3A_181 = arith.cmpi ne, %rem3A_179, %ne3A_180 : i32
    %and3A_182 = arith.andi %ne3A_178, %ne3A_181 : i1
    %sub3A_183 = arith.constant 1 : i32
    %sub3A_184 = arith.subi %div3A_163, %sub3A_183 : i32
    %select_n3A_185 = arith.select %and3A_182, %sub3A_184, %div3A_163 : i32
    %while3A = arith.constant 0 : i32
    %while3A_186 = arith.constant 0 : i32
    %while3A_187 = arith.subi %select_n3A_185, %while3A : i32
    %while3A_188 = arith.addi %while3A, %while3A_187 : i32
    %while3A_189 = arith.constant 1 : i32
    %while3A_190 = arith.divsi %while3A_187, %while3A_189 : i32
    %while3A_191 = arith.muli %while3A_190, %while3A_189 : i32
    %while3A_192 = arith.addi %while3A, %while3A_191 : i32
    %while3A_193 = arith.constant 1 : i32
    %while3A_194 = scf.for %while3A_256 = %while3A to %while3A_192 step %while3A_193 iter_args(%while3A_257 = %while3A_186) -> (i32)  : i32 {
      %mul3A_258 = arith.constant 8 : i32
      %mul3A_259 = arith.muli %mul3A_258, %while3A_256 : i32
      %add3A_260 = arith.constant 0 : i32
      %add3A_261 = arith.addi %mul3A_259, %add3A_260 : i32
      %lt3A = arith.cmpi slt, %add3A_261, %sub3A_128 : i32
      %convert_element_type3A_262 = arith.extui %lt3A : i1 to i32
      %cond3A_263 = arith.constant 0 : i32
      %cond3A_264 = arith.cmpi ne, %convert_element_type3A_262, %cond3A_263 : i32
      scf.if %cond3A_264 {
        %dma_wait3A = arith.constant 0 : i32
        %dma_wait3A_322 = arith.constant 0 : i32
        %dma_wait3A_323 = arith.constant 0 : i32
        %dma_wait3A_324 = tpu.memref_slice %arg5[%dma_wait3A, %dma_wait3A_322, %dma_wait3A_323] : memref<8x40x128xf32, #tpu.memory_space<vmem>> -> memref<1x40x128xf32, #tpu.memory_space<vmem>>
        %dma_wait3A_325 = tpu.memref_squeeze %dma_wait3A_324 : memref<1x40x128xf32, #tpu.memory_space<vmem>> -> memref<40x128xf32, #tpu.memory_space<vmem>>
        %dma_wait3A_326 = arith.constant 0 : i32
        %dma_wait3A_327 = arith.constant 0 : i32
        %dma_wait3A_328 = tpu.memref_slice %arg2[%dma_wait3A_326, %dma_wait3A_327] : memref<320000x128xf32, #tpu.memory_space<hbm>> -> memref<40x128xf32, #tpu.memory_space<hbm>>
        %dma_wait3A_329 = arith.constant 0 : i32
        %dma_wait3A_330 = arith.constant 0 : i32
        %dma_wait3A_331 = tpu.memref_slice %arg5[%dma_wait3A, %dma_wait3A_329, %dma_wait3A_330] : memref<8x40x128xf32, #tpu.memory_space<vmem>> -> memref<1x40x128xf32, #tpu.memory_space<vmem>>
        %dma_wait3A_332 = tpu.memref_squeeze %dma_wait3A_331 : memref<1x40x128xf32, #tpu.memory_space<vmem>> -> memref<40x128xf32, #tpu.memory_space<vmem>>
        %dma_wait3A_333 = arith.constant 0 : i32
        %dma_wait3A_334 = arith.constant 0 : i32
        %dma_wait3A_335 = tpu.memref_slice %arg2[%dma_wait3A_333, %dma_wait3A_334] : memref<320000x128xf32, #tpu.memory_space<hbm>> -> memref<40x128xf32, #tpu.memory_space<hbm>>
        tpu.wait_dma2 semaphore(%arg12 : memref<!tpu.dma_semaphore, #tpu.memory_space<semaphore_mem>>) src(%dma_wait3A_335 : memref<40x128xf32, #tpu.memory_space<hbm>>) dst(%dma_wait3A_332 : memref<40x128xf32, #tpu.memory_space<vmem>>)
        %dma_wait3A_336 = arith.constant 0 : i32
        %dma_wait3A_337 = arith.constant 0 : i32
        %dma_wait3A_338 = tpu.memref_slice %arg6[%dma_wait3A_336, %dma_wait3A_337] : memref<8x40xi32, #tpu.memory_space<vmem>> -> memref<1x40xi32, #tpu.memory_space<vmem>>
        %dma_wait3A_339 = tpu.memref_squeeze %dma_wait3A_338 : memref<1x40xi32, #tpu.memory_space<vmem>> -> memref<40xi32, #tpu.memory_space<vmem>>
        %dma_wait3A_340 = arith.constant 0 : i32
        %dma_wait3A_341 = tpu.memref_slice %arg3[%dma_wait3A_340] : memref<320000xi32, #tpu.memory_space<hbm>> -> memref<40xi32, #tpu.memory_space<hbm>>
        %dma_wait3A_342 = arith.constant 0 : i32
        %dma_wait3A_343 = tpu.memref_slice %arg6[%dma_wait3A_336, %dma_wait3A_342] : memref<8x40xi32, #tpu.memory_space<vmem>> -> memref<1x40xi32, #tpu.memory_space<vmem>>
        %dma_wait3A_344 = tpu.memref_squeeze %dma_wait3A_343 : memref<1x40xi32, #tpu.memory_space<vmem>> -> memref<40xi32, #tpu.memory_space<vmem>>
        %dma_wait3A_345 = arith.constant 0 : i32
        %dma_wait3A_346 = tpu.memref_slice %arg3[%dma_wait3A_345] : memref<320000xi32, #tpu.memory_space<hbm>> -> memref<40xi32, #tpu.memory_space<hbm>>
        tpu.wait_dma2 semaphore(%arg20 : memref<!tpu.dma_semaphore, #tpu.memory_space<semaphore_mem>>) src(%dma_wait3A_346 : memref<40xi32, #tpu.memory_space<hbm>>) dst(%dma_wait3A_344 : memref<40xi32, #tpu.memory_space<vmem>>)
        %dma_start3A = arith.constant 0 : i32
        %dma_start3A_347 = arith.constant 0 : i32
        %dma_start3A_348 = arith.constant 0 : i32
        %dma_start3A_349 = arith.constant 0 : i32
        %dma_start3A_350 = tpu.memref_slice %arg5[%dma_start3A, %dma_start3A_348, %dma_start3A_349] : memref<8x40x128xf32, #tpu.memory_space<vmem>> -> memref<1x40x128xf32, #tpu.memory_space<vmem>>
        %dma_start3A_351 = tpu.memref_squeeze %dma_start3A_350 : memref<1x40x128xf32, #tpu.memory_space<vmem>> -> memref<40x128xf32, #tpu.memory_space<vmem>>
        %dma_start3A_352 = arith.constant 0 : i32
        %dma_start3A_353 = tpu.memref_slice %arg6[%dma_start3A_347, %dma_start3A_352] : memref<8x40xi32, #tpu.memory_space<vmem>> -> memref<1x40xi32, #tpu.memory_space<vmem>>
        %dma_start3A_354 = tpu.memref_squeeze %dma_start3A_353 : memref<1x40xi32, #tpu.memory_space<vmem>> -> memref<40xi32, #tpu.memory_space<vmem>>
        %dma_start3A_355 = arith.constant 0 : i32
        %dma_start3A_356 = arith.constant 0 : i32
        %dma_start3A_357 = tpu.memref_slice %arg11[%dma_start3A_355, %dma_start3A_356] : memref<10008x128xf32, #tpu.memory_space<vmem_shared>> -> memref<10008x128xf32, #tpu.memory_space<vmem_shared>>
        tpu.enqueue_indirect_dma source(%dma_start3A_351 : memref<40x128xf32, #tpu.memory_space<vmem>>) target(%dma_start3A_357 : memref<10008x128xf32, #tpu.memory_space<vmem_shared>>) offsets(%dma_start3A_354 : memref<40xi32, #tpu.memory_space<vmem>>) semaphore(%arg28 : memref<!tpu.dma_semaphore, #tpu.memory_space<semaphore_mem>>) {add = true}
        %add3A_358 = arith.constant 6 : i32
        %add3A_359 = arith.addi %add3A_261, %add3A_358 : i32
        %lt3A_360 = arith.cmpi slt, %add3A_359, %sub3A_128 : i32
        %convert_element_type3A_361 = arith.extui %lt3A_360 : i1 to i32
        %cond3A_362 = arith.constant 0 : i32
        %cond3A_363 = arith.cmpi ne, %convert_element_type3A_361, %cond3A_362 : i32
        scf.if %cond3A_363 {
          %ge3A = arith.constant 8 : i32
          %ge3A_364 = arith.cmpi sge, %add3A_359, %ge3A : i32
          %convert_element_type3A_365 = arith.extui %ge3A_364 : i1 to i32
          %cond3A_366 = arith.constant 0 : i32
          %cond3A_367 = arith.cmpi ne, %convert_element_type3A_365, %cond3A_366 : i32
          scf.if %cond3A_367 {
            %dma_wait3A_393 = arith.constant 6 : i32
            %dma_wait3A_394 = arith.constant 6 : i32
            %dma_wait3A_395 = arith.constant 0 : i32
            %dma_wait3A_396 = arith.constant 0 : i32
            %dma_wait3A_397 = tpu.memref_slice %arg5[%dma_wait3A_393, %dma_wait3A_395, %dma_wait3A_396] : memref<8x40x128xf32, #tpu.memory_space<vmem>> -> memref<1x40x128xf32, #tpu.memory_space<vmem>>
            %dma_wait3A_398 = tpu.memref_squeeze %dma_wait3A_397 : memref<1x40x128xf32, #tpu.memory_space<vmem>> -> memref<40x128xf32, #tpu.memory_space<vmem>>
            %dma_wait3A_399 = arith.constant 0 : i32
            %dma_wait3A_400 = tpu.memref_slice %arg6[%dma_wait3A_394, %dma_wait3A_399] : memref<8x40xi32, #tpu.memory_space<vmem>> -> memref<1x40xi32, #tpu.memory_space<vmem>>
            %dma_wait3A_401 = tpu.memref_squeeze %dma_wait3A_400 : memref<1x40xi32, #tpu.memory_space<vmem>> -> memref<40xi32, #tpu.memory_space<vmem>>
            %dma_wait3A_402 = arith.constant 0 : i32
            %dma_wait3A_403 = arith.constant 0 : i32
            %dma_wait3A_404 = tpu.memref_slice %arg11[%dma_wait3A_402, %dma_wait3A_403] : memref<10008x128xf32, #tpu.memory_space<vmem_shared>> -> memref<10008x128xf32, #tpu.memory_space<vmem_shared>>
            tpu.wait_indirect_dma semaphore(%arg34 : memref<!tpu.dma_semaphore, #tpu.memory_space<semaphore_mem>>) src(%dma_wait3A_398 : memref<40x128xf32, #tpu.memory_space<vmem>>) dst(%dma_wait3A_404 : memref<10008x128xf32, #tpu.memory_space<vmem_shared>>)
          } else {
          }
          %add3A_368 = arith.addi %add3A_99, %add3A_359 : i32
          %mul3A_369 = arith.constant 40 : i32
          %mul3A_370 = arith.muli %add3A_368, %mul3A_369 : i32
          %dma_start3A_371 = arith.constant 6 : i32
          %dma_start3A_372 = arith.constant 0 : i32
          %dma_start3A_373 = arith.constant 0 : i32
          %dma_start3A_374 = tpu.memref_slice %arg5[%dma_start3A_371, %dma_start3A_372, %dma_start3A_373] : memref<8x40x128xf32, #tpu.memory_space<vmem>> -> memref<1x40x128xf32, #tpu.memory_space<vmem>>
          %dma_start3A_375 = tpu.memref_squeeze %dma_start3A_374 : memref<1x40x128xf32, #tpu.memory_space<vmem>> -> memref<40x128xf32, #tpu.memory_space<vmem>>
          %dma_start3A_376 = arith.constant 0 : i32
          %dma_start3A_377 = tpu.memref_slice %arg2[%mul3A_370, %dma_start3A_376] : memref<320000x128xf32, #tpu.memory_space<hbm>> -> memref<40x128xf32, #tpu.memory_space<hbm>>
          %dma_start3A_378 = arith.constant 0 : i32
          %dma_start3A_379 = arith.constant 0 : i32
          %dma_start3A_380 = tpu.memref_slice %arg5[%dma_start3A_371, %dma_start3A_378, %dma_start3A_379] : memref<8x40x128xf32, #tpu.memory_space<vmem>> -> memref<1x40x128xf32, #tpu.memory_space<vmem>>
          %dma_start3A_381 = tpu.memref_squeeze %dma_start3A_380 : memref<1x40x128xf32, #tpu.memory_space<vmem>> -> memref<40x128xf32, #tpu.memory_space<vmem>>
          %dma_start3A_382 = arith.constant 0 : i32
          %dma_start3A_383 = tpu.memref_slice %arg2[%mul3A_370, %dma_start3A_382] : memref<320000x128xf32, #tpu.memory_space<hbm>> -> memref<40x128xf32, #tpu.memory_space<hbm>>
          tpu.enqueue_dma source(%dma_start3A_383 : memref<40x128xf32, #tpu.memory_space<hbm>>) target(%dma_start3A_381 : memref<40x128xf32, #tpu.memory_space<vmem>>) target_semaphore(%arg18 : memref<!tpu.dma_semaphore, #tpu.memory_space<semaphore_mem>>)
          %dma_start3A_384 = arith.constant 6 : i32
          %dma_start3A_385 = arith.constant 0 : i32
          %dma_start3A_386 = tpu.memref_slice %arg6[%dma_start3A_384, %dma_start3A_385] : memref<8x40xi32, #tpu.memory_space<vmem>> -> memref<1x40xi32, #tpu.memory_space<vmem>>
          %dma_start3A_387 = tpu.memref_squeeze %dma_start3A_386 : memref<1x40xi32, #tpu.memory_space<vmem>> -> memref<40xi32, #tpu.memory_space<vmem>>
          %dma_start3A_388 = tpu.memref_slice %arg3[%mul3A_370] : memref<320000xi32, #tpu.memory_space<hbm>> -> memref<40xi32, #tpu.memory_space<hbm>>
          %dma_start3A_389 = arith.constant 0 : i32
          %dma_start3A_390 = tpu.memref_slice %arg6[%dma_start3A_384, %dma_start3A_389] : memref<8x40xi32, #tpu.memory_space<vmem>> -> memref<1x40xi32, #tpu.memory_space<vmem>>
          %dma_start3A_391 = tpu.memref_squeeze %dma_start3A_390 : memref<1x40xi32, #tpu.memory_space<vmem>> -> memref<40xi32, #tpu.memory_space<vmem>>
          %dma_start3A_392 = tpu.memref_slice %arg3[%mul3A_370] : memref<320000xi32, #tpu.memory_space<hbm>> -> memref<40xi32, #tpu.memory_space<hbm>>
          tpu.enqueue_dma source(%dma_start3A_392 : memref<40xi32, #tpu.memory_space<hbm>>) target(%dma_start3A_391 : memref<40xi32, #tpu.memory_space<vmem>>) target_semaphore(%arg26 : memref<!tpu.dma_semaphore, #tpu.memory_space<semaphore_mem>>)
        } else {
        }
      } else {
      }
      %mul3A_265 = arith.constant 8 : i32
      %mul3A_266 = arith.muli %mul3A_265, %while3A_256 : i32
      %add3A_267 = arith.constant 1 : i32
      %add3A_268 = arith.addi %mul3A_266, %add3A_267 : i32
      %lt3A_269 = arith.cmpi slt, %add3A_268, %sub3A_128 : i32
      %convert_element_type3A_270 = arith.extui %lt3A_269 : i1 to i32
      %cond3A_271 = arith.constant 0 : i32
      %cond3A_272 = arith.cmpi ne, %convert_element_type3A_270, %cond3A_271 : i32
      scf.if %cond3A_272 {
        %dma_wait3A = arith.constant 1 : i32
        %dma_wait3A_322 = arith.constant 0 : i32
        %dma_wait3A_323 = arith.constant 0 : i32
        %dma_wait3A_324 = tpu.memref_slice %arg5[%dma_wait3A, %dma_wait3A_322, %dma_wait3A_323] : memref<8x40x128xf32, #tpu.memory_space<vmem>> -> memref<1x40x128xf32, #tpu.memory_space<vmem>>
        %dma_wait3A_325 = tpu.memref_squeeze %dma_wait3A_324 : memref<1x40x128xf32, #tpu.memory_space<vmem>> -> memref<40x128xf32, #tpu.memory_space<vmem>>
        %dma_wait3A_326 = arith.constant 0 : i32
        %dma_wait3A_327 = arith.constant 0 : i32
        %dma_wait3A_328 = tpu.memref_slice %arg2[%dma_wait3A_326, %dma_wait3A_327] : memref<320000x128xf32, #tpu.memory_space<hbm>> -> memref<40x128xf32, #tpu.memory_space<hbm>>
        %dma_wait3A_329 = arith.constant 0 : i32
        %dma_wait3A_330 = arith.constant 0 : i32
        %dma_wait3A_331 = tpu.memref_slice %arg5[%dma_wait3A, %dma_wait3A_329, %dma_wait3A_330] : memref<8x40x128xf32, #tpu.memory_space<vmem>> -> memref<1x40x128xf32, #tpu.memory_space<vmem>>
        %dma_wait3A_332 = tpu.memref_squeeze %dma_wait3A_331 : memref<1x40x128xf32, #tpu.memory_space<vmem>> -> memref<40x128xf32, #tpu.memory_space<vmem>>
        %dma_wait3A_333 = arith.constant 0 : i32
        %dma_wait3A_334 = arith.constant 0 : i32
        %dma_wait3A_335 = tpu.memref_slice %arg2[%dma_wait3A_333, %dma_wait3A_334] : memref<320000x128xf32, #tpu.memory_space<hbm>> -> memref<40x128xf32, #tpu.memory_space<hbm>>
        tpu.wait_dma2 semaphore(%arg13 : memref<!tpu.dma_semaphore, #tpu.memory_space<semaphore_mem>>) src(%dma_wait3A_335 : memref<40x128xf32, #tpu.memory_space<hbm>>) dst(%dma_wait3A_332 : memref<40x128xf32, #tpu.memory_space<vmem>>)
        %dma_wait3A_336 = arith.constant 1 : i32
        %dma_wait3A_337 = arith.constant 0 : i32
        %dma_wait3A_338 = tpu.memref_slice %arg6[%dma_wait3A_336, %dma_wait3A_337] : memref<8x40xi32, #tpu.memory_space<vmem>> -> memref<1x40xi32, #tpu.memory_space<vmem>>
        %dma_wait3A_339 = tpu.memref_squeeze %dma_wait3A_338 : memref<1x40xi32, #tpu.memory_space<vmem>> -> memref<40xi32, #tpu.memory_space<vmem>>
        %dma_wait3A_340 = arith.constant 0 : i32
        %dma_wait3A_341 = tpu.memref_slice %arg3[%dma_wait3A_340] : memref<320000xi32, #tpu.memory_space<hbm>> -> memref<40xi32, #tpu.memory_space<hbm>>
        %dma_wait3A_342 = arith.constant 0 : i32
        %dma_wait3A_343 = tpu.memref_slice %arg6[%dma_wait3A_336, %dma_wait3A_342] : memref<8x40xi32, #tpu.memory_space<vmem>> -> memref<1x40xi32, #tpu.memory_space<vmem>>
        %dma_wait3A_344 = tpu.memref_squeeze %dma_wait3A_343 : memref<1x40xi32, #tpu.memory_space<vmem>> -> memref<40xi32, #tpu.memory_space<vmem>>
        %dma_wait3A_345 = arith.constant 0 : i32
        %dma_wait3A_346 = tpu.memref_slice %arg3[%dma_wait3A_345] : memref<320000xi32, #tpu.memory_space<hbm>> -> memref<40xi32, #tpu.memory_space<hbm>>
        tpu.wait_dma2 semaphore(%arg21 : memref<!tpu.dma_semaphore, #tpu.memory_space<semaphore_mem>>) src(%dma_wait3A_346 : memref<40xi32, #tpu.memory_space<hbm>>) dst(%dma_wait3A_344 : memref<40xi32, #tpu.memory_space<vmem>>)
        %dma_start3A = arith.constant 1 : i32
        %dma_start3A_347 = arith.constant 1 : i32
        %dma_start3A_348 = arith.constant 0 : i32
        %dma_start3A_349 = arith.constant 0 : i32
        %dma_start3A_350 = tpu.memref_slice %arg5[%dma_start3A, %dma_start3A_348, %dma_start3A_349] : memref<8x40x128xf32, #tpu.memory_space<vmem>> -> memref<1x40x128xf32, #tpu.memory_space<vmem>>
        %dma_start3A_351 = tpu.memref_squeeze %dma_start3A_350 : memref<1x40x128xf32, #tpu.memory_space<vmem>> -> memref<40x128xf32, #tpu.memory_space<vmem>>
        %dma_start3A_352 = arith.constant 0 : i32
        %dma_start3A_353 = tpu.memref_slice %arg6[%dma_start3A_347, %dma_start3A_352] : memref<8x40xi32, #tpu.memory_space<vmem>> -> memref<1x40xi32, #tpu.memory_space<vmem>>
        %dma_start3A_354 = tpu.memref_squeeze %dma_start3A_353 : memref<1x40xi32, #tpu.memory_space<vmem>> -> memref<40xi32, #tpu.memory_space<vmem>>
        %dma_start3A_355 = arith.constant 0 : i32
        %dma_start3A_356 = arith.constant 0 : i32
        %dma_start3A_357 = tpu.memref_slice %arg11[%dma_start3A_355, %dma_start3A_356] : memref<10008x128xf32, #tpu.memory_space<vmem_shared>> -> memref<10008x128xf32, #tpu.memory_space<vmem_shared>>
        tpu.enqueue_indirect_dma source(%dma_start3A_351 : memref<40x128xf32, #tpu.memory_space<vmem>>) target(%dma_start3A_357 : memref<10008x128xf32, #tpu.memory_space<vmem_shared>>) offsets(%dma_start3A_354 : memref<40xi32, #tpu.memory_space<vmem>>) semaphore(%arg29 : memref<!tpu.dma_semaphore, #tpu.memory_space<semaphore_mem>>) {add = true}
        %add3A_358 = arith.constant 6 : i32
        %add3A_359 = arith.addi %add3A_268, %add3A_358 : i32
        %lt3A_360 = arith.cmpi slt, %add3A_359, %sub3A_128 : i32
        %convert_element_type3A_361 = arith.extui %lt3A_360 : i1 to i32
        %cond3A_362 = arith.constant 0 : i32
        %cond3A_363 = arith.cmpi ne, %convert_element_type3A_361, %cond3A_362 : i32
        scf.if %cond3A_363 {
          %ge3A = arith.constant 8 : i32
          %ge3A_364 = arith.cmpi sge, %add3A_359, %ge3A : i32
          %convert_element_type3A_365 = arith.extui %ge3A_364 : i1 to i32
          %cond3A_366 = arith.constant 0 : i32
          %cond3A_367 = arith.cmpi ne, %convert_element_type3A_365, %cond3A_366 : i32
          scf.if %cond3A_367 {
            %dma_wait3A_393 = arith.constant 7 : i32
            %dma_wait3A_394 = arith.constant 7 : i32
            %dma_wait3A_395 = arith.constant 0 : i32
            %dma_wait3A_396 = arith.constant 0 : i32
            %dma_wait3A_397 = tpu.memref_slice %arg5[%dma_wait3A_393, %dma_wait3A_395, %dma_wait3A_396] : memref<8x40x128xf32, #tpu.memory_space<vmem>> -> memref<1x40x128xf32, #tpu.memory_space<vmem>>
            %dma_wait3A_398 = tpu.memref_squeeze %dma_wait3A_397 : memref<1x40x128xf32, #tpu.memory_space<vmem>> -> memref<40x128xf32, #tpu.memory_space<vmem>>
            %dma_wait3A_399 = arith.constant 0 : i32
            %dma_wait3A_400 = tpu.memref_slice %arg6[%dma_wait3A_394, %dma_wait3A_399] : memref<8x40xi32, #tpu.memory_space<vmem>> -> memref<1x40xi32, #tpu.memory_space<vmem>>
            %dma_wait3A_401 = tpu.memref_squeeze %dma_wait3A_400 : memref<1x40xi32, #tpu.memory_space<vmem>> -> memref<40xi32, #tpu.memory_space<vmem>>
            %dma_wait3A_402 = arith.constant 0 : i32
            %dma_wait3A_403 = arith.constant 0 : i32
            %dma_wait3A_404 = tpu.memref_slice %arg11[%dma_wait3A_402, %dma_wait3A_403] : memref<10008x128xf32, #tpu.memory_space<vmem_shared>> -> memref<10008x128xf32, #tpu.memory_space<vmem_shared>>
            tpu.wait_indirect_dma semaphore(%arg35 : memref<!tpu.dma_semaphore, #tpu.memory_space<semaphore_mem>>) src(%dma_wait3A_398 : memref<40x128xf32, #tpu.memory_space<vmem>>) dst(%dma_wait3A_404 : memref<10008x128xf32, #tpu.memory_space<vmem_shared>>)
          } else {
          }
          %add3A_368 = arith.addi %add3A_99, %add3A_359 : i32
          %mul3A_369 = arith.constant 40 : i32
          %mul3A_370 = arith.muli %add3A_368, %mul3A_369 : i32
          %dma_start3A_371 = arith.constant 7 : i32
          %dma_start3A_372 = arith.constant 0 : i32
          %dma_start3A_373 = arith.constant 0 : i32
          %dma_start3A_374 = tpu.memref_slice %arg5[%dma_start3A_371, %dma_start3A_372, %dma_start3A_373] : memref<8x40x128xf32, #tpu.memory_space<vmem>> -> memref<1x40x128xf32, #tpu.memory_space<vmem>>
          %dma_start3A_375 = tpu.memref_squeeze %dma_start3A_374 : memref<1x40x128xf32, #tpu.memory_space<vmem>> -> memref<40x128xf32, #tpu.memory_space<vmem>>
          %dma_start3A_376 = arith.constant 0 : i32
          %dma_start3A_377 = tpu.memref_slice %arg2[%mul3A_370, %dma_start3A_376] : memref<320000x128xf32, #tpu.memory_space<hbm>> -> memref<40x128xf32, #tpu.memory_space<hbm>>
          %dma_start3A_378 = arith.constant 0 : i32
          %dma_start3A_379 = arith.constant 0 : i32
          %dma_start3A_380 = tpu.memref_slice %arg5[%dma_start3A_371, %dma_start3A_378, %dma_start3A_379] : memref<8x40x128xf32, #tpu.memory_space<vmem>> -> memref<1x40x128xf32, #tpu.memory_space<vmem>>
          %dma_start3A_381 = tpu.memref_squeeze %dma_start3A_380 : memref<1x40x128xf32, #tpu.memory_space<vmem>> -> memref<40x128xf32, #tpu.memory_space<vmem>>
          %dma_start3A_382 = arith.constant 0 : i32
          %dma_start3A_383 = tpu.memref_slice %arg2[%mul3A_370, %dma_start3A_382] : memref<320000x128xf32, #tpu.memory_space<hbm>> -> memref<40x128xf32, #tpu.memory_space<hbm>>
          tpu.enqueue_dma source(%dma_start3A_383 : memref<40x128xf32, #tpu.memory_space<hbm>>) target(%dma_start3A_381 : memref<40x128xf32, #tpu.memory_space<vmem>>) target_semaphore(%arg19 : memref<!tpu.dma_semaphore, #tpu.memory_space<semaphore_mem>>)
          %dma_start3A_384 = arith.constant 7 : i32
          %dma_start3A_385 = arith.constant 0 : i32
          %dma_start3A_386 = tpu.memref_slice %arg6[%dma_start3A_384, %dma_start3A_385] : memref<8x40xi32, #tpu.memory_space<vmem>> -> memref<1x40xi32, #tpu.memory_space<vmem>>
          %dma_start3A_387 = tpu.memref_squeeze %dma_start3A_386 : memref<1x40xi32, #tpu.memory_space<vmem>> -> memref<40xi32, #tpu.memory_space<vmem>>
          %dma_start3A_388 = tpu.memref_slice %arg3[%mul3A_370] : memref<320000xi32, #tpu.memory_space<hbm>> -> memref<40xi32, #tpu.memory_space<hbm>>
          %dma_start3A_389 = arith.constant 0 : i32
          %dma_start3A_390 = tpu.memref_slice %arg6[%dma_start3A_384, %dma_start3A_389] : memref<8x40xi32, #tpu.memory_space<vmem>> -> memref<1x40xi32, #tpu.memory_space<vmem>>
          %dma_start3A_391 = tpu.memref_squeeze %dma_start3A_390 : memref<1x40xi32, #tpu.memory_space<vmem>> -> memref<40xi32, #tpu.memory_space<vmem>>
          %dma_start3A_392 = tpu.memref_slice %arg3[%mul3A_370] : memref<320000xi32, #tpu.memory_space<hbm>> -> memref<40xi32, #tpu.memory_space<hbm>>
          tpu.enqueue_dma source(%dma_start3A_392 : memref<40xi32, #tpu.memory_space<hbm>>) target(%dma_start3A_391 : memref<40xi32, #tpu.memory_space<vmem>>) target_semaphore(%arg27 : memref<!tpu.dma_semaphore, #tpu.memory_space<semaphore_mem>>)
        } else {
        }
      } else {
      }
      %mul3A_273 = arith.constant 8 : i32
      %mul3A_274 = arith.muli %mul3A_273, %while3A_256 : i32
      %add3A_275 = arith.constant 2 : i32
      %add3A_276 = arith.addi %mul3A_274, %add3A_275 : i32
      %lt3A_277 = arith.cmpi slt, %add3A_276, %sub3A_128 : i32
      %convert_element_type3A_278 = arith.extui %lt3A_277 : i1 to i32
      %cond3A_279 = arith.constant 0 : i32
      %cond3A_280 = arith.cmpi ne, %convert_element_type3A_278, %cond3A_279 : i32
      scf.if %cond3A_280 {
        %dma_wait3A = arith.constant 2 : i32
        %dma_wait3A_322 = arith.constant 0 : i32
        %dma_wait3A_323 = arith.constant 0 : i32
        %dma_wait3A_324 = tpu.memref_slice %arg5[%dma_wait3A, %dma_wait3A_322, %dma_wait3A_323] : memref<8x40x128xf32, #tpu.memory_space<vmem>> -> memref<1x40x128xf32, #tpu.memory_space<vmem>>
        %dma_wait3A_325 = tpu.memref_squeeze %dma_wait3A_324 : memref<1x40x128xf32, #tpu.memory_space<vmem>> -> memref<40x128xf32, #tpu.memory_space<vmem>>
        %dma_wait3A_326 = arith.constant 0 : i32
        %dma_wait3A_327 = arith.constant 0 : i32
        %dma_wait3A_328 = tpu.memref_slice %arg2[%dma_wait3A_326, %dma_wait3A_327] : memref<320000x128xf32, #tpu.memory_space<hbm>> -> memref<40x128xf32, #tpu.memory_space<hbm>>
        %dma_wait3A_329 = arith.constant 0 : i32
        %dma_wait3A_330 = arith.constant 0 : i32
        %dma_wait3A_331 = tpu.memref_slice %arg5[%dma_wait3A, %dma_wait3A_329, %dma_wait3A_330] : memref<8x40x128xf32, #tpu.memory_space<vmem>> -> memref<1x40x128xf32, #tpu.memory_space<vmem>>
        %dma_wait3A_332 = tpu.memref_squeeze %dma_wait3A_331 : memref<1x40x128xf32, #tpu.memory_space<vmem>> -> memref<40x128xf32, #tpu.memory_space<vmem>>
        %dma_wait3A_333 = arith.constant 0 : i32
        %dma_wait3A_334 = arith.constant 0 : i32
        %dma_wait3A_335 = tpu.memref_slice %arg2[%dma_wait3A_333, %dma_wait3A_334] : memref<320000x128xf32, #tpu.memory_space<hbm>> -> memref<40x128xf32, #tpu.memory_space<hbm>>
        tpu.wait_dma2 semaphore(%arg14 : memref<!tpu.dma_semaphore, #tpu.memory_space<semaphore_mem>>) src(%dma_wait3A_335 : memref<40x128xf32, #tpu.memory_space<hbm>>) dst(%dma_wait3A_332 : memref<40x128xf32, #tpu.memory_space<vmem>>)
        %dma_wait3A_336 = arith.constant 2 : i32
        %dma_wait3A_337 = arith.constant 0 : i32
        %dma_wait3A_338 = tpu.memref_slice %arg6[%dma_wait3A_336, %dma_wait3A_337] : memref<8x40xi32, #tpu.memory_space<vmem>> -> memref<1x40xi32, #tpu.memory_space<vmem>>
        %dma_wait3A_339 = tpu.memref_squeeze %dma_wait3A_338 : memref<1x40xi32, #tpu.memory_space<vmem>> -> memref<40xi32, #tpu.memory_space<vmem>>
        %dma_wait3A_340 = arith.constant 0 : i32
        %dma_wait3A_341 = tpu.memref_slice %arg3[%dma_wait3A_340] : memref<320000xi32, #tpu.memory_space<hbm>> -> memref<40xi32, #tpu.memory_space<hbm>>
        %dma_wait3A_342 = arith.constant 0 : i32
        %dma_wait3A_343 = tpu.memref_slice %arg6[%dma_wait3A_336, %dma_wait3A_342] : memref<8x40xi32, #tpu.memory_space<vmem>> -> memref<1x40xi32, #tpu.memory_space<vmem>>
        %dma_wait3A_344 = tpu.memref_squeeze %dma_wait3A_343 : memref<1x40xi32, #tpu.memory_space<vmem>> -> memref<40xi32, #tpu.memory_space<vmem>>
        %dma_wait3A_345 = arith.constant 0 : i32
        %dma_wait3A_346 = tpu.memref_slice %arg3[%dma_wait3A_345] : memref<320000xi32, #tpu.memory_space<hbm>> -> memref<40xi32, #tpu.memory_space<hbm>>
        tpu.wait_dma2 semaphore(%arg22 : memref<!tpu.dma_semaphore, #tpu.memory_space<semaphore_mem>>) src(%dma_wait3A_346 : memref<40xi32, #tpu.memory_space<hbm>>) dst(%dma_wait3A_344 : memref<40xi32, #tpu.memory_space<vmem>>)
        %dma_start3A = arith.constant 2 : i32
        %dma_start3A_347 = arith.constant 2 : i32
        %dma_start3A_348 = arith.constant 0 : i32
        %dma_start3A_349 = arith.constant 0 : i32
        %dma_start3A_350 = tpu.memref_slice %arg5[%dma_start3A, %dma_start3A_348, %dma_start3A_349] : memref<8x40x128xf32, #tpu.memory_space<vmem>> -> memref<1x40x128xf32, #tpu.memory_space<vmem>>
        %dma_start3A_351 = tpu.memref_squeeze %dma_start3A_350 : memref<1x40x128xf32, #tpu.memory_space<vmem>> -> memref<40x128xf32, #tpu.memory_space<vmem>>
        %dma_start3A_352 = arith.constant 0 : i32
        %dma_start3A_353 = tpu.memref_slice %arg6[%dma_start3A_347, %dma_start3A_352] : memref<8x40xi32, #tpu.memory_space<vmem>> -> memref<1x40xi32, #tpu.memory_space<vmem>>
        %dma_start3A_354 = tpu.memref_squeeze %dma_start3A_353 : memref<1x40xi32, #tpu.memory_space<vmem>> -> memref<40xi32, #tpu.memory_space<vmem>>
        %dma_start3A_355 = arith.constant 0 : i32
        %dma_start3A_356 = arith.constant 0 : i32
        %dma_start3A_357 = tpu.memref_slice %arg11[%dma_start3A_355, %dma_start3A_356] : memref<10008x128xf32, #tpu.memory_space<vmem_shared>> -> memref<10008x128xf32, #tpu.memory_space<vmem_shared>>
        tpu.enqueue_indirect_dma source(%dma_start3A_351 : memref<40x128xf32, #tpu.memory_space<vmem>>) target(%dma_start3A_357 : memref<10008x128xf32, #tpu.memory_space<vmem_shared>>) offsets(%dma_start3A_354 : memref<40xi32, #tpu.memory_space<vmem>>) semaphore(%arg30 : memref<!tpu.dma_semaphore, #tpu.memory_space<semaphore_mem>>) {add = true}
        %add3A_358 = arith.constant 6 : i32
        %add3A_359 = arith.addi %add3A_276, %add3A_358 : i32
        %lt3A_360 = arith.cmpi slt, %add3A_359, %sub3A_128 : i32
        %convert_element_type3A_361 = arith.extui %lt3A_360 : i1 to i32
        %cond3A_362 = arith.constant 0 : i32
        %cond3A_363 = arith.cmpi ne, %convert_element_type3A_361, %cond3A_362 : i32
        scf.if %cond3A_363 {
          %ge3A = arith.constant 8 : i32
          %ge3A_364 = arith.cmpi sge, %add3A_359, %ge3A : i32
          %convert_element_type3A_365 = arith.extui %ge3A_364 : i1 to i32
          %cond3A_366 = arith.constant 0 : i32
          %cond3A_367 = arith.cmpi ne, %convert_element_type3A_365, %cond3A_366 : i32
          scf.if %cond3A_367 {
            %dma_wait3A_393 = arith.constant 0 : i32
            %dma_wait3A_394 = arith.constant 0 : i32
            %dma_wait3A_395 = arith.constant 0 : i32
            %dma_wait3A_396 = arith.constant 0 : i32
            %dma_wait3A_397 = tpu.memref_slice %arg5[%dma_wait3A_393, %dma_wait3A_395, %dma_wait3A_396] : memref<8x40x128xf32, #tpu.memory_space<vmem>> -> memref<1x40x128xf32, #tpu.memory_space<vmem>>
            %dma_wait3A_398 = tpu.memref_squeeze %dma_wait3A_397 : memref<1x40x128xf32, #tpu.memory_space<vmem>> -> memref<40x128xf32, #tpu.memory_space<vmem>>
            %dma_wait3A_399 = arith.constant 0 : i32
            %dma_wait3A_400 = tpu.memref_slice %arg6[%dma_wait3A_394, %dma_wait3A_399] : memref<8x40xi32, #tpu.memory_space<vmem>> -> memref<1x40xi32, #tpu.memory_space<vmem>>
            %dma_wait3A_401 = tpu.memref_squeeze %dma_wait3A_400 : memref<1x40xi32, #tpu.memory_space<vmem>> -> memref<40xi32, #tpu.memory_space<vmem>>
            %dma_wait3A_402 = arith.constant 0 : i32
            %dma_wait3A_403 = arith.constant 0 : i32
            %dma_wait3A_404 = tpu.memref_slice %arg11[%dma_wait3A_402, %dma_wait3A_403] : memref<10008x128xf32, #tpu.memory_space<vmem_shared>> -> memref<10008x128xf32, #tpu.memory_space<vmem_shared>>
            tpu.wait_indirect_dma semaphore(%arg28 : memref<!tpu.dma_semaphore, #tpu.memory_space<semaphore_mem>>) src(%dma_wait3A_398 : memref<40x128xf32, #tpu.memory_space<vmem>>) dst(%dma_wait3A_404 : memref<10008x128xf32, #tpu.memory_space<vmem_shared>>)
          } else {
          }
          %add3A_368 = arith.addi %add3A_99, %add3A_359 : i32
          %mul3A_369 = arith.constant 40 : i32
          %mul3A_370 = arith.muli %add3A_368, %mul3A_369 : i32
          %dma_start3A_371 = arith.constant 0 : i32
          %dma_start3A_372 = arith.constant 0 : i32
          %dma_start3A_373 = arith.constant 0 : i32
          %dma_start3A_374 = tpu.memref_slice %arg5[%dma_start3A_371, %dma_start3A_372, %dma_start3A_373] : memref<8x40x128xf32, #tpu.memory_space<vmem>> -> memref<1x40x128xf32, #tpu.memory_space<vmem>>
          %dma_start3A_375 = tpu.memref_squeeze %dma_start3A_374 : memref<1x40x128xf32, #tpu.memory_space<vmem>> -> memref<40x128xf32, #tpu.memory_space<vmem>>
          %dma_start3A_376 = arith.constant 0 : i32
          %dma_start3A_377 = tpu.memref_slice %arg2[%mul3A_370, %dma_start3A_376] : memref<320000x128xf32, #tpu.memory_space<hbm>> -> memref<40x128xf32, #tpu.memory_space<hbm>>
          %dma_start3A_378 = arith.constant 0 : i32
          %dma_start3A_379 = arith.constant 0 : i32
          %dma_start3A_380 = tpu.memref_slice %arg5[%dma_start3A_371, %dma_start3A_378, %dma_start3A_379] : memref<8x40x128xf32, #tpu.memory_space<vmem>> -> memref<1x40x128xf32, #tpu.memory_space<vmem>>
          %dma_start3A_381 = tpu.memref_squeeze %dma_start3A_380 : memref<1x40x128xf32, #tpu.memory_space<vmem>> -> memref<40x128xf32, #tpu.memory_space<vmem>>
          %dma_start3A_382 = arith.constant 0 : i32
          %dma_start3A_383 = tpu.memref_slice %arg2[%mul3A_370, %dma_start3A_382] : memref<320000x128xf32, #tpu.memory_space<hbm>> -> memref<40x128xf32, #tpu.memory_space<hbm>>
          tpu.enqueue_dma source(%dma_start3A_383 : memref<40x128xf32, #tpu.memory_space<hbm>>) target(%dma_start3A_381 : memref<40x128xf32, #tpu.memory_space<vmem>>) target_semaphore(%arg12 : memref<!tpu.dma_semaphore, #tpu.memory_space<semaphore_mem>>)
          %dma_start3A_384 = arith.constant 0 : i32
          %dma_start3A_385 = arith.constant 0 : i32
          %dma_start3A_386 = tpu.memref_slice %arg6[%dma_start3A_384, %dma_start3A_385] : memref<8x40xi32, #tpu.memory_space<vmem>> -> memref<1x40xi32, #tpu.memory_space<vmem>>
          %dma_start3A_387 = tpu.memref_squeeze %dma_start3A_386 : memref<1x40xi32, #tpu.memory_space<vmem>> -> memref<40xi32, #tpu.memory_space<vmem>>
          %dma_start3A_388 = tpu.memref_slice %arg3[%mul3A_370] : memref<320000xi32, #tpu.memory_space<hbm>> -> memref<40xi32, #tpu.memory_space<hbm>>
          %dma_start3A_389 = arith.constant 0 : i32
          %dma_start3A_390 = tpu.memref_slice %arg6[%dma_start3A_384, %dma_start3A_389] : memref<8x40xi32, #tpu.memory_space<vmem>> -> memref<1x40xi32, #tpu.memory_space<vmem>>
          %dma_start3A_391 = tpu.memref_squeeze %dma_start3A_390 : memref<1x40xi32, #tpu.memory_space<vmem>> -> memref<40xi32, #tpu.memory_space<vmem>>
          %dma_start3A_392 = tpu.memref_slice %arg3[%mul3A_370] : memref<320000xi32, #tpu.memory_space<hbm>> -> memref<40xi32, #tpu.memory_space<hbm>>
          tpu.enqueue_dma source(%dma_start3A_392 : memref<40xi32, #tpu.memory_space<hbm>>) target(%dma_start3A_391 : memref<40xi32, #tpu.memory_space<vmem>>) target_semaphore(%arg20 : memref<!tpu.dma_semaphore, #tpu.memory_space<semaphore_mem>>)
        } else {
        }
      } else {
      }
      %mul3A_281 = arith.constant 8 : i32
      %mul3A_282 = arith.muli %mul3A_281, %while3A_256 : i32
      %add3A_283 = arith.constant 3 : i32
      %add3A_284 = arith.addi %mul3A_282, %add3A_283 : i32
      %lt3A_285 = arith.cmpi slt, %add3A_284, %sub3A_128 : i32
      %convert_element_type3A_286 = arith.extui %lt3A_285 : i1 to i32
      %cond3A_287 = arith.constant 0 : i32
      %cond3A_288 = arith.cmpi ne, %convert_element_type3A_286, %cond3A_287 : i32
      scf.if %cond3A_288 {
        %dma_wait3A = arith.constant 3 : i32
        %dma_wait3A_322 = arith.constant 0 : i32
        %dma_wait3A_323 = arith.constant 0 : i32
        %dma_wait3A_324 = tpu.memref_slice %arg5[%dma_wait3A, %dma_wait3A_322, %dma_wait3A_323] : memref<8x40x128xf32, #tpu.memory_space<vmem>> -> memref<1x40x128xf32, #tpu.memory_space<vmem>>
        %dma_wait3A_325 = tpu.memref_squeeze %dma_wait3A_324 : memref<1x40x128xf32, #tpu.memory_space<vmem>> -> memref<40x128xf32, #tpu.memory_space<vmem>>
        %dma_wait3A_326 = arith.constant 0 : i32
        %dma_wait3A_327 = arith.constant 0 : i32
        %dma_wait3A_328 = tpu.memref_slice %arg2[%dma_wait3A_326, %dma_wait3A_327] : memref<320000x128xf32, #tpu.memory_space<hbm>> -> memref<40x128xf32, #tpu.memory_space<hbm>>
        %dma_wait3A_329 = arith.constant 0 : i32
        %dma_wait3A_330 = arith.constant 0 : i32
        %dma_wait3A_331 = tpu.memref_slice %arg5[%dma_wait3A, %dma_wait3A_329, %dma_wait3A_330] : memref<8x40x128xf32, #tpu.memory_space<vmem>> -> memref<1x40x128xf32, #tpu.memory_space<vmem>>
        %dma_wait3A_332 = tpu.memref_squeeze %dma_wait3A_331 : memref<1x40x128xf32, #tpu.memory_space<vmem>> -> memref<40x128xf32, #tpu.memory_space<vmem>>
        %dma_wait3A_333 = arith.constant 0 : i32
        %dma_wait3A_334 = arith.constant 0 : i32
        %dma_wait3A_335 = tpu.memref_slice %arg2[%dma_wait3A_333, %dma_wait3A_334] : memref<320000x128xf32, #tpu.memory_space<hbm>> -> memref<40x128xf32, #tpu.memory_space<hbm>>
        tpu.wait_dma2 semaphore(%arg15 : memref<!tpu.dma_semaphore, #tpu.memory_space<semaphore_mem>>) src(%dma_wait3A_335 : memref<40x128xf32, #tpu.memory_space<hbm>>) dst(%dma_wait3A_332 : memref<40x128xf32, #tpu.memory_space<vmem>>)
        %dma_wait3A_336 = arith.constant 3 : i32
        %dma_wait3A_337 = arith.constant 0 : i32
        %dma_wait3A_338 = tpu.memref_slice %arg6[%dma_wait3A_336, %dma_wait3A_337] : memref<8x40xi32, #tpu.memory_space<vmem>> -> memref<1x40xi32, #tpu.memory_space<vmem>>
        %dma_wait3A_339 = tpu.memref_squeeze %dma_wait3A_338 : memref<1x40xi32, #tpu.memory_space<vmem>> -> memref<40xi32, #tpu.memory_space<vmem>>
        %dma_wait3A_340 = arith.constant 0 : i32
        %dma_wait3A_341 = tpu.memref_slice %arg3[%dma_wait3A_340] : memref<320000xi32, #tpu.memory_space<hbm>> -> memref<40xi32, #tpu.memory_space<hbm>>
        %dma_wait3A_342 = arith.constant 0 : i32
        %dma_wait3A_343 = tpu.memref_slice %arg6[%dma_wait3A_336, %dma_wait3A_342] : memref<8x40xi32, #tpu.memory_space<vmem>> -> memref<1x40xi32, #tpu.memory_space<vmem>>
        %dma_wait3A_344 = tpu.memref_squeeze %dma_wait3A_343 : memref<1x40xi32, #tpu.memory_space<vmem>> -> memref<40xi32, #tpu.memory_space<vmem>>
        %dma_wait3A_345 = arith.constant 0 : i32
        %dma_wait3A_346 = tpu.memref_slice %arg3[%dma_wait3A_345] : memref<320000xi32, #tpu.memory_space<hbm>> -> memref<40xi32, #tpu.memory_space<hbm>>
        tpu.wait_dma2 semaphore(%arg23 : memref<!tpu.dma_semaphore, #tpu.memory_space<semaphore_mem>>) src(%dma_wait3A_346 : memref<40xi32, #tpu.memory_space<hbm>>) dst(%dma_wait3A_344 : memref<40xi32, #tpu.memory_space<vmem>>)
        %dma_start3A = arith.constant 3 : i32
        %dma_start3A_347 = arith.constant 3 : i32
        %dma_start3A_348 = arith.constant 0 : i32
        %dma_start3A_349 = arith.constant 0 : i32
        %dma_start3A_350 = tpu.memref_slice %arg5[%dma_start3A, %dma_start3A_348, %dma_start3A_349] : memref<8x40x128xf32, #tpu.memory_space<vmem>> -> memref<1x40x128xf32, #tpu.memory_space<vmem>>
        %dma_start3A_351 = tpu.memref_squeeze %dma_start3A_350 : memref<1x40x128xf32, #tpu.memory_space<vmem>> -> memref<40x128xf32, #tpu.memory_space<vmem>>
        %dma_start3A_352 = arith.constant 0 : i32
        %dma_start3A_353 = tpu.memref_slice %arg6[%dma_start3A_347, %dma_start3A_352] : memref<8x40xi32, #tpu.memory_space<vmem>> -> memref<1x40xi32, #tpu.memory_space<vmem>>
        %dma_start3A_354 = tpu.memref_squeeze %dma_start3A_353 : memref<1x40xi32, #tpu.memory_space<vmem>> -> memref<40xi32, #tpu.memory_space<vmem>>
        %dma_start3A_355 = arith.constant 0 : i32
        %dma_start3A_356 = arith.constant 0 : i32
        %dma_start3A_357 = tpu.memref_slice %arg11[%dma_start3A_355, %dma_start3A_356] : memref<10008x128xf32, #tpu.memory_space<vmem_shared>> -> memref<10008x128xf32, #tpu.memory_space<vmem_shared>>
        tpu.enqueue_indirect_dma source(%dma_start3A_351 : memref<40x128xf32, #tpu.memory_space<vmem>>) target(%dma_start3A_357 : memref<10008x128xf32, #tpu.memory_space<vmem_shared>>) offsets(%dma_start3A_354 : memref<40xi32, #tpu.memory_space<vmem>>) semaphore(%arg31 : memref<!tpu.dma_semaphore, #tpu.memory_space<semaphore_mem>>) {add = true}
        %add3A_358 = arith.constant 6 : i32
        %add3A_359 = arith.addi %add3A_284, %add3A_358 : i32
        %lt3A_360 = arith.cmpi slt, %add3A_359, %sub3A_128 : i32
        %convert_element_type3A_361 = arith.extui %lt3A_360 : i1 to i32
        %cond3A_362 = arith.constant 0 : i32
        %cond3A_363 = arith.cmpi ne, %convert_element_type3A_361, %cond3A_362 : i32
        scf.if %cond3A_363 {
          %ge3A = arith.constant 8 : i32
          %ge3A_364 = arith.cmpi sge, %add3A_359, %ge3A : i32
          %convert_element_type3A_365 = arith.extui %ge3A_364 : i1 to i32
          %cond3A_366 = arith.constant 0 : i32
          %cond3A_367 = arith.cmpi ne, %convert_element_type3A_365, %cond3A_366 : i32
          scf.if %cond3A_367 {
            %dma_wait3A_393 = arith.constant 1 : i32
            %dma_wait3A_394 = arith.constant 1 : i32
            %dma_wait3A_395 = arith.constant 0 : i32
            %dma_wait3A_396 = arith.constant 0 : i32
            %dma_wait3A_397 = tpu.memref_slice %arg5[%dma_wait3A_393, %dma_wait3A_395, %dma_wait3A_396] : memref<8x40x128xf32, #tpu.memory_space<vmem>> -> memref<1x40x128xf32, #tpu.memory_space<vmem>>
            %dma_wait3A_398 = tpu.memref_squeeze %dma_wait3A_397 : memref<1x40x128xf32, #tpu.memory_space<vmem>> -> memref<40x128xf32, #tpu.memory_space<vmem>>
            %dma_wait3A_399 = arith.constant 0 : i32
            %dma_wait3A_400 = tpu.memref_slice %arg6[%dma_wait3A_394, %dma_wait3A_399] : memref<8x40xi32, #tpu.memory_space<vmem>> -> memref<1x40xi32, #tpu.memory_space<vmem>>
            %dma_wait3A_401 = tpu.memref_squeeze %dma_wait3A_400 : memref<1x40xi32, #tpu.memory_space<vmem>> -> memref<40xi32, #tpu.memory_space<vmem>>
            %dma_wait3A_402 = arith.constant 0 : i32
            %dma_wait3A_403 = arith.constant 0 : i32
            %dma_wait3A_404 = tpu.memref_slice %arg11[%dma_wait3A_402, %dma_wait3A_403] : memref<10008x128xf32, #tpu.memory_space<vmem_shared>> -> memref<10008x128xf32, #tpu.memory_space<vmem_shared>>
            tpu.wait_indirect_dma semaphore(%arg29 : memref<!tpu.dma_semaphore, #tpu.memory_space<semaphore_mem>>) src(%dma_wait3A_398 : memref<40x128xf32, #tpu.memory_space<vmem>>) dst(%dma_wait3A_404 : memref<10008x128xf32, #tpu.memory_space<vmem_shared>>)
          } else {
          }
          %add3A_368 = arith.addi %add3A_99, %add3A_359 : i32
          %mul3A_369 = arith.constant 40 : i32
          %mul3A_370 = arith.muli %add3A_368, %mul3A_369 : i32
          %dma_start3A_371 = arith.constant 1 : i32
          %dma_start3A_372 = arith.constant 0 : i32
          %dma_start3A_373 = arith.constant 0 : i32
          %dma_start3A_374 = tpu.memref_slice %arg5[%dma_start3A_371, %dma_start3A_372, %dma_start3A_373] : memref<8x40x128xf32, #tpu.memory_space<vmem>> -> memref<1x40x128xf32, #tpu.memory_space<vmem>>
          %dma_start3A_375 = tpu.memref_squeeze %dma_start3A_374 : memref<1x40x128xf32, #tpu.memory_space<vmem>> -> memref<40x128xf32, #tpu.memory_space<vmem>>
          %dma_start3A_376 = arith.constant 0 : i32
          %dma_start3A_377 = tpu.memref_slice %arg2[%mul3A_370, %dma_start3A_376] : memref<320000x128xf32, #tpu.memory_space<hbm>> -> memref<40x128xf32, #tpu.memory_space<hbm>>
          %dma_start3A_378 = arith.constant 0 : i32
          %dma_start3A_379 = arith.constant 0 : i32
          %dma_start3A_380 = tpu.memref_slice %arg5[%dma_start3A_371, %dma_start3A_378, %dma_start3A_379] : memref<8x40x128xf32, #tpu.memory_space<vmem>> -> memref<1x40x128xf32, #tpu.memory_space<vmem>>
          %dma_start3A_381 = tpu.memref_squeeze %dma_start3A_380 : memref<1x40x128xf32, #tpu.memory_space<vmem>> -> memref<40x128xf32, #tpu.memory_space<vmem>>
          %dma_start3A_382 = arith.constant 0 : i32
          %dma_start3A_383 = tpu.memref_slice %arg2[%mul3A_370, %dma_start3A_382] : memref<320000x128xf32, #tpu.memory_space<hbm>> -> memref<40x128xf32, #tpu.memory_space<hbm>>
          tpu.enqueue_dma source(%dma_start3A_383 : memref<40x128xf32, #tpu.memory_space<hbm>>) target(%dma_start3A_381 : memref<40x128xf32, #tpu.memory_space<vmem>>) target_semaphore(%arg13 : memref<!tpu.dma_semaphore, #tpu.memory_space<semaphore_mem>>)
          %dma_start3A_384 = arith.constant 1 : i32
          %dma_start3A_385 = arith.constant 0 : i32
          %dma_start3A_386 = tpu.memref_slice %arg6[%dma_start3A_384, %dma_start3A_385] : memref<8x40xi32, #tpu.memory_space<vmem>> -> memref<1x40xi32, #tpu.memory_space<vmem>>
          %dma_start3A_387 = tpu.memref_squeeze %dma_start3A_386 : memref<1x40xi32, #tpu.memory_space<vmem>> -> memref<40xi32, #tpu.memory_space<vmem>>
          %dma_start3A_388 = tpu.memref_slice %arg3[%mul3A_370] : memref<320000xi32, #tpu.memory_space<hbm>> -> memref<40xi32, #tpu.memory_space<hbm>>
          %dma_start3A_389 = arith.constant 0 : i32
          %dma_start3A_390 = tpu.memref_slice %arg6[%dma_start3A_384, %dma_start3A_389] : memref<8x40xi32, #tpu.memory_space<vmem>> -> memref<1x40xi32, #tpu.memory_space<vmem>>
          %dma_start3A_391 = tpu.memref_squeeze %dma_start3A_390 : memref<1x40xi32, #tpu.memory_space<vmem>> -> memref<40xi32, #tpu.memory_space<vmem>>
          %dma_start3A_392 = tpu.memref_slice %arg3[%mul3A_370] : memref<320000xi32, #tpu.memory_space<hbm>> -> memref<40xi32, #tpu.memory_space<hbm>>
          tpu.enqueue_dma source(%dma_start3A_392 : memref<40xi32, #tpu.memory_space<hbm>>) target(%dma_start3A_391 : memref<40xi32, #tpu.memory_space<vmem>>) target_semaphore(%arg21 : memref<!tpu.dma_semaphore, #tpu.memory_space<semaphore_mem>>)
        } else {
        }
      } else {
      }
      %mul3A_289 = arith.constant 8 : i32
      %mul3A_290 = arith.muli %mul3A_289, %while3A_256 : i32
      %add3A_291 = arith.constant 4 : i32
      %add3A_292 = arith.addi %mul3A_290, %add3A_291 : i32
      %lt3A_293 = arith.cmpi slt, %add3A_292, %sub3A_128 : i32
      %convert_element_type3A_294 = arith.extui %lt3A_293 : i1 to i32
      %cond3A_295 = arith.constant 0 : i32
      %cond3A_296 = arith.cmpi ne, %convert_element_type3A_294, %cond3A_295 : i32
      scf.if %cond3A_296 {
        %dma_wait3A = arith.constant 4 : i32
        %dma_wait3A_322 = arith.constant 0 : i32
        %dma_wait3A_323 = arith.constant 0 : i32
        %dma_wait3A_324 = tpu.memref_slice %arg5[%dma_wait3A, %dma_wait3A_322, %dma_wait3A_323] : memref<8x40x128xf32, #tpu.memory_space<vmem>> -> memref<1x40x128xf32, #tpu.memory_space<vmem>>
        %dma_wait3A_325 = tpu.memref_squeeze %dma_wait3A_324 : memref<1x40x128xf32, #tpu.memory_space<vmem>> -> memref<40x128xf32, #tpu.memory_space<vmem>>
        %dma_wait3A_326 = arith.constant 0 : i32
        %dma_wait3A_327 = arith.constant 0 : i32
        %dma_wait3A_328 = tpu.memref_slice %arg2[%dma_wait3A_326, %dma_wait3A_327] : memref<320000x128xf32, #tpu.memory_space<hbm>> -> memref<40x128xf32, #tpu.memory_space<hbm>>
        %dma_wait3A_329 = arith.constant 0 : i32
        %dma_wait3A_330 = arith.constant 0 : i32
        %dma_wait3A_331 = tpu.memref_slice %arg5[%dma_wait3A, %dma_wait3A_329, %dma_wait3A_330] : memref<8x40x128xf32, #tpu.memory_space<vmem>> -> memref<1x40x128xf32, #tpu.memory_space<vmem>>
        %dma_wait3A_332 = tpu.memref_squeeze %dma_wait3A_331 : memref<1x40x128xf32, #tpu.memory_space<vmem>> -> memref<40x128xf32, #tpu.memory_space<vmem>>
        %dma_wait3A_333 = arith.constant 0 : i32
        %dma_wait3A_334 = arith.constant 0 : i32
        %dma_wait3A_335 = tpu.memref_slice %arg2[%dma_wait3A_333, %dma_wait3A_334] : memref<320000x128xf32, #tpu.memory_space<hbm>> -> memref<40x128xf32, #tpu.memory_space<hbm>>
        tpu.wait_dma2 semaphore(%arg16 : memref<!tpu.dma_semaphore, #tpu.memory_space<semaphore_mem>>) src(%dma_wait3A_335 : memref<40x128xf32, #tpu.memory_space<hbm>>) dst(%dma_wait3A_332 : memref<40x128xf32, #tpu.memory_space<vmem>>)
        %dma_wait3A_336 = arith.constant 4 : i32
        %dma_wait3A_337 = arith.constant 0 : i32
        %dma_wait3A_338 = tpu.memref_slice %arg6[%dma_wait3A_336, %dma_wait3A_337] : memref<8x40xi32, #tpu.memory_space<vmem>> -> memref<1x40xi32, #tpu.memory_space<vmem>>
        %dma_wait3A_339 = tpu.memref_squeeze %dma_wait3A_338 : memref<1x40xi32, #tpu.memory_space<vmem>> -> memref<40xi32, #tpu.memory_space<vmem>>
        %dma_wait3A_340 = arith.constant 0 : i32
        %dma_wait3A_341 = tpu.memref_slice %arg3[%dma_wait3A_340] : memref<320000xi32, #tpu.memory_space<hbm>> -> memref<40xi32, #tpu.memory_space<hbm>>
        %dma_wait3A_342 = arith.constant 0 : i32
        %dma_wait3A_343 = tpu.memref_slice %arg6[%dma_wait3A_336, %dma_wait3A_342] : memref<8x40xi32, #tpu.memory_space<vmem>> -> memref<1x40xi32, #tpu.memory_space<vmem>>
        %dma_wait3A_344 = tpu.memref_squeeze %dma_wait3A_343 : memref<1x40xi32, #tpu.memory_space<vmem>> -> memref<40xi32, #tpu.memory_space<vmem>>
        %dma_wait3A_345 = arith.constant 0 : i32
        %dma_wait3A_346 = tpu.memref_slice %arg3[%dma_wait3A_345] : memref<320000xi32, #tpu.memory_space<hbm>> -> memref<40xi32, #tpu.memory_space<hbm>>
        tpu.wait_dma2 semaphore(%arg24 : memref<!tpu.dma_semaphore, #tpu.memory_space<semaphore_mem>>) src(%dma_wait3A_346 : memref<40xi32, #tpu.memory_space<hbm>>) dst(%dma_wait3A_344 : memref<40xi32, #tpu.memory_space<vmem>>)
        %dma_start3A = arith.constant 4 : i32
        %dma_start3A_347 = arith.constant 4 : i32
        %dma_start3A_348 = arith.constant 0 : i32
        %dma_start3A_349 = arith.constant 0 : i32
        %dma_start3A_350 = tpu.memref_slice %arg5[%dma_start3A, %dma_start3A_348, %dma_start3A_349] : memref<8x40x128xf32, #tpu.memory_space<vmem>> -> memref<1x40x128xf32, #tpu.memory_space<vmem>>
        %dma_start3A_351 = tpu.memref_squeeze %dma_start3A_350 : memref<1x40x128xf32, #tpu.memory_space<vmem>> -> memref<40x128xf32, #tpu.memory_space<vmem>>
        %dma_start3A_352 = arith.constant 0 : i32
        %dma_start3A_353 = tpu.memref_slice %arg6[%dma_start3A_347, %dma_start3A_352] : memref<8x40xi32, #tpu.memory_space<vmem>> -> memref<1x40xi32, #tpu.memory_space<vmem>>
        %dma_start3A_354 = tpu.memref_squeeze %dma_start3A_353 : memref<1x40xi32, #tpu.memory_space<vmem>> -> memref<40xi32, #tpu.memory_space<vmem>>
        %dma_start3A_355 = arith.constant 0 : i32
        %dma_start3A_356 = arith.constant 0 : i32
        %dma_start3A_357 = tpu.memref_slice %arg11[%dma_start3A_355, %dma_start3A_356] : memref<10008x128xf32, #tpu.memory_space<vmem_shared>> -> memref<10008x128xf32, #tpu.memory_space<vmem_shared>>
        tpu.enqueue_indirect_dma source(%dma_start3A_351 : memref<40x128xf32, #tpu.memory_space<vmem>>) target(%dma_start3A_357 : memref<10008x128xf32, #tpu.memory_space<vmem_shared>>) offsets(%dma_start3A_354 : memref<40xi32, #tpu.memory_space<vmem>>) semaphore(%arg32 : memref<!tpu.dma_semaphore, #tpu.memory_space<semaphore_mem>>) {add = true}
        %add3A_358 = arith.constant 6 : i32
        %add3A_359 = arith.addi %add3A_292, %add3A_358 : i32
        %lt3A_360 = arith.cmpi slt, %add3A_359, %sub3A_128 : i32
        %convert_element_type3A_361 = arith.extui %lt3A_360 : i1 to i32
        %cond3A_362 = arith.constant 0 : i32
        %cond3A_363 = arith.cmpi ne, %convert_element_type3A_361, %cond3A_362 : i32
        scf.if %cond3A_363 {
          %ge3A = arith.constant 8 : i32
          %ge3A_364 = arith.cmpi sge, %add3A_359, %ge3A : i32
          %convert_element_type3A_365 = arith.extui %ge3A_364 : i1 to i32
          %cond3A_366 = arith.constant 0 : i32
          %cond3A_367 = arith.cmpi ne, %convert_element_type3A_365, %cond3A_366 : i32
          scf.if %cond3A_367 {
            %dma_wait3A_393 = arith.constant 2 : i32
            %dma_wait3A_394 = arith.constant 2 : i32
            %dma_wait3A_395 = arith.constant 0 : i32
            %dma_wait3A_396 = arith.constant 0 : i32
            %dma_wait3A_397 = tpu.memref_slice %arg5[%dma_wait3A_393, %dma_wait3A_395, %dma_wait3A_396] : memref<8x40x128xf32, #tpu.memory_space<vmem>> -> memref<1x40x128xf32, #tpu.memory_space<vmem>>
            %dma_wait3A_398 = tpu.memref_squeeze %dma_wait3A_397 : memref<1x40x128xf32, #tpu.memory_space<vmem>> -> memref<40x128xf32, #tpu.memory_space<vmem>>
            %dma_wait3A_399 = arith.constant 0 : i32
            %dma_wait3A_400 = tpu.memref_slice %arg6[%dma_wait3A_394, %dma_wait3A_399] : memref<8x40xi32, #tpu.memory_space<vmem>> -> memref<1x40xi32, #tpu.memory_space<vmem>>
            %dma_wait3A_401 = tpu.memref_squeeze %dma_wait3A_400 : memref<1x40xi32, #tpu.memory_space<vmem>> -> memref<40xi32, #tpu.memory_space<vmem>>
            %dma_wait3A_402 = arith.constant 0 : i32
            %dma_wait3A_403 = arith.constant 0 : i32
            %dma_wait3A_404 = tpu.memref_slice %arg11[%dma_wait3A_402, %dma_wait3A_403] : memref<10008x128xf32, #tpu.memory_space<vmem_shared>> -> memref<10008x128xf32, #tpu.memory_space<vmem_shared>>
            tpu.wait_indirect_dma semaphore(%arg30 : memref<!tpu.dma_semaphore, #tpu.memory_space<semaphore_mem>>) src(%dma_wait3A_398 : memref<40x128xf32, #tpu.memory_space<vmem>>) dst(%dma_wait3A_404 : memref<10008x128xf32, #tpu.memory_space<vmem_shared>>)
          } else {
          }
          %add3A_368 = arith.addi %add3A_99, %add3A_359 : i32
          %mul3A_369 = arith.constant 40 : i32
          %mul3A_370 = arith.muli %add3A_368, %mul3A_369 : i32
          %dma_start3A_371 = arith.constant 2 : i32
          %dma_start3A_372 = arith.constant 0 : i32
          %dma_start3A_373 = arith.constant 0 : i32
          %dma_start3A_374 = tpu.memref_slice %arg5[%dma_start3A_371, %dma_start3A_372, %dma_start3A_373] : memref<8x40x128xf32, #tpu.memory_space<vmem>> -> memref<1x40x128xf32, #tpu.memory_space<vmem>>
          %dma_start3A_375 = tpu.memref_squeeze %dma_start3A_374 : memref<1x40x128xf32, #tpu.memory_space<vmem>> -> memref<40x128xf32, #tpu.memory_space<vmem>>
          %dma_start3A_376 = arith.constant 0 : i32
          %dma_start3A_377 = tpu.memref_slice %arg2[%mul3A_370, %dma_start3A_376] : memref<320000x128xf32, #tpu.memory_space<hbm>> -> memref<40x128xf32, #tpu.memory_space<hbm>>
          %dma_start3A_378 = arith.constant 0 : i32
          %dma_start3A_379 = arith.constant 0 : i32
          %dma_start3A_380 = tpu.memref_slice %arg5[%dma_start3A_371, %dma_start3A_378, %dma_start3A_379] : memref<8x40x128xf32, #tpu.memory_space<vmem>> -> memref<1x40x128xf32, #tpu.memory_space<vmem>>
          %dma_start3A_381 = tpu.memref_squeeze %dma_start3A_380 : memref<1x40x128xf32, #tpu.memory_space<vmem>> -> memref<40x128xf32, #tpu.memory_space<vmem>>
          %dma_start3A_382 = arith.constant 0 : i32
          %dma_start3A_383 = tpu.memref_slice %arg2[%mul3A_370, %dma_start3A_382] : memref<320000x128xf32, #tpu.memory_space<hbm>> -> memref<40x128xf32, #tpu.memory_space<hbm>>
          tpu.enqueue_dma source(%dma_start3A_383 : memref<40x128xf32, #tpu.memory_space<hbm>>) target(%dma_start3A_381 : memref<40x128xf32, #tpu.memory_space<vmem>>) target_semaphore(%arg14 : memref<!tpu.dma_semaphore, #tpu.memory_space<semaphore_mem>>)
          %dma_start3A_384 = arith.constant 2 : i32
          %dma_start3A_385 = arith.constant 0 : i32
          %dma_start3A_386 = tpu.memref_slice %arg6[%dma_start3A_384, %dma_start3A_385] : memref<8x40xi32, #tpu.memory_space<vmem>> -> memref<1x40xi32, #tpu.memory_space<vmem>>
          %dma_start3A_387 = tpu.memref_squeeze %dma_start3A_386 : memref<1x40xi32, #tpu.memory_space<vmem>> -> memref<40xi32, #tpu.memory_space<vmem>>
          %dma_start3A_388 = tpu.memref_slice %arg3[%mul3A_370] : memref<320000xi32, #tpu.memory_space<hbm>> -> memref<40xi32, #tpu.memory_space<hbm>>
          %dma_start3A_389 = arith.constant 0 : i32
          %dma_start3A_390 = tpu.memref_slice %arg6[%dma_start3A_384, %dma_start3A_389] : memref<8x40xi32, #tpu.memory_space<vmem>> -> memref<1x40xi32, #tpu.memory_space<vmem>>
          %dma_start3A_391 = tpu.memref_squeeze %dma_start3A_390 : memref<1x40xi32, #tpu.memory_space<vmem>> -> memref<40xi32, #tpu.memory_space<vmem>>
          %dma_start3A_392 = tpu.memref_slice %arg3[%mul3A_370] : memref<320000xi32, #tpu.memory_space<hbm>> -> memref<40xi32, #tpu.memory_space<hbm>>
          tpu.enqueue_dma source(%dma_start3A_392 : memref<40xi32, #tpu.memory_space<hbm>>) target(%dma_start3A_391 : memref<40xi32, #tpu.memory_space<vmem>>) target_semaphore(%arg22 : memref<!tpu.dma_semaphore, #tpu.memory_space<semaphore_mem>>)
        } else {
        }
      } else {
      }
      %mul3A_297 = arith.constant 8 : i32
      %mul3A_298 = arith.muli %mul3A_297, %while3A_256 : i32
      %add3A_299 = arith.constant 5 : i32
      %add3A_300 = arith.addi %mul3A_298, %add3A_299 : i32
      %lt3A_301 = arith.cmpi slt, %add3A_300, %sub3A_128 : i32
      %convert_element_type3A_302 = arith.extui %lt3A_301 : i1 to i32
      %cond3A_303 = arith.constant 0 : i32
      %cond3A_304 = arith.cmpi ne, %convert_element_type3A_302, %cond3A_303 : i32
      scf.if %cond3A_304 {
        %dma_wait3A = arith.constant 5 : i32
        %dma_wait3A_322 = arith.constant 0 : i32
        %dma_wait3A_323 = arith.constant 0 : i32
        %dma_wait3A_324 = tpu.memref_slice %arg5[%dma_wait3A, %dma_wait3A_322, %dma_wait3A_323] : memref<8x40x128xf32, #tpu.memory_space<vmem>> -> memref<1x40x128xf32, #tpu.memory_space<vmem>>
        %dma_wait3A_325 = tpu.memref_squeeze %dma_wait3A_324 : memref<1x40x128xf32, #tpu.memory_space<vmem>> -> memref<40x128xf32, #tpu.memory_space<vmem>>
        %dma_wait3A_326 = arith.constant 0 : i32
        %dma_wait3A_327 = arith.constant 0 : i32
        %dma_wait3A_328 = tpu.memref_slice %arg2[%dma_wait3A_326, %dma_wait3A_327] : memref<320000x128xf32, #tpu.memory_space<hbm>> -> memref<40x128xf32, #tpu.memory_space<hbm>>
        %dma_wait3A_329 = arith.constant 0 : i32
        %dma_wait3A_330 = arith.constant 0 : i32
        %dma_wait3A_331 = tpu.memref_slice %arg5[%dma_wait3A, %dma_wait3A_329, %dma_wait3A_330] : memref<8x40x128xf32, #tpu.memory_space<vmem>> -> memref<1x40x128xf32, #tpu.memory_space<vmem>>
        %dma_wait3A_332 = tpu.memref_squeeze %dma_wait3A_331 : memref<1x40x128xf32, #tpu.memory_space<vmem>> -> memref<40x128xf32, #tpu.memory_space<vmem>>
        %dma_wait3A_333 = arith.constant 0 : i32
        %dma_wait3A_334 = arith.constant 0 : i32
        %dma_wait3A_335 = tpu.memref_slice %arg2[%dma_wait3A_333, %dma_wait3A_334] : memref<320000x128xf32, #tpu.memory_space<hbm>> -> memref<40x128xf32, #tpu.memory_space<hbm>>
        tpu.wait_dma2 semaphore(%arg17 : memref<!tpu.dma_semaphore, #tpu.memory_space<semaphore_mem>>) src(%dma_wait3A_335 : memref<40x128xf32, #tpu.memory_space<hbm>>) dst(%dma_wait3A_332 : memref<40x128xf32, #tpu.memory_space<vmem>>)
        %dma_wait3A_336 = arith.constant 5 : i32
        %dma_wait3A_337 = arith.constant 0 : i32
        %dma_wait3A_338 = tpu.memref_slice %arg6[%dma_wait3A_336, %dma_wait3A_337] : memref<8x40xi32, #tpu.memory_space<vmem>> -> memref<1x40xi32, #tpu.memory_space<vmem>>
        %dma_wait3A_339 = tpu.memref_squeeze %dma_wait3A_338 : memref<1x40xi32, #tpu.memory_space<vmem>> -> memref<40xi32, #tpu.memory_space<vmem>>
        %dma_wait3A_340 = arith.constant 0 : i32
        %dma_wait3A_341 = tpu.memref_slice %arg3[%dma_wait3A_340] : memref<320000xi32, #tpu.memory_space<hbm>> -> memref<40xi32, #tpu.memory_space<hbm>>
        %dma_wait3A_342 = arith.constant 0 : i32
        %dma_wait3A_343 = tpu.memref_slice %arg6[%dma_wait3A_336, %dma_wait3A_342] : memref<8x40xi32, #tpu.memory_space<vmem>> -> memref<1x40xi32, #tpu.memory_space<vmem>>
        %dma_wait3A_344 = tpu.memref_squeeze %dma_wait3A_343 : memref<1x40xi32, #tpu.memory_space<vmem>> -> memref<40xi32, #tpu.memory_space<vmem>>
        %dma_wait3A_345 = arith.constant 0 : i32
        %dma_wait3A_346 = tpu.memref_slice %arg3[%dma_wait3A_345] : memref<320000xi32, #tpu.memory_space<hbm>> -> memref<40xi32, #tpu.memory_space<hbm>>
        tpu.wait_dma2 semaphore(%arg25 : memref<!tpu.dma_semaphore, #tpu.memory_space<semaphore_mem>>) src(%dma_wait3A_346 : memref<40xi32, #tpu.memory_space<hbm>>) dst(%dma_wait3A_344 : memref<40xi32, #tpu.memory_space<vmem>>)
        %dma_start3A = arith.constant 5 : i32
        %dma_start3A_347 = arith.constant 5 : i32
        %dma_start3A_348 = arith.constant 0 : i32
        %dma_start3A_349 = arith.constant 0 : i32
        %dma_start3A_350 = tpu.memref_slice %arg5[%dma_start3A, %dma_start3A_348, %dma_start3A_349] : memref<8x40x128xf32, #tpu.memory_space<vmem>> -> memref<1x40x128xf32, #tpu.memory_space<vmem>>
        %dma_start3A_351 = tpu.memref_squeeze %dma_start3A_350 : memref<1x40x128xf32, #tpu.memory_space<vmem>> -> memref<40x128xf32, #tpu.memory_space<vmem>>
        %dma_start3A_352 = arith.constant 0 : i32
        %dma_start3A_353 = tpu.memref_slice %arg6[%dma_start3A_347, %dma_start3A_352] : memref<8x40xi32, #tpu.memory_space<vmem>> -> memref<1x40xi32, #tpu.memory_space<vmem>>
        %dma_start3A_354 = tpu.memref_squeeze %dma_start3A_353 : memref<1x40xi32, #tpu.memory_space<vmem>> -> memref<40xi32, #tpu.memory_space<vmem>>
        %dma_start3A_355 = arith.constant 0 : i32
        %dma_start3A_356 = arith.constant 0 : i32
        %dma_start3A_357 = tpu.memref_slice %arg11[%dma_start3A_355, %dma_start3A_356] : memref<10008x128xf32, #tpu.memory_space<vmem_shared>> -> memref<10008x128xf32, #tpu.memory_space<vmem_shared>>
        tpu.enqueue_indirect_dma source(%dma_start3A_351 : memref<40x128xf32, #tpu.memory_space<vmem>>) target(%dma_start3A_357 : memref<10008x128xf32, #tpu.memory_space<vmem_shared>>) offsets(%dma_start3A_354 : memref<40xi32, #tpu.memory_space<vmem>>) semaphore(%arg33 : memref<!tpu.dma_semaphore, #tpu.memory_space<semaphore_mem>>) {add = true}
        %add3A_358 = arith.constant 6 : i32
        %add3A_359 = arith.addi %add3A_300, %add3A_358 : i32
        %lt3A_360 = arith.cmpi slt, %add3A_359, %sub3A_128 : i32
        %convert_element_type3A_361 = arith.extui %lt3A_360 : i1 to i32
        %cond3A_362 = arith.constant 0 : i32
        %cond3A_363 = arith.cmpi ne, %convert_element_type3A_361, %cond3A_362 : i32
        scf.if %cond3A_363 {
          %ge3A = arith.constant 8 : i32
          %ge3A_364 = arith.cmpi sge, %add3A_359, %ge3A : i32
          %convert_element_type3A_365 = arith.extui %ge3A_364 : i1 to i32
          %cond3A_366 = arith.constant 0 : i32
          %cond3A_367 = arith.cmpi ne, %convert_element_type3A_365, %cond3A_366 : i32
          scf.if %cond3A_367 {
            %dma_wait3A_393 = arith.constant 3 : i32
            %dma_wait3A_394 = arith.constant 3 : i32
            %dma_wait3A_395 = arith.constant 0 : i32
            %dma_wait3A_396 = arith.constant 0 : i32
            %dma_wait3A_397 = tpu.memref_slice %arg5[%dma_wait3A_393, %dma_wait3A_395, %dma_wait3A_396] : memref<8x40x128xf32, #tpu.memory_space<vmem>> -> memref<1x40x128xf32, #tpu.memory_space<vmem>>
            %dma_wait3A_398 = tpu.memref_squeeze %dma_wait3A_397 : memref<1x40x128xf32, #tpu.memory_space<vmem>> -> memref<40x128xf32, #tpu.memory_space<vmem>>
            %dma_wait3A_399 = arith.constant 0 : i32
            %dma_wait3A_400 = tpu.memref_slice %arg6[%dma_wait3A_394, %dma_wait3A_399] : memref<8x40xi32, #tpu.memory_space<vmem>> -> memref<1x40xi32, #tpu.memory_space<vmem>>
            %dma_wait3A_401 = tpu.memref_squeeze %dma_wait3A_400 : memref<1x40xi32, #tpu.memory_space<vmem>> -> memref<40xi32, #tpu.memory_space<vmem>>
            %dma_wait3A_402 = arith.constant 0 : i32
            %dma_wait3A_403 = arith.constant 0 : i32
            %dma_wait3A_404 = tpu.memref_slice %arg11[%dma_wait3A_402, %dma_wait3A_403] : memref<10008x128xf32, #tpu.memory_space<vmem_shared>> -> memref<10008x128xf32, #tpu.memory_space<vmem_shared>>
            tpu.wait_indirect_dma semaphore(%arg31 : memref<!tpu.dma_semaphore, #tpu.memory_space<semaphore_mem>>) src(%dma_wait3A_398 : memref<40x128xf32, #tpu.memory_space<vmem>>) dst(%dma_wait3A_404 : memref<10008x128xf32, #tpu.memory_space<vmem_shared>>)
          } else {
          }
          %add3A_368 = arith.addi %add3A_99, %add3A_359 : i32
          %mul3A_369 = arith.constant 40 : i32
          %mul3A_370 = arith.muli %add3A_368, %mul3A_369 : i32
          %dma_start3A_371 = arith.constant 3 : i32
          %dma_start3A_372 = arith.constant 0 : i32
          %dma_start3A_373 = arith.constant 0 : i32
          %dma_start3A_374 = tpu.memref_slice %arg5[%dma_start3A_371, %dma_start3A_372, %dma_start3A_373] : memref<8x40x128xf32, #tpu.memory_space<vmem>> -> memref<1x40x128xf32, #tpu.memory_space<vmem>>
          %dma_start3A_375 = tpu.memref_squeeze %dma_start3A_374 : memref<1x40x128xf32, #tpu.memory_space<vmem>> -> memref<40x128xf32, #tpu.memory_space<vmem>>
          %dma_start3A_376 = arith.constant 0 : i32
          %dma_start3A_377 = tpu.memref_slice %arg2[%mul3A_370, %dma_start3A_376] : memref<320000x128xf32, #tpu.memory_space<hbm>> -> memref<40x128xf32, #tpu.memory_space<hbm>>
          %dma_start3A_378 = arith.constant 0 : i32
          %dma_start3A_379 = arith.constant 0 : i32
          %dma_start3A_380 = tpu.memref_slice %arg5[%dma_start3A_371, %dma_start3A_378, %dma_start3A_379] : memref<8x40x128xf32, #tpu.memory_space<vmem>> -> memref<1x40x128xf32, #tpu.memory_space<vmem>>
          %dma_start3A_381 = tpu.memref_squeeze %dma_start3A_380 : memref<1x40x128xf32, #tpu.memory_space<vmem>> -> memref<40x128xf32, #tpu.memory_space<vmem>>
          %dma_start3A_382 = arith.constant 0 : i32
          %dma_start3A_383 = tpu.memref_slice %arg2[%mul3A_370, %dma_start3A_382] : memref<320000x128xf32, #tpu.memory_space<hbm>> -> memref<40x128xf32, #tpu.memory_space<hbm>>
          tpu.enqueue_dma source(%dma_start3A_383 : memref<40x128xf32, #tpu.memory_space<hbm>>) target(%dma_start3A_381 : memref<40x128xf32, #tpu.memory_space<vmem>>) target_semaphore(%arg15 : memref<!tpu.dma_semaphore, #tpu.memory_space<semaphore_mem>>)
          %dma_start3A_384 = arith.constant 3 : i32
          %dma_start3A_385 = arith.constant 0 : i32
          %dma_start3A_386 = tpu.memref_slice %arg6[%dma_start3A_384, %dma_start3A_385] : memref<8x40xi32, #tpu.memory_space<vmem>> -> memref<1x40xi32, #tpu.memory_space<vmem>>
          %dma_start3A_387 = tpu.memref_squeeze %dma_start3A_386 : memref<1x40xi32, #tpu.memory_space<vmem>> -> memref<40xi32, #tpu.memory_space<vmem>>
          %dma_start3A_388 = tpu.memref_slice %arg3[%mul3A_370] : memref<320000xi32, #tpu.memory_space<hbm>> -> memref<40xi32, #tpu.memory_space<hbm>>
          %dma_start3A_389 = arith.constant 0 : i32
          %dma_start3A_390 = tpu.memref_slice %arg6[%dma_start3A_384, %dma_start3A_389] : memref<8x40xi32, #tpu.memory_space<vmem>> -> memref<1x40xi32, #tpu.memory_space<vmem>>
          %dma_start3A_391 = tpu.memref_squeeze %dma_start3A_390 : memref<1x40xi32, #tpu.memory_space<vmem>> -> memref<40xi32, #tpu.memory_space<vmem>>
          %dma_start3A_392 = tpu.memref_slice %arg3[%mul3A_370] : memref<320000xi32, #tpu.memory_space<hbm>> -> memref<40xi32, #tpu.memory_space<hbm>>
          tpu.enqueue_dma source(%dma_start3A_392 : memref<40xi32, #tpu.memory_space<hbm>>) target(%dma_start3A_391 : memref<40xi32, #tpu.memory_space<vmem>>) target_semaphore(%arg23 : memref<!tpu.dma_semaphore, #tpu.memory_space<semaphore_mem>>)
        } else {
        }
      } else {
      }
      %mul3A_305 = arith.constant 8 : i32
      %mul3A_306 = arith.muli %mul3A_305, %while3A_256 : i32
      %add3A_307 = arith.constant 6 : i32
      %add3A_308 = arith.addi %mul3A_306, %add3A_307 : i32
      %lt3A_309 = arith.cmpi slt, %add3A_308, %sub3A_128 : i32
      %convert_element_type3A_310 = arith.extui %lt3A_309 : i1 to i32
      %cond3A_311 = arith.constant 0 : i32
      %cond3A_312 = arith.cmpi ne, %convert_element_type3A_310, %cond3A_311 : i32
      scf.if %cond3A_312 {
        %dma_wait3A = arith.constant 6 : i32
        %dma_wait3A_322 = arith.constant 0 : i32
        %dma_wait3A_323 = arith.constant 0 : i32
        %dma_wait3A_324 = tpu.memref_slice %arg5[%dma_wait3A, %dma_wait3A_322, %dma_wait3A_323] : memref<8x40x128xf32, #tpu.memory_space<vmem>> -> memref<1x40x128xf32, #tpu.memory_space<vmem>>
        %dma_wait3A_325 = tpu.memref_squeeze %dma_wait3A_324 : memref<1x40x128xf32, #tpu.memory_space<vmem>> -> memref<40x128xf32, #tpu.memory_space<vmem>>
        %dma_wait3A_326 = arith.constant 0 : i32
        %dma_wait3A_327 = arith.constant 0 : i32
        %dma_wait3A_328 = tpu.memref_slice %arg2[%dma_wait3A_326, %dma_wait3A_327] : memref<320000x128xf32, #tpu.memory_space<hbm>> -> memref<40x128xf32, #tpu.memory_space<hbm>>
        %dma_wait3A_329 = arith.constant 0 : i32
        %dma_wait3A_330 = arith.constant 0 : i32
        %dma_wait3A_331 = tpu.memref_slice %arg5[%dma_wait3A, %dma_wait3A_329, %dma_wait3A_330] : memref<8x40x128xf32, #tpu.memory_space<vmem>> -> memref<1x40x128xf32, #tpu.memory_space<vmem>>
        %dma_wait3A_332 = tpu.memref_squeeze %dma_wait3A_331 : memref<1x40x128xf32, #tpu.memory_space<vmem>> -> memref<40x128xf32, #tpu.memory_space<vmem>>
        %dma_wait3A_333 = arith.constant 0 : i32
        %dma_wait3A_334 = arith.constant 0 : i32
        %dma_wait3A_335 = tpu.memref_slice %arg2[%dma_wait3A_333, %dma_wait3A_334] : memref<320000x128xf32, #tpu.memory_space<hbm>> -> memref<40x128xf32, #tpu.memory_space<hbm>>
        tpu.wait_dma2 semaphore(%arg18 : memref<!tpu.dma_semaphore, #tpu.memory_space<semaphore_mem>>) src(%dma_wait3A_335 : memref<40x128xf32, #tpu.memory_space<hbm>>) dst(%dma_wait3A_332 : memref<40x128xf32, #tpu.memory_space<vmem>>)
        %dma_wait3A_336 = arith.constant 6 : i32
        %dma_wait3A_337 = arith.constant 0 : i32
        %dma_wait3A_338 = tpu.memref_slice %arg6[%dma_wait3A_336, %dma_wait3A_337] : memref<8x40xi32, #tpu.memory_space<vmem>> -> memref<1x40xi32, #tpu.memory_space<vmem>>
        %dma_wait3A_339 = tpu.memref_squeeze %dma_wait3A_338 : memref<1x40xi32, #tpu.memory_space<vmem>> -> memref<40xi32, #tpu.memory_space<vmem>>
        %dma_wait3A_340 = arith.constant 0 : i32
        %dma_wait3A_341 = tpu.memref_slice %arg3[%dma_wait3A_340] : memref<320000xi32, #tpu.memory_space<hbm>> -> memref<40xi32, #tpu.memory_space<hbm>>
        %dma_wait3A_342 = arith.constant 0 : i32
        %dma_wait3A_343 = tpu.memref_slice %arg6[%dma_wait3A_336, %dma_wait3A_342] : memref<8x40xi32, #tpu.memory_space<vmem>> -> memref<1x40xi32, #tpu.memory_space<vmem>>
        %dma_wait3A_344 = tpu.memref_squeeze %dma_wait3A_343 : memref<1x40xi32, #tpu.memory_space<vmem>> -> memref<40xi32, #tpu.memory_space<vmem>>
        %dma_wait3A_345 = arith.constant 0 : i32
        %dma_wait3A_346 = tpu.memref_slice %arg3[%dma_wait3A_345] : memref<320000xi32, #tpu.memory_space<hbm>> -> memref<40xi32, #tpu.memory_space<hbm>>
        tpu.wait_dma2 semaphore(%arg26 : memref<!tpu.dma_semaphore, #tpu.memory_space<semaphore_mem>>) src(%dma_wait3A_346 : memref<40xi32, #tpu.memory_space<hbm>>) dst(%dma_wait3A_344 : memref<40xi32, #tpu.memory_space<vmem>>)
        %dma_start3A = arith.constant 6 : i32
        %dma_start3A_347 = arith.constant 6 : i32
        %dma_start3A_348 = arith.constant 0 : i32
        %dma_start3A_349 = arith.constant 0 : i32
        %dma_start3A_350 = tpu.memref_slice %arg5[%dma_start3A, %dma_start3A_348, %dma_start3A_349] : memref<8x40x128xf32, #tpu.memory_space<vmem>> -> memref<1x40x128xf32, #tpu.memory_space<vmem>>
        %dma_start3A_351 = tpu.memref_squeeze %dma_start3A_350 : memref<1x40x128xf32, #tpu.memory_space<vmem>> -> memref<40x128xf32, #tpu.memory_space<vmem>>
        %dma_start3A_352 = arith.constant 0 : i32
        %dma_start3A_353 = tpu.memref_slice %arg6[%dma_start3A_347, %dma_start3A_352] : memref<8x40xi32, #tpu.memory_space<vmem>> -> memref<1x40xi32, #tpu.memory_space<vmem>>
        %dma_start3A_354 = tpu.memref_squeeze %dma_start3A_353 : memref<1x40xi32, #tpu.memory_space<vmem>> -> memref<40xi32, #tpu.memory_space<vmem>>
        %dma_start3A_355 = arith.constant 0 : i32
        %dma_start3A_356 = arith.constant 0 : i32
        %dma_start3A_357 = tpu.memref_slice %arg11[%dma_start3A_355, %dma_start3A_356] : memref<10008x128xf32, #tpu.memory_space<vmem_shared>> -> memref<10008x128xf32, #tpu.memory_space<vmem_shared>>
        tpu.enqueue_indirect_dma source(%dma_start3A_351 : memref<40x128xf32, #tpu.memory_space<vmem>>) target(%dma_start3A_357 : memref<10008x128xf32, #tpu.memory_space<vmem_shared>>) offsets(%dma_start3A_354 : memref<40xi32, #tpu.memory_space<vmem>>) semaphore(%arg34 : memref<!tpu.dma_semaphore, #tpu.memory_space<semaphore_mem>>) {add = true}
        %add3A_358 = arith.constant 6 : i32
        %add3A_359 = arith.addi %add3A_308, %add3A_358 : i32
        %lt3A_360 = arith.cmpi slt, %add3A_359, %sub3A_128 : i32
        %convert_element_type3A_361 = arith.extui %lt3A_360 : i1 to i32
        %cond3A_362 = arith.constant 0 : i32
        %cond3A_363 = arith.cmpi ne, %convert_element_type3A_361, %cond3A_362 : i32
        scf.if %cond3A_363 {
          %ge3A = arith.constant 8 : i32
          %ge3A_364 = arith.cmpi sge, %add3A_359, %ge3A : i32
          %convert_element_type3A_365 = arith.extui %ge3A_364 : i1 to i32
          %cond3A_366 = arith.constant 0 : i32
          %cond3A_367 = arith.cmpi ne, %convert_element_type3A_365, %cond3A_366 : i32
          scf.if %cond3A_367 {
            %dma_wait3A_393 = arith.constant 4 : i32
            %dma_wait3A_394 = arith.constant 4 : i32
            %dma_wait3A_395 = arith.constant 0 : i32
            %dma_wait3A_396 = arith.constant 0 : i32
            %dma_wait3A_397 = tpu.memref_slice %arg5[%dma_wait3A_393, %dma_wait3A_395, %dma_wait3A_396] : memref<8x40x128xf32, #tpu.memory_space<vmem>> -> memref<1x40x128xf32, #tpu.memory_space<vmem>>
            %dma_wait3A_398 = tpu.memref_squeeze %dma_wait3A_397 : memref<1x40x128xf32, #tpu.memory_space<vmem>> -> memref<40x128xf32, #tpu.memory_space<vmem>>
            %dma_wait3A_399 = arith.constant 0 : i32
            %dma_wait3A_400 = tpu.memref_slice %arg6[%dma_wait3A_394, %dma_wait3A_399] : memref<8x40xi32, #tpu.memory_space<vmem>> -> memref<1x40xi32, #tpu.memory_space<vmem>>
            %dma_wait3A_401 = tpu.memref_squeeze %dma_wait3A_400 : memref<1x40xi32, #tpu.memory_space<vmem>> -> memref<40xi32, #tpu.memory_space<vmem>>
            %dma_wait3A_402 = arith.constant 0 : i32
            %dma_wait3A_403 = arith.constant 0 : i32
            %dma_wait3A_404 = tpu.memref_slice %arg11[%dma_wait3A_402, %dma_wait3A_403] : memref<10008x128xf32, #tpu.memory_space<vmem_shared>> -> memref<10008x128xf32, #tpu.memory_space<vmem_shared>>
            tpu.wait_indirect_dma semaphore(%arg32 : memref<!tpu.dma_semaphore, #tpu.memory_space<semaphore_mem>>) src(%dma_wait3A_398 : memref<40x128xf32, #tpu.memory_space<vmem>>) dst(%dma_wait3A_404 : memref<10008x128xf32, #tpu.memory_space<vmem_shared>>)
          } else {
          }
          %add3A_368 = arith.addi %add3A_99, %add3A_359 : i32
          %mul3A_369 = arith.constant 40 : i32
          %mul3A_370 = arith.muli %add3A_368, %mul3A_369 : i32
          %dma_start3A_371 = arith.constant 4 : i32
          %dma_start3A_372 = arith.constant 0 : i32
          %dma_start3A_373 = arith.constant 0 : i32
          %dma_start3A_374 = tpu.memref_slice %arg5[%dma_start3A_371, %dma_start3A_372, %dma_start3A_373] : memref<8x40x128xf32, #tpu.memory_space<vmem>> -> memref<1x40x128xf32, #tpu.memory_space<vmem>>
          %dma_start3A_375 = tpu.memref_squeeze %dma_start3A_374 : memref<1x40x128xf32, #tpu.memory_space<vmem>> -> memref<40x128xf32, #tpu.memory_space<vmem>>
          %dma_start3A_376 = arith.constant 0 : i32
          %dma_start3A_377 = tpu.memref_slice %arg2[%mul3A_370, %dma_start3A_376] : memref<320000x128xf32, #tpu.memory_space<hbm>> -> memref<40x128xf32, #tpu.memory_space<hbm>>
          %dma_start3A_378 = arith.constant 0 : i32
          %dma_start3A_379 = arith.constant 0 : i32
          %dma_start3A_380 = tpu.memref_slice %arg5[%dma_start3A_371, %dma_start3A_378, %dma_start3A_379] : memref<8x40x128xf32, #tpu.memory_space<vmem>> -> memref<1x40x128xf32, #tpu.memory_space<vmem>>
          %dma_start3A_381 = tpu.memref_squeeze %dma_start3A_380 : memref<1x40x128xf32, #tpu.memory_space<vmem>> -> memref<40x128xf32, #tpu.memory_space<vmem>>
          %dma_start3A_382 = arith.constant 0 : i32
          %dma_start3A_383 = tpu.memref_slice %arg2[%mul3A_370, %dma_start3A_382] : memref<320000x128xf32, #tpu.memory_space<hbm>> -> memref<40x128xf32, #tpu.memory_space<hbm>>
          tpu.enqueue_dma source(%dma_start3A_383 : memref<40x128xf32, #tpu.memory_space<hbm>>) target(%dma_start3A_381 : memref<40x128xf32, #tpu.memory_space<vmem>>) target_semaphore(%arg16 : memref<!tpu.dma_semaphore, #tpu.memory_space<semaphore_mem>>)
          %dma_start3A_384 = arith.constant 4 : i32
          %dma_start3A_385 = arith.constant 0 : i32
          %dma_start3A_386 = tpu.memref_slice %arg6[%dma_start3A_384, %dma_start3A_385] : memref<8x40xi32, #tpu.memory_space<vmem>> -> memref<1x40xi32, #tpu.memory_space<vmem>>
          %dma_start3A_387 = tpu.memref_squeeze %dma_start3A_386 : memref<1x40xi32, #tpu.memory_space<vmem>> -> memref<40xi32, #tpu.memory_space<vmem>>
          %dma_start3A_388 = tpu.memref_slice %arg3[%mul3A_370] : memref<320000xi32, #tpu.memory_space<hbm>> -> memref<40xi32, #tpu.memory_space<hbm>>
          %dma_start3A_389 = arith.constant 0 : i32
          %dma_start3A_390 = tpu.memref_slice %arg6[%dma_start3A_384, %dma_start3A_389] : memref<8x40xi32, #tpu.memory_space<vmem>> -> memref<1x40xi32, #tpu.memory_space<vmem>>
          %dma_start3A_391 = tpu.memref_squeeze %dma_start3A_390 : memref<1x40xi32, #tpu.memory_space<vmem>> -> memref<40xi32, #tpu.memory_space<vmem>>
          %dma_start3A_392 = tpu.memref_slice %arg3[%mul3A_370] : memref<320000xi32, #tpu.memory_space<hbm>> -> memref<40xi32, #tpu.memory_space<hbm>>
          tpu.enqueue_dma source(%dma_start3A_392 : memref<40xi32, #tpu.memory_space<hbm>>) target(%dma_start3A_391 : memref<40xi32, #tpu.memory_space<vmem>>) target_semaphore(%arg24 : memref<!tpu.dma_semaphore, #tpu.memory_space<semaphore_mem>>)
        } else {
        }
      } else {
      }
      %mul3A_313 = arith.constant 8 : i32
      %mul3A_314 = arith.muli %mul3A_313, %while3A_256 : i32
      %add3A_315 = arith.constant 7 : i32
      %add3A_316 = arith.addi %mul3A_314, %add3A_315 : i32
      %lt3A_317 = arith.cmpi slt, %add3A_316, %sub3A_128 : i32
      %convert_element_type3A_318 = arith.extui %lt3A_317 : i1 to i32
      %cond3A_319 = arith.constant 0 : i32
      %cond3A_320 = arith.cmpi ne, %convert_element_type3A_318, %cond3A_319 : i32
      scf.if %cond3A_320 {
        %dma_wait3A = arith.constant 7 : i32
        %dma_wait3A_322 = arith.constant 0 : i32
        %dma_wait3A_323 = arith.constant 0 : i32
        %dma_wait3A_324 = tpu.memref_slice %arg5[%dma_wait3A, %dma_wait3A_322, %dma_wait3A_323] : memref<8x40x128xf32, #tpu.memory_space<vmem>> -> memref<1x40x128xf32, #tpu.memory_space<vmem>>
        %dma_wait3A_325 = tpu.memref_squeeze %dma_wait3A_324 : memref<1x40x128xf32, #tpu.memory_space<vmem>> -> memref<40x128xf32, #tpu.memory_space<vmem>>
        %dma_wait3A_326 = arith.constant 0 : i32
        %dma_wait3A_327 = arith.constant 0 : i32
        %dma_wait3A_328 = tpu.memref_slice %arg2[%dma_wait3A_326, %dma_wait3A_327] : memref<320000x128xf32, #tpu.memory_space<hbm>> -> memref<40x128xf32, #tpu.memory_space<hbm>>
        %dma_wait3A_329 = arith.constant 0 : i32
        %dma_wait3A_330 = arith.constant 0 : i32
        %dma_wait3A_331 = tpu.memref_slice %arg5[%dma_wait3A, %dma_wait3A_329, %dma_wait3A_330] : memref<8x40x128xf32, #tpu.memory_space<vmem>> -> memref<1x40x128xf32, #tpu.memory_space<vmem>>
        %dma_wait3A_332 = tpu.memref_squeeze %dma_wait3A_331 : memref<1x40x128xf32, #tpu.memory_space<vmem>> -> memref<40x128xf32, #tpu.memory_space<vmem>>
        %dma_wait3A_333 = arith.constant 0 : i32
        %dma_wait3A_334 = arith.constant 0 : i32
        %dma_wait3A_335 = tpu.memref_slice %arg2[%dma_wait3A_333, %dma_wait3A_334] : memref<320000x128xf32, #tpu.memory_space<hbm>> -> memref<40x128xf32, #tpu.memory_space<hbm>>
        tpu.wait_dma2 semaphore(%arg19 : memref<!tpu.dma_semaphore, #tpu.memory_space<semaphore_mem>>) src(%dma_wait3A_335 : memref<40x128xf32, #tpu.memory_space<hbm>>) dst(%dma_wait3A_332 : memref<40x128xf32, #tpu.memory_space<vmem>>)
        %dma_wait3A_336 = arith.constant 7 : i32
        %dma_wait3A_337 = arith.constant 0 : i32
        %dma_wait3A_338 = tpu.memref_slice %arg6[%dma_wait3A_336, %dma_wait3A_337] : memref<8x40xi32, #tpu.memory_space<vmem>> -> memref<1x40xi32, #tpu.memory_space<vmem>>
        %dma_wait3A_339 = tpu.memref_squeeze %dma_wait3A_338 : memref<1x40xi32, #tpu.memory_space<vmem>> -> memref<40xi32, #tpu.memory_space<vmem>>
        %dma_wait3A_340 = arith.constant 0 : i32
        %dma_wait3A_341 = tpu.memref_slice %arg3[%dma_wait3A_340] : memref<320000xi32, #tpu.memory_space<hbm>> -> memref<40xi32, #tpu.memory_space<hbm>>
        %dma_wait3A_342 = arith.constant 0 : i32
        %dma_wait3A_343 = tpu.memref_slice %arg6[%dma_wait3A_336, %dma_wait3A_342] : memref<8x40xi32, #tpu.memory_space<vmem>> -> memref<1x40xi32, #tpu.memory_space<vmem>>
        %dma_wait3A_344 = tpu.memref_squeeze %dma_wait3A_343 : memref<1x40xi32, #tpu.memory_space<vmem>> -> memref<40xi32, #tpu.memory_space<vmem>>
        %dma_wait3A_345 = arith.constant 0 : i32
        %dma_wait3A_346 = tpu.memref_slice %arg3[%dma_wait3A_345] : memref<320000xi32, #tpu.memory_space<hbm>> -> memref<40xi32, #tpu.memory_space<hbm>>
        tpu.wait_dma2 semaphore(%arg27 : memref<!tpu.dma_semaphore, #tpu.memory_space<semaphore_mem>>) src(%dma_wait3A_346 : memref<40xi32, #tpu.memory_space<hbm>>) dst(%dma_wait3A_344 : memref<40xi32, #tpu.memory_space<vmem>>)
        %dma_start3A = arith.constant 7 : i32
        %dma_start3A_347 = arith.constant 7 : i32
        %dma_start3A_348 = arith.constant 0 : i32
        %dma_start3A_349 = arith.constant 0 : i32
        %dma_start3A_350 = tpu.memref_slice %arg5[%dma_start3A, %dma_start3A_348, %dma_start3A_349] : memref<8x40x128xf32, #tpu.memory_space<vmem>> -> memref<1x40x128xf32, #tpu.memory_space<vmem>>
        %dma_start3A_351 = tpu.memref_squeeze %dma_start3A_350 : memref<1x40x128xf32, #tpu.memory_space<vmem>> -> memref<40x128xf32, #tpu.memory_space<vmem>>
        %dma_start3A_352 = arith.constant 0 : i32
        %dma_start3A_353 = tpu.memref_slice %arg6[%dma_start3A_347, %dma_start3A_352] : memref<8x40xi32, #tpu.memory_space<vmem>> -> memref<1x40xi32, #tpu.memory_space<vmem>>
        %dma_start3A_354 = tpu.memref_squeeze %dma_start3A_353 : memref<1x40xi32, #tpu.memory_space<vmem>> -> memref<40xi32, #tpu.memory_space<vmem>>
        %dma_start3A_355 = arith.constant 0 : i32
        %dma_start3A_356 = arith.constant 0 : i32
        %dma_start3A_357 = tpu.memref_slice %arg11[%dma_start3A_355, %dma_start3A_356] : memref<10008x128xf32, #tpu.memory_space<vmem_shared>> -> memref<10008x128xf32, #tpu.memory_space<vmem_shared>>
        tpu.enqueue_indirect_dma source(%dma_start3A_351 : memref<40x128xf32, #tpu.memory_space<vmem>>) target(%dma_start3A_357 : memref<10008x128xf32, #tpu.memory_space<vmem_shared>>) offsets(%dma_start3A_354 : memref<40xi32, #tpu.memory_space<vmem>>) semaphore(%arg35 : memref<!tpu.dma_semaphore, #tpu.memory_space<semaphore_mem>>) {add = true}
        %add3A_358 = arith.constant 6 : i32
        %add3A_359 = arith.addi %add3A_316, %add3A_358 : i32
        %lt3A_360 = arith.cmpi slt, %add3A_359, %sub3A_128 : i32
        %convert_element_type3A_361 = arith.extui %lt3A_360 : i1 to i32
        %cond3A_362 = arith.constant 0 : i32
        %cond3A_363 = arith.cmpi ne, %convert_element_type3A_361, %cond3A_362 : i32
        scf.if %cond3A_363 {
          %ge3A = arith.constant 8 : i32
          %ge3A_364 = arith.cmpi sge, %add3A_359, %ge3A : i32
          %convert_element_type3A_365 = arith.extui %ge3A_364 : i1 to i32
          %cond3A_366 = arith.constant 0 : i32
          %cond3A_367 = arith.cmpi ne, %convert_element_type3A_365, %cond3A_366 : i32
          scf.if %cond3A_367 {
            %dma_wait3A_393 = arith.constant 5 : i32
            %dma_wait3A_394 = arith.constant 5 : i32
            %dma_wait3A_395 = arith.constant 0 : i32
            %dma_wait3A_396 = arith.constant 0 : i32
            %dma_wait3A_397 = tpu.memref_slice %arg5[%dma_wait3A_393, %dma_wait3A_395, %dma_wait3A_396] : memref<8x40x128xf32, #tpu.memory_space<vmem>> -> memref<1x40x128xf32, #tpu.memory_space<vmem>>
            %dma_wait3A_398 = tpu.memref_squeeze %dma_wait3A_397 : memref<1x40x128xf32, #tpu.memory_space<vmem>> -> memref<40x128xf32, #tpu.memory_space<vmem>>
            %dma_wait3A_399 = arith.constant 0 : i32
            %dma_wait3A_400 = tpu.memref_slice %arg6[%dma_wait3A_394, %dma_wait3A_399] : memref<8x40xi32, #tpu.memory_space<vmem>> -> memref<1x40xi32, #tpu.memory_space<vmem>>
            %dma_wait3A_401 = tpu.memref_squeeze %dma_wait3A_400 : memref<1x40xi32, #tpu.memory_space<vmem>> -> memref<40xi32, #tpu.memory_space<vmem>>
            %dma_wait3A_402 = arith.constant 0 : i32
            %dma_wait3A_403 = arith.constant 0 : i32
            %dma_wait3A_404 = tpu.memref_slice %arg11[%dma_wait3A_402, %dma_wait3A_403] : memref<10008x128xf32, #tpu.memory_space<vmem_shared>> -> memref<10008x128xf32, #tpu.memory_space<vmem_shared>>
            tpu.wait_indirect_dma semaphore(%arg33 : memref<!tpu.dma_semaphore, #tpu.memory_space<semaphore_mem>>) src(%dma_wait3A_398 : memref<40x128xf32, #tpu.memory_space<vmem>>) dst(%dma_wait3A_404 : memref<10008x128xf32, #tpu.memory_space<vmem_shared>>)
          } else {
          }
          %add3A_368 = arith.addi %add3A_99, %add3A_359 : i32
          %mul3A_369 = arith.constant 40 : i32
          %mul3A_370 = arith.muli %add3A_368, %mul3A_369 : i32
          %dma_start3A_371 = arith.constant 5 : i32
          %dma_start3A_372 = arith.constant 0 : i32
          %dma_start3A_373 = arith.constant 0 : i32
          %dma_start3A_374 = tpu.memref_slice %arg5[%dma_start3A_371, %dma_start3A_372, %dma_start3A_373] : memref<8x40x128xf32, #tpu.memory_space<vmem>> -> memref<1x40x128xf32, #tpu.memory_space<vmem>>
          %dma_start3A_375 = tpu.memref_squeeze %dma_start3A_374 : memref<1x40x128xf32, #tpu.memory_space<vmem>> -> memref<40x128xf32, #tpu.memory_space<vmem>>
          %dma_start3A_376 = arith.constant 0 : i32
          %dma_start3A_377 = tpu.memref_slice %arg2[%mul3A_370, %dma_start3A_376] : memref<320000x128xf32, #tpu.memory_space<hbm>> -> memref<40x128xf32, #tpu.memory_space<hbm>>
          %dma_start3A_378 = arith.constant 0 : i32
          %dma_start3A_379 = arith.constant 0 : i32
          %dma_start3A_380 = tpu.memref_slice %arg5[%dma_start3A_371, %dma_start3A_378, %dma_start3A_379] : memref<8x40x128xf32, #tpu.memory_space<vmem>> -> memref<1x40x128xf32, #tpu.memory_space<vmem>>
          %dma_start3A_381 = tpu.memref_squeeze %dma_start3A_380 : memref<1x40x128xf32, #tpu.memory_space<vmem>> -> memref<40x128xf32, #tpu.memory_space<vmem>>
          %dma_start3A_382 = arith.constant 0 : i32
          %dma_start3A_383 = tpu.memref_slice %arg2[%mul3A_370, %dma_start3A_382] : memref<320000x128xf32, #tpu.memory_space<hbm>> -> memref<40x128xf32, #tpu.memory_space<hbm>>
          tpu.enqueue_dma source(%dma_start3A_383 : memref<40x128xf32, #tpu.memory_space<hbm>>) target(%dma_start3A_381 : memref<40x128xf32, #tpu.memory_space<vmem>>) target_semaphore(%arg17 : memref<!tpu.dma_semaphore, #tpu.memory_space<semaphore_mem>>)
          %dma_start3A_384 = arith.constant 5 : i32
          %dma_start3A_385 = arith.constant 0 : i32
          %dma_start3A_386 = tpu.memref_slice %arg6[%dma_start3A_384, %dma_start3A_385] : memref<8x40xi32, #tpu.memory_space<vmem>> -> memref<1x40xi32, #tpu.memory_space<vmem>>
          %dma_start3A_387 = tpu.memref_squeeze %dma_start3A_386 : memref<1x40xi32, #tpu.memory_space<vmem>> -> memref<40xi32, #tpu.memory_space<vmem>>
          %dma_start3A_388 = tpu.memref_slice %arg3[%mul3A_370] : memref<320000xi32, #tpu.memory_space<hbm>> -> memref<40xi32, #tpu.memory_space<hbm>>
          %dma_start3A_389 = arith.constant 0 : i32
          %dma_start3A_390 = tpu.memref_slice %arg6[%dma_start3A_384, %dma_start3A_389] : memref<8x40xi32, #tpu.memory_space<vmem>> -> memref<1x40xi32, #tpu.memory_space<vmem>>
          %dma_start3A_391 = tpu.memref_squeeze %dma_start3A_390 : memref<1x40xi32, #tpu.memory_space<vmem>> -> memref<40xi32, #tpu.memory_space<vmem>>
          %dma_start3A_392 = tpu.memref_slice %arg3[%mul3A_370] : memref<320000xi32, #tpu.memory_space<hbm>> -> memref<40xi32, #tpu.memory_space<hbm>>
          tpu.enqueue_dma source(%dma_start3A_392 : memref<40xi32, #tpu.memory_space<hbm>>) target(%dma_start3A_391 : memref<40xi32, #tpu.memory_space<vmem>>) target_semaphore(%arg25 : memref<!tpu.dma_semaphore, #tpu.memory_space<semaphore_mem>>)
        } else {
        }
      } else {
      }
      %while3A_321 = arith.constant 0 : i32
      scf.yield %while3A_321 : i32
    }
    %while3A_195 = arith.constant 1 : i32
    %while3A_196 = scf.for %while3A_256 = %while3A_192 to %while3A_188 step %while3A_195 iter_args(%while3A_257 = %while3A_194) -> (i32)  : i32 {
      %mul3A_258 = arith.constant 8 : i32
      %mul3A_259 = arith.muli %mul3A_258, %while3A_256 : i32
      %add3A_260 = arith.constant 0 : i32
      %add3A_261 = arith.addi %mul3A_259, %add3A_260 : i32
      %lt3A = arith.cmpi slt, %add3A_261, %sub3A_128 : i32
      %convert_element_type3A_262 = arith.extui %lt3A : i1 to i32
      %cond3A_263 = arith.constant 0 : i32
      %cond3A_264 = arith.cmpi ne, %convert_element_type3A_262, %cond3A_263 : i32
      scf.if %cond3A_264 {
        %dma_wait3A = arith.constant 0 : i32
        %dma_wait3A_322 = arith.constant 0 : i32
        %dma_wait3A_323 = arith.constant 0 : i32
        %dma_wait3A_324 = tpu.memref_slice %arg5[%dma_wait3A, %dma_wait3A_322, %dma_wait3A_323] : memref<8x40x128xf32, #tpu.memory_space<vmem>> -> memref<1x40x128xf32, #tpu.memory_space<vmem>>
        %dma_wait3A_325 = tpu.memref_squeeze %dma_wait3A_324 : memref<1x40x128xf32, #tpu.memory_space<vmem>> -> memref<40x128xf32, #tpu.memory_space<vmem>>
        %dma_wait3A_326 = arith.constant 0 : i32
        %dma_wait3A_327 = arith.constant 0 : i32
        %dma_wait3A_328 = tpu.memref_slice %arg2[%dma_wait3A_326, %dma_wait3A_327] : memref<320000x128xf32, #tpu.memory_space<hbm>> -> memref<40x128xf32, #tpu.memory_space<hbm>>
        %dma_wait3A_329 = arith.constant 0 : i32
        %dma_wait3A_330 = arith.constant 0 : i32
        %dma_wait3A_331 = tpu.memref_slice %arg5[%dma_wait3A, %dma_wait3A_329, %dma_wait3A_330] : memref<8x40x128xf32, #tpu.memory_space<vmem>> -> memref<1x40x128xf32, #tpu.memory_space<vmem>>
        %dma_wait3A_332 = tpu.memref_squeeze %dma_wait3A_331 : memref<1x40x128xf32, #tpu.memory_space<vmem>> -> memref<40x128xf32, #tpu.memory_space<vmem>>
        %dma_wait3A_333 = arith.constant 0 : i32
        %dma_wait3A_334 = arith.constant 0 : i32
        %dma_wait3A_335 = tpu.memref_slice %arg2[%dma_wait3A_333, %dma_wait3A_334] : memref<320000x128xf32, #tpu.memory_space<hbm>> -> memref<40x128xf32, #tpu.memory_space<hbm>>
        tpu.wait_dma2 semaphore(%arg12 : memref<!tpu.dma_semaphore, #tpu.memory_space<semaphore_mem>>) src(%dma_wait3A_335 : memref<40x128xf32, #tpu.memory_space<hbm>>) dst(%dma_wait3A_332 : memref<40x128xf32, #tpu.memory_space<vmem>>)
        %dma_wait3A_336 = arith.constant 0 : i32
        %dma_wait3A_337 = arith.constant 0 : i32
        %dma_wait3A_338 = tpu.memref_slice %arg6[%dma_wait3A_336, %dma_wait3A_337] : memref<8x40xi32, #tpu.memory_space<vmem>> -> memref<1x40xi32, #tpu.memory_space<vmem>>
        %dma_wait3A_339 = tpu.memref_squeeze %dma_wait3A_338 : memref<1x40xi32, #tpu.memory_space<vmem>> -> memref<40xi32, #tpu.memory_space<vmem>>
        %dma_wait3A_340 = arith.constant 0 : i32
        %dma_wait3A_341 = tpu.memref_slice %arg3[%dma_wait3A_340] : memref<320000xi32, #tpu.memory_space<hbm>> -> memref<40xi32, #tpu.memory_space<hbm>>
        %dma_wait3A_342 = arith.constant 0 : i32
        %dma_wait3A_343 = tpu.memref_slice %arg6[%dma_wait3A_336, %dma_wait3A_342] : memref<8x40xi32, #tpu.memory_space<vmem>> -> memref<1x40xi32, #tpu.memory_space<vmem>>
        %dma_wait3A_344 = tpu.memref_squeeze %dma_wait3A_343 : memref<1x40xi32, #tpu.memory_space<vmem>> -> memref<40xi32, #tpu.memory_space<vmem>>
        %dma_wait3A_345 = arith.constant 0 : i32
        %dma_wait3A_346 = tpu.memref_slice %arg3[%dma_wait3A_345] : memref<320000xi32, #tpu.memory_space<hbm>> -> memref<40xi32, #tpu.memory_space<hbm>>
        tpu.wait_dma2 semaphore(%arg20 : memref<!tpu.dma_semaphore, #tpu.memory_space<semaphore_mem>>) src(%dma_wait3A_346 : memref<40xi32, #tpu.memory_space<hbm>>) dst(%dma_wait3A_344 : memref<40xi32, #tpu.memory_space<vmem>>)
        %dma_start3A = arith.constant 0 : i32
        %dma_start3A_347 = arith.constant 0 : i32
        %dma_start3A_348 = arith.constant 0 : i32
        %dma_start3A_349 = arith.constant 0 : i32
        %dma_start3A_350 = tpu.memref_slice %arg5[%dma_start3A, %dma_start3A_348, %dma_start3A_349] : memref<8x40x128xf32, #tpu.memory_space<vmem>> -> memref<1x40x128xf32, #tpu.memory_space<vmem>>
        %dma_start3A_351 = tpu.memref_squeeze %dma_start3A_350 : memref<1x40x128xf32, #tpu.memory_space<vmem>> -> memref<40x128xf32, #tpu.memory_space<vmem>>
        %dma_start3A_352 = arith.constant 0 : i32
        %dma_start3A_353 = tpu.memref_slice %arg6[%dma_start3A_347, %dma_start3A_352] : memref<8x40xi32, #tpu.memory_space<vmem>> -> memref<1x40xi32, #tpu.memory_space<vmem>>
        %dma_start3A_354 = tpu.memref_squeeze %dma_start3A_353 : memref<1x40xi32, #tpu.memory_space<vmem>> -> memref<40xi32, #tpu.memory_space<vmem>>
        %dma_start3A_355 = arith.constant 0 : i32
        %dma_start3A_356 = arith.constant 0 : i32
        %dma_start3A_357 = tpu.memref_slice %arg11[%dma_start3A_355, %dma_start3A_356] : memref<10008x128xf32, #tpu.memory_space<vmem_shared>> -> memref<10008x128xf32, #tpu.memory_space<vmem_shared>>
        tpu.enqueue_indirect_dma source(%dma_start3A_351 : memref<40x128xf32, #tpu.memory_space<vmem>>) target(%dma_start3A_357 : memref<10008x128xf32, #tpu.memory_space<vmem_shared>>) offsets(%dma_start3A_354 : memref<40xi32, #tpu.memory_space<vmem>>) semaphore(%arg28 : memref<!tpu.dma_semaphore, #tpu.memory_space<semaphore_mem>>) {add = true}
        %add3A_358 = arith.constant 6 : i32
        %add3A_359 = arith.addi %add3A_261, %add3A_358 : i32
        %lt3A_360 = arith.cmpi slt, %add3A_359, %sub3A_128 : i32
        %convert_element_type3A_361 = arith.extui %lt3A_360 : i1 to i32
        %cond3A_362 = arith.constant 0 : i32
        %cond3A_363 = arith.cmpi ne, %convert_element_type3A_361, %cond3A_362 : i32
        scf.if %cond3A_363 {
          %ge3A = arith.constant 8 : i32
          %ge3A_364 = arith.cmpi sge, %add3A_359, %ge3A : i32
          %convert_element_type3A_365 = arith.extui %ge3A_364 : i1 to i32
          %cond3A_366 = arith.constant 0 : i32
          %cond3A_367 = arith.cmpi ne, %convert_element_type3A_365, %cond3A_366 : i32
          scf.if %cond3A_367 {
            %dma_wait3A_393 = arith.constant 6 : i32
            %dma_wait3A_394 = arith.constant 6 : i32
            %dma_wait3A_395 = arith.constant 0 : i32
            %dma_wait3A_396 = arith.constant 0 : i32
            %dma_wait3A_397 = tpu.memref_slice %arg5[%dma_wait3A_393, %dma_wait3A_395, %dma_wait3A_396] : memref<8x40x128xf32, #tpu.memory_space<vmem>> -> memref<1x40x128xf32, #tpu.memory_space<vmem>>
            %dma_wait3A_398 = tpu.memref_squeeze %dma_wait3A_397 : memref<1x40x128xf32, #tpu.memory_space<vmem>> -> memref<40x128xf32, #tpu.memory_space<vmem>>
            %dma_wait3A_399 = arith.constant 0 : i32
            %dma_wait3A_400 = tpu.memref_slice %arg6[%dma_wait3A_394, %dma_wait3A_399] : memref<8x40xi32, #tpu.memory_space<vmem>> -> memref<1x40xi32, #tpu.memory_space<vmem>>
            %dma_wait3A_401 = tpu.memref_squeeze %dma_wait3A_400 : memref<1x40xi32, #tpu.memory_space<vmem>> -> memref<40xi32, #tpu.memory_space<vmem>>
            %dma_wait3A_402 = arith.constant 0 : i32
            %dma_wait3A_403 = arith.constant 0 : i32
            %dma_wait3A_404 = tpu.memref_slice %arg11[%dma_wait3A_402, %dma_wait3A_403] : memref<10008x128xf32, #tpu.memory_space<vmem_shared>> -> memref<10008x128xf32, #tpu.memory_space<vmem_shared>>
            tpu.wait_indirect_dma semaphore(%arg34 : memref<!tpu.dma_semaphore, #tpu.memory_space<semaphore_mem>>) src(%dma_wait3A_398 : memref<40x128xf32, #tpu.memory_space<vmem>>) dst(%dma_wait3A_404 : memref<10008x128xf32, #tpu.memory_space<vmem_shared>>)
          } else {
          }
          %add3A_368 = arith.addi %add3A_99, %add3A_359 : i32
          %mul3A_369 = arith.constant 40 : i32
          %mul3A_370 = arith.muli %add3A_368, %mul3A_369 : i32
          %dma_start3A_371 = arith.constant 6 : i32
          %dma_start3A_372 = arith.constant 0 : i32
          %dma_start3A_373 = arith.constant 0 : i32
          %dma_start3A_374 = tpu.memref_slice %arg5[%dma_start3A_371, %dma_start3A_372, %dma_start3A_373] : memref<8x40x128xf32, #tpu.memory_space<vmem>> -> memref<1x40x128xf32, #tpu.memory_space<vmem>>
          %dma_start3A_375 = tpu.memref_squeeze %dma_start3A_374 : memref<1x40x128xf32, #tpu.memory_space<vmem>> -> memref<40x128xf32, #tpu.memory_space<vmem>>
          %dma_start3A_376 = arith.constant 0 : i32
          %dma_start3A_377 = tpu.memref_slice %arg2[%mul3A_370, %dma_start3A_376] : memref<320000x128xf32, #tpu.memory_space<hbm>> -> memref<40x128xf32, #tpu.memory_space<hbm>>
          %dma_start3A_378 = arith.constant 0 : i32
          %dma_start3A_379 = arith.constant 0 : i32
          %dma_start3A_380 = tpu.memref_slice %arg5[%dma_start3A_371, %dma_start3A_378, %dma_start3A_379] : memref<8x40x128xf32, #tpu.memory_space<vmem>> -> memref<1x40x128xf32, #tpu.memory_space<vmem>>
          %dma_start3A_381 = tpu.memref_squeeze %dma_start3A_380 : memref<1x40x128xf32, #tpu.memory_space<vmem>> -> memref<40x128xf32, #tpu.memory_space<vmem>>
          %dma_start3A_382 = arith.constant 0 : i32
          %dma_start3A_383 = tpu.memref_slice %arg2[%mul3A_370, %dma_start3A_382] : memref<320000x128xf32, #tpu.memory_space<hbm>> -> memref<40x128xf32, #tpu.memory_space<hbm>>
          tpu.enqueue_dma source(%dma_start3A_383 : memref<40x128xf32, #tpu.memory_space<hbm>>) target(%dma_start3A_381 : memref<40x128xf32, #tpu.memory_space<vmem>>) target_semaphore(%arg18 : memref<!tpu.dma_semaphore, #tpu.memory_space<semaphore_mem>>)
          %dma_start3A_384 = arith.constant 6 : i32
          %dma_start3A_385 = arith.constant 0 : i32
          %dma_start3A_386 = tpu.memref_slice %arg6[%dma_start3A_384, %dma_start3A_385] : memref<8x40xi32, #tpu.memory_space<vmem>> -> memref<1x40xi32, #tpu.memory_space<vmem>>
          %dma_start3A_387 = tpu.memref_squeeze %dma_start3A_386 : memref<1x40xi32, #tpu.memory_space<vmem>> -> memref<40xi32, #tpu.memory_space<vmem>>
          %dma_start3A_388 = tpu.memref_slice %arg3[%mul3A_370] : memref<320000xi32, #tpu.memory_space<hbm>> -> memref<40xi32, #tpu.memory_space<hbm>>
          %dma_start3A_389 = arith.constant 0 : i32
          %dma_start3A_390 = tpu.memref_slice %arg6[%dma_start3A_384, %dma_start3A_389] : memref<8x40xi32, #tpu.memory_space<vmem>> -> memref<1x40xi32, #tpu.memory_space<vmem>>
          %dma_start3A_391 = tpu.memref_squeeze %dma_start3A_390 : memref<1x40xi32, #tpu.memory_space<vmem>> -> memref<40xi32, #tpu.memory_space<vmem>>
          %dma_start3A_392 = tpu.memref_slice %arg3[%mul3A_370] : memref<320000xi32, #tpu.memory_space<hbm>> -> memref<40xi32, #tpu.memory_space<hbm>>
          tpu.enqueue_dma source(%dma_start3A_392 : memref<40xi32, #tpu.memory_space<hbm>>) target(%dma_start3A_391 : memref<40xi32, #tpu.memory_space<vmem>>) target_semaphore(%arg26 : memref<!tpu.dma_semaphore, #tpu.memory_space<semaphore_mem>>)
        } else {
        }
      } else {
      }
      %mul3A_265 = arith.constant 8 : i32
      %mul3A_266 = arith.muli %mul3A_265, %while3A_256 : i32
      %add3A_267 = arith.constant 1 : i32
      %add3A_268 = arith.addi %mul3A_266, %add3A_267 : i32
      %lt3A_269 = arith.cmpi slt, %add3A_268, %sub3A_128 : i32
      %convert_element_type3A_270 = arith.extui %lt3A_269 : i1 to i32
      %cond3A_271 = arith.constant 0 : i32
      %cond3A_272 = arith.cmpi ne, %convert_element_type3A_270, %cond3A_271 : i32
      scf.if %cond3A_272 {
        %dma_wait3A = arith.constant 1 : i32
        %dma_wait3A_322 = arith.constant 0 : i32
        %dma_wait3A_323 = arith.constant 0 : i32
        %dma_wait3A_324 = tpu.memref_slice %arg5[%dma_wait3A, %dma_wait3A_322, %dma_wait3A_323] : memref<8x40x128xf32, #tpu.memory_space<vmem>> -> memref<1x40x128xf32, #tpu.memory_space<vmem>>
        %dma_wait3A_325 = tpu.memref_squeeze %dma_wait3A_324 : memref<1x40x128xf32, #tpu.memory_space<vmem>> -> memref<40x128xf32, #tpu.memory_space<vmem>>
        %dma_wait3A_326 = arith.constant 0 : i32
        %dma_wait3A_327 = arith.constant 0 : i32
        %dma_wait3A_328 = tpu.memref_slice %arg2[%dma_wait3A_326, %dma_wait3A_327] : memref<320000x128xf32, #tpu.memory_space<hbm>> -> memref<40x128xf32, #tpu.memory_space<hbm>>
        %dma_wait3A_329 = arith.constant 0 : i32
        %dma_wait3A_330 = arith.constant 0 : i32
        %dma_wait3A_331 = tpu.memref_slice %arg5[%dma_wait3A, %dma_wait3A_329, %dma_wait3A_330] : memref<8x40x128xf32, #tpu.memory_space<vmem>> -> memref<1x40x128xf32, #tpu.memory_space<vmem>>
        %dma_wait3A_332 = tpu.memref_squeeze %dma_wait3A_331 : memref<1x40x128xf32, #tpu.memory_space<vmem>> -> memref<40x128xf32, #tpu.memory_space<vmem>>
        %dma_wait3A_333 = arith.constant 0 : i32
        %dma_wait3A_334 = arith.constant 0 : i32
        %dma_wait3A_335 = tpu.memref_slice %arg2[%dma_wait3A_333, %dma_wait3A_334] : memref<320000x128xf32, #tpu.memory_space<hbm>> -> memref<40x128xf32, #tpu.memory_space<hbm>>
        tpu.wait_dma2 semaphore(%arg13 : memref<!tpu.dma_semaphore, #tpu.memory_space<semaphore_mem>>) src(%dma_wait3A_335 : memref<40x128xf32, #tpu.memory_space<hbm>>) dst(%dma_wait3A_332 : memref<40x128xf32, #tpu.memory_space<vmem>>)
        %dma_wait3A_336 = arith.constant 1 : i32
        %dma_wait3A_337 = arith.constant 0 : i32
        %dma_wait3A_338 = tpu.memref_slice %arg6[%dma_wait3A_336, %dma_wait3A_337] : memref<8x40xi32, #tpu.memory_space<vmem>> -> memref<1x40xi32, #tpu.memory_space<vmem>>
        %dma_wait3A_339 = tpu.memref_squeeze %dma_wait3A_338 : memref<1x40xi32, #tpu.memory_space<vmem>> -> memref<40xi32, #tpu.memory_space<vmem>>
        %dma_wait3A_340 = arith.constant 0 : i32
        %dma_wait3A_341 = tpu.memref_slice %arg3[%dma_wait3A_340] : memref<320000xi32, #tpu.memory_space<hbm>> -> memref<40xi32, #tpu.memory_space<hbm>>
        %dma_wait3A_342 = arith.constant 0 : i32
        %dma_wait3A_343 = tpu.memref_slice %arg6[%dma_wait3A_336, %dma_wait3A_342] : memref<8x40xi32, #tpu.memory_space<vmem>> -> memref<1x40xi32, #tpu.memory_space<vmem>>
        %dma_wait3A_344 = tpu.memref_squeeze %dma_wait3A_343 : memref<1x40xi32, #tpu.memory_space<vmem>> -> memref<40xi32, #tpu.memory_space<vmem>>
        %dma_wait3A_345 = arith.constant 0 : i32
        %dma_wait3A_346 = tpu.memref_slice %arg3[%dma_wait3A_345] : memref<320000xi32, #tpu.memory_space<hbm>> -> memref<40xi32, #tpu.memory_space<hbm>>
        tpu.wait_dma2 semaphore(%arg21 : memref<!tpu.dma_semaphore, #tpu.memory_space<semaphore_mem>>) src(%dma_wait3A_346 : memref<40xi32, #tpu.memory_space<hbm>>) dst(%dma_wait3A_344 : memref<40xi32, #tpu.memory_space<vmem>>)
        %dma_start3A = arith.constant 1 : i32
        %dma_start3A_347 = arith.constant 1 : i32
        %dma_start3A_348 = arith.constant 0 : i32
        %dma_start3A_349 = arith.constant 0 : i32
        %dma_start3A_350 = tpu.memref_slice %arg5[%dma_start3A, %dma_start3A_348, %dma_start3A_349] : memref<8x40x128xf32, #tpu.memory_space<vmem>> -> memref<1x40x128xf32, #tpu.memory_space<vmem>>
        %dma_start3A_351 = tpu.memref_squeeze %dma_start3A_350 : memref<1x40x128xf32, #tpu.memory_space<vmem>> -> memref<40x128xf32, #tpu.memory_space<vmem>>
        %dma_start3A_352 = arith.constant 0 : i32
        %dma_start3A_353 = tpu.memref_slice %arg6[%dma_start3A_347, %dma_start3A_352] : memref<8x40xi32, #tpu.memory_space<vmem>> -> memref<1x40xi32, #tpu.memory_space<vmem>>
        %dma_start3A_354 = tpu.memref_squeeze %dma_start3A_353 : memref<1x40xi32, #tpu.memory_space<vmem>> -> memref<40xi32, #tpu.memory_space<vmem>>
        %dma_start3A_355 = arith.constant 0 : i32
        %dma_start3A_356 = arith.constant 0 : i32
        %dma_start3A_357 = tpu.memref_slice %arg11[%dma_start3A_355, %dma_start3A_356] : memref<10008x128xf32, #tpu.memory_space<vmem_shared>> -> memref<10008x128xf32, #tpu.memory_space<vmem_shared>>
        tpu.enqueue_indirect_dma source(%dma_start3A_351 : memref<40x128xf32, #tpu.memory_space<vmem>>) target(%dma_start3A_357 : memref<10008x128xf32, #tpu.memory_space<vmem_shared>>) offsets(%dma_start3A_354 : memref<40xi32, #tpu.memory_space<vmem>>) semaphore(%arg29 : memref<!tpu.dma_semaphore, #tpu.memory_space<semaphore_mem>>) {add = true}
        %add3A_358 = arith.constant 6 : i32
        %add3A_359 = arith.addi %add3A_268, %add3A_358 : i32
        %lt3A_360 = arith.cmpi slt, %add3A_359, %sub3A_128 : i32
        %convert_element_type3A_361 = arith.extui %lt3A_360 : i1 to i32
        %cond3A_362 = arith.constant 0 : i32
        %cond3A_363 = arith.cmpi ne, %convert_element_type3A_361, %cond3A_362 : i32
        scf.if %cond3A_363 {
          %ge3A = arith.constant 8 : i32
          %ge3A_364 = arith.cmpi sge, %add3A_359, %ge3A : i32
          %convert_element_type3A_365 = arith.extui %ge3A_364 : i1 to i32
          %cond3A_366 = arith.constant 0 : i32
          %cond3A_367 = arith.cmpi ne, %convert_element_type3A_365, %cond3A_366 : i32
          scf.if %cond3A_367 {
            %dma_wait3A_393 = arith.constant 7 : i32
            %dma_wait3A_394 = arith.constant 7 : i32
            %dma_wait3A_395 = arith.constant 0 : i32
            %dma_wait3A_396 = arith.constant 0 : i32
            %dma_wait3A_397 = tpu.memref_slice %arg5[%dma_wait3A_393, %dma_wait3A_395, %dma_wait3A_396] : memref<8x40x128xf32, #tpu.memory_space<vmem>> -> memref<1x40x128xf32, #tpu.memory_space<vmem>>
            %dma_wait3A_398 = tpu.memref_squeeze %dma_wait3A_397 : memref<1x40x128xf32, #tpu.memory_space<vmem>> -> memref<40x128xf32, #tpu.memory_space<vmem>>
            %dma_wait3A_399 = arith.constant 0 : i32
            %dma_wait3A_400 = tpu.memref_slice %arg6[%dma_wait3A_394, %dma_wait3A_399] : memref<8x40xi32, #tpu.memory_space<vmem>> -> memref<1x40xi32, #tpu.memory_space<vmem>>
            %dma_wait3A_401 = tpu.memref_squeeze %dma_wait3A_400 : memref<1x40xi32, #tpu.memory_space<vmem>> -> memref<40xi32, #tpu.memory_space<vmem>>
            %dma_wait3A_402 = arith.constant 0 : i32
            %dma_wait3A_403 = arith.constant 0 : i32
            %dma_wait3A_404 = tpu.memref_slice %arg11[%dma_wait3A_402, %dma_wait3A_403] : memref<10008x128xf32, #tpu.memory_space<vmem_shared>> -> memref<10008x128xf32, #tpu.memory_space<vmem_shared>>
            tpu.wait_indirect_dma semaphore(%arg35 : memref<!tpu.dma_semaphore, #tpu.memory_space<semaphore_mem>>) src(%dma_wait3A_398 : memref<40x128xf32, #tpu.memory_space<vmem>>) dst(%dma_wait3A_404 : memref<10008x128xf32, #tpu.memory_space<vmem_shared>>)
          } else {
          }
          %add3A_368 = arith.addi %add3A_99, %add3A_359 : i32
          %mul3A_369 = arith.constant 40 : i32
          %mul3A_370 = arith.muli %add3A_368, %mul3A_369 : i32
          %dma_start3A_371 = arith.constant 7 : i32
          %dma_start3A_372 = arith.constant 0 : i32
          %dma_start3A_373 = arith.constant 0 : i32
          %dma_start3A_374 = tpu.memref_slice %arg5[%dma_start3A_371, %dma_start3A_372, %dma_start3A_373] : memref<8x40x128xf32, #tpu.memory_space<vmem>> -> memref<1x40x128xf32, #tpu.memory_space<vmem>>
          %dma_start3A_375 = tpu.memref_squeeze %dma_start3A_374 : memref<1x40x128xf32, #tpu.memory_space<vmem>> -> memref<40x128xf32, #tpu.memory_space<vmem>>
          %dma_start3A_376 = arith.constant 0 : i32
          %dma_start3A_377 = tpu.memref_slice %arg2[%mul3A_370, %dma_start3A_376] : memref<320000x128xf32, #tpu.memory_space<hbm>> -> memref<40x128xf32, #tpu.memory_space<hbm>>
          %dma_start3A_378 = arith.constant 0 : i32
          %dma_start3A_379 = arith.constant 0 : i32
          %dma_start3A_380 = tpu.memref_slice %arg5[%dma_start3A_371, %dma_start3A_378, %dma_start3A_379] : memref<8x40x128xf32, #tpu.memory_space<vmem>> -> memref<1x40x128xf32, #tpu.memory_space<vmem>>
          %dma_start3A_381 = tpu.memref_squeeze %dma_start3A_380 : memref<1x40x128xf32, #tpu.memory_space<vmem>> -> memref<40x128xf32, #tpu.memory_space<vmem>>
          %dma_start3A_382 = arith.constant 0 : i32
          %dma_start3A_383 = tpu.memref_slice %arg2[%mul3A_370, %dma_start3A_382] : memref<320000x128xf32, #tpu.memory_space<hbm>> -> memref<40x128xf32, #tpu.memory_space<hbm>>
          tpu.enqueue_dma source(%dma_start3A_383 : memref<40x128xf32, #tpu.memory_space<hbm>>) target(%dma_start3A_381 : memref<40x128xf32, #tpu.memory_space<vmem>>) target_semaphore(%arg19 : memref<!tpu.dma_semaphore, #tpu.memory_space<semaphore_mem>>)
          %dma_start3A_384 = arith.constant 7 : i32
          %dma_start3A_385 = arith.constant 0 : i32
          %dma_start3A_386 = tpu.memref_slice %arg6[%dma_start3A_384, %dma_start3A_385] : memref<8x40xi32, #tpu.memory_space<vmem>> -> memref<1x40xi32, #tpu.memory_space<vmem>>
          %dma_start3A_387 = tpu.memref_squeeze %dma_start3A_386 : memref<1x40xi32, #tpu.memory_space<vmem>> -> memref<40xi32, #tpu.memory_space<vmem>>
          %dma_start3A_388 = tpu.memref_slice %arg3[%mul3A_370] : memref<320000xi32, #tpu.memory_space<hbm>> -> memref<40xi32, #tpu.memory_space<hbm>>
          %dma_start3A_389 = arith.constant 0 : i32
          %dma_start3A_390 = tpu.memref_slice %arg6[%dma_start3A_384, %dma_start3A_389] : memref<8x40xi32, #tpu.memory_space<vmem>> -> memref<1x40xi32, #tpu.memory_space<vmem>>
          %dma_start3A_391 = tpu.memref_squeeze %dma_start3A_390 : memref<1x40xi32, #tpu.memory_space<vmem>> -> memref<40xi32, #tpu.memory_space<vmem>>
          %dma_start3A_392 = tpu.memref_slice %arg3[%mul3A_370] : memref<320000xi32, #tpu.memory_space<hbm>> -> memref<40xi32, #tpu.memory_space<hbm>>
          tpu.enqueue_dma source(%dma_start3A_392 : memref<40xi32, #tpu.memory_space<hbm>>) target(%dma_start3A_391 : memref<40xi32, #tpu.memory_space<vmem>>) target_semaphore(%arg27 : memref<!tpu.dma_semaphore, #tpu.memory_space<semaphore_mem>>)
        } else {
        }
      } else {
      }
      %mul3A_273 = arith.constant 8 : i32
      %mul3A_274 = arith.muli %mul3A_273, %while3A_256 : i32
      %add3A_275 = arith.constant 2 : i32
      %add3A_276 = arith.addi %mul3A_274, %add3A_275 : i32
      %lt3A_277 = arith.cmpi slt, %add3A_276, %sub3A_128 : i32
      %convert_element_type3A_278 = arith.extui %lt3A_277 : i1 to i32
      %cond3A_279 = arith.constant 0 : i32
      %cond3A_280 = arith.cmpi ne, %convert_element_type3A_278, %cond3A_279 : i32
      scf.if %cond3A_280 {
        %dma_wait3A = arith.constant 2 : i32
        %dma_wait3A_322 = arith.constant 0 : i32
        %dma_wait3A_323 = arith.constant 0 : i32
        %dma_wait3A_324 = tpu.memref_slice %arg5[%dma_wait3A, %dma_wait3A_322, %dma_wait3A_323] : memref<8x40x128xf32, #tpu.memory_space<vmem>> -> memref<1x40x128xf32, #tpu.memory_space<vmem>>
        %dma_wait3A_325 = tpu.memref_squeeze %dma_wait3A_324 : memref<1x40x128xf32, #tpu.memory_space<vmem>> -> memref<40x128xf32, #tpu.memory_space<vmem>>
        %dma_wait3A_326 = arith.constant 0 : i32
        %dma_wait3A_327 = arith.constant 0 : i32
        %dma_wait3A_328 = tpu.memref_slice %arg2[%dma_wait3A_326, %dma_wait3A_327] : memref<320000x128xf32, #tpu.memory_space<hbm>> -> memref<40x128xf32, #tpu.memory_space<hbm>>
        %dma_wait3A_329 = arith.constant 0 : i32
        %dma_wait3A_330 = arith.constant 0 : i32
        %dma_wait3A_331 = tpu.memref_slice %arg5[%dma_wait3A, %dma_wait3A_329, %dma_wait3A_330] : memref<8x40x128xf32, #tpu.memory_space<vmem>> -> memref<1x40x128xf32, #tpu.memory_space<vmem>>
        %dma_wait3A_332 = tpu.memref_squeeze %dma_wait3A_331 : memref<1x40x128xf32, #tpu.memory_space<vmem>> -> memref<40x128xf32, #tpu.memory_space<vmem>>
        %dma_wait3A_333 = arith.constant 0 : i32
        %dma_wait3A_334 = arith.constant 0 : i32
        %dma_wait3A_335 = tpu.memref_slice %arg2[%dma_wait3A_333, %dma_wait3A_334] : memref<320000x128xf32, #tpu.memory_space<hbm>> -> memref<40x128xf32, #tpu.memory_space<hbm>>
        tpu.wait_dma2 semaphore(%arg14 : memref<!tpu.dma_semaphore, #tpu.memory_space<semaphore_mem>>) src(%dma_wait3A_335 : memref<40x128xf32, #tpu.memory_space<hbm>>) dst(%dma_wait3A_332 : memref<40x128xf32, #tpu.memory_space<vmem>>)
        %dma_wait3A_336 = arith.constant 2 : i32
        %dma_wait3A_337 = arith.constant 0 : i32
        %dma_wait3A_338 = tpu.memref_slice %arg6[%dma_wait3A_336, %dma_wait3A_337] : memref<8x40xi32, #tpu.memory_space<vmem>> -> memref<1x40xi32, #tpu.memory_space<vmem>>
        %dma_wait3A_339 = tpu.memref_squeeze %dma_wait3A_338 : memref<1x40xi32, #tpu.memory_space<vmem>> -> memref<40xi32, #tpu.memory_space<vmem>>
        %dma_wait3A_340 = arith.constant 0 : i32
        %dma_wait3A_341 = tpu.memref_slice %arg3[%dma_wait3A_340] : memref<320000xi32, #tpu.memory_space<hbm>> -> memref<40xi32, #tpu.memory_space<hbm>>
        %dma_wait3A_342 = arith.constant 0 : i32
        %dma_wait3A_343 = tpu.memref_slice %arg6[%dma_wait3A_336, %dma_wait3A_342] : memref<8x40xi32, #tpu.memory_space<vmem>> -> memref<1x40xi32, #tpu.memory_space<vmem>>
        %dma_wait3A_344 = tpu.memref_squeeze %dma_wait3A_343 : memref<1x40xi32, #tpu.memory_space<vmem>> -> memref<40xi32, #tpu.memory_space<vmem>>
        %dma_wait3A_345 = arith.constant 0 : i32
        %dma_wait3A_346 = tpu.memref_slice %arg3[%dma_wait3A_345] : memref<320000xi32, #tpu.memory_space<hbm>> -> memref<40xi32, #tpu.memory_space<hbm>>
        tpu.wait_dma2 semaphore(%arg22 : memref<!tpu.dma_semaphore, #tpu.memory_space<semaphore_mem>>) src(%dma_wait3A_346 : memref<40xi32, #tpu.memory_space<hbm>>) dst(%dma_wait3A_344 : memref<40xi32, #tpu.memory_space<vmem>>)
        %dma_start3A = arith.constant 2 : i32
        %dma_start3A_347 = arith.constant 2 : i32
        %dma_start3A_348 = arith.constant 0 : i32
        %dma_start3A_349 = arith.constant 0 : i32
        %dma_start3A_350 = tpu.memref_slice %arg5[%dma_start3A, %dma_start3A_348, %dma_start3A_349] : memref<8x40x128xf32, #tpu.memory_space<vmem>> -> memref<1x40x128xf32, #tpu.memory_space<vmem>>
        %dma_start3A_351 = tpu.memref_squeeze %dma_start3A_350 : memref<1x40x128xf32, #tpu.memory_space<vmem>> -> memref<40x128xf32, #tpu.memory_space<vmem>>
        %dma_start3A_352 = arith.constant 0 : i32
        %dma_start3A_353 = tpu.memref_slice %arg6[%dma_start3A_347, %dma_start3A_352] : memref<8x40xi32, #tpu.memory_space<vmem>> -> memref<1x40xi32, #tpu.memory_space<vmem>>
        %dma_start3A_354 = tpu.memref_squeeze %dma_start3A_353 : memref<1x40xi32, #tpu.memory_space<vmem>> -> memref<40xi32, #tpu.memory_space<vmem>>
        %dma_start3A_355 = arith.constant 0 : i32
        %dma_start3A_356 = arith.constant 0 : i32
        %dma_start3A_357 = tpu.memref_slice %arg11[%dma_start3A_355, %dma_start3A_356] : memref<10008x128xf32, #tpu.memory_space<vmem_shared>> -> memref<10008x128xf32, #tpu.memory_space<vmem_shared>>
        tpu.enqueue_indirect_dma source(%dma_start3A_351 : memref<40x128xf32, #tpu.memory_space<vmem>>) target(%dma_start3A_357 : memref<10008x128xf32, #tpu.memory_space<vmem_shared>>) offsets(%dma_start3A_354 : memref<40xi32, #tpu.memory_space<vmem>>) semaphore(%arg30 : memref<!tpu.dma_semaphore, #tpu.memory_space<semaphore_mem>>) {add = true}
        %add3A_358 = arith.constant 6 : i32
        %add3A_359 = arith.addi %add3A_276, %add3A_358 : i32
        %lt3A_360 = arith.cmpi slt, %add3A_359, %sub3A_128 : i32
        %convert_element_type3A_361 = arith.extui %lt3A_360 : i1 to i32
        %cond3A_362 = arith.constant 0 : i32
        %cond3A_363 = arith.cmpi ne, %convert_element_type3A_361, %cond3A_362 : i32
        scf.if %cond3A_363 {
          %ge3A = arith.constant 8 : i32
          %ge3A_364 = arith.cmpi sge, %add3A_359, %ge3A : i32
          %convert_element_type3A_365 = arith.extui %ge3A_364 : i1 to i32
          %cond3A_366 = arith.constant 0 : i32
          %cond3A_367 = arith.cmpi ne, %convert_element_type3A_365, %cond3A_366 : i32
          scf.if %cond3A_367 {
            %dma_wait3A_393 = arith.constant 0 : i32
            %dma_wait3A_394 = arith.constant 0 : i32
            %dma_wait3A_395 = arith.constant 0 : i32
            %dma_wait3A_396 = arith.constant 0 : i32
            %dma_wait3A_397 = tpu.memref_slice %arg5[%dma_wait3A_393, %dma_wait3A_395, %dma_wait3A_396] : memref<8x40x128xf32, #tpu.memory_space<vmem>> -> memref<1x40x128xf32, #tpu.memory_space<vmem>>
            %dma_wait3A_398 = tpu.memref_squeeze %dma_wait3A_397 : memref<1x40x128xf32, #tpu.memory_space<vmem>> -> memref<40x128xf32, #tpu.memory_space<vmem>>
            %dma_wait3A_399 = arith.constant 0 : i32
            %dma_wait3A_400 = tpu.memref_slice %arg6[%dma_wait3A_394, %dma_wait3A_399] : memref<8x40xi32, #tpu.memory_space<vmem>> -> memref<1x40xi32, #tpu.memory_space<vmem>>
            %dma_wait3A_401 = tpu.memref_squeeze %dma_wait3A_400 : memref<1x40xi32, #tpu.memory_space<vmem>> -> memref<40xi32, #tpu.memory_space<vmem>>
            %dma_wait3A_402 = arith.constant 0 : i32
            %dma_wait3A_403 = arith.constant 0 : i32
            %dma_wait3A_404 = tpu.memref_slice %arg11[%dma_wait3A_402, %dma_wait3A_403] : memref<10008x128xf32, #tpu.memory_space<vmem_shared>> -> memref<10008x128xf32, #tpu.memory_space<vmem_shared>>
            tpu.wait_indirect_dma semaphore(%arg28 : memref<!tpu.dma_semaphore, #tpu.memory_space<semaphore_mem>>) src(%dma_wait3A_398 : memref<40x128xf32, #tpu.memory_space<vmem>>) dst(%dma_wait3A_404 : memref<10008x128xf32, #tpu.memory_space<vmem_shared>>)
          } else {
          }
          %add3A_368 = arith.addi %add3A_99, %add3A_359 : i32
          %mul3A_369 = arith.constant 40 : i32
          %mul3A_370 = arith.muli %add3A_368, %mul3A_369 : i32
          %dma_start3A_371 = arith.constant 0 : i32
          %dma_start3A_372 = arith.constant 0 : i32
          %dma_start3A_373 = arith.constant 0 : i32
          %dma_start3A_374 = tpu.memref_slice %arg5[%dma_start3A_371, %dma_start3A_372, %dma_start3A_373] : memref<8x40x128xf32, #tpu.memory_space<vmem>> -> memref<1x40x128xf32, #tpu.memory_space<vmem>>
          %dma_start3A_375 = tpu.memref_squeeze %dma_start3A_374 : memref<1x40x128xf32, #tpu.memory_space<vmem>> -> memref<40x128xf32, #tpu.memory_space<vmem>>
          %dma_start3A_376 = arith.constant 0 : i32
          %dma_start3A_377 = tpu.memref_slice %arg2[%mul3A_370, %dma_start3A_376] : memref<320000x128xf32, #tpu.memory_space<hbm>> -> memref<40x128xf32, #tpu.memory_space<hbm>>
          %dma_start3A_378 = arith.constant 0 : i32
          %dma_start3A_379 = arith.constant 0 : i32
          %dma_start3A_380 = tpu.memref_slice %arg5[%dma_start3A_371, %dma_start3A_378, %dma_start3A_379] : memref<8x40x128xf32, #tpu.memory_space<vmem>> -> memref<1x40x128xf32, #tpu.memory_space<vmem>>
          %dma_start3A_381 = tpu.memref_squeeze %dma_start3A_380 : memref<1x40x128xf32, #tpu.memory_space<vmem>> -> memref<40x128xf32, #tpu.memory_space<vmem>>
          %dma_start3A_382 = arith.constant 0 : i32
          %dma_start3A_383 = tpu.memref_slice %arg2[%mul3A_370, %dma_start3A_382] : memref<320000x128xf32, #tpu.memory_space<hbm>> -> memref<40x128xf32, #tpu.memory_space<hbm>>
          tpu.enqueue_dma source(%dma_start3A_383 : memref<40x128xf32, #tpu.memory_space<hbm>>) target(%dma_start3A_381 : memref<40x128xf32, #tpu.memory_space<vmem>>) target_semaphore(%arg12 : memref<!tpu.dma_semaphore, #tpu.memory_space<semaphore_mem>>)
          %dma_start3A_384 = arith.constant 0 : i32
          %dma_start3A_385 = arith.constant 0 : i32
          %dma_start3A_386 = tpu.memref_slice %arg6[%dma_start3A_384, %dma_start3A_385] : memref<8x40xi32, #tpu.memory_space<vmem>> -> memref<1x40xi32, #tpu.memory_space<vmem>>
          %dma_start3A_387 = tpu.memref_squeeze %dma_start3A_386 : memref<1x40xi32, #tpu.memory_space<vmem>> -> memref<40xi32, #tpu.memory_space<vmem>>
          %dma_start3A_388 = tpu.memref_slice %arg3[%mul3A_370] : memref<320000xi32, #tpu.memory_space<hbm>> -> memref<40xi32, #tpu.memory_space<hbm>>
          %dma_start3A_389 = arith.constant 0 : i32
          %dma_start3A_390 = tpu.memref_slice %arg6[%dma_start3A_384, %dma_start3A_389] : memref<8x40xi32, #tpu.memory_space<vmem>> -> memref<1x40xi32, #tpu.memory_space<vmem>>
          %dma_start3A_391 = tpu.memref_squeeze %dma_start3A_390 : memref<1x40xi32, #tpu.memory_space<vmem>> -> memref<40xi32, #tpu.memory_space<vmem>>
          %dma_start3A_392 = tpu.memref_slice %arg3[%mul3A_370] : memref<320000xi32, #tpu.memory_space<hbm>> -> memref<40xi32, #tpu.memory_space<hbm>>
          tpu.enqueue_dma source(%dma_start3A_392 : memref<40xi32, #tpu.memory_space<hbm>>) target(%dma_start3A_391 : memref<40xi32, #tpu.memory_space<vmem>>) target_semaphore(%arg20 : memref<!tpu.dma_semaphore, #tpu.memory_space<semaphore_mem>>)
        } else {
        }
      } else {
      }
      %mul3A_281 = arith.constant 8 : i32
      %mul3A_282 = arith.muli %mul3A_281, %while3A_256 : i32
      %add3A_283 = arith.constant 3 : i32
      %add3A_284 = arith.addi %mul3A_282, %add3A_283 : i32
      %lt3A_285 = arith.cmpi slt, %add3A_284, %sub3A_128 : i32
      %convert_element_type3A_286 = arith.extui %lt3A_285 : i1 to i32
      %cond3A_287 = arith.constant 0 : i32
      %cond3A_288 = arith.cmpi ne, %convert_element_type3A_286, %cond3A_287 : i32
      scf.if %cond3A_288 {
        %dma_wait3A = arith.constant 3 : i32
        %dma_wait3A_322 = arith.constant 0 : i32
        %dma_wait3A_323 = arith.constant 0 : i32
        %dma_wait3A_324 = tpu.memref_slice %arg5[%dma_wait3A, %dma_wait3A_322, %dma_wait3A_323] : memref<8x40x128xf32, #tpu.memory_space<vmem>> -> memref<1x40x128xf32, #tpu.memory_space<vmem>>
        %dma_wait3A_325 = tpu.memref_squeeze %dma_wait3A_324 : memref<1x40x128xf32, #tpu.memory_space<vmem>> -> memref<40x128xf32, #tpu.memory_space<vmem>>
        %dma_wait3A_326 = arith.constant 0 : i32
        %dma_wait3A_327 = arith.constant 0 : i32
        %dma_wait3A_328 = tpu.memref_slice %arg2[%dma_wait3A_326, %dma_wait3A_327] : memref<320000x128xf32, #tpu.memory_space<hbm>> -> memref<40x128xf32, #tpu.memory_space<hbm>>
        %dma_wait3A_329 = arith.constant 0 : i32
        %dma_wait3A_330 = arith.constant 0 : i32
        %dma_wait3A_331 = tpu.memref_slice %arg5[%dma_wait3A, %dma_wait3A_329, %dma_wait3A_330] : memref<8x40x128xf32, #tpu.memory_space<vmem>> -> memref<1x40x128xf32, #tpu.memory_space<vmem>>
        %dma_wait3A_332 = tpu.memref_squeeze %dma_wait3A_331 : memref<1x40x128xf32, #tpu.memory_space<vmem>> -> memref<40x128xf32, #tpu.memory_space<vmem>>
        %dma_wait3A_333 = arith.constant 0 : i32
        %dma_wait3A_334 = arith.constant 0 : i32
        %dma_wait3A_335 = tpu.memref_slice %arg2[%dma_wait3A_333, %dma_wait3A_334] : memref<320000x128xf32, #tpu.memory_space<hbm>> -> memref<40x128xf32, #tpu.memory_space<hbm>>
        tpu.wait_dma2 semaphore(%arg15 : memref<!tpu.dma_semaphore, #tpu.memory_space<semaphore_mem>>) src(%dma_wait3A_335 : memref<40x128xf32, #tpu.memory_space<hbm>>) dst(%dma_wait3A_332 : memref<40x128xf32, #tpu.memory_space<vmem>>)
        %dma_wait3A_336 = arith.constant 3 : i32
        %dma_wait3A_337 = arith.constant 0 : i32
        %dma_wait3A_338 = tpu.memref_slice %arg6[%dma_wait3A_336, %dma_wait3A_337] : memref<8x40xi32, #tpu.memory_space<vmem>> -> memref<1x40xi32, #tpu.memory_space<vmem>>
        %dma_wait3A_339 = tpu.memref_squeeze %dma_wait3A_338 : memref<1x40xi32, #tpu.memory_space<vmem>> -> memref<40xi32, #tpu.memory_space<vmem>>
        %dma_wait3A_340 = arith.constant 0 : i32
        %dma_wait3A_341 = tpu.memref_slice %arg3[%dma_wait3A_340] : memref<320000xi32, #tpu.memory_space<hbm>> -> memref<40xi32, #tpu.memory_space<hbm>>
        %dma_wait3A_342 = arith.constant 0 : i32
        %dma_wait3A_343 = tpu.memref_slice %arg6[%dma_wait3A_336, %dma_wait3A_342] : memref<8x40xi32, #tpu.memory_space<vmem>> -> memref<1x40xi32, #tpu.memory_space<vmem>>
        %dma_wait3A_344 = tpu.memref_squeeze %dma_wait3A_343 : memref<1x40xi32, #tpu.memory_space<vmem>> -> memref<40xi32, #tpu.memory_space<vmem>>
        %dma_wait3A_345 = arith.constant 0 : i32
        %dma_wait3A_346 = tpu.memref_slice %arg3[%dma_wait3A_345] : memref<320000xi32, #tpu.memory_space<hbm>> -> memref<40xi32, #tpu.memory_space<hbm>>
        tpu.wait_dma2 semaphore(%arg23 : memref<!tpu.dma_semaphore, #tpu.memory_space<semaphore_mem>>) src(%dma_wait3A_346 : memref<40xi32, #tpu.memory_space<hbm>>) dst(%dma_wait3A_344 : memref<40xi32, #tpu.memory_space<vmem>>)
        %dma_start3A = arith.constant 3 : i32
        %dma_start3A_347 = arith.constant 3 : i32
        %dma_start3A_348 = arith.constant 0 : i32
        %dma_start3A_349 = arith.constant 0 : i32
        %dma_start3A_350 = tpu.memref_slice %arg5[%dma_start3A, %dma_start3A_348, %dma_start3A_349] : memref<8x40x128xf32, #tpu.memory_space<vmem>> -> memref<1x40x128xf32, #tpu.memory_space<vmem>>
        %dma_start3A_351 = tpu.memref_squeeze %dma_start3A_350 : memref<1x40x128xf32, #tpu.memory_space<vmem>> -> memref<40x128xf32, #tpu.memory_space<vmem>>
        %dma_start3A_352 = arith.constant 0 : i32
        %dma_start3A_353 = tpu.memref_slice %arg6[%dma_start3A_347, %dma_start3A_352] : memref<8x40xi32, #tpu.memory_space<vmem>> -> memref<1x40xi32, #tpu.memory_space<vmem>>
        %dma_start3A_354 = tpu.memref_squeeze %dma_start3A_353 : memref<1x40xi32, #tpu.memory_space<vmem>> -> memref<40xi32, #tpu.memory_space<vmem>>
        %dma_start3A_355 = arith.constant 0 : i32
        %dma_start3A_356 = arith.constant 0 : i32
        %dma_start3A_357 = tpu.memref_slice %arg11[%dma_start3A_355, %dma_start3A_356] : memref<10008x128xf32, #tpu.memory_space<vmem_shared>> -> memref<10008x128xf32, #tpu.memory_space<vmem_shared>>
        tpu.enqueue_indirect_dma source(%dma_start3A_351 : memref<40x128xf32, #tpu.memory_space<vmem>>) target(%dma_start3A_357 : memref<10008x128xf32, #tpu.memory_space<vmem_shared>>) offsets(%dma_start3A_354 : memref<40xi32, #tpu.memory_space<vmem>>) semaphore(%arg31 : memref<!tpu.dma_semaphore, #tpu.memory_space<semaphore_mem>>) {add = true}
        %add3A_358 = arith.constant 6 : i32
        %add3A_359 = arith.addi %add3A_284, %add3A_358 : i32
        %lt3A_360 = arith.cmpi slt, %add3A_359, %sub3A_128 : i32
        %convert_element_type3A_361 = arith.extui %lt3A_360 : i1 to i32
        %cond3A_362 = arith.constant 0 : i32
        %cond3A_363 = arith.cmpi ne, %convert_element_type3A_361, %cond3A_362 : i32
        scf.if %cond3A_363 {
          %ge3A = arith.constant 8 : i32
          %ge3A_364 = arith.cmpi sge, %add3A_359, %ge3A : i32
          %convert_element_type3A_365 = arith.extui %ge3A_364 : i1 to i32
          %cond3A_366 = arith.constant 0 : i32
          %cond3A_367 = arith.cmpi ne, %convert_element_type3A_365, %cond3A_366 : i32
          scf.if %cond3A_367 {
            %dma_wait3A_393 = arith.constant 1 : i32
            %dma_wait3A_394 = arith.constant 1 : i32
            %dma_wait3A_395 = arith.constant 0 : i32
            %dma_wait3A_396 = arith.constant 0 : i32
            %dma_wait3A_397 = tpu.memref_slice %arg5[%dma_wait3A_393, %dma_wait3A_395, %dma_wait3A_396] : memref<8x40x128xf32, #tpu.memory_space<vmem>> -> memref<1x40x128xf32, #tpu.memory_space<vmem>>
            %dma_wait3A_398 = tpu.memref_squeeze %dma_wait3A_397 : memref<1x40x128xf32, #tpu.memory_space<vmem>> -> memref<40x128xf32, #tpu.memory_space<vmem>>
            %dma_wait3A_399 = arith.constant 0 : i32
            %dma_wait3A_400 = tpu.memref_slice %arg6[%dma_wait3A_394, %dma_wait3A_399] : memref<8x40xi32, #tpu.memory_space<vmem>> -> memref<1x40xi32, #tpu.memory_space<vmem>>
            %dma_wait3A_401 = tpu.memref_squeeze %dma_wait3A_400 : memref<1x40xi32, #tpu.memory_space<vmem>> -> memref<40xi32, #tpu.memory_space<vmem>>
            %dma_wait3A_402 = arith.constant 0 : i32
            %dma_wait3A_403 = arith.constant 0 : i32
            %dma_wait3A_404 = tpu.memref_slice %arg11[%dma_wait3A_402, %dma_wait3A_403] : memref<10008x128xf32, #tpu.memory_space<vmem_shared>> -> memref<10008x128xf32, #tpu.memory_space<vmem_shared>>
            tpu.wait_indirect_dma semaphore(%arg29 : memref<!tpu.dma_semaphore, #tpu.memory_space<semaphore_mem>>) src(%dma_wait3A_398 : memref<40x128xf32, #tpu.memory_space<vmem>>) dst(%dma_wait3A_404 : memref<10008x128xf32, #tpu.memory_space<vmem_shared>>)
          } else {
          }
          %add3A_368 = arith.addi %add3A_99, %add3A_359 : i32
          %mul3A_369 = arith.constant 40 : i32
          %mul3A_370 = arith.muli %add3A_368, %mul3A_369 : i32
          %dma_start3A_371 = arith.constant 1 : i32
          %dma_start3A_372 = arith.constant 0 : i32
          %dma_start3A_373 = arith.constant 0 : i32
          %dma_start3A_374 = tpu.memref_slice %arg5[%dma_start3A_371, %dma_start3A_372, %dma_start3A_373] : memref<8x40x128xf32, #tpu.memory_space<vmem>> -> memref<1x40x128xf32, #tpu.memory_space<vmem>>
          %dma_start3A_375 = tpu.memref_squeeze %dma_start3A_374 : memref<1x40x128xf32, #tpu.memory_space<vmem>> -> memref<40x128xf32, #tpu.memory_space<vmem>>
          %dma_start3A_376 = arith.constant 0 : i32
          %dma_start3A_377 = tpu.memref_slice %arg2[%mul3A_370, %dma_start3A_376] : memref<320000x128xf32, #tpu.memory_space<hbm>> -> memref<40x128xf32, #tpu.memory_space<hbm>>
          %dma_start3A_378 = arith.constant 0 : i32
          %dma_start3A_379 = arith.constant 0 : i32
          %dma_start3A_380 = tpu.memref_slice %arg5[%dma_start3A_371, %dma_start3A_378, %dma_start3A_379] : memref<8x40x128xf32, #tpu.memory_space<vmem>> -> memref<1x40x128xf32, #tpu.memory_space<vmem>>
          %dma_start3A_381 = tpu.memref_squeeze %dma_start3A_380 : memref<1x40x128xf32, #tpu.memory_space<vmem>> -> memref<40x128xf32, #tpu.memory_space<vmem>>
          %dma_start3A_382 = arith.constant 0 : i32
          %dma_start3A_383 = tpu.memref_slice %arg2[%mul3A_370, %dma_start3A_382] : memref<320000x128xf32, #tpu.memory_space<hbm>> -> memref<40x128xf32, #tpu.memory_space<hbm>>
          tpu.enqueue_dma source(%dma_start3A_383 : memref<40x128xf32, #tpu.memory_space<hbm>>) target(%dma_start3A_381 : memref<40x128xf32, #tpu.memory_space<vmem>>) target_semaphore(%arg13 : memref<!tpu.dma_semaphore, #tpu.memory_space<semaphore_mem>>)
          %dma_start3A_384 = arith.constant 1 : i32
          %dma_start3A_385 = arith.constant 0 : i32
          %dma_start3A_386 = tpu.memref_slice %arg6[%dma_start3A_384, %dma_start3A_385] : memref<8x40xi32, #tpu.memory_space<vmem>> -> memref<1x40xi32, #tpu.memory_space<vmem>>
          %dma_start3A_387 = tpu.memref_squeeze %dma_start3A_386 : memref<1x40xi32, #tpu.memory_space<vmem>> -> memref<40xi32, #tpu.memory_space<vmem>>
          %dma_start3A_388 = tpu.memref_slice %arg3[%mul3A_370] : memref<320000xi32, #tpu.memory_space<hbm>> -> memref<40xi32, #tpu.memory_space<hbm>>
          %dma_start3A_389 = arith.constant 0 : i32
          %dma_start3A_390 = tpu.memref_slice %arg6[%dma_start3A_384, %dma_start3A_389] : memref<8x40xi32, #tpu.memory_space<vmem>> -> memref<1x40xi32, #tpu.memory_space<vmem>>
          %dma_start3A_391 = tpu.memref_squeeze %dma_start3A_390 : memref<1x40xi32, #tpu.memory_space<vmem>> -> memref<40xi32, #tpu.memory_space<vmem>>
          %dma_start3A_392 = tpu.memref_slice %arg3[%mul3A_370] : memref<320000xi32, #tpu.memory_space<hbm>> -> memref<40xi32, #tpu.memory_space<hbm>>
          tpu.enqueue_dma source(%dma_start3A_392 : memref<40xi32, #tpu.memory_space<hbm>>) target(%dma_start3A_391 : memref<40xi32, #tpu.memory_space<vmem>>) target_semaphore(%arg21 : memref<!tpu.dma_semaphore, #tpu.memory_space<semaphore_mem>>)
        } else {
        }
      } else {
      }
      %mul3A_289 = arith.constant 8 : i32
      %mul3A_290 = arith.muli %mul3A_289, %while3A_256 : i32
      %add3A_291 = arith.constant 4 : i32
      %add3A_292 = arith.addi %mul3A_290, %add3A_291 : i32
      %lt3A_293 = arith.cmpi slt, %add3A_292, %sub3A_128 : i32
      %convert_element_type3A_294 = arith.extui %lt3A_293 : i1 to i32
      %cond3A_295 = arith.constant 0 : i32
      %cond3A_296 = arith.cmpi ne, %convert_element_type3A_294, %cond3A_295 : i32
      scf.if %cond3A_296 {
        %dma_wait3A = arith.constant 4 : i32
        %dma_wait3A_322 = arith.constant 0 : i32
        %dma_wait3A_323 = arith.constant 0 : i32
        %dma_wait3A_324 = tpu.memref_slice %arg5[%dma_wait3A, %dma_wait3A_322, %dma_wait3A_323] : memref<8x40x128xf32, #tpu.memory_space<vmem>> -> memref<1x40x128xf32, #tpu.memory_space<vmem>>
        %dma_wait3A_325 = tpu.memref_squeeze %dma_wait3A_324 : memref<1x40x128xf32, #tpu.memory_space<vmem>> -> memref<40x128xf32, #tpu.memory_space<vmem>>
        %dma_wait3A_326 = arith.constant 0 : i32
        %dma_wait3A_327 = arith.constant 0 : i32
        %dma_wait3A_328 = tpu.memref_slice %arg2[%dma_wait3A_326, %dma_wait3A_327] : memref<320000x128xf32, #tpu.memory_space<hbm>> -> memref<40x128xf32, #tpu.memory_space<hbm>>
        %dma_wait3A_329 = arith.constant 0 : i32
        %dma_wait3A_330 = arith.constant 0 : i32
        %dma_wait3A_331 = tpu.memref_slice %arg5[%dma_wait3A, %dma_wait3A_329, %dma_wait3A_330] : memref<8x40x128xf32, #tpu.memory_space<vmem>> -> memref<1x40x128xf32, #tpu.memory_space<vmem>>
        %dma_wait3A_332 = tpu.memref_squeeze %dma_wait3A_331 : memref<1x40x128xf32, #tpu.memory_space<vmem>> -> memref<40x128xf32, #tpu.memory_space<vmem>>
        %dma_wait3A_333 = arith.constant 0 : i32
        %dma_wait3A_334 = arith.constant 0 : i32
        %dma_wait3A_335 = tpu.memref_slice %arg2[%dma_wait3A_333, %dma_wait3A_334] : memref<320000x128xf32, #tpu.memory_space<hbm>> -> memref<40x128xf32, #tpu.memory_space<hbm>>
        tpu.wait_dma2 semaphore(%arg16 : memref<!tpu.dma_semaphore, #tpu.memory_space<semaphore_mem>>) src(%dma_wait3A_335 : memref<40x128xf32, #tpu.memory_space<hbm>>) dst(%dma_wait3A_332 : memref<40x128xf32, #tpu.memory_space<vmem>>)
        %dma_wait3A_336 = arith.constant 4 : i32
        %dma_wait3A_337 = arith.constant 0 : i32
        %dma_wait3A_338 = tpu.memref_slice %arg6[%dma_wait3A_336, %dma_wait3A_337] : memref<8x40xi32, #tpu.memory_space<vmem>> -> memref<1x40xi32, #tpu.memory_space<vmem>>
        %dma_wait3A_339 = tpu.memref_squeeze %dma_wait3A_338 : memref<1x40xi32, #tpu.memory_space<vmem>> -> memref<40xi32, #tpu.memory_space<vmem>>
        %dma_wait3A_340 = arith.constant 0 : i32
        %dma_wait3A_341 = tpu.memref_slice %arg3[%dma_wait3A_340] : memref<320000xi32, #tpu.memory_space<hbm>> -> memref<40xi32, #tpu.memory_space<hbm>>
        %dma_wait3A_342 = arith.constant 0 : i32
        %dma_wait3A_343 = tpu.memref_slice %arg6[%dma_wait3A_336, %dma_wait3A_342] : memref<8x40xi32, #tpu.memory_space<vmem>> -> memref<1x40xi32, #tpu.memory_space<vmem>>
        %dma_wait3A_344 = tpu.memref_squeeze %dma_wait3A_343 : memref<1x40xi32, #tpu.memory_space<vmem>> -> memref<40xi32, #tpu.memory_space<vmem>>
        %dma_wait3A_345 = arith.constant 0 : i32
        %dma_wait3A_346 = tpu.memref_slice %arg3[%dma_wait3A_345] : memref<320000xi32, #tpu.memory_space<hbm>> -> memref<40xi32, #tpu.memory_space<hbm>>
        tpu.wait_dma2 semaphore(%arg24 : memref<!tpu.dma_semaphore, #tpu.memory_space<semaphore_mem>>) src(%dma_wait3A_346 : memref<40xi32, #tpu.memory_space<hbm>>) dst(%dma_wait3A_344 : memref<40xi32, #tpu.memory_space<vmem>>)
        %dma_start3A = arith.constant 4 : i32
        %dma_start3A_347 = arith.constant 4 : i32
        %dma_start3A_348 = arith.constant 0 : i32
        %dma_start3A_349 = arith.constant 0 : i32
        %dma_start3A_350 = tpu.memref_slice %arg5[%dma_start3A, %dma_start3A_348, %dma_start3A_349] : memref<8x40x128xf32, #tpu.memory_space<vmem>> -> memref<1x40x128xf32, #tpu.memory_space<vmem>>
        %dma_start3A_351 = tpu.memref_squeeze %dma_start3A_350 : memref<1x40x128xf32, #tpu.memory_space<vmem>> -> memref<40x128xf32, #tpu.memory_space<vmem>>
        %dma_start3A_352 = arith.constant 0 : i32
        %dma_start3A_353 = tpu.memref_slice %arg6[%dma_start3A_347, %dma_start3A_352] : memref<8x40xi32, #tpu.memory_space<vmem>> -> memref<1x40xi32, #tpu.memory_space<vmem>>
        %dma_start3A_354 = tpu.memref_squeeze %dma_start3A_353 : memref<1x40xi32, #tpu.memory_space<vmem>> -> memref<40xi32, #tpu.memory_space<vmem>>
        %dma_start3A_355 = arith.constant 0 : i32
        %dma_start3A_356 = arith.constant 0 : i32
        %dma_start3A_357 = tpu.memref_slice %arg11[%dma_start3A_355, %dma_start3A_356] : memref<10008x128xf32, #tpu.memory_space<vmem_shared>> -> memref<10008x128xf32, #tpu.memory_space<vmem_shared>>
        tpu.enqueue_indirect_dma source(%dma_start3A_351 : memref<40x128xf32, #tpu.memory_space<vmem>>) target(%dma_start3A_357 : memref<10008x128xf32, #tpu.memory_space<vmem_shared>>) offsets(%dma_start3A_354 : memref<40xi32, #tpu.memory_space<vmem>>) semaphore(%arg32 : memref<!tpu.dma_semaphore, #tpu.memory_space<semaphore_mem>>) {add = true}
        %add3A_358 = arith.constant 6 : i32
        %add3A_359 = arith.addi %add3A_292, %add3A_358 : i32
        %lt3A_360 = arith.cmpi slt, %add3A_359, %sub3A_128 : i32
        %convert_element_type3A_361 = arith.extui %lt3A_360 : i1 to i32
        %cond3A_362 = arith.constant 0 : i32
        %cond3A_363 = arith.cmpi ne, %convert_element_type3A_361, %cond3A_362 : i32
        scf.if %cond3A_363 {
          %ge3A = arith.constant 8 : i32
          %ge3A_364 = arith.cmpi sge, %add3A_359, %ge3A : i32
          %convert_element_type3A_365 = arith.extui %ge3A_364 : i1 to i32
          %cond3A_366 = arith.constant 0 : i32
          %cond3A_367 = arith.cmpi ne, %convert_element_type3A_365, %cond3A_366 : i32
          scf.if %cond3A_367 {
            %dma_wait3A_393 = arith.constant 2 : i32
            %dma_wait3A_394 = arith.constant 2 : i32
            %dma_wait3A_395 = arith.constant 0 : i32
            %dma_wait3A_396 = arith.constant 0 : i32
            %dma_wait3A_397 = tpu.memref_slice %arg5[%dma_wait3A_393, %dma_wait3A_395, %dma_wait3A_396] : memref<8x40x128xf32, #tpu.memory_space<vmem>> -> memref<1x40x128xf32, #tpu.memory_space<vmem>>
            %dma_wait3A_398 = tpu.memref_squeeze %dma_wait3A_397 : memref<1x40x128xf32, #tpu.memory_space<vmem>> -> memref<40x128xf32, #tpu.memory_space<vmem>>
            %dma_wait3A_399 = arith.constant 0 : i32
            %dma_wait3A_400 = tpu.memref_slice %arg6[%dma_wait3A_394, %dma_wait3A_399] : memref<8x40xi32, #tpu.memory_space<vmem>> -> memref<1x40xi32, #tpu.memory_space<vmem>>
            %dma_wait3A_401 = tpu.memref_squeeze %dma_wait3A_400 : memref<1x40xi32, #tpu.memory_space<vmem>> -> memref<40xi32, #tpu.memory_space<vmem>>
            %dma_wait3A_402 = arith.constant 0 : i32
            %dma_wait3A_403 = arith.constant 0 : i32
            %dma_wait3A_404 = tpu.memref_slice %arg11[%dma_wait3A_402, %dma_wait3A_403] : memref<10008x128xf32, #tpu.memory_space<vmem_shared>> -> memref<10008x128xf32, #tpu.memory_space<vmem_shared>>
            tpu.wait_indirect_dma semaphore(%arg30 : memref<!tpu.dma_semaphore, #tpu.memory_space<semaphore_mem>>) src(%dma_wait3A_398 : memref<40x128xf32, #tpu.memory_space<vmem>>) dst(%dma_wait3A_404 : memref<10008x128xf32, #tpu.memory_space<vmem_shared>>)
          } else {
          }
          %add3A_368 = arith.addi %add3A_99, %add3A_359 : i32
          %mul3A_369 = arith.constant 40 : i32
          %mul3A_370 = arith.muli %add3A_368, %mul3A_369 : i32
          %dma_start3A_371 = arith.constant 2 : i32
          %dma_start3A_372 = arith.constant 0 : i32
          %dma_start3A_373 = arith.constant 0 : i32
          %dma_start3A_374 = tpu.memref_slice %arg5[%dma_start3A_371, %dma_start3A_372, %dma_start3A_373] : memref<8x40x128xf32, #tpu.memory_space<vmem>> -> memref<1x40x128xf32, #tpu.memory_space<vmem>>
          %dma_start3A_375 = tpu.memref_squeeze %dma_start3A_374 : memref<1x40x128xf32, #tpu.memory_space<vmem>> -> memref<40x128xf32, #tpu.memory_space<vmem>>
          %dma_start3A_376 = arith.constant 0 : i32
          %dma_start3A_377 = tpu.memref_slice %arg2[%mul3A_370, %dma_start3A_376] : memref<320000x128xf32, #tpu.memory_space<hbm>> -> memref<40x128xf32, #tpu.memory_space<hbm>>
          %dma_start3A_378 = arith.constant 0 : i32
          %dma_start3A_379 = arith.constant 0 : i32
          %dma_start3A_380 = tpu.memref_slice %arg5[%dma_start3A_371, %dma_start3A_378, %dma_start3A_379] : memref<8x40x128xf32, #tpu.memory_space<vmem>> -> memref<1x40x128xf32, #tpu.memory_space<vmem>>
          %dma_start3A_381 = tpu.memref_squeeze %dma_start3A_380 : memref<1x40x128xf32, #tpu.memory_space<vmem>> -> memref<40x128xf32, #tpu.memory_space<vmem>>
          %dma_start3A_382 = arith.constant 0 : i32
          %dma_start3A_383 = tpu.memref_slice %arg2[%mul3A_370, %dma_start3A_382] : memref<320000x128xf32, #tpu.memory_space<hbm>> -> memref<40x128xf32, #tpu.memory_space<hbm>>
          tpu.enqueue_dma source(%dma_start3A_383 : memref<40x128xf32, #tpu.memory_space<hbm>>) target(%dma_start3A_381 : memref<40x128xf32, #tpu.memory_space<vmem>>) target_semaphore(%arg14 : memref<!tpu.dma_semaphore, #tpu.memory_space<semaphore_mem>>)
          %dma_start3A_384 = arith.constant 2 : i32
          %dma_start3A_385 = arith.constant 0 : i32
          %dma_start3A_386 = tpu.memref_slice %arg6[%dma_start3A_384, %dma_start3A_385] : memref<8x40xi32, #tpu.memory_space<vmem>> -> memref<1x40xi32, #tpu.memory_space<vmem>>
          %dma_start3A_387 = tpu.memref_squeeze %dma_start3A_386 : memref<1x40xi32, #tpu.memory_space<vmem>> -> memref<40xi32, #tpu.memory_space<vmem>>
          %dma_start3A_388 = tpu.memref_slice %arg3[%mul3A_370] : memref<320000xi32, #tpu.memory_space<hbm>> -> memref<40xi32, #tpu.memory_space<hbm>>
          %dma_start3A_389 = arith.constant 0 : i32
          %dma_start3A_390 = tpu.memref_slice %arg6[%dma_start3A_384, %dma_start3A_389] : memref<8x40xi32, #tpu.memory_space<vmem>> -> memref<1x40xi32, #tpu.memory_space<vmem>>
          %dma_start3A_391 = tpu.memref_squeeze %dma_start3A_390 : memref<1x40xi32, #tpu.memory_space<vmem>> -> memref<40xi32, #tpu.memory_space<vmem>>
          %dma_start3A_392 = tpu.memref_slice %arg3[%mul3A_370] : memref<320000xi32, #tpu.memory_space<hbm>> -> memref<40xi32, #tpu.memory_space<hbm>>
          tpu.enqueue_dma source(%dma_start3A_392 : memref<40xi32, #tpu.memory_space<hbm>>) target(%dma_start3A_391 : memref<40xi32, #tpu.memory_space<vmem>>) target_semaphore(%arg22 : memref<!tpu.dma_semaphore, #tpu.memory_space<semaphore_mem>>)
        } else {
        }
      } else {
      }
      %mul3A_297 = arith.constant 8 : i32
      %mul3A_298 = arith.muli %mul3A_297, %while3A_256 : i32
      %add3A_299 = arith.constant 5 : i32
      %add3A_300 = arith.addi %mul3A_298, %add3A_299 : i32
      %lt3A_301 = arith.cmpi slt, %add3A_300, %sub3A_128 : i32
      %convert_element_type3A_302 = arith.extui %lt3A_301 : i1 to i32
      %cond3A_303 = arith.constant 0 : i32
      %cond3A_304 = arith.cmpi ne, %convert_element_type3A_302, %cond3A_303 : i32
      scf.if %cond3A_304 {
        %dma_wait3A = arith.constant 5 : i32
        %dma_wait3A_322 = arith.constant 0 : i32
        %dma_wait3A_323 = arith.constant 0 : i32
        %dma_wait3A_324 = tpu.memref_slice %arg5[%dma_wait3A, %dma_wait3A_322, %dma_wait3A_323] : memref<8x40x128xf32, #tpu.memory_space<vmem>> -> memref<1x40x128xf32, #tpu.memory_space<vmem>>
        %dma_wait3A_325 = tpu.memref_squeeze %dma_wait3A_324 : memref<1x40x128xf32, #tpu.memory_space<vmem>> -> memref<40x128xf32, #tpu.memory_space<vmem>>
        %dma_wait3A_326 = arith.constant 0 : i32
        %dma_wait3A_327 = arith.constant 0 : i32
        %dma_wait3A_328 = tpu.memref_slice %arg2[%dma_wait3A_326, %dma_wait3A_327] : memref<320000x128xf32, #tpu.memory_space<hbm>> -> memref<40x128xf32, #tpu.memory_space<hbm>>
        %dma_wait3A_329 = arith.constant 0 : i32
        %dma_wait3A_330 = arith.constant 0 : i32
        %dma_wait3A_331 = tpu.memref_slice %arg5[%dma_wait3A, %dma_wait3A_329, %dma_wait3A_330] : memref<8x40x128xf32, #tpu.memory_space<vmem>> -> memref<1x40x128xf32, #tpu.memory_space<vmem>>
        %dma_wait3A_332 = tpu.memref_squeeze %dma_wait3A_331 : memref<1x40x128xf32, #tpu.memory_space<vmem>> -> memref<40x128xf32, #tpu.memory_space<vmem>>
        %dma_wait3A_333 = arith.constant 0 : i32
        %dma_wait3A_334 = arith.constant 0 : i32
        %dma_wait3A_335 = tpu.memref_slice %arg2[%dma_wait3A_333, %dma_wait3A_334] : memref<320000x128xf32, #tpu.memory_space<hbm>> -> memref<40x128xf32, #tpu.memory_space<hbm>>
        tpu.wait_dma2 semaphore(%arg17 : memref<!tpu.dma_semaphore, #tpu.memory_space<semaphore_mem>>) src(%dma_wait3A_335 : memref<40x128xf32, #tpu.memory_space<hbm>>) dst(%dma_wait3A_332 : memref<40x128xf32, #tpu.memory_space<vmem>>)
        %dma_wait3A_336 = arith.constant 5 : i32
        %dma_wait3A_337 = arith.constant 0 : i32
        %dma_wait3A_338 = tpu.memref_slice %arg6[%dma_wait3A_336, %dma_wait3A_337] : memref<8x40xi32, #tpu.memory_space<vmem>> -> memref<1x40xi32, #tpu.memory_space<vmem>>
        %dma_wait3A_339 = tpu.memref_squeeze %dma_wait3A_338 : memref<1x40xi32, #tpu.memory_space<vmem>> -> memref<40xi32, #tpu.memory_space<vmem>>
        %dma_wait3A_340 = arith.constant 0 : i32
        %dma_wait3A_341 = tpu.memref_slice %arg3[%dma_wait3A_340] : memref<320000xi32, #tpu.memory_space<hbm>> -> memref<40xi32, #tpu.memory_space<hbm>>
        %dma_wait3A_342 = arith.constant 0 : i32
        %dma_wait3A_343 = tpu.memref_slice %arg6[%dma_wait3A_336, %dma_wait3A_342] : memref<8x40xi32, #tpu.memory_space<vmem>> -> memref<1x40xi32, #tpu.memory_space<vmem>>
        %dma_wait3A_344 = tpu.memref_squeeze %dma_wait3A_343 : memref<1x40xi32, #tpu.memory_space<vmem>> -> memref<40xi32, #tpu.memory_space<vmem>>
        %dma_wait3A_345 = arith.constant 0 : i32
        %dma_wait3A_346 = tpu.memref_slice %arg3[%dma_wait3A_345] : memref<320000xi32, #tpu.memory_space<hbm>> -> memref<40xi32, #tpu.memory_space<hbm>>
        tpu.wait_dma2 semaphore(%arg25 : memref<!tpu.dma_semaphore, #tpu.memory_space<semaphore_mem>>) src(%dma_wait3A_346 : memref<40xi32, #tpu.memory_space<hbm>>) dst(%dma_wait3A_344 : memref<40xi32, #tpu.memory_space<vmem>>)
        %dma_start3A = arith.constant 5 : i32
        %dma_start3A_347 = arith.constant 5 : i32
        %dma_start3A_348 = arith.constant 0 : i32
        %dma_start3A_349 = arith.constant 0 : i32
        %dma_start3A_350 = tpu.memref_slice %arg5[%dma_start3A, %dma_start3A_348, %dma_start3A_349] : memref<8x40x128xf32, #tpu.memory_space<vmem>> -> memref<1x40x128xf32, #tpu.memory_space<vmem>>
        %dma_start3A_351 = tpu.memref_squeeze %dma_start3A_350 : memref<1x40x128xf32, #tpu.memory_space<vmem>> -> memref<40x128xf32, #tpu.memory_space<vmem>>
        %dma_start3A_352 = arith.constant 0 : i32
        %dma_start3A_353 = tpu.memref_slice %arg6[%dma_start3A_347, %dma_start3A_352] : memref<8x40xi32, #tpu.memory_space<vmem>> -> memref<1x40xi32, #tpu.memory_space<vmem>>
        %dma_start3A_354 = tpu.memref_squeeze %dma_start3A_353 : memref<1x40xi32, #tpu.memory_space<vmem>> -> memref<40xi32, #tpu.memory_space<vmem>>
        %dma_start3A_355 = arith.constant 0 : i32
        %dma_start3A_356 = arith.constant 0 : i32
        %dma_start3A_357 = tpu.memref_slice %arg11[%dma_start3A_355, %dma_start3A_356] : memref<10008x128xf32, #tpu.memory_space<vmem_shared>> -> memref<10008x128xf32, #tpu.memory_space<vmem_shared>>
        tpu.enqueue_indirect_dma source(%dma_start3A_351 : memref<40x128xf32, #tpu.memory_space<vmem>>) target(%dma_start3A_357 : memref<10008x128xf32, #tpu.memory_space<vmem_shared>>) offsets(%dma_start3A_354 : memref<40xi32, #tpu.memory_space<vmem>>) semaphore(%arg33 : memref<!tpu.dma_semaphore, #tpu.memory_space<semaphore_mem>>) {add = true}
        %add3A_358 = arith.constant 6 : i32
        %add3A_359 = arith.addi %add3A_300, %add3A_358 : i32
        %lt3A_360 = arith.cmpi slt, %add3A_359, %sub3A_128 : i32
        %convert_element_type3A_361 = arith.extui %lt3A_360 : i1 to i32
        %cond3A_362 = arith.constant 0 : i32
        %cond3A_363 = arith.cmpi ne, %convert_element_type3A_361, %cond3A_362 : i32
        scf.if %cond3A_363 {
          %ge3A = arith.constant 8 : i32
          %ge3A_364 = arith.cmpi sge, %add3A_359, %ge3A : i32
          %convert_element_type3A_365 = arith.extui %ge3A_364 : i1 to i32
          %cond3A_366 = arith.constant 0 : i32
          %cond3A_367 = arith.cmpi ne, %convert_element_type3A_365, %cond3A_366 : i32
          scf.if %cond3A_367 {
            %dma_wait3A_393 = arith.constant 3 : i32
            %dma_wait3A_394 = arith.constant 3 : i32
            %dma_wait3A_395 = arith.constant 0 : i32
            %dma_wait3A_396 = arith.constant 0 : i32
            %dma_wait3A_397 = tpu.memref_slice %arg5[%dma_wait3A_393, %dma_wait3A_395, %dma_wait3A_396] : memref<8x40x128xf32, #tpu.memory_space<vmem>> -> memref<1x40x128xf32, #tpu.memory_space<vmem>>
            %dma_wait3A_398 = tpu.memref_squeeze %dma_wait3A_397 : memref<1x40x128xf32, #tpu.memory_space<vmem>> -> memref<40x128xf32, #tpu.memory_space<vmem>>
            %dma_wait3A_399 = arith.constant 0 : i32
            %dma_wait3A_400 = tpu.memref_slice %arg6[%dma_wait3A_394, %dma_wait3A_399] : memref<8x40xi32, #tpu.memory_space<vmem>> -> memref<1x40xi32, #tpu.memory_space<vmem>>
            %dma_wait3A_401 = tpu.memref_squeeze %dma_wait3A_400 : memref<1x40xi32, #tpu.memory_space<vmem>> -> memref<40xi32, #tpu.memory_space<vmem>>
            %dma_wait3A_402 = arith.constant 0 : i32
            %dma_wait3A_403 = arith.constant 0 : i32
            %dma_wait3A_404 = tpu.memref_slice %arg11[%dma_wait3A_402, %dma_wait3A_403] : memref<10008x128xf32, #tpu.memory_space<vmem_shared>> -> memref<10008x128xf32, #tpu.memory_space<vmem_shared>>
            tpu.wait_indirect_dma semaphore(%arg31 : memref<!tpu.dma_semaphore, #tpu.memory_space<semaphore_mem>>) src(%dma_wait3A_398 : memref<40x128xf32, #tpu.memory_space<vmem>>) dst(%dma_wait3A_404 : memref<10008x128xf32, #tpu.memory_space<vmem_shared>>)
          } else {
          }
          %add3A_368 = arith.addi %add3A_99, %add3A_359 : i32
          %mul3A_369 = arith.constant 40 : i32
          %mul3A_370 = arith.muli %add3A_368, %mul3A_369 : i32
          %dma_start3A_371 = arith.constant 3 : i32
          %dma_start3A_372 = arith.constant 0 : i32
          %dma_start3A_373 = arith.constant 0 : i32
          %dma_start3A_374 = tpu.memref_slice %arg5[%dma_start3A_371, %dma_start3A_372, %dma_start3A_373] : memref<8x40x128xf32, #tpu.memory_space<vmem>> -> memref<1x40x128xf32, #tpu.memory_space<vmem>>
          %dma_start3A_375 = tpu.memref_squeeze %dma_start3A_374 : memref<1x40x128xf32, #tpu.memory_space<vmem>> -> memref<40x128xf32, #tpu.memory_space<vmem>>
          %dma_start3A_376 = arith.constant 0 : i32
          %dma_start3A_377 = tpu.memref_slice %arg2[%mul3A_370, %dma_start3A_376] : memref<320000x128xf32, #tpu.memory_space<hbm>> -> memref<40x128xf32, #tpu.memory_space<hbm>>
          %dma_start3A_378 = arith.constant 0 : i32
          %dma_start3A_379 = arith.constant 0 : i32
          %dma_start3A_380 = tpu.memref_slice %arg5[%dma_start3A_371, %dma_start3A_378, %dma_start3A_379] : memref<8x40x128xf32, #tpu.memory_space<vmem>> -> memref<1x40x128xf32, #tpu.memory_space<vmem>>
          %dma_start3A_381 = tpu.memref_squeeze %dma_start3A_380 : memref<1x40x128xf32, #tpu.memory_space<vmem>> -> memref<40x128xf32, #tpu.memory_space<vmem>>
          %dma_start3A_382 = arith.constant 0 : i32
          %dma_start3A_383 = tpu.memref_slice %arg2[%mul3A_370, %dma_start3A_382] : memref<320000x128xf32, #tpu.memory_space<hbm>> -> memref<40x128xf32, #tpu.memory_space<hbm>>
          tpu.enqueue_dma source(%dma_start3A_383 : memref<40x128xf32, #tpu.memory_space<hbm>>) target(%dma_start3A_381 : memref<40x128xf32, #tpu.memory_space<vmem>>) target_semaphore(%arg15 : memref<!tpu.dma_semaphore, #tpu.memory_space<semaphore_mem>>)
          %dma_start3A_384 = arith.constant 3 : i32
          %dma_start3A_385 = arith.constant 0 : i32
          %dma_start3A_386 = tpu.memref_slice %arg6[%dma_start3A_384, %dma_start3A_385] : memref<8x40xi32, #tpu.memory_space<vmem>> -> memref<1x40xi32, #tpu.memory_space<vmem>>
          %dma_start3A_387 = tpu.memref_squeeze %dma_start3A_386 : memref<1x40xi32, #tpu.memory_space<vmem>> -> memref<40xi32, #tpu.memory_space<vmem>>
          %dma_start3A_388 = tpu.memref_slice %arg3[%mul3A_370] : memref<320000xi32, #tpu.memory_space<hbm>> -> memref<40xi32, #tpu.memory_space<hbm>>
          %dma_start3A_389 = arith.constant 0 : i32
          %dma_start3A_390 = tpu.memref_slice %arg6[%dma_start3A_384, %dma_start3A_389] : memref<8x40xi32, #tpu.memory_space<vmem>> -> memref<1x40xi32, #tpu.memory_space<vmem>>
          %dma_start3A_391 = tpu.memref_squeeze %dma_start3A_390 : memref<1x40xi32, #tpu.memory_space<vmem>> -> memref<40xi32, #tpu.memory_space<vmem>>
          %dma_start3A_392 = tpu.memref_slice %arg3[%mul3A_370] : memref<320000xi32, #tpu.memory_space<hbm>> -> memref<40xi32, #tpu.memory_space<hbm>>
          tpu.enqueue_dma source(%dma_start3A_392 : memref<40xi32, #tpu.memory_space<hbm>>) target(%dma_start3A_391 : memref<40xi32, #tpu.memory_space<vmem>>) target_semaphore(%arg23 : memref<!tpu.dma_semaphore, #tpu.memory_space<semaphore_mem>>)
        } else {
        }
      } else {
      }
      %mul3A_305 = arith.constant 8 : i32
      %mul3A_306 = arith.muli %mul3A_305, %while3A_256 : i32
      %add3A_307 = arith.constant 6 : i32
      %add3A_308 = arith.addi %mul3A_306, %add3A_307 : i32
      %lt3A_309 = arith.cmpi slt, %add3A_308, %sub3A_128 : i32
      %convert_element_type3A_310 = arith.extui %lt3A_309 : i1 to i32
      %cond3A_311 = arith.constant 0 : i32
      %cond3A_312 = arith.cmpi ne, %convert_element_type3A_310, %cond3A_311 : i32
      scf.if %cond3A_312 {
        %dma_wait3A = arith.constant 6 : i32
        %dma_wait3A_322 = arith.constant 0 : i32
        %dma_wait3A_323 = arith.constant 0 : i32
        %dma_wait3A_324 = tpu.memref_slice %arg5[%dma_wait3A, %dma_wait3A_322, %dma_wait3A_323] : memref<8x40x128xf32, #tpu.memory_space<vmem>> -> memref<1x40x128xf32, #tpu.memory_space<vmem>>
        %dma_wait3A_325 = tpu.memref_squeeze %dma_wait3A_324 : memref<1x40x128xf32, #tpu.memory_space<vmem>> -> memref<40x128xf32, #tpu.memory_space<vmem>>
        %dma_wait3A_326 = arith.constant 0 : i32
        %dma_wait3A_327 = arith.constant 0 : i32
        %dma_wait3A_328 = tpu.memref_slice %arg2[%dma_wait3A_326, %dma_wait3A_327] : memref<320000x128xf32, #tpu.memory_space<hbm>> -> memref<40x128xf32, #tpu.memory_space<hbm>>
        %dma_wait3A_329 = arith.constant 0 : i32
        %dma_wait3A_330 = arith.constant 0 : i32
        %dma_wait3A_331 = tpu.memref_slice %arg5[%dma_wait3A, %dma_wait3A_329, %dma_wait3A_330] : memref<8x40x128xf32, #tpu.memory_space<vmem>> -> memref<1x40x128xf32, #tpu.memory_space<vmem>>
        %dma_wait3A_332 = tpu.memref_squeeze %dma_wait3A_331 : memref<1x40x128xf32, #tpu.memory_space<vmem>> -> memref<40x128xf32, #tpu.memory_space<vmem>>
        %dma_wait3A_333 = arith.constant 0 : i32
        %dma_wait3A_334 = arith.constant 0 : i32
        %dma_wait3A_335 = tpu.memref_slice %arg2[%dma_wait3A_333, %dma_wait3A_334] : memref<320000x128xf32, #tpu.memory_space<hbm>> -> memref<40x128xf32, #tpu.memory_space<hbm>>
        tpu.wait_dma2 semaphore(%arg18 : memref<!tpu.dma_semaphore, #tpu.memory_space<semaphore_mem>>) src(%dma_wait3A_335 : memref<40x128xf32, #tpu.memory_space<hbm>>) dst(%dma_wait3A_332 : memref<40x128xf32, #tpu.memory_space<vmem>>)
        %dma_wait3A_336 = arith.constant 6 : i32
        %dma_wait3A_337 = arith.constant 0 : i32
        %dma_wait3A_338 = tpu.memref_slice %arg6[%dma_wait3A_336, %dma_wait3A_337] : memref<8x40xi32, #tpu.memory_space<vmem>> -> memref<1x40xi32, #tpu.memory_space<vmem>>
        %dma_wait3A_339 = tpu.memref_squeeze %dma_wait3A_338 : memref<1x40xi32, #tpu.memory_space<vmem>> -> memref<40xi32, #tpu.memory_space<vmem>>
        %dma_wait3A_340 = arith.constant 0 : i32
        %dma_wait3A_341 = tpu.memref_slice %arg3[%dma_wait3A_340] : memref<320000xi32, #tpu.memory_space<hbm>> -> memref<40xi32, #tpu.memory_space<hbm>>
        %dma_wait3A_342 = arith.constant 0 : i32
        %dma_wait3A_343 = tpu.memref_slice %arg6[%dma_wait3A_336, %dma_wait3A_342] : memref<8x40xi32, #tpu.memory_space<vmem>> -> memref<1x40xi32, #tpu.memory_space<vmem>>
        %dma_wait3A_344 = tpu.memref_squeeze %dma_wait3A_343 : memref<1x40xi32, #tpu.memory_space<vmem>> -> memref<40xi32, #tpu.memory_space<vmem>>
        %dma_wait3A_345 = arith.constant 0 : i32
        %dma_wait3A_346 = tpu.memref_slice %arg3[%dma_wait3A_345] : memref<320000xi32, #tpu.memory_space<hbm>> -> memref<40xi32, #tpu.memory_space<hbm>>
        tpu.wait_dma2 semaphore(%arg26 : memref<!tpu.dma_semaphore, #tpu.memory_space<semaphore_mem>>) src(%dma_wait3A_346 : memref<40xi32, #tpu.memory_space<hbm>>) dst(%dma_wait3A_344 : memref<40xi32, #tpu.memory_space<vmem>>)
        %dma_start3A = arith.constant 6 : i32
        %dma_start3A_347 = arith.constant 6 : i32
        %dma_start3A_348 = arith.constant 0 : i32
        %dma_start3A_349 = arith.constant 0 : i32
        %dma_start3A_350 = tpu.memref_slice %arg5[%dma_start3A, %dma_start3A_348, %dma_start3A_349] : memref<8x40x128xf32, #tpu.memory_space<vmem>> -> memref<1x40x128xf32, #tpu.memory_space<vmem>>
        %dma_start3A_351 = tpu.memref_squeeze %dma_start3A_350 : memref<1x40x128xf32, #tpu.memory_space<vmem>> -> memref<40x128xf32, #tpu.memory_space<vmem>>
        %dma_start3A_352 = arith.constant 0 : i32
        %dma_start3A_353 = tpu.memref_slice %arg6[%dma_start3A_347, %dma_start3A_352] : memref<8x40xi32, #tpu.memory_space<vmem>> -> memref<1x40xi32, #tpu.memory_space<vmem>>
        %dma_start3A_354 = tpu.memref_squeeze %dma_start3A_353 : memref<1x40xi32, #tpu.memory_space<vmem>> -> memref<40xi32, #tpu.memory_space<vmem>>
        %dma_start3A_355 = arith.constant 0 : i32
        %dma_start3A_356 = arith.constant 0 : i32
        %dma_start3A_357 = tpu.memref_slice %arg11[%dma_start3A_355, %dma_start3A_356] : memref<10008x128xf32, #tpu.memory_space<vmem_shared>> -> memref<10008x128xf32, #tpu.memory_space<vmem_shared>>
        tpu.enqueue_indirect_dma source(%dma_start3A_351 : memref<40x128xf32, #tpu.memory_space<vmem>>) target(%dma_start3A_357 : memref<10008x128xf32, #tpu.memory_space<vmem_shared>>) offsets(%dma_start3A_354 : memref<40xi32, #tpu.memory_space<vmem>>) semaphore(%arg34 : memref<!tpu.dma_semaphore, #tpu.memory_space<semaphore_mem>>) {add = true}
        %add3A_358 = arith.constant 6 : i32
        %add3A_359 = arith.addi %add3A_308, %add3A_358 : i32
        %lt3A_360 = arith.cmpi slt, %add3A_359, %sub3A_128 : i32
        %convert_element_type3A_361 = arith.extui %lt3A_360 : i1 to i32
        %cond3A_362 = arith.constant 0 : i32
        %cond3A_363 = arith.cmpi ne, %convert_element_type3A_361, %cond3A_362 : i32
        scf.if %cond3A_363 {
          %ge3A = arith.constant 8 : i32
          %ge3A_364 = arith.cmpi sge, %add3A_359, %ge3A : i32
          %convert_element_type3A_365 = arith.extui %ge3A_364 : i1 to i32
          %cond3A_366 = arith.constant 0 : i32
          %cond3A_367 = arith.cmpi ne, %convert_element_type3A_365, %cond3A_366 : i32
          scf.if %cond3A_367 {
            %dma_wait3A_393 = arith.constant 4 : i32
            %dma_wait3A_394 = arith.constant 4 : i32
            %dma_wait3A_395 = arith.constant 0 : i32
            %dma_wait3A_396 = arith.constant 0 : i32
            %dma_wait3A_397 = tpu.memref_slice %arg5[%dma_wait3A_393, %dma_wait3A_395, %dma_wait3A_396] : memref<8x40x128xf32, #tpu.memory_space<vmem>> -> memref<1x40x128xf32, #tpu.memory_space<vmem>>
            %dma_wait3A_398 = tpu.memref_squeeze %dma_wait3A_397 : memref<1x40x128xf32, #tpu.memory_space<vmem>> -> memref<40x128xf32, #tpu.memory_space<vmem>>
            %dma_wait3A_399 = arith.constant 0 : i32
            %dma_wait3A_400 = tpu.memref_slice %arg6[%dma_wait3A_394, %dma_wait3A_399] : memref<8x40xi32, #tpu.memory_space<vmem>> -> memref<1x40xi32, #tpu.memory_space<vmem>>
            %dma_wait3A_401 = tpu.memref_squeeze %dma_wait3A_400 : memref<1x40xi32, #tpu.memory_space<vmem>> -> memref<40xi32, #tpu.memory_space<vmem>>
            %dma_wait3A_402 = arith.constant 0 : i32
            %dma_wait3A_403 = arith.constant 0 : i32
            %dma_wait3A_404 = tpu.memref_slice %arg11[%dma_wait3A_402, %dma_wait3A_403] : memref<10008x128xf32, #tpu.memory_space<vmem_shared>> -> memref<10008x128xf32, #tpu.memory_space<vmem_shared>>
            tpu.wait_indirect_dma semaphore(%arg32 : memref<!tpu.dma_semaphore, #tpu.memory_space<semaphore_mem>>) src(%dma_wait3A_398 : memref<40x128xf32, #tpu.memory_space<vmem>>) dst(%dma_wait3A_404 : memref<10008x128xf32, #tpu.memory_space<vmem_shared>>)
          } else {
          }
          %add3A_368 = arith.addi %add3A_99, %add3A_359 : i32
          %mul3A_369 = arith.constant 40 : i32
          %mul3A_370 = arith.muli %add3A_368, %mul3A_369 : i32
          %dma_start3A_371 = arith.constant 4 : i32
          %dma_start3A_372 = arith.constant 0 : i32
          %dma_start3A_373 = arith.constant 0 : i32
          %dma_start3A_374 = tpu.memref_slice %arg5[%dma_start3A_371, %dma_start3A_372, %dma_start3A_373] : memref<8x40x128xf32, #tpu.memory_space<vmem>> -> memref<1x40x128xf32, #tpu.memory_space<vmem>>
          %dma_start3A_375 = tpu.memref_squeeze %dma_start3A_374 : memref<1x40x128xf32, #tpu.memory_space<vmem>> -> memref<40x128xf32, #tpu.memory_space<vmem>>
          %dma_start3A_376 = arith.constant 0 : i32
          %dma_start3A_377 = tpu.memref_slice %arg2[%mul3A_370, %dma_start3A_376] : memref<320000x128xf32, #tpu.memory_space<hbm>> -> memref<40x128xf32, #tpu.memory_space<hbm>>
          %dma_start3A_378 = arith.constant 0 : i32
          %dma_start3A_379 = arith.constant 0 : i32
          %dma_start3A_380 = tpu.memref_slice %arg5[%dma_start3A_371, %dma_start3A_378, %dma_start3A_379] : memref<8x40x128xf32, #tpu.memory_space<vmem>> -> memref<1x40x128xf32, #tpu.memory_space<vmem>>
          %dma_start3A_381 = tpu.memref_squeeze %dma_start3A_380 : memref<1x40x128xf32, #tpu.memory_space<vmem>> -> memref<40x128xf32, #tpu.memory_space<vmem>>
          %dma_start3A_382 = arith.constant 0 : i32
          %dma_start3A_383 = tpu.memref_slice %arg2[%mul3A_370, %dma_start3A_382] : memref<320000x128xf32, #tpu.memory_space<hbm>> -> memref<40x128xf32, #tpu.memory_space<hbm>>
          tpu.enqueue_dma source(%dma_start3A_383 : memref<40x128xf32, #tpu.memory_space<hbm>>) target(%dma_start3A_381 : memref<40x128xf32, #tpu.memory_space<vmem>>) target_semaphore(%arg16 : memref<!tpu.dma_semaphore, #tpu.memory_space<semaphore_mem>>)
          %dma_start3A_384 = arith.constant 4 : i32
          %dma_start3A_385 = arith.constant 0 : i32
          %dma_start3A_386 = tpu.memref_slice %arg6[%dma_start3A_384, %dma_start3A_385] : memref<8x40xi32, #tpu.memory_space<vmem>> -> memref<1x40xi32, #tpu.memory_space<vmem>>
          %dma_start3A_387 = tpu.memref_squeeze %dma_start3A_386 : memref<1x40xi32, #tpu.memory_space<vmem>> -> memref<40xi32, #tpu.memory_space<vmem>>
          %dma_start3A_388 = tpu.memref_slice %arg3[%mul3A_370] : memref<320000xi32, #tpu.memory_space<hbm>> -> memref<40xi32, #tpu.memory_space<hbm>>
          %dma_start3A_389 = arith.constant 0 : i32
          %dma_start3A_390 = tpu.memref_slice %arg6[%dma_start3A_384, %dma_start3A_389] : memref<8x40xi32, #tpu.memory_space<vmem>> -> memref<1x40xi32, #tpu.memory_space<vmem>>
          %dma_start3A_391 = tpu.memref_squeeze %dma_start3A_390 : memref<1x40xi32, #tpu.memory_space<vmem>> -> memref<40xi32, #tpu.memory_space<vmem>>
          %dma_start3A_392 = tpu.memref_slice %arg3[%mul3A_370] : memref<320000xi32, #tpu.memory_space<hbm>> -> memref<40xi32, #tpu.memory_space<hbm>>
          tpu.enqueue_dma source(%dma_start3A_392 : memref<40xi32, #tpu.memory_space<hbm>>) target(%dma_start3A_391 : memref<40xi32, #tpu.memory_space<vmem>>) target_semaphore(%arg24 : memref<!tpu.dma_semaphore, #tpu.memory_space<semaphore_mem>>)
        } else {
        }
      } else {
      }
      %mul3A_313 = arith.constant 8 : i32
      %mul3A_314 = arith.muli %mul3A_313, %while3A_256 : i32
      %add3A_315 = arith.constant 7 : i32
      %add3A_316 = arith.addi %mul3A_314, %add3A_315 : i32
      %lt3A_317 = arith.cmpi slt, %add3A_316, %sub3A_128 : i32
      %convert_element_type3A_318 = arith.extui %lt3A_317 : i1 to i32
      %cond3A_319 = arith.constant 0 : i32
      %cond3A_320 = arith.cmpi ne, %convert_element_type3A_318, %cond3A_319 : i32
      scf.if %cond3A_320 {
        %dma_wait3A = arith.constant 7 : i32
        %dma_wait3A_322 = arith.constant 0 : i32
        %dma_wait3A_323 = arith.constant 0 : i32
        %dma_wait3A_324 = tpu.memref_slice %arg5[%dma_wait3A, %dma_wait3A_322, %dma_wait3A_323] : memref<8x40x128xf32, #tpu.memory_space<vmem>> -> memref<1x40x128xf32, #tpu.memory_space<vmem>>
        %dma_wait3A_325 = tpu.memref_squeeze %dma_wait3A_324 : memref<1x40x128xf32, #tpu.memory_space<vmem>> -> memref<40x128xf32, #tpu.memory_space<vmem>>
        %dma_wait3A_326 = arith.constant 0 : i32
        %dma_wait3A_327 = arith.constant 0 : i32
        %dma_wait3A_328 = tpu.memref_slice %arg2[%dma_wait3A_326, %dma_wait3A_327] : memref<320000x128xf32, #tpu.memory_space<hbm>> -> memref<40x128xf32, #tpu.memory_space<hbm>>
        %dma_wait3A_329 = arith.constant 0 : i32
        %dma_wait3A_330 = arith.constant 0 : i32
        %dma_wait3A_331 = tpu.memref_slice %arg5[%dma_wait3A, %dma_wait3A_329, %dma_wait3A_330] : memref<8x40x128xf32, #tpu.memory_space<vmem>> -> memref<1x40x128xf32, #tpu.memory_space<vmem>>
        %dma_wait3A_332 = tpu.memref_squeeze %dma_wait3A_331 : memref<1x40x128xf32, #tpu.memory_space<vmem>> -> memref<40x128xf32, #tpu.memory_space<vmem>>
        %dma_wait3A_333 = arith.constant 0 : i32
        %dma_wait3A_334 = arith.constant 0 : i32
        %dma_wait3A_335 = tpu.memref_slice %arg2[%dma_wait3A_333, %dma_wait3A_334] : memref<320000x128xf32, #tpu.memory_space<hbm>> -> memref<40x128xf32, #tpu.memory_space<hbm>>
        tpu.wait_dma2 semaphore(%arg19 : memref<!tpu.dma_semaphore, #tpu.memory_space<semaphore_mem>>) src(%dma_wait3A_335 : memref<40x128xf32, #tpu.memory_space<hbm>>) dst(%dma_wait3A_332 : memref<40x128xf32, #tpu.memory_space<vmem>>)
        %dma_wait3A_336 = arith.constant 7 : i32
        %dma_wait3A_337 = arith.constant 0 : i32
        %dma_wait3A_338 = tpu.memref_slice %arg6[%dma_wait3A_336, %dma_wait3A_337] : memref<8x40xi32, #tpu.memory_space<vmem>> -> memref<1x40xi32, #tpu.memory_space<vmem>>
        %dma_wait3A_339 = tpu.memref_squeeze %dma_wait3A_338 : memref<1x40xi32, #tpu.memory_space<vmem>> -> memref<40xi32, #tpu.memory_space<vmem>>
        %dma_wait3A_340 = arith.constant 0 : i32
        %dma_wait3A_341 = tpu.memref_slice %arg3[%dma_wait3A_340] : memref<320000xi32, #tpu.memory_space<hbm>> -> memref<40xi32, #tpu.memory_space<hbm>>
        %dma_wait3A_342 = arith.constant 0 : i32
        %dma_wait3A_343 = tpu.memref_slice %arg6[%dma_wait3A_336, %dma_wait3A_342] : memref<8x40xi32, #tpu.memory_space<vmem>> -> memref<1x40xi32, #tpu.memory_space<vmem>>
        %dma_wait3A_344 = tpu.memref_squeeze %dma_wait3A_343 : memref<1x40xi32, #tpu.memory_space<vmem>> -> memref<40xi32, #tpu.memory_space<vmem>>
        %dma_wait3A_345 = arith.constant 0 : i32
        %dma_wait3A_346 = tpu.memref_slice %arg3[%dma_wait3A_345] : memref<320000xi32, #tpu.memory_space<hbm>> -> memref<40xi32, #tpu.memory_space<hbm>>
        tpu.wait_dma2 semaphore(%arg27 : memref<!tpu.dma_semaphore, #tpu.memory_space<semaphore_mem>>) src(%dma_wait3A_346 : memref<40xi32, #tpu.memory_space<hbm>>) dst(%dma_wait3A_344 : memref<40xi32, #tpu.memory_space<vmem>>)
        %dma_start3A = arith.constant 7 : i32
        %dma_start3A_347 = arith.constant 7 : i32
        %dma_start3A_348 = arith.constant 0 : i32
        %dma_start3A_349 = arith.constant 0 : i32
        %dma_start3A_350 = tpu.memref_slice %arg5[%dma_start3A, %dma_start3A_348, %dma_start3A_349] : memref<8x40x128xf32, #tpu.memory_space<vmem>> -> memref<1x40x128xf32, #tpu.memory_space<vmem>>
        %dma_start3A_351 = tpu.memref_squeeze %dma_start3A_350 : memref<1x40x128xf32, #tpu.memory_space<vmem>> -> memref<40x128xf32, #tpu.memory_space<vmem>>
        %dma_start3A_352 = arith.constant 0 : i32
        %dma_start3A_353 = tpu.memref_slice %arg6[%dma_start3A_347, %dma_start3A_352] : memref<8x40xi32, #tpu.memory_space<vmem>> -> memref<1x40xi32, #tpu.memory_space<vmem>>
        %dma_start3A_354 = tpu.memref_squeeze %dma_start3A_353 : memref<1x40xi32, #tpu.memory_space<vmem>> -> memref<40xi32, #tpu.memory_space<vmem>>
        %dma_start3A_355 = arith.constant 0 : i32
        %dma_start3A_356 = arith.constant 0 : i32
        %dma_start3A_357 = tpu.memref_slice %arg11[%dma_start3A_355, %dma_start3A_356] : memref<10008x128xf32, #tpu.memory_space<vmem_shared>> -> memref<10008x128xf32, #tpu.memory_space<vmem_shared>>
        tpu.enqueue_indirect_dma source(%dma_start3A_351 : memref<40x128xf32, #tpu.memory_space<vmem>>) target(%dma_start3A_357 : memref<10008x128xf32, #tpu.memory_space<vmem_shared>>) offsets(%dma_start3A_354 : memref<40xi32, #tpu.memory_space<vmem>>) semaphore(%arg35 : memref<!tpu.dma_semaphore, #tpu.memory_space<semaphore_mem>>) {add = true}
        %add3A_358 = arith.constant 6 : i32
        %add3A_359 = arith.addi %add3A_316, %add3A_358 : i32
        %lt3A_360 = arith.cmpi slt, %add3A_359, %sub3A_128 : i32
        %convert_element_type3A_361 = arith.extui %lt3A_360 : i1 to i32
        %cond3A_362 = arith.constant 0 : i32
        %cond3A_363 = arith.cmpi ne, %convert_element_type3A_361, %cond3A_362 : i32
        scf.if %cond3A_363 {
          %ge3A = arith.constant 8 : i32
          %ge3A_364 = arith.cmpi sge, %add3A_359, %ge3A : i32
          %convert_element_type3A_365 = arith.extui %ge3A_364 : i1 to i32
          %cond3A_366 = arith.constant 0 : i32
          %cond3A_367 = arith.cmpi ne, %convert_element_type3A_365, %cond3A_366 : i32
          scf.if %cond3A_367 {
            %dma_wait3A_393 = arith.constant 5 : i32
            %dma_wait3A_394 = arith.constant 5 : i32
            %dma_wait3A_395 = arith.constant 0 : i32
            %dma_wait3A_396 = arith.constant 0 : i32
            %dma_wait3A_397 = tpu.memref_slice %arg5[%dma_wait3A_393, %dma_wait3A_395, %dma_wait3A_396] : memref<8x40x128xf32, #tpu.memory_space<vmem>> -> memref<1x40x128xf32, #tpu.memory_space<vmem>>
            %dma_wait3A_398 = tpu.memref_squeeze %dma_wait3A_397 : memref<1x40x128xf32, #tpu.memory_space<vmem>> -> memref<40x128xf32, #tpu.memory_space<vmem>>
            %dma_wait3A_399 = arith.constant 0 : i32
            %dma_wait3A_400 = tpu.memref_slice %arg6[%dma_wait3A_394, %dma_wait3A_399] : memref<8x40xi32, #tpu.memory_space<vmem>> -> memref<1x40xi32, #tpu.memory_space<vmem>>
            %dma_wait3A_401 = tpu.memref_squeeze %dma_wait3A_400 : memref<1x40xi32, #tpu.memory_space<vmem>> -> memref<40xi32, #tpu.memory_space<vmem>>
            %dma_wait3A_402 = arith.constant 0 : i32
            %dma_wait3A_403 = arith.constant 0 : i32
            %dma_wait3A_404 = tpu.memref_slice %arg11[%dma_wait3A_402, %dma_wait3A_403] : memref<10008x128xf32, #tpu.memory_space<vmem_shared>> -> memref<10008x128xf32, #tpu.memory_space<vmem_shared>>
            tpu.wait_indirect_dma semaphore(%arg33 : memref<!tpu.dma_semaphore, #tpu.memory_space<semaphore_mem>>) src(%dma_wait3A_398 : memref<40x128xf32, #tpu.memory_space<vmem>>) dst(%dma_wait3A_404 : memref<10008x128xf32, #tpu.memory_space<vmem_shared>>)
          } else {
          }
          %add3A_368 = arith.addi %add3A_99, %add3A_359 : i32
          %mul3A_369 = arith.constant 40 : i32
          %mul3A_370 = arith.muli %add3A_368, %mul3A_369 : i32
          %dma_start3A_371 = arith.constant 5 : i32
          %dma_start3A_372 = arith.constant 0 : i32
          %dma_start3A_373 = arith.constant 0 : i32
          %dma_start3A_374 = tpu.memref_slice %arg5[%dma_start3A_371, %dma_start3A_372, %dma_start3A_373] : memref<8x40x128xf32, #tpu.memory_space<vmem>> -> memref<1x40x128xf32, #tpu.memory_space<vmem>>
          %dma_start3A_375 = tpu.memref_squeeze %dma_start3A_374 : memref<1x40x128xf32, #tpu.memory_space<vmem>> -> memref<40x128xf32, #tpu.memory_space<vmem>>
          %dma_start3A_376 = arith.constant 0 : i32
          %dma_start3A_377 = tpu.memref_slice %arg2[%mul3A_370, %dma_start3A_376] : memref<320000x128xf32, #tpu.memory_space<hbm>> -> memref<40x128xf32, #tpu.memory_space<hbm>>
          %dma_start3A_378 = arith.constant 0 : i32
          %dma_start3A_379 = arith.constant 0 : i32
          %dma_start3A_380 = tpu.memref_slice %arg5[%dma_start3A_371, %dma_start3A_378, %dma_start3A_379] : memref<8x40x128xf32, #tpu.memory_space<vmem>> -> memref<1x40x128xf32, #tpu.memory_space<vmem>>
          %dma_start3A_381 = tpu.memref_squeeze %dma_start3A_380 : memref<1x40x128xf32, #tpu.memory_space<vmem>> -> memref<40x128xf32, #tpu.memory_space<vmem>>
          %dma_start3A_382 = arith.constant 0 : i32
          %dma_start3A_383 = tpu.memref_slice %arg2[%mul3A_370, %dma_start3A_382] : memref<320000x128xf32, #tpu.memory_space<hbm>> -> memref<40x128xf32, #tpu.memory_space<hbm>>
          tpu.enqueue_dma source(%dma_start3A_383 : memref<40x128xf32, #tpu.memory_space<hbm>>) target(%dma_start3A_381 : memref<40x128xf32, #tpu.memory_space<vmem>>) target_semaphore(%arg17 : memref<!tpu.dma_semaphore, #tpu.memory_space<semaphore_mem>>)
          %dma_start3A_384 = arith.constant 5 : i32
          %dma_start3A_385 = arith.constant 0 : i32
          %dma_start3A_386 = tpu.memref_slice %arg6[%dma_start3A_384, %dma_start3A_385] : memref<8x40xi32, #tpu.memory_space<vmem>> -> memref<1x40xi32, #tpu.memory_space<vmem>>
          %dma_start3A_387 = tpu.memref_squeeze %dma_start3A_386 : memref<1x40xi32, #tpu.memory_space<vmem>> -> memref<40xi32, #tpu.memory_space<vmem>>
          %dma_start3A_388 = tpu.memref_slice %arg3[%mul3A_370] : memref<320000xi32, #tpu.memory_space<hbm>> -> memref<40xi32, #tpu.memory_space<hbm>>
          %dma_start3A_389 = arith.constant 0 : i32
          %dma_start3A_390 = tpu.memref_slice %arg6[%dma_start3A_384, %dma_start3A_389] : memref<8x40xi32, #tpu.memory_space<vmem>> -> memref<1x40xi32, #tpu.memory_space<vmem>>
          %dma_start3A_391 = tpu.memref_squeeze %dma_start3A_390 : memref<1x40xi32, #tpu.memory_space<vmem>> -> memref<40xi32, #tpu.memory_space<vmem>>
          %dma_start3A_392 = tpu.memref_slice %arg3[%mul3A_370] : memref<320000xi32, #tpu.memory_space<hbm>> -> memref<40xi32, #tpu.memory_space<hbm>>
          tpu.enqueue_dma source(%dma_start3A_392 : memref<40xi32, #tpu.memory_space<hbm>>) target(%dma_start3A_391 : memref<40xi32, #tpu.memory_space<vmem>>) target_semaphore(%arg25 : memref<!tpu.dma_semaphore, #tpu.memory_space<semaphore_mem>>)
        } else {
        }
      } else {
      }
      %while3A_321 = arith.constant 0 : i32
      scf.yield %while3A_321 : i32
    }
    %gt3A_197 = arith.constant 0 : i32
    %gt3A_198 = arith.cmpi sgt, %sub3A_128, %gt3A_197 : i32
    %convert_element_type3A_199 = arith.extui %gt3A_198 : i1 to i32
    %cond3A_200 = arith.constant 0 : i32
    %cond3A_201 = arith.cmpi ne, %convert_element_type3A_199, %cond3A_200 : i32
    scf.if %cond3A_201 {
      %dma_wait3A = arith.constant 0 : i32
      %dma_wait3A_256 = arith.constant 0 : i32
      %dma_wait3A_257 = arith.constant 0 : i32
      %dma_wait3A_258 = arith.constant 0 : i32
      %dma_wait3A_259 = tpu.memref_slice %arg5[%dma_wait3A, %dma_wait3A_257, %dma_wait3A_258] : memref<8x40x128xf32, #tpu.memory_space<vmem>> -> memref<1x40x128xf32, #tpu.memory_space<vmem>>
      %dma_wait3A_260 = tpu.memref_squeeze %dma_wait3A_259 : memref<1x40x128xf32, #tpu.memory_space<vmem>> -> memref<40x128xf32, #tpu.memory_space<vmem>>
      %dma_wait3A_261 = arith.constant 0 : i32
      %dma_wait3A_262 = tpu.memref_slice %arg6[%dma_wait3A_256, %dma_wait3A_261] : memref<8x40xi32, #tpu.memory_space<vmem>> -> memref<1x40xi32, #tpu.memory_space<vmem>>
      %dma_wait3A_263 = tpu.memref_squeeze %dma_wait3A_262 : memref<1x40xi32, #tpu.memory_space<vmem>> -> memref<40xi32, #tpu.memory_space<vmem>>
      %dma_wait3A_264 = arith.constant 0 : i32
      %dma_wait3A_265 = arith.constant 0 : i32
      %dma_wait3A_266 = tpu.memref_slice %arg11[%dma_wait3A_264, %dma_wait3A_265] : memref<10008x128xf32, #tpu.memory_space<vmem_shared>> -> memref<10008x128xf32, #tpu.memory_space<vmem_shared>>
      tpu.wait_indirect_dma semaphore(%arg28 : memref<!tpu.dma_semaphore, #tpu.memory_space<semaphore_mem>>) src(%dma_wait3A_260 : memref<40x128xf32, #tpu.memory_space<vmem>>) dst(%dma_wait3A_266 : memref<10008x128xf32, #tpu.memory_space<vmem_shared>>)
    } else {
    }
    %gt3A_202 = arith.constant 1 : i32
    %gt3A_203 = arith.cmpi sgt, %sub3A_128, %gt3A_202 : i32
    %convert_element_type3A_204 = arith.extui %gt3A_203 : i1 to i32
    %cond3A_205 = arith.constant 0 : i32
    %cond3A_206 = arith.cmpi ne, %convert_element_type3A_204, %cond3A_205 : i32
    scf.if %cond3A_206 {
      %dma_wait3A = arith.constant 1 : i32
      %dma_wait3A_256 = arith.constant 1 : i32
      %dma_wait3A_257 = arith.constant 0 : i32
      %dma_wait3A_258 = arith.constant 0 : i32
      %dma_wait3A_259 = tpu.memref_slice %arg5[%dma_wait3A, %dma_wait3A_257, %dma_wait3A_258] : memref<8x40x128xf32, #tpu.memory_space<vmem>> -> memref<1x40x128xf32, #tpu.memory_space<vmem>>
      %dma_wait3A_260 = tpu.memref_squeeze %dma_wait3A_259 : memref<1x40x128xf32, #tpu.memory_space<vmem>> -> memref<40x128xf32, #tpu.memory_space<vmem>>
      %dma_wait3A_261 = arith.constant 0 : i32
      %dma_wait3A_262 = tpu.memref_slice %arg6[%dma_wait3A_256, %dma_wait3A_261] : memref<8x40xi32, #tpu.memory_space<vmem>> -> memref<1x40xi32, #tpu.memory_space<vmem>>
      %dma_wait3A_263 = tpu.memref_squeeze %dma_wait3A_262 : memref<1x40xi32, #tpu.memory_space<vmem>> -> memref<40xi32, #tpu.memory_space<vmem>>
      %dma_wait3A_264 = arith.constant 0 : i32
      %dma_wait3A_265 = arith.constant 0 : i32
      %dma_wait3A_266 = tpu.memref_slice %arg11[%dma_wait3A_264, %dma_wait3A_265] : memref<10008x128xf32, #tpu.memory_space<vmem_shared>> -> memref<10008x128xf32, #tpu.memory_space<vmem_shared>>
      tpu.wait_indirect_dma semaphore(%arg29 : memref<!tpu.dma_semaphore, #tpu.memory_space<semaphore_mem>>) src(%dma_wait3A_260 : memref<40x128xf32, #tpu.memory_space<vmem>>) dst(%dma_wait3A_266 : memref<10008x128xf32, #tpu.memory_space<vmem_shared>>)
    } else {
    }
    %gt3A_207 = arith.constant 2 : i32
    %gt3A_208 = arith.cmpi sgt, %sub3A_128, %gt3A_207 : i32
    %convert_element_type3A_209 = arith.extui %gt3A_208 : i1 to i32
    %cond3A_210 = arith.constant 0 : i32
    %cond3A_211 = arith.cmpi ne, %convert_element_type3A_209, %cond3A_210 : i32
    scf.if %cond3A_211 {
      %dma_wait3A = arith.constant 2 : i32
      %dma_wait3A_256 = arith.constant 2 : i32
      %dma_wait3A_257 = arith.constant 0 : i32
      %dma_wait3A_258 = arith.constant 0 : i32
      %dma_wait3A_259 = tpu.memref_slice %arg5[%dma_wait3A, %dma_wait3A_257, %dma_wait3A_258] : memref<8x40x128xf32, #tpu.memory_space<vmem>> -> memref<1x40x128xf32, #tpu.memory_space<vmem>>
      %dma_wait3A_260 = tpu.memref_squeeze %dma_wait3A_259 : memref<1x40x128xf32, #tpu.memory_space<vmem>> -> memref<40x128xf32, #tpu.memory_space<vmem>>
      %dma_wait3A_261 = arith.constant 0 : i32
      %dma_wait3A_262 = tpu.memref_slice %arg6[%dma_wait3A_256, %dma_wait3A_261] : memref<8x40xi32, #tpu.memory_space<vmem>> -> memref<1x40xi32, #tpu.memory_space<vmem>>
      %dma_wait3A_263 = tpu.memref_squeeze %dma_wait3A_262 : memref<1x40xi32, #tpu.memory_space<vmem>> -> memref<40xi32, #tpu.memory_space<vmem>>
      %dma_wait3A_264 = arith.constant 0 : i32
      %dma_wait3A_265 = arith.constant 0 : i32
      %dma_wait3A_266 = tpu.memref_slice %arg11[%dma_wait3A_264, %dma_wait3A_265] : memref<10008x128xf32, #tpu.memory_space<vmem_shared>> -> memref<10008x128xf32, #tpu.memory_space<vmem_shared>>
      tpu.wait_indirect_dma semaphore(%arg30 : memref<!tpu.dma_semaphore, #tpu.memory_space<semaphore_mem>>) src(%dma_wait3A_260 : memref<40x128xf32, #tpu.memory_space<vmem>>) dst(%dma_wait3A_266 : memref<10008x128xf32, #tpu.memory_space<vmem_shared>>)
    } else {
    }
    %gt3A_212 = arith.constant 3 : i32
    %gt3A_213 = arith.cmpi sgt, %sub3A_128, %gt3A_212 : i32
    %convert_element_type3A_214 = arith.extui %gt3A_213 : i1 to i32
    %cond3A_215 = arith.constant 0 : i32
    %cond3A_216 = arith.cmpi ne, %convert_element_type3A_214, %cond3A_215 : i32
    scf.if %cond3A_216 {
      %dma_wait3A = arith.constant 3 : i32
      %dma_wait3A_256 = arith.constant 3 : i32
      %dma_wait3A_257 = arith.constant 0 : i32
      %dma_wait3A_258 = arith.constant 0 : i32
      %dma_wait3A_259 = tpu.memref_slice %arg5[%dma_wait3A, %dma_wait3A_257, %dma_wait3A_258] : memref<8x40x128xf32, #tpu.memory_space<vmem>> -> memref<1x40x128xf32, #tpu.memory_space<vmem>>
      %dma_wait3A_260 = tpu.memref_squeeze %dma_wait3A_259 : memref<1x40x128xf32, #tpu.memory_space<vmem>> -> memref<40x128xf32, #tpu.memory_space<vmem>>
      %dma_wait3A_261 = arith.constant 0 : i32
      %dma_wait3A_262 = tpu.memref_slice %arg6[%dma_wait3A_256, %dma_wait3A_261] : memref<8x40xi32, #tpu.memory_space<vmem>> -> memref<1x40xi32, #tpu.memory_space<vmem>>
      %dma_wait3A_263 = tpu.memref_squeeze %dma_wait3A_262 : memref<1x40xi32, #tpu.memory_space<vmem>> -> memref<40xi32, #tpu.memory_space<vmem>>
      %dma_wait3A_264 = arith.constant 0 : i32
      %dma_wait3A_265 = arith.constant 0 : i32
      %dma_wait3A_266 = tpu.memref_slice %arg11[%dma_wait3A_264, %dma_wait3A_265] : memref<10008x128xf32, #tpu.memory_space<vmem_shared>> -> memref<10008x128xf32, #tpu.memory_space<vmem_shared>>
      tpu.wait_indirect_dma semaphore(%arg31 : memref<!tpu.dma_semaphore, #tpu.memory_space<semaphore_mem>>) src(%dma_wait3A_260 : memref<40x128xf32, #tpu.memory_space<vmem>>) dst(%dma_wait3A_266 : memref<10008x128xf32, #tpu.memory_space<vmem_shared>>)
    } else {
    }
    %gt3A_217 = arith.constant 4 : i32
    %gt3A_218 = arith.cmpi sgt, %sub3A_128, %gt3A_217 : i32
    %convert_element_type3A_219 = arith.extui %gt3A_218 : i1 to i32
    %cond3A_220 = arith.constant 0 : i32
    %cond3A_221 = arith.cmpi ne, %convert_element_type3A_219, %cond3A_220 : i32
    scf.if %cond3A_221 {
      %dma_wait3A = arith.constant 4 : i32
      %dma_wait3A_256 = arith.constant 4 : i32
      %dma_wait3A_257 = arith.constant 0 : i32
      %dma_wait3A_258 = arith.constant 0 : i32
      %dma_wait3A_259 = tpu.memref_slice %arg5[%dma_wait3A, %dma_wait3A_257, %dma_wait3A_258] : memref<8x40x128xf32, #tpu.memory_space<vmem>> -> memref<1x40x128xf32, #tpu.memory_space<vmem>>
      %dma_wait3A_260 = tpu.memref_squeeze %dma_wait3A_259 : memref<1x40x128xf32, #tpu.memory_space<vmem>> -> memref<40x128xf32, #tpu.memory_space<vmem>>
      %dma_wait3A_261 = arith.constant 0 : i32
      %dma_wait3A_262 = tpu.memref_slice %arg6[%dma_wait3A_256, %dma_wait3A_261] : memref<8x40xi32, #tpu.memory_space<vmem>> -> memref<1x40xi32, #tpu.memory_space<vmem>>
      %dma_wait3A_263 = tpu.memref_squeeze %dma_wait3A_262 : memref<1x40xi32, #tpu.memory_space<vmem>> -> memref<40xi32, #tpu.memory_space<vmem>>
      %dma_wait3A_264 = arith.constant 0 : i32
      %dma_wait3A_265 = arith.constant 0 : i32
      %dma_wait3A_266 = tpu.memref_slice %arg11[%dma_wait3A_264, %dma_wait3A_265] : memref<10008x128xf32, #tpu.memory_space<vmem_shared>> -> memref<10008x128xf32, #tpu.memory_space<vmem_shared>>
      tpu.wait_indirect_dma semaphore(%arg32 : memref<!tpu.dma_semaphore, #tpu.memory_space<semaphore_mem>>) src(%dma_wait3A_260 : memref<40x128xf32, #tpu.memory_space<vmem>>) dst(%dma_wait3A_266 : memref<10008x128xf32, #tpu.memory_space<vmem_shared>>)
    } else {
    }
    %gt3A_222 = arith.constant 5 : i32
    %gt3A_223 = arith.cmpi sgt, %sub3A_128, %gt3A_222 : i32
    %convert_element_type3A_224 = arith.extui %gt3A_223 : i1 to i32
    %cond3A_225 = arith.constant 0 : i32
    %cond3A_226 = arith.cmpi ne, %convert_element_type3A_224, %cond3A_225 : i32
    scf.if %cond3A_226 {
      %dma_wait3A = arith.constant 5 : i32
      %dma_wait3A_256 = arith.constant 5 : i32
      %dma_wait3A_257 = arith.constant 0 : i32
      %dma_wait3A_258 = arith.constant 0 : i32
      %dma_wait3A_259 = tpu.memref_slice %arg5[%dma_wait3A, %dma_wait3A_257, %dma_wait3A_258] : memref<8x40x128xf32, #tpu.memory_space<vmem>> -> memref<1x40x128xf32, #tpu.memory_space<vmem>>
      %dma_wait3A_260 = tpu.memref_squeeze %dma_wait3A_259 : memref<1x40x128xf32, #tpu.memory_space<vmem>> -> memref<40x128xf32, #tpu.memory_space<vmem>>
      %dma_wait3A_261 = arith.constant 0 : i32
      %dma_wait3A_262 = tpu.memref_slice %arg6[%dma_wait3A_256, %dma_wait3A_261] : memref<8x40xi32, #tpu.memory_space<vmem>> -> memref<1x40xi32, #tpu.memory_space<vmem>>
      %dma_wait3A_263 = tpu.memref_squeeze %dma_wait3A_262 : memref<1x40xi32, #tpu.memory_space<vmem>> -> memref<40xi32, #tpu.memory_space<vmem>>
      %dma_wait3A_264 = arith.constant 0 : i32
      %dma_wait3A_265 = arith.constant 0 : i32
      %dma_wait3A_266 = tpu.memref_slice %arg11[%dma_wait3A_264, %dma_wait3A_265] : memref<10008x128xf32, #tpu.memory_space<vmem_shared>> -> memref<10008x128xf32, #tpu.memory_space<vmem_shared>>
      tpu.wait_indirect_dma semaphore(%arg33 : memref<!tpu.dma_semaphore, #tpu.memory_space<semaphore_mem>>) src(%dma_wait3A_260 : memref<40x128xf32, #tpu.memory_space<vmem>>) dst(%dma_wait3A_266 : memref<10008x128xf32, #tpu.memory_space<vmem_shared>>)
    } else {
    }
    %gt3A_227 = arith.constant 6 : i32
    %gt3A_228 = arith.cmpi sgt, %sub3A_128, %gt3A_227 : i32
    %convert_element_type3A_229 = arith.extui %gt3A_228 : i1 to i32
    %cond3A_230 = arith.constant 0 : i32
    %cond3A_231 = arith.cmpi ne, %convert_element_type3A_229, %cond3A_230 : i32
    scf.if %cond3A_231 {
      %dma_wait3A = arith.constant 6 : i32
      %dma_wait3A_256 = arith.constant 6 : i32
      %dma_wait3A_257 = arith.constant 0 : i32
      %dma_wait3A_258 = arith.constant 0 : i32
      %dma_wait3A_259 = tpu.memref_slice %arg5[%dma_wait3A, %dma_wait3A_257, %dma_wait3A_258] : memref<8x40x128xf32, #tpu.memory_space<vmem>> -> memref<1x40x128xf32, #tpu.memory_space<vmem>>
      %dma_wait3A_260 = tpu.memref_squeeze %dma_wait3A_259 : memref<1x40x128xf32, #tpu.memory_space<vmem>> -> memref<40x128xf32, #tpu.memory_space<vmem>>
      %dma_wait3A_261 = arith.constant 0 : i32
      %dma_wait3A_262 = tpu.memref_slice %arg6[%dma_wait3A_256, %dma_wait3A_261] : memref<8x40xi32, #tpu.memory_space<vmem>> -> memref<1x40xi32, #tpu.memory_space<vmem>>
      %dma_wait3A_263 = tpu.memref_squeeze %dma_wait3A_262 : memref<1x40xi32, #tpu.memory_space<vmem>> -> memref<40xi32, #tpu.memory_space<vmem>>
      %dma_wait3A_264 = arith.constant 0 : i32
      %dma_wait3A_265 = arith.constant 0 : i32
      %dma_wait3A_266 = tpu.memref_slice %arg11[%dma_wait3A_264, %dma_wait3A_265] : memref<10008x128xf32, #tpu.memory_space<vmem_shared>> -> memref<10008x128xf32, #tpu.memory_space<vmem_shared>>
      tpu.wait_indirect_dma semaphore(%arg34 : memref<!tpu.dma_semaphore, #tpu.memory_space<semaphore_mem>>) src(%dma_wait3A_260 : memref<40x128xf32, #tpu.memory_space<vmem>>) dst(%dma_wait3A_266 : memref<10008x128xf32, #tpu.memory_space<vmem_shared>>)
    } else {
    }
    %gt3A_232 = arith.constant 7 : i32
    %gt3A_233 = arith.cmpi sgt, %sub3A_128, %gt3A_232 : i32
    %convert_element_type3A_234 = arith.extui %gt3A_233 : i1 to i32
    %cond3A_235 = arith.constant 0 : i32
    %cond3A_236 = arith.cmpi ne, %convert_element_type3A_234, %cond3A_235 : i32
    scf.if %cond3A_236 {
      %dma_wait3A = arith.constant 7 : i32
      %dma_wait3A_256 = arith.constant 7 : i32
      %dma_wait3A_257 = arith.constant 0 : i32
      %dma_wait3A_258 = arith.constant 0 : i32
      %dma_wait3A_259 = tpu.memref_slice %arg5[%dma_wait3A, %dma_wait3A_257, %dma_wait3A_258] : memref<8x40x128xf32, #tpu.memory_space<vmem>> -> memref<1x40x128xf32, #tpu.memory_space<vmem>>
      %dma_wait3A_260 = tpu.memref_squeeze %dma_wait3A_259 : memref<1x40x128xf32, #tpu.memory_space<vmem>> -> memref<40x128xf32, #tpu.memory_space<vmem>>
      %dma_wait3A_261 = arith.constant 0 : i32
      %dma_wait3A_262 = tpu.memref_slice %arg6[%dma_wait3A_256, %dma_wait3A_261] : memref<8x40xi32, #tpu.memory_space<vmem>> -> memref<1x40xi32, #tpu.memory_space<vmem>>
      %dma_wait3A_263 = tpu.memref_squeeze %dma_wait3A_262 : memref<1x40xi32, #tpu.memory_space<vmem>> -> memref<40xi32, #tpu.memory_space<vmem>>
      %dma_wait3A_264 = arith.constant 0 : i32
      %dma_wait3A_265 = arith.constant 0 : i32
      %dma_wait3A_266 = tpu.memref_slice %arg11[%dma_wait3A_264, %dma_wait3A_265] : memref<10008x128xf32, #tpu.memory_space<vmem_shared>> -> memref<10008x128xf32, #tpu.memory_space<vmem_shared>>
      tpu.wait_indirect_dma semaphore(%arg35 : memref<!tpu.dma_semaphore, #tpu.memory_space<semaphore_mem>>) src(%dma_wait3A_260 : memref<40x128xf32, #tpu.memory_space<vmem>>) dst(%dma_wait3A_266 : memref<10008x128xf32, #tpu.memory_space<vmem_shared>>)
    } else {
    }
    %barrier3A_237 = arith.constant 0 : index
    tpu.barrier barrier_id(%barrier3A_237)
    %mul3A_238 = arith.constant 5008 : i32
    %mul3A_239 = arith.muli %arg0, %mul3A_238 : i32
    %mul3A_240 = arith.constant 312 : i32
    %mul3A_241 = arith.muli %arg1, %mul3A_240 : i32
    %add3A_242 = arith.addi %mul3A_239, %mul3A_241 : i32
    %mul3A_243 = arith.constant 5008 : i32
    %mul3A_244 = arith.muli %arg0, %mul3A_243 : i32
    %mul3A_245 = arith.constant 312 : i32
    %mul3A_246 = arith.muli %arg1, %mul3A_245 : i32
    %add3A_247 = arith.addi %mul3A_244, %mul3A_246 : i32
    "tpu.region"() ({
      %run_scoped3A = tpu.sem_alloc : memref<!tpu.dma_semaphore, #tpu.memory_space<semaphore_mem>>
      %dma_start3A = arith.constant 0 : i32
      %dma_start3A_256 = tpu.memref_slice %arg4[%add3A_247, %dma_start3A] : memref<10000x128xf32, #tpu.memory_space<hbm>> -> memref<312x128xf32, #tpu.memory_space<hbm>>
      %dma_start3A_257 = arith.constant 0 : i32
      %dma_start3A_258 = tpu.memref_slice %arg11[%add3A_242, %dma_start3A_257] : memref<10008x128xf32, #tpu.memory_space<vmem_shared>> -> memref<312x128xf32, #tpu.memory_space<vmem_shared>>
      tpu.enqueue_dma source(%dma_start3A_258 : memref<312x128xf32, #tpu.memory_space<vmem_shared>>) target(%dma_start3A_256 : memref<312x128xf32, #tpu.memory_space<hbm>>) target_semaphore(%run_scoped3A : memref<!tpu.dma_semaphore, #tpu.memory_space<semaphore_mem>>)
      %dma_wait3A = arith.constant 0 : i32
      %dma_wait3A_259 = tpu.memref_slice %arg4[%add3A_247, %dma_wait3A] : memref<10000x128xf32, #tpu.memory_space<hbm>> -> memref<312x128xf32, #tpu.memory_space<hbm>>
      %dma_wait3A_260 = arith.constant 0 : i32
      %dma_wait3A_261 = tpu.memref_slice %arg11[%add3A_242, %dma_wait3A_260] : memref<10008x128xf32, #tpu.memory_space<vmem_shared>> -> memref<312x128xf32, #tpu.memory_space<vmem_shared>>
      tpu.wait_dma2 semaphore(%run_scoped3A : memref<!tpu.dma_semaphore, #tpu.memory_space<semaphore_mem>>) src(%dma_wait3A_261 : memref<312x128xf32, #tpu.memory_space<vmem_shared>>) dst(%dma_wait3A_259 : memref<312x128xf32, #tpu.memory_space<hbm>>)
      tpu.yield
    }) : () -> ()
    %eq3A_248 = arith.constant 15 : i32
    %eq3A_249 = arith.cmpi eq, %arg1, %eq3A_248 : i32
    %eq3A_250 = arith.constant 0 : i32
    %eq3A_251 = arith.cmpi eq, %arg0, %eq3A_250 : i32
    %and3A_252 = arith.andi %eq3A_249, %eq3A_251 : i1
    %convert_element_type3A_253 = arith.extui %and3A_252 : i1 to i32
    %cond3A_254 = arith.constant 0 : i32
    %cond3A_255 = arith.cmpi ne, %convert_element_type3A_253, %cond3A_254 : i32
    scf.if %cond3A_255 {
      "tpu.region"() ({
        %run_scoped3A = tpu.sem_alloc : memref<!tpu.dma_semaphore, #tpu.memory_space<semaphore_mem>>
        %dma_start3A = arith.constant 4992 : i32
        %dma_start3A_256 = arith.constant 0 : i32
        %dma_start3A_257 = tpu.memref_slice %arg4[%dma_start3A, %dma_start3A_256] : memref<10000x128xf32, #tpu.memory_space<hbm>> -> memref<16x128xf32, #tpu.memory_space<hbm>>
        %dma_start3A_258 = arith.constant 4992 : i32
        %dma_start3A_259 = arith.constant 0 : i32
        %dma_start3A_260 = tpu.memref_slice %arg11[%dma_start3A_258, %dma_start3A_259] : memref<10008x128xf32, #tpu.memory_space<vmem_shared>> -> memref<16x128xf32, #tpu.memory_space<vmem_shared>>
        tpu.enqueue_dma source(%dma_start3A_260 : memref<16x128xf32, #tpu.memory_space<vmem_shared>>) target(%dma_start3A_257 : memref<16x128xf32, #tpu.memory_space<hbm>>) target_semaphore(%run_scoped3A : memref<!tpu.dma_semaphore, #tpu.memory_space<semaphore_mem>>)
        %dma_wait3A = arith.constant 4992 : i32
        %dma_wait3A_261 = arith.constant 0 : i32
        %dma_wait3A_262 = tpu.memref_slice %arg4[%dma_wait3A, %dma_wait3A_261] : memref<10000x128xf32, #tpu.memory_space<hbm>> -> memref<16x128xf32, #tpu.memory_space<hbm>>
        %dma_wait3A_263 = arith.constant 4992 : i32
        %dma_wait3A_264 = arith.constant 0 : i32
        %dma_wait3A_265 = tpu.memref_slice %arg11[%dma_wait3A_263, %dma_wait3A_264] : memref<10008x128xf32, #tpu.memory_space<vmem_shared>> -> memref<16x128xf32, #tpu.memory_space<vmem_shared>>
        tpu.wait_dma2 semaphore(%run_scoped3A : memref<!tpu.dma_semaphore, #tpu.memory_space<semaphore_mem>>) src(%dma_wait3A_265 : memref<16x128xf32, #tpu.memory_space<vmem_shared>>) dst(%dma_wait3A_262 : memref<16x128xf32, #tpu.memory_space<hbm>>)
        tpu.yield
      }) : () -> ()
    } else {
    }
    return
  }
}

</mosaic_0001>

<sc_bundles>
// kernel: kernel.3.cloned.1.call-start
scs
__scs_entry_jumppad:
0x0: {  	(pc) =	sbr.rel $0x88, $3  }
0x1: {  	(tag) =	ssettag $0x0;
	lr =	simm.s32 $0x1  }
0x2: {  	[smem:$0x3F9F] =	sst lr;
	_ =	strace $0xD0000000  }
0x3: {  	_ = 	snop  }
0x4: {  	_ = 	snop  }
0x5: {  	_ = 	snop  }
0x6: {  	_ = 	snop  }
0x7: {  	_ = 	snop  }
__scs_overlays_trampoline_lowered:
0x8: {  	[smem:$0x3FAE] =	sst s0  }
0x9: {  	[smem:$0x3FAF] =	sst s1  }
0xa: {  	[smem:$0x3FB0] =	sst s2  }
0xb: {  	[smem:$0x3FB1] =	sst s3  }
0xc: {  	[smem:$0x3FB2] =	sst s4  }
0xd: {  	[smem:$0x3FB3] =	sst s5  }
0xe: {  	[smem:$0x3FB4] =	sst s6  }
0xf: {  	[smem:$0x3FB5] =	sst s7  }
0x10: {  	[smem:$0x3FB6] =	sst s8  }
0x11: {  	[smem:$0x3FB7] =	sst s9;
	s0 =	simm.s32 @!p0 $0x0  }
0x12: {  	s1 =	sld [smem:$0x3F9D];
	s0 =	simm.s32 @p0 $0x1  }
0x13: {  	[smem:$0x3FB8] =	sst s0;
	s0 =	simm.s32 @!p1 $0x0  }
0x14: {  	s2 =	sld [smem:$0x3F9C];
	s0 =	simm.s32 @p1 $0x1  }
0x15: {  	[smem:$0x3FB9] =	sst s0;
	s0 =	simm.s32 @!p2 $0x0  }
0x16: {  	s3 =	sld [smem:$0x3FDB];
	s0 =	simm.s32 @p2 $0x1  }
0x17: {  	s4 =	simm.s32 $0x1BF5;
	[smem:$0x3FBB] =	sst s0  }
0x18: {  	s0 =	sld [smem:$0x3F9E];
	_ =	swait.ge [sflag:s4], $0x0  }
0x19: {  	s7 =	sld [smem:$0x3F9F]  }
0x1a: {  	s8 =	sadd.s32 $0xFFFFE003, lr  }
0x1b: {  	s9 =	sadd.s32 $0xFFFFFEF7, lr;
	s5 =	simm.s32 $0xFFFFFFFF;
	p2 =	slt.u32 s8, $0xFFFFF086  }
0x1c: {  	p1 =	slt.u32 s9, $0xF7A;
	s5 =	simm.s32 @!p2 $0x0  }
0x1d: {  	s5 =	simm.s32 @p1 $0x1;
	p0 =	seq.s32 s7, s2  }
0x1e: {  	s7 =	smul.u32 @!p0 $0xF7A, s2;
	p2 =	seq.s32 @!p0 s5, $0x0  }
0x1f: {  	s9 =	smul.u32 $0xF7A, s1;
	s8 =	simm.s32 @!p0 $0x1BF5;
	p2 =	por !p2, p0  }
0x20: {  	[sflag:s8] =	ssyncset.s32 @!p0 $0xFFFFF086;
	s6 =	sadd.s32 @!p0 s3, s7;
	s7 =	simm.s32 @!p0 $0x108  }
0x21: {  	s3 =	sadd.s32 s3, s9;
	s6 =	sadd.s32 @!p0 $0x88, s6;
	s7 =	simm.s32 @p2 $0x1082  }
0x22: {  	[simem:s7], [sflag:s8] =	dma.local @!p0 [hbm:s6], $0xF7A  }
0x23: {  	s9 =	sor.u32 $0xD0000000, s2;
	s6 =	simm.s32 $0x108;
	_ =	swait.ge @!p0 [sflag:s8], $0x0  }
0x24: {  	s3 =	sadd.s32 $0x88, s3;
	s6 =	simm.s32 @!p1 $0x1082;
	[sflag:s4] =	ssyncset.s32 $0xFFFFF086  }
0x25: {  	[simem:s6], [sflag:s4] =	dma.local [hbm:s3], $0xF7A  }
0x26: {  	[smem:$0x3F9F] =	sst s1;
	(tag) =	ssettag s2;
	_ =	strace s9  }
0x27: {  	s1 =	sld [smem:$0x3FAF]  }
0x28: {  	s2 =	sld [smem:$0x3FB0]  }
0x29: {  	s4 =	sld [smem:$0x3FB2]  }
0x2a: {  	p0 =	seq.s32 s5, $0x0;
	s5 =	sld [smem:$0x3FB3]  }
0x2b: {  	s6 =	sld [smem:$0x3FB4]  }
0x2c: {  	s7 =	sld [smem:$0x3FB5]  }
0x2d: {  	s3 =	simm.s32 $0x108;
	s8 =	sld [smem:$0x3FB6]  }
0x2e: {  	s3 =	simm.s32 @!p0 $0x1082;
	s9 =	sld [smem:$0x3FB7]  }
0x2f: {  	lr =	sadd.s32 s0, s3;
	s0 =	sld [smem:$0x3FAE]  }
0x30: {  	s3 =	sld [smem:$0x3FB1]  }
0x31: {  	[smem:$0x3FBA] =	sst s10  }
0x32: {  	s10 =	sld [smem:$0x3FB8];
	_ =	sdelay $0x3  }
0x33: {  	p0 =	seq.s32 s10, $0x1;
	s10 =	sld [smem:$0x3FBA];
	_ =	sdelay $0x3  }
0x34: {  	[smem:$0x3FBA] =	sst s10  }
0x35: {  	s10 =	sld [smem:$0x3FB9];
	_ =	sdelay $0x3  }
0x36: {  	p1 =	seq.s32 s10, $0x1;
	s10 =	sld [smem:$0x3FBA];
	_ =	sdelay $0x3  }
0x37: {  	[smem:$0x3FBA] =	sst s10  }
0x38: {  	s10 =	sld [smem:$0x3FBB]  }
0x39: {  	_ = 	snop;
	(pc) =	sbr.ind lr, $3  }
0x3a: {  	_ = 	snop  }
0x3b: {  	_ = 	snop  }
0x3c: {  	p2 =	seq.s32 s10, $0x1;
	s10 =	sld [smem:$0x3FBA]  }
0x3d: {  	_ =	shalt  }
0x3e: {  	_ =	shalt  }
0x3f: {  	_ =	shalt  }
0x40: {  	_ =	shalt  }
0x41: {  	_ =	shalt  }
0x42: {  	_ =	shalt  }
0x43: {  	_ =	shalt  }
0x44: {  	_ =	shalt  }
0x45: {  	_ =	shalt  }
0x46: {  	_ =	shalt  }
0x47: {  	_ =	shalt  }
0x48: {  	_ =	shalt  }
0x49: {  	_ =	shalt  }
0x4a: {  	_ =	shalt  }
0x4b: {  	_ =	shalt  }
0x4c: {  	_ =	shalt  }
0x4d: {  	_ =	shalt  }
0x4e: {  	_ =	shalt  }
0x4f: {  	_ =	shalt  }
0x50: {  	_ =	shalt  }
0x51: {  	_ =	shalt  }
0x52: {  	_ =	shalt  }
0x53: {  	_ =	shalt  }
0x54: {  	_ =	shalt  }
0x55: {  	_ =	shalt  }
0x56: {  	_ =	shalt  }
0x57: {  	_ =	shalt  }
0x58: {  	_ =	shalt  }
0x59: {  	_ =	shalt  }
0x5a: {  	_ =	shalt  }
0x5b: {  	_ =	shalt  }
0x5c: {  	_ =	shalt  }
0x5d: {  	_ =	shalt  }
0x5e: {  	_ =	shalt  }
0x5f: {  	_ =	shalt  }
0x60: {  	_ =	shalt  }
0x61: {  	_ =	shalt  }
0x62: {  	_ =	shalt  }
0x63: {  	_ =	shalt  }
0x64: {  	_ =	shalt  }
0x65: {  	_ =	shalt  }
0x66: {  	_ =	shalt  }
0x67: {  	_ =	shalt  }
0x68: {  	_ =	shalt  }
0x69: {  	_ =	shalt  }
0x6a: {  	_ =	shalt  }
0x6b: {  	_ =	shalt  }
0x6c: {  	_ =	shalt  }
0x6d: {  	_ =	shalt  }
0x6e: {  	_ =	shalt  }
0x6f: {  	_ =	shalt  }
0x70: {  	_ =	shalt  }
0x71: {  	_ =	shalt  }
0x72: {  	_ =	shalt  }
0x73: {  	_ =	shalt  }
0x74: {  	_ =	shalt  }
0x75: {  	_ =	shalt  }
0x76: {  	_ =	shalt  }
0x77: {  	_ =	shalt  }
0x78: {  	_ =	shalt  }
0x79: {  	_ =	shalt  }
0x7a: {  	_ =	shalt  }
0x7b: {  	_ =	shalt  }
0x7c: {  	_ =	shalt  }
0x7d: {  	_ =	shalt  }
0x7e: {  	_ =	shalt  }
0x7f: {  	_ =	shalt  }
0x80: {  	_ =	shalt  }
0x81: {  	_ =	shalt  }
0x82: {  	_ =	shalt  }
0x83: {  	_ =	shalt  }
0x84: {  	_ =	shalt  }
0x85: {  	_ =	shalt  }
0x86: {  	_ =	shalt  }
0x87: {  	_ =	shalt  }
.Lfunc_end0:
.L_simem_size_0:
called_computation_lowered:
.L_overlay_start_0:
0x88: {  	s2 =	sld [smem:$0x3FD9]  }
0x89: {  	s3 =	sld [smem:$0x3FFE];
	_ =	sdelay $0x1  }
0x8a: {  	s1 =	srdreg.scid  }
0x8b: {  	s0 =	sand.u32 $0x1, s1  }
0x8c: {  	s18 =	sshll.u32 s0, $0xA;
	s2 =	sadd.s32 s3, s2  }
0x8d: {  	s2 =	sadd.s32 s2, s18  }
0x8e: {  	[smem:$0x3FC6] =	sst s2  }
0x8f: {  	_ = 	snop  }
0x90: {  	s2 =	sld [smem:$0x3FC9]  }
0x91: {  	s19 =	sld [smem:$0x3FC8]  }
0x92: {  	s4 =	sld [smem:$0x3FD0];
	(tm) =	ssettm $0x1  }
0x93: {  	s5 =	sld [smem:$0x3FFB];
	_ =	sdelay $0x3  }
0x94: {  	_ =	strace s5  }
0x95: {  	s5 =	sld [smem:$0x3FFC];
	_ =	sdelay $0x3  }
0x96: {  	_ =	strace s5  }
0x97: {  	s5 =	sld [smem:$0x3FFD];
	_ =	sdelay $0x3  }
0x98: {  	_ =	strace s5  }
0x99: {  	_ =	strace $0x8FFFFFFF  }
0x9a: {  	s20 =	sld [smem:$0x3FDB];
	_ =	sdelay $0x1  }
0x9b: {  	s6 =	simm.s32 $_scs_section_size  }
0x9c: {  	s7 =	simm.s32 $_size__tile_overlayer_lowered;
	s8 =	simm.s32 $_tile_overlayer_lowered  }
0x9d: {  	s23 =	simm.s32 $0x1BFF;
	s22 =	sshll.u32 s8, $0x1;
	s5 =	sadd.s32 s6, s20  }
0x9e: {  	s9 =	simm.s32 $0x0;
	s21 =	sshll.u32 s7, $0x1;
	s7 =	sadd.s32 s22, s5  }
0x9f: {  	[timem:s9], [sflag:s23] =	dma.local [hbm:s7], s21  }
0xa0: {  	_ =	swait.ge [sflag:s23], s21  }
0xa1: {  	s6 =	ssub.s32 $0x0, s21;
	[sflag:s23] =	ssyncset.done $0x0  }
0xa2: {  	[sflag:s23] =	ssyncadd.s32 s6;
	_ =	sdelay $0x1  }
0xa3: {  	s24 =	simm.s32 $0x1B8B  }
0xa4: {  	_ =	swait.ge [sflag:s24], $0x1  }
0xa5: {  	[sflag:s24] =	ssyncset.done $0x0  }
0xa6: {  	s25 =	simm.s32 $0x1B8E;
	[sflag:s24] =	ssyncadd.s32 $0xFFFFFFFF  }
0xa7: {  	s26 =	simm.s32 $execute0_lowered;
	[smem:$0x3FD2] =	sst s25  }
0xa8: {  	s6 =	sshll.u32 s26, $0x1;
	_ =	strace $0x80000046;
	[dreg:$0x1] =	wrdreg $0xFFFFFFFF  }
0xa9: {  	s28 =	simm.s32 $_size_execute0_lowered;
	s5 =	sadd.s32 s5, s6;
	[dreg:$0x0] =	wrdreg $0x0  }
0xaa: {  	s6 =	sshll.u32 s28, $0x1;
	[dreg:$0x2] =	wrdreg s5  }
0xab: {  	[dreg:$0x3] =	wrdreg s6  }
0xac: {  	[dreg:$0x4] =	wrdreg $0xC0  }
0xad: {  	_ =	task [dreg:s9], $0x5FFFF  }
0xae: {  	[dreg:$0x1] =	wrdreg $0xFFFFFFFF  }
0xaf: {  	[dreg:$0x0] =	wrdreg $0x60  }
0xb0: {  	[dreg:$0x2] =	wrdreg s2  }
0xb1: {  	[dreg:$0x3] =	wrdreg s19  }
0xb2: {  	[dreg:$0x4] =	wrdreg s4  }
0xb3: {  	[dreg:$0x5] =	wrdreg $0xBC800  }
0xb4: {  	[dreg:$0x6] =	wrdreg $0xBD000  }
0xb5: {  	[dreg:$0x7] =	wrdreg $0x9  }
0xb6: {  	_ =	task.clear_ibuf [dreg:s9], $0x8FFFF;
	_ =	strace $0x90000046  }
0xb7: {  	s29 =	simm.s32 $0x9;
	_ =	strace $0x80000048  }
0xb8: {  	_ =	swait.ge [sflag:s29], $0x1  }
0xb9: {  	[sflag:s29] =	ssyncadd.s32 $0xFFFFFFFF  }
0xba: {  	_ =	strace $0x90000048  }
0xbb: {  	_ =	sfence  }
0xbc: {  	s30 =	sld [smem:$0x0];
	_ =	sdelay $0x2  }
0xbd: {  	s31 =	sshll.u32 s1, $0xD;
	s1 =	sshrl.u32 s1, $0x2  }
0xbe: {  	s3 =	sand.u32 $0x4000, s31;
	s1 =	sadd.s32 s1, s30  }
0xbf: {  	s0 =	sor.u32 s3, s0;
	s1 =	sshll.u32 s1, $0x11  }
0xc0: {  	s0 =	sor.u32 s1, s0  }
0xc1: {  	s0 =	sadd.s32 $0x8F2B, s0  }
0xc2: {  	[sflag:s0] =	ssyncadd.remote.s32 $0x1  }
0xc3: {  	_ =	sfence.sel $0xFFFF  }
0xc4: {  	[dreg:$0x0] =	wrdreg $0xFFFFFFFF;
	(pc) =	sbr.abs _section_cstart, $3  }
0xc5: {  	[dreg:$0x1] =	wrdreg $0xFFFFFFFF  }
0xc6: {  	_ =	task.clear_ibuf [dreg:s9], $0x2FFFF;
	_ =	strace $0x9FFFFFFF  }
0xc7: {  	(tm) =	ssettm $0x7FFFFFFF  }
tec
execute0_lowered:
.L_overlay_start_1:
0x0: {  	(tag) =	ssettag $0x1  }
0x1: {  	s30 =	rddreg [dreg:$0x1]  }
0x2: {  	s0 =	rddreg [dreg:$0x2]  }
0x3: {  	s1 =	rddreg [dreg:$0x3]  }
0x4: {  	s7 =	rddreg [dreg:$0x4];
	s3 =	simm.s32 $0x0  }
0x5: {  	s8 =	stileid.u32;
	[smem:$0x7FF] =	sst s3;
	s9 =	sadd.s32 $0x138000, s7  }
0x6: {  	s23 =	sadd.s32 $0x1, s8;
	_ =	strace $0x80000047;
	[dreg:$0x1c] =	wrdreg s9  }
0x7: {  	s25 =	simm.s32 $0xBC08;
	[dreg:$0x1e] =	wrdreg s23  }
0x8: {  	s2 =	srdreg.scid;
	s26 =	simm.s32 $0xBC10;
	[dreg:$0x6] =	wrdreg s25  }
0x9: {  	s28 =	simm.s32 $0xBC18;
	s31 =	simm.s32 $0xBC20;
	[dreg:$0x7] =	wrdreg s26  }
0xa: {  	s11 =	simm.s32 $0xBC48;
	s14 =	simm.s32 $0xBC50;
	[dreg:$0x8] =	wrdreg s28  }
0xb: {  	s16 =	simm.s32 $0xBC58;
	s18 =	simm.s32 $0xBC60;
	[dreg:$0x9] =	wrdreg s31  }
0xc: {  	s2 =	sand.u32 $0x1, s2;
	s6 =	smul.u32 $0x138, s8;
	[dreg:$0xe] =	wrdreg s11  }
0xd: {  	p0 =	seq.s32 s8, $0xF;
	s21 =	sshll.u32 s8, $0x7;
	[dreg:$0xf] =	wrdreg s14  }
0xe: {  	s20 =	ssub.s32 $0x2, s2;
	s4 =	smul.u32 $0x1390, s2;
	[dreg:$0x10] =	wrdreg s16  }
0xf: {  	s13 =	sadd.s32 s21, s1;
	s9 =	simm.s32 $0xBC40;
	[dreg:$0x11] =	wrdreg s18  }
0x10: {  	p1 =	seq.s32 s2, $0x0;
	s5 =	sshrl.u32 s20, $0x1;
	[dreg:$0xd] =	wrdreg s9  }
0x11: {  	[dreg:$0x1d] =	wrdreg s13;
	s3 =	ssub.s32 s20, s5;
	s5 =	simm.s32 $0xBC30  }
0x12: {  	s22 =	sadd.s32 s6, s4;
	s6 =	simm.s32 $0xBC38;
	[dreg:$0xb] =	wrdreg s5  }
0x13: {  	s4 =	simm.s32 @!p1 $0x0;
	s20 =	simm.s32 $0xBC68;
	[dreg:$0xc] =	wrdreg s6  }
0x14: {  	s29 =	smul.u32 $0x4E000, s8;
	s4 =	simm.s32 @p1 $0x1;
	[dreg:$0x12] =	wrdreg s20  }
0x15: {  	s24 =	sshll.u32 s22, $0x7;
	s3 =	smax.u32 s3, $0x1;
	[smem:$0x7EA] =	sst s4  }
0x16: {  	s1 =	sshll.u32 s22, $0x4;
	s22 =	simm.s32 $0xBC70;
	[smem:$0x7EC] =	sst s3  }
0x17: {  	p0 =	por !p0, !p1;
	s1 =	sadd.s32 s0, s1;
	[dreg:$0x13] =	wrdreg s22  }
0x18: {  	p1 =	sne.s32 s8, $0xF;
	s0 =	sadd.s32 $0x13800, s0;
	[dreg:$0x1f] =	wrdreg s1  }
0x19: {  	s2 =	sadd.s32 s24, s7;
	s3 =	simm.s32 $0xBC28;
	[smem:$0x7EB] =	sst s0  }
0x1a: {  	s24 =	simm.s32 $0xBC78;
	s1 =	sshrl.u32 s29, $0x2;
	[dreg:$0xa] =	wrdreg s3  }
0x1b: {  	[dreg:$0x14] =	wrdreg s24;
	s0 =	simm.s32 @!p1 $0x0;
	s29 =	sshrl.u32 s2, $0x3  }
0x1c: {  	s0 =	simm.s32 @p1 $0x1;
	[smem:$0x7F9] =	sst s29  }
0x1d: {  	s1 =	sadd.s32 s1, s7;
	[smem:$0x7F8] =	sst s0  }
0x1e: {  	s4 =	sadd.s32 $0x9C000, s7;
	s7 =	sadd.s32 $0x1800, s1;
	[smem:$0x7FC] =	sst s1  }
0x1f: {  	s10 =	sadd.s32 $0x3000, s1;
	[smem:$0x7ED] =	sst s7  }
0x20: {  	s12 =	sadd.s32 $0x4800, s1;
	[smem:$0x7EE] =	sst s10  }
0x21: {  	s15 =	sadd.s32 $0x6000, s1;
	[smem:$0x7EF] =	sst s12  }
0x22: {  	s17 =	sadd.s32 $0x7800, s1;
	[smem:$0x7F0] =	sst s15  }
0x23: {  	s19 =	sadd.s32 $0x9000, s1;
	[smem:$0x7F1] =	sst s17  }
0x24: {  	s21 =	sadd.s32 $0xA800, s1;
	[smem:$0x7F2] =	sst s19  }
0x25: {  	s23 =	sadd.s32 $0xC000, s1;
	[smem:$0x7F3] =	sst s21  }
0x26: {  	s25 =	sadd.s32 $0xD800, s1;
	[smem:$0x7F4] =	sst s23  }
0x27: {  	p0 =	por !p0, !p0;
	s26 =	sadd.s32 $0xF000, s1;
	[smem:$0x7F5] =	sst s25  }
.Ltmp0:
0x28: {  	s28 =	sadd.s32 $0x10800, s1;
	[smem:$0x7F6] =	sst s26;
	(pc) =	sbr.rel .LBB2_1-.Ltmp0, $4  }
0x29: {  	s0 =	simm.s32 @!p0 $0x0;
	s31 =	sadd.s32 $0x12000, s1;
	[smem:$0x7F7] =	sst s28  }
0x2a: {  	s0 =	simm.s32 @p0 $0x1;
	[smem:$0x7FD] =	sst s31  }
0x2b: {  	s16 =	simm.s32 $0x19;
	[smem:$0x7FA] =	sst s0;
	s0 =	sshrl.u32 @p0 s4, $0x3  }
0x2c: {  	v0 =	vimm.f32 $0.0e+00;
	s3 =	simm.s32 $0x1A;
	s2 =	simm.s32 $0x0;
	[smem:$0x7FB] =	sst s0  }
.LBB2_11:
0x2d: {  	s0 =	sld [smem:$0x7C6];
	_ =	sdelay $0x2  }
0x2e: {  	p2 =	seq.s32 s0, $0x1  }
0x2f: {  	s0 =	simm.s32 @!p2 $0x11  }
0x30: {  	_ =	swait.ge @!p2 [sflag:s0], $0x1400  }
0x31: {  	[sflag:s0] =	ssyncset.done @!p2 $0x0  }
0x32: {  	[sflag:s0] =	ssyncadd.s32 @!p2 $0xFFFFEC00;
	s0 =	simm.s32 @p0 $0x12  }
0x33: {  	_ =	swait.ge @p0 [sflag:s0], $0x1400  }
0x34: {  	[sflag:s0] =	ssyncset.done @p0 $0x0  }
0x35: {  	[sflag:s0] =	ssyncadd.s32 @p0 $0xFFFFEC00;
	s0 =	simm.s32 @p1 $0x13  }
0x36: {  	_ =	swait.ge @p1 [sflag:s0], $0x1400  }
0x37: {  	s24 =	sld [smem:$0x7C4];
	_ =	sdelay $0x2  }
0x38: {  	[sflag:s0] =	ssyncset.done @p1 $0x0;
	p0 =	seq.s32 s24, $0x1  }
0x39: {  	[sflag:s0] =	ssyncadd.s32 @p1 $0xFFFFEC00;
	s0 =	simm.s32 @p0 $0x14  }
0x3a: {  	_ =	swait.ge @p0 [sflag:s0], $0x1400  }
0x3b: {  	[sflag:s0] =	ssyncset.done @p0 $0x0  }
0x3c: {  	[sflag:s0] =	ssyncadd.s32 @p0 $0xFFFFEC00;
	s0 =	simm.s32 @p5 $0x15  }
0x3d: {  	_ =	swait.ge @p5 [sflag:s0], $0x1400  }
0x3e: {  	s25 =	sld [smem:$0x7C3];
	_ =	sdelay $0x2  }
0x3f: {  	[sflag:s0] =	ssyncset.done @p5 $0x0;
	p1 =	seq.s32 s25, $0x1  }
0x40: {  	[sflag:s0] =	ssyncadd.s32 @p5 $0xFFFFEC00;
	s0 =	simm.s32 @p1 $0x16  }
0x41: {  	_ =	swait.ge @p1 [sflag:s0], $0x1400  }
0x42: {  	p0 =	slt.s32 s6, $0x7;
	[sflag:s0] =	ssyncset.done @p1 $0x0  }
0x43: {  	[sflag:s0] =	ssyncadd.s32 @p1 $0xFFFFEC00;
	s0 =	simm.s32 @!p0 $0x17  }
0x44: {  	p1 =	seq.s32 @!p0 s6, $0x7;
	_ =	swait.ge @!p0 [sflag:s0], $0x1400  }
0x45: {  	p1 =	por p1, p0;
	[sflag:s0] =	ssyncset.done @!p0 $0x0  }
0x46: {  	[sflag:s0] =	ssyncadd.s32 @!p0 $0xFFFFEC00;
	s0 =	simm.s32 @!p1 $0x18  }
0x47: {  	_ =	swait.ge @!p1 [sflag:s0], $0x1400  }
0x48: {  	[sflag:s0] =	ssyncset.done @!p1 $0x0  }
0x49: {  	[sflag:s0] =	ssyncadd.s32 @!p1 $0xFFFFEC00  }
0x4a: {  	[bflag:$0x0] =	sbarrier.arrive $0xFFFF  }
0x4b: {  	s2 =	sld [smem:$0x7F9]  }
0x4c: {  	s26 =	sshll.u32 s12, $0x6  }
0x4d: {  	s3 =	simm.s32 $0x1A;
	s0 =	sor.u32 $0x1C1A, s26;
	s1 =	rddreg [dreg:$0x1f]  }
0x4e: {  	[hbm:s1], [sflag:s0] =	dma.local [spmem:s2], $0x1380  }
0x4f: {  	_ =	swait.ge [sflag:s3], $0x1380  }
0x50: {  	s28 =	sld [smem:$0x7FA]  }
0x51: {  	s1 =	sld [smem:$0x7EB]  }
0x52: {  	s2 =	sld [smem:$0x7FB]  }
0x53: {  	[sflag:s3] =	ssyncset.done $0x0  }
0x54: {  	[sflag:s3] =	ssyncadd.s32 $0xFFFFEC80;
	p1 =	seq.s32 s28, $0x1  }
0x55: {  	[hbm:s1], [sflag:s0] =	dma.local @p1 [spmem:s2], $0x100  }
0x56: {  	s0 =	simm.s32 @p1 $0x1A  }
0x57: {  	_ =	swait.ge @p1 [sflag:s0], $0x100  }
0x58: {  	s29 =	sld [smem:$0x7E9]  }
0x59: {  	s31 =	sld [smem:$0x7EC];
	_ =	sdelay $0x1  }
0x5a: {  	s2 =	sadd.s32 $0x1, s29  }
0x5b: {  	p0 =	sne.s32 s2, s31  }
.Ltmp1:
0x5c: {  	_ = 	snop;
	(pc) =	sbr.rel @!p0 .LBB2_12-.Ltmp1, $3  }
0x5d: {  	_ =	sdelay $0x1  }
0x5e: {  	[sflag:s0] =	ssyncset.done @p1 $0x0  }
0x5f: {  	[sflag:s0] =	ssyncadd.s32 @p1 $0xFFFFFF00  }
.LBB2_1:
0x60: {  	[smem:$0x7E9] =	sst s2;
	s0 =	simm.s32 $0x70;
	s1 =	simm.s32 $0x3C0  }
.LBB2_2:
0x61: {  	p0 =	sne.s32 s1, $0x5FC0;
	[tilespmem:s0+$0xA400] =	vst v0  }
0x62: {  	[tilespmem:s0+$0xA390] =	vst v0  }
0x63: {  	[tilespmem:s0+$0xA3A0] =	vst v0  }
.Ltmp2:
0x64: {  	[tilespmem:s0+$0xA3B0] =	vst v0;
	(pc) =	sbr.rel @p0 .LBB2_2-.Ltmp2, $4  }
0x65: {  	[tilespmem:s0+$0xA3C0] =	vst v0  }
0x66: {  	[tilespmem:s0+$0xA3D0] =	vst v0  }
0x67: {  	[tilespmem:s0+$0xA3E0] =	vst v0  }
0x68: {  	[tilespmem:s0+$0xA3F0] =	vst v0;
	s0 =	sshra.s32 s1, $0x2;
	s1 =	sadd.s32 $0x200, s1  }
0x69: {  	[tilespmem:s0+$0xA400] =	vst v0  }
0x6a: {  	[tilespmem:s0+$0xA390] =	vst v0  }
0x6b: {  	[tilespmem:s0+$0xA3A0] =	vst v0  }
0x6c: {  	[tilespmem:s0+$0xA3B0] =	vst v0  }
0x6d: {  	[tilespmem:s0+$0xA3C0] =	vst v0  }
0x6e: {  	[tilespmem:s0+$0xA3D0] =	vst v0;
	s15 =	sld [smem:$0x7FC]  }
0x6f: {  	[tilespmem:s0+$0xA3E0] =	vst v0  }
0x70: {  	[tilespmem:s0+$0xA3F0] =	vst v0;
	s1 =	simm.s32 $0xA400  }
0x71: {  	[spmem:s15] =	stream.linear.scatter [tilespmem:s1], [sflag:$0x1A], $0x1800, $0x38;
	[tilespmem:$0x1F5C0] =	vst v63  }
0x72: {  	_ =	swait.ge [sflag:s3], $0x1800  }
0x73: {  	s17 =	sld [smem:$0x7ED]  }
0x74: {  	[sflag:s3] =	ssyncset.done $0x0  }
0x75: {  	[sflag:s3] =	ssyncadd.s32 $0xFFFFE800  }
0x76: {  	[spmem:s17] =	stream.linear.scatter [tilespmem:s1], [sflag:$0x1A], $0x1800, $0x38;
	[tilespmem:$0x1F5C0] =	vst v63  }
0x77: {  	_ =	swait.ge [sflag:s3], $0x1800  }
0x78: {  	s18 =	sld [smem:$0x7EE]  }
0x79: {  	[sflag:s3] =	ssyncset.done $0x0  }
0x7a: {  	[sflag:s3] =	ssyncadd.s32 $0xFFFFE800  }
0x7b: {  	[spmem:s18] =	stream.linear.scatter [tilespmem:s1], [sflag:$0x1A], $0x1800, $0x38;
	[tilespmem:$0x1F5C0] =	vst v63  }
0x7c: {  	_ =	swait.ge [sflag:s3], $0x1800  }
0x7d: {  	s19 =	sld [smem:$0x7EF]  }
0x7e: {  	[sflag:s3] =	ssyncset.done $0x0  }
0x7f: {  	[sflag:s3] =	ssyncadd.s32 $0xFFFFE800  }
0x80: {  	[spmem:s19] =	stream.linear.scatter [tilespmem:s1], [sflag:$0x1A], $0x1800, $0x38;
	[tilespmem:$0x1F5C0] =	vst v63  }
0x81: {  	_ =	swait.ge [sflag:s3], $0x1800  }
0x82: {  	s20 =	sld [smem:$0x7F0]  }
0x83: {  	[sflag:s3] =	ssyncset.done $0x0  }
0x84: {  	[sflag:s3] =	ssyncadd.s32 $0xFFFFE800  }
0x85: {  	[spmem:s20] =	stream.linear.scatter [tilespmem:s1], [sflag:$0x1A], $0x1800, $0x38;
	[tilespmem:$0x1F5C0] =	vst v63  }
0x86: {  	_ =	swait.ge [sflag:s3], $0x1800  }
0x87: {  	s21 =	sld [smem:$0x7F1]  }
0x88: {  	[sflag:s3] =	ssyncset.done $0x0  }
0x89: {  	[sflag:s3] =	ssyncadd.s32 $0xFFFFE800  }
0x8a: {  	[spmem:s21] =	stream.linear.scatter [tilespmem:s1], [sflag:$0x1A], $0x1800, $0x38;
	[tilespmem:$0x1F5C0] =	vst v63  }
0x8b: {  	_ =	swait.ge [sflag:s3], $0x1800  }
0x8c: {  	s22 =	sld [smem:$0x7F2]  }
0x8d: {  	[sflag:s3] =	ssyncset.done $0x0  }
0x8e: {  	[sflag:s3] =	ssyncadd.s32 $0xFFFFE800  }
0x8f: {  	[spmem:s22] =	stream.linear.scatter [tilespmem:s1], [sflag:$0x1A], $0x1800, $0x38;
	[tilespmem:$0x1F5C0] =	vst v63  }
0x90: {  	_ =	swait.ge [sflag:s3], $0x1800  }
0x91: {  	s23 =	sld [smem:$0x7F3]  }
0x92: {  	[sflag:s3] =	ssyncset.done $0x0  }
0x93: {  	[sflag:s3] =	ssyncadd.s32 $0xFFFFE800  }
0x94: {  	[spmem:s23] =	stream.linear.scatter [tilespmem:s1], [sflag:$0x1A], $0x1800, $0x38;
	[tilespmem:$0x1F5C0] =	vst v63  }
0x95: {  	_ =	swait.ge [sflag:s3], $0x1800  }
0x96: {  	s24 =	sld [smem:$0x7F4]  }
0x97: {  	[sflag:s3] =	ssyncset.done $0x0  }
0x98: {  	[sflag:s3] =	ssyncadd.s32 $0xFFFFE800  }
0x99: {  	[spmem:s24] =	stream.linear.scatter [tilespmem:s1], [sflag:$0x1A], $0x1800, $0x38;
	[tilespmem:$0x1F5C0] =	vst v63  }
0x9a: {  	_ =	swait.ge [sflag:s3], $0x1800  }
0x9b: {  	s25 =	sld [smem:$0x7F5]  }
0x9c: {  	[sflag:s3] =	ssyncset.done $0x0  }
0x9d: {  	[sflag:s3] =	ssyncadd.s32 $0xFFFFE800  }
0x9e: {  	[spmem:s25] =	stream.linear.scatter [tilespmem:s1], [sflag:$0x1A], $0x1800, $0x38;
	[tilespmem:$0x1F5C0] =	vst v63  }
0x9f: {  	_ =	swait.ge [sflag:s3], $0x1800  }
0xa0: {  	s26 =	sld [smem:$0x7F6]  }
0xa1: {  	[sflag:s3] =	ssyncset.done $0x0  }
0xa2: {  	[sflag:s3] =	ssyncadd.s32 $0xFFFFE800  }
0xa3: {  	[spmem:s26] =	stream.linear.scatter [tilespmem:s1], [sflag:$0x1A], $0x1800, $0x38;
	[tilespmem:$0x1F5C0] =	vst v63  }
0xa4: {  	_ =	swait.ge [sflag:s3], $0x1800  }
0xa5: {  	s28 =	sld [smem:$0x7F7]  }
0xa6: {  	[sflag:s3] =	ssyncset.done $0x0  }
0xa7: {  	[sflag:s3] =	ssyncadd.s32 $0xFFFFE800  }
0xa8: {  	[spmem:s28] =	stream.linear.scatter [tilespmem:s1], [sflag:$0x1A], $0x1800, $0x38;
	[tilespmem:$0x1F5C0] =	vst v63  }
0xa9: {  	_ =	swait.ge [sflag:s3], $0x1800  }
0xaa: {  	s29 =	sld [smem:$0x7FD]  }
0xab: {  	[sflag:s3] =	ssyncset.done $0x0  }
0xac: {  	[sflag:s3] =	ssyncadd.s32 $0xFFFFE800  }
0xad: {  	[spmem:s29] =	stream.linear.scatter [tilespmem:s1], [sflag:$0x1A], $0x1800, $0x38;
	[tilespmem:$0x1F5C0] =	vst v63  }
0xae: {  	_ =	swait.ge [sflag:s3], $0x1800  }
0xaf: {  	s31 =	sld [smem:$0x7F8];
	_ =	sdelay $0x2  }
0xb0: {  	[sflag:s3] =	ssyncset.done $0x0;
	p0 =	seq.s32 s31, $0x1  }
0xb1: {  	s1 =	rddreg [dreg:$0x1c];
	[sflag:s3] =	ssyncadd.s32 $0xFFFFE800;
	s0 =	simm.s32 @!p0 $0xA400  }
0xb2: {  	[spmem:s1] =	stream.linear.scatter @!p0 [tilespmem:s0], [sflag:$0x1A], $0x800, $0x38;
	[tilespmem:$0x1F5C0] =	vst v63  }
0xb3: {  	s0 =	simm.s32 @!p0 $0x1A  }
0xb4: {  	_ =	swait.ge @!p0 [sflag:s0], $0x800  }
0xb5: {  	s10 =	simm.s32 $0x0;
	[sflag:s0] =	ssyncset.done @!p0 $0x0  }
0xb6: {  	s6 =	simm.s32 $0x4E200;
	s1 =	simm.s32 $0x5;
	[sflag:s0] =	ssyncadd.s32 @!p0 $0xFFFFF800  }
.LBB2_4:
0xb7: {  	s25 =	ssub.s32 s6, s10;
	p0 =	sne.s32 s6, s10;
	s28 =	simm.s32 $0x1  }
0xb8: {  	s0 =	sshra.s32 s25, $0x1F;
	s28 =	simm.s32 @!p0 $0x0  }
0xb9: {  	s2 =	sand.u32 $0xF, s25;
	s12 =	sor.u32 s28, s0  }
0xba: {  	s0 =	sshrl.u32 s0, $0x1C;
	p1 =	sne.s32 s2, $0x0;
	p2 =	sne.s32 s12, $0x1  }
0xbb: {  	[smem:$0x7E8] =	sst s1;
	s0 =	sadd.s32 s0, s25;
	p0 =	por !p1, !p2  }
0xbc: {  	s1 =	simm.s32 $0x1;
	s0 =	sshra.s32 s0, $0x4;
	p0 =	por !p0, !p0  }
0xbd: {  	s0 =	sadd.s32 s10, s0;
	s1 =	simm.s32 @!p0 $0x0  }
0xbe: {  	s0 =	ssub.s32 s0, s1  }
0xbf: {  	p0 =	slt.s32 s0, $0x4E1FF  }
0xc0: {  	[smem:$0x7C9] =	sst s0;
	s0 =	simm.s32 @!p0 $0x4E1FF  }
0xc1: {  	s7 =	simm.s32 $0x0;
	[smem:$0x7C7] =	sst s0;
	s0 =	sand.u32 $0xFFFFFFF8, s0  }
0xc2: {  	s13 =	simm.s32 $0xBC00;
	s14 =	sshll.u32 s25, $0x1;
	p0 =	slt.s32 s0, $0x4E1F8  }
0xc3: {  	s17 =	sand.u32 $0x7, s25;
	s15 =	sshra.s32 s14, $0x1F;
	s0 =	simm.s32 @!p0 $0x4E1F8  }
0xc4: {  	p3 =	slt.s32 s14, $0x1;
	[smem:$0x7C8] =	sst s0;
	s0 =	sshrl.u32 s0, $0x3  }
0xc5: {  	p4 =	sne.s32 s17, $0x0;
	s1 =	sshrl.u32 s15, $0x1C;
	s0 =	sadd.s32 s30, s0  }
0xc6: {  	[tilespmem:s13], [sflag:$0x19] =	stream.linear.gather [hbm4b:s0+s7], $0x8, $0x38;
	[tilespmem:$0x1F5C0] =	vst v63  }
0xc7: {  	p0 =	por !p3, !p4;
	s0 =	sadd.s32 s1, s14  }
0xc8: {  	p0 =	por !p0, !p0;
	s1 =	simm.s32 $0x1;
	s0 =	sshra.s32 s0, $0x4  }
0xc9: {  	s1 =	simm.s32 @!p0 $0x0;
	s0 =	sadd.s32 s10, s0  }
0xca: {  	s0 =	ssub.s32 s0, s1  }
0xcb: {  	s18 =	rddreg [dreg:$0x6];
	s19 =	smul.u32 $0x3, s25;
	p0 =	slt.s32 s0, $0x4E1FF  }
0xcc: {  	[smem:$0x7D6] =	sst s0;
	s0 =	simm.s32 @!p0 $0x4E1FF  }
0xcd: {  	s20 =	sshra.s32 s19, $0x1F;
	s3 =	sand.u32 $0xF, s19;
	s1 =	sand.u32 $0xFFFFFFF8, s0  }
0xce: {  	s21 =	sor.u32 s28, s20;
	p6 =	sne.s32 s3, $0x0;
	p0 =	slt.s32 s1, $0x4E1F8  }
0xcf: {  	p5 =	sne.s32 s21, $0x1;
	[smem:$0x7CE] =	sst s0;
	s1 =	simm.s32 @!p0 $0x4E1F8  }
0xd0: {  	s0 =	sshrl.u32 s20, $0x1C;
	[smem:$0x7CF] =	sst s1;
	s1 =	sshrl.u32 s1, $0x3  }
0xd1: {  	s0 =	sadd.s32 s0, s19;
	p0 =	por !p6, !p5;
	s1 =	sadd.s32 s30, s1  }
0xd2: {  	[tilespmem:s18], [sflag:$0x19] =	stream.linear.gather [hbm4b:s1+s7], $0x8, $0x38;
	[tilespmem:$0x1F5C0] =	vst v63  }
0xd3: {  	s0 =	sshra.s32 s0, $0x4;
	p0 =	por !p0, !p0;
	s1 =	simm.s32 $0x1  }
0xd4: {  	s0 =	sadd.s32 s10, s0;
	s1 =	simm.s32 @!p0 $0x0  }
0xd5: {  	s0 =	ssub.s32 s0, s1  }
0xd6: {  	p0 =	slt.s32 s0, $0x4E1FF  }
0xd7: {  	[smem:$0x7D7] =	sst s0;
	s0 =	simm.s32 @!p0 $0x4E1FF  }
0xd8: {  	s1 =	sand.u32 $0xFFFFFFF8, s0  }
0xd9: {  	p0 =	slt.s32 s1, $0x4E1F8  }
0xda: {  	s22 =	rddreg [dreg:$0x7];
	s1 =	simm.s32 @!p0 $0x4E1F8  }
0xdb: {  	s23 =	sshll.u32 s25, $0x2;
	[smem:$0x7D1] =	sst s1;
	s1 =	sshrl.u32 s1, $0x3  }
0xdc: {  	s26 =	sand.u32 $0x3, s25;
	s24 =	sshra.s32 s23, $0x1F;
	s1 =	sadd.s32 s30, s1  }
0xdd: {  	[tilespmem:s22], [sflag:$0x19] =	stream.linear.gather [hbm4b:s1+s7], $0x8, $0x38;
	[tilespmem:$0x1F5C0] =	vst v63  }
0xde: {  	p1 =	slt.s32 s23, $0x1;
	p2 =	sne.s32 s26, $0x0;
	s1 =	sshrl.u32 s24, $0x1C  }
0xdf: {  	[smem:$0x7D0] =	sst s0;
	p0 =	por !p1, !p2;
	s0 =	sadd.s32 s1, s23  }
0xe0: {  	p0 =	por !p0, !p0;
	s1 =	simm.s32 $0x1;
	s0 =	sshra.s32 s0, $0x4  }
0xe1: {  	s1 =	simm.s32 @!p0 $0x0;
	s0 =	sadd.s32 s10, s0  }
0xe2: {  	s0 =	ssub.s32 s0, s1  }
0xe3: {  	p0 =	slt.s32 s0, $0x4E1FF  }
0xe4: {  	[smem:$0x7D8] =	sst s0;
	s0 =	simm.s32 @!p0 $0x4E1FF  }
0xe5: {  	s1 =	sand.u32 $0xFFFFFFF8, s0  }
0xe6: {  	p0 =	slt.s32 s1, $0x4E1F8  }
0xe7: {  	s1 =	simm.s32 @!p0 $0x4E1F8  }
0xe8: {  	[smem:$0x7D3] =	sst s1;
	s1 =	sshrl.u32 s1, $0x3  }
0xe9: {  	s29 =	rddreg [dreg:$0x8];
	s31 =	smul.u32 $0x5, s25;
	s1 =	sadd.s32 s30, s1  }
0xea: {  	[tilespmem:s29], [sflag:$0x19] =	stream.linear.gather [hbm4b:s1+s7], $0x8, $0x38;
	[tilespmem:$0x1F5C0] =	vst v63  }
0xeb: {  	s4 =	sand.u32 $0xF, s31;
	s1 =	sshra.s32 s31, $0x1F  }
0xec: {  	p4 =	sne.s32 s4, $0x0;
	s3 =	sor.u32 s28, s1  }
0xed: {  	[smem:$0x7D2] =	sst s0;
	s0 =	sshrl.u32 s1, $0x1C;
	p3 =	sne.s32 s3, $0x1  }
0xee: {  	s0 =	sadd.s32 s0, s31;
	p0 =	por !p4, !p3  }
0xef: {  	s1 =	simm.s32 $0x1;
	s0 =	sshra.s32 s0, $0x4;
	p0 =	por !p0, !p0  }
0xf0: {  	s0 =	sadd.s32 s10, s0;
	s1 =	simm.s32 @!p0 $0x0  }
0xf1: {  	s0 =	ssub.s32 s0, s1  }
0xf2: {  	s8 =	smul.u32 $0x6, s25;
	p0 =	slt.s32 s0, $0x4E1FF  }
0xf3: {  	[smem:$0x7D9] =	sst s0;
	s0 =	simm.s32 @!p0 $0x4E1FF  }
0xf4: {  	s5 =	rddreg [dreg:$0x9];
	s9 =	sshra.s32 s8, $0x1F;
	s1 =	sand.u32 $0xFFFFFFF8, s0  }
0xf5: {  	s11 =	sand.u32 $0xE, s8;
	p5 =	slt.s32 s8, $0x1;
	p0 =	slt.s32 s1, $0x4E1F8  }
0xf6: {  	p6 =	sne.s32 s11, $0x0;
	[smem:$0x7D4] =	sst s0;
	s1 =	simm.s32 @!p0 $0x4E1F8  }
0xf7: {  	s0 =	sshrl.u32 s9, $0x1C;
	[smem:$0x7D5] =	sst s1;
	s1 =	sshrl.u32 s1, $0x3  }
0xf8: {  	s0 =	sadd.s32 s0, s8;
	p0 =	por !p5, !p6;
	s1 =	sadd.s32 s30, s1  }
0xf9: {  	[tilespmem:s5], [sflag:$0x19] =	stream.linear.gather [hbm4b:s1+s7], $0x8, $0x38;
	[tilespmem:$0x1F5C0] =	vst v63  }
0xfa: {  	s0 =	sshra.s32 s0, $0x4;
	p0 =	por !p0, !p0;
	s1 =	simm.s32 $0x1  }
0xfb: {  	s0 =	sadd.s32 s10, s0;
	s1 =	simm.s32 @!p0 $0x0  }
0xfc: {  	s13 =	smul.u32 $0x7, s25;
	s0 =	ssub.s32 s0, s1  }
0xfd: {  	p0 =	slt.s32 s0, $0x4E1FF  }
0xfe: {  	s14 =	sshra.s32 s13, $0x1F;
	[smem:$0x7DA] =	sst s0;
	s0 =	simm.s32 @!p0 $0x4E1FF  }
0xff: {  	s12 =	rddreg [dreg:$0xa];
	s15 =	sor.u32 s28, s14;
	s1 =	sand.u32 $0xFFFFFFF8, s0  }
0x100: {  	s17 =	sand.u32 $0xF, s13;
	p1 =	sne.s32 s15, $0x1;
	p0 =	slt.s32 s1, $0x4E1F8  }
0x101: {  	p2 =	sne.s32 s17, $0x0;
	[smem:$0x7CC] =	sst s0;
	s1 =	simm.s32 @!p0 $0x4E1F8  }
0x102: {  	s0 =	sshrl.u32 s14, $0x1C;
	[smem:$0x7CD] =	sst s1;
	s1 =	sshrl.u32 s1, $0x3  }
0x103: {  	s0 =	sadd.s32 s0, s13;
	p0 =	por !p2, !p1;
	s1 =	sadd.s32 s30, s1  }
0x104: {  	[tilespmem:s12], [sflag:$0x19] =	stream.linear.gather [hbm4b:s1+s7], $0x8, $0x38;
	[tilespmem:$0x1F5C0] =	vst v63  }
0x105: {  	s0 =	sshra.s32 s0, $0x4;
	p0 =	por !p0, !p0;
	s1 =	simm.s32 $0x1  }
0x106: {  	s0 =	sadd.s32 s10, s0;
	s1 =	simm.s32 @!p0 $0x0  }
0x107: {  	s0 =	ssub.s32 s0, s1  }
0x108: {  	p0 =	slt.s32 s0, $0x4E1FF  }
0x109: {  	[smem:$0x7DB] =	sst s0;
	s0 =	simm.s32 @!p0 $0x4E1FF  }
0x10a: {  	s3 =	sand.u32 $0xFFFFFFF8, s0  }
0x10b: {  	p0 =	slt.s32 s3, $0x4E1F8  }
0x10c: {  	s20 =	sshll.u32 s25, $0x3;
	s3 =	simm.s32 @!p0 $0x4E1F8  }
0x10d: {  	s21 =	sshra.s32 s20, $0x1F;
	s19 =	sshrl.u32 s3, $0x3  }
0x10e: {  	s18 =	rddreg [dreg:$0xb];
	s22 =	sand.u32 $0x1, s25;
	s1 =	sadd.s32 s30, s19  }
0x10f: {  	[tilespmem:s18], [sflag:$0x19] =	stream.linear.gather [hbm4b:s1+s7], $0x8, $0x38;
	[tilespmem:$0x1F5C0] =	vst v63  }
0x110: {  	p3 =	seq.s32 s22, $0x1;
	p4 =	slt.s32 s20, $0x1;
	s1 =	sshrl.u32 s21, $0x1C  }
0x111: {  	[smem:$0x7CB] =	sst s0;
	p0 =	por !p4, !p3;
	s0 =	sadd.s32 s1, s20  }
0x112: {  	p0 =	por !p0, !p0;
	s1 =	simm.s32 $0x1;
	s0 =	sshra.s32 s0, $0x4  }
0x113: {  	s1 =	simm.s32 @!p0 $0x0;
	s0 =	sadd.s32 s10, s0  }
0x114: {  	s0 =	ssub.s32 s0, s1  }
0x115: {  	s26 =	smul.u32 $0x9, s25;
	p0 =	slt.s32 s0, $0x4E1FF  }
0x116: {  	[smem:$0x7DD] =	sst s0;
	s0 =	simm.s32 @!p0 $0x4E1FF  }
0x117: {  	s23 =	rddreg [dreg:$0xc];
	s29 =	sshra.s32 s26, $0x1F;
	s8 =	sand.u32 $0xFFFFFFF8, s0  }
0x118: {  	s31 =	sor.u32 s28, s29;
	s5 =	sand.u32 $0xF, s26;
	p0 =	slt.s32 s8, $0x4E1F8  }
0x119: {  	p5 =	sne.s32 s31, $0x1;
	p6 =	sne.s32 s5, $0x0;
	s8 =	simm.s32 @!p0 $0x4E1F8  }
0x11a: {  	[smem:$0x7CA] =	sst s0;
	s0 =	sshrl.u32 s29, $0x1C;
	s24 =	sshrl.u32 s8, $0x3  }
0x11b: {  	s0 =	sadd.s32 s0, s26;
	p0 =	por !p6, !p5;
	s1 =	sadd.s32 s30, s24  }
0x11c: {  	[tilespmem:s23], [sflag:$0x19] =	stream.linear.gather [hbm4b:s1+s7], $0x8, $0x38;
	[tilespmem:$0x1F5C0] =	vst v63  }
0x11d: {  	s0 =	sshra.s32 s0, $0x4;
	p0 =	por !p0, !p0;
	s1 =	simm.s32 $0x1  }
0x11e: {  	s0 =	sadd.s32 s10, s0;
	s1 =	simm.s32 @!p0 $0x0  }
0x11f: {  	s29 =	ssub.s32 s0, s1  }
0x120: {  	p0 =	slt.s32 s29, $0x4E1FF  }
0x121: {  	s5 =	smul.u32 $0xA, s25;
	[smem:$0x7DE] =	sst s29;
	s29 =	simm.s32 @!p0 $0x4E1FF  }
0x122: {  	s19 =	sand.u32 $0xFFFFFFF8, s29  }
0x123: {  	s2 =	rddreg [dreg:$0xd];
	s11 =	sand.u32 $0xE, s5;
	p0 =	slt.s32 s19, $0x4E1F8  }
0x124: {  	s9 =	sshra.s32 s5, $0x1F;
	p1 =	sne.s32 s11, $0x0;
	s19 =	simm.s32 @!p0 $0x4E1F8  }
0x125: {  	p2 =	slt.s32 s5, $0x1;
	s0 =	sshrl.u32 s9, $0x1C;
	s4 =	sshrl.u32 s19, $0x3  }
0x126: {  	s0 =	sadd.s32 s0, s5;
	p0 =	por !p2, !p1;
	s1 =	sadd.s32 s30, s4  }
0x127: {  	[tilespmem:s2], [sflag:$0x19] =	stream.linear.gather [hbm4b:s1+s7], $0x8, $0x38;
	[tilespmem:$0x1F5C0] =	vst v63  }
0x128: {  	s0 =	sshra.s32 s0, $0x4;
	p0 =	por !p0, !p0;
	s1 =	simm.s32 $0x1  }
0x129: {  	s0 =	sadd.s32 s10, s0;
	s1 =	simm.s32 @!p0 $0x0  }
0x12a: {  	s5 =	ssub.s32 s0, s1  }
0x12b: {  	p0 =	slt.s32 s5, $0x4E1FF  }
0x12c: {  	[smem:$0x7DC] =	sst s5;
	s5 =	simm.s32 @!p0 $0x4E1FF  }
0x12d: {  	s14 =	smul.u32 $0xB, s25;
	s11 =	sand.u32 $0xFFFFFFF8, s5  }
0x12e: {  	p0 =	slt.s32 s11, $0x4E1F8  }
0x12f: {  	s15 =	sshra.s32 s14, $0x1F;
	s11 =	simm.s32 @!p0 $0x4E1F8  }
0x130: {  	s17 =	sor.u32 s28, s15;
	s13 =	sshrl.u32 s11, $0x3  }
0x131: {  	s12 =	rddreg [dreg:$0xe];
	s1 =	sadd.s32 s30, s13;
	s13 =	sand.u32 $0xF, s14  }
0x132: {  	[tilespmem:s12], [sflag:$0x19] =	stream.linear.gather [hbm4b:s1+s7], $0x8, $0x38;
	[tilespmem:$0x1F5C0] =	vst v63  }
0x133: {  	p3 =	sne.s32 s17, $0x1;
	s0 =	sshrl.u32 s15, $0x1C;
	p4 =	sne.s32 s13, $0x0  }
0x134: {  	s0 =	sadd.s32 s0, s14;
	p0 =	por !p4, !p3  }
0x135: {  	s0 =	sshra.s32 s0, $0x4;
	s1 =	simm.s32 $0x1;
	p0 =	por !p0, !p0  }
0x136: {  	s0 =	sadd.s32 s10, s0;
	s1 =	simm.s32 @!p0 $0x0  }
0x137: {  	s14 =	ssub.s32 s0, s1  }
0x138: {  	p0 =	slt.s32 s14, $0x4E1FF;
	s15 =	smov.u32 s14  }
0x139: {  	s21 =	smul.u32 $0xC, s25;
	s15 =	simm.s32 @!p0 $0x4E1FF  }
0x13a: {  	s0 =	sand.u32 $0xFFFFFFF8, s15  }
0x13b: {  	s18 =	rddreg [dreg:$0xf];
	s22 =	sshra.s32 s21, $0x1F;
	p0 =	slt.s32 s0, $0x4E1F8  }
0x13c: {  	p6 =	slt.s32 s21, $0x1;
	s23 =	sand.u32 $0xC, s21;
	s0 =	simm.s32 @!p0 $0x4E1F8  }
0x13d: {  	p5 =	sne.s32 s23, $0x0;
	s1 =	sshrl.u32 s22, $0x1C;
	s20 =	sshrl.u32 s0, $0x3  }
0x13e: {  	s1 =	sadd.s32 s1, s21;
	p0 =	por !p6, !p5;
	s2 =	sadd.s32 s30, s20  }
0x13f: {  	[tilespmem:s18], [sflag:$0x19] =	stream.linear.gather [hbm4b:s2+s7], $0x8, $0x38;
	[tilespmem:$0x1F5C0] =	vst v63  }
0x140: {  	s1 =	sshra.s32 s1, $0x4;
	p0 =	por !p0, !p0;
	s2 =	simm.s32 $0x1  }
0x141: {  	s1 =	sadd.s32 s10, s1;
	s2 =	simm.s32 @!p0 $0x0  }
0x142: {  	s2 =	ssub.s32 s1, s2  }
0x143: {  	s17 =	smul.u32 $0xD, s25;
	p0 =	slt.s32 s2, $0x4E1FF;
	s22 =	smov.u32 s2  }
0x144: {  	s22 =	simm.s32 @!p0 $0x4E1FF  }
0x145: {  	s4 =	sshra.s32 s17, $0x1F;
	s31 =	sand.u32 $0xFFFFFFF8, s22  }
0x146: {  	s24 =	rddreg [dreg:$0x10];
	s9 =	sor.u32 s28, s4;
	p0 =	slt.s32 s31, $0x4E1F8  }
0x147: {  	p1 =	sne.s32 s9, $0x1;
	s18 =	sand.u32 $0xF, s17;
	s31 =	simm.s32 @!p0 $0x4E1F8  }
0x148: {  	p2 =	sne.s32 s18, $0x0;
	s1 =	sshrl.u32 s4, $0x1C;
	s26 =	sshrl.u32 s31, $0x3  }
0x149: {  	s1 =	sadd.s32 s1, s17;
	p0 =	por !p2, !p1;
	s13 =	sadd.s32 s30, s26  }
0x14a: {  	[tilespmem:s24], [sflag:$0x19] =	stream.linear.gather [hbm4b:s13+s7], $0x8, $0x38;
	[tilespmem:$0x1F5C0] =	vst v63  }
0x14b: {  	s1 =	sshra.s32 s1, $0x4;
	p0 =	por !p0, !p0;
	s13 =	simm.s32 $0x1  }
0x14c: {  	s1 =	sadd.s32 s10, s1;
	s13 =	simm.s32 @!p0 $0x0  }
0x14d: {  	s1 =	ssub.s32 s1, s13  }
0x14e: {  	p0 =	slt.s32 s1, $0x4E1FF;
	s13 =	smov.u32 s1  }
0x14f: {  	s21 =	smul.u32 $0xE, s25;
	s13 =	simm.s32 @!p0 $0x4E1FF  }
0x150: {  	s20 =	sand.u32 $0xFFFFFFF8, s13  }
0x151: {  	s12 =	rddreg [dreg:$0x11];
	p4 =	slt.s32 s21, $0x1;
	p0 =	slt.s32 s20, $0x4E1F8  }
0x152: {  	s26 =	sand.u32 $0xE, s21;
	s24 =	sshra.s32 s21, $0x1F;
	s20 =	simm.s32 @!p0 $0x4E1F8  }
0x153: {  	p3 =	sne.s32 s26, $0x0;
	s17 =	sshrl.u32 s24, $0x1C;
	s23 =	sshrl.u32 s20, $0x3  }
0x154: {  	s17 =	sadd.s32 s17, s21;
	p0 =	por !p4, !p3;
	s18 =	sadd.s32 s30, s23  }
0x155: {  	[tilespmem:s12], [sflag:$0x19] =	stream.linear.gather [hbm4b:s18+s7], $0x8, $0x38;
	[tilespmem:$0x1F5C0] =	vst v63  }
0x156: {  	s17 =	sshra.s32 s17, $0x4;
	p0 =	por !p0, !p0;
	s18 =	simm.s32 $0x1  }
0x157: {  	s17 =	sadd.s32 s10, s17;
	s18 =	simm.s32 @!p0 $0x0  }
0x158: {  	s18 =	ssub.s32 s17, s18  }
0x159: {  	p0 =	slt.s32 s18, $0x4E1FF;
	s26 =	smov.u32 s18  }
0x15a: {  	s26 =	simm.s32 @!p0 $0x4E1FF  }
0x15b: {  	s21 =	sand.u32 $0xFFFFFFF8, s26  }
0x15c: {  	p0 =	slt.s32 s21, $0x4E1F8  }
0x15d: {  	s24 =	smul.u32 $0xF, s25;
	s21 =	simm.s32 @!p0 $0x4E1F8  }
0x15e: {  	s23 =	sshrl.u32 s21, $0x3  }
0x15f: {  	s4 =	rddreg [dreg:$0x12];
	s9 =	sshra.s32 s24, $0x1F;
	s23 =	sadd.s32 s30, s23  }
0x160: {  	[tilespmem:s4], [sflag:$0x19] =	stream.linear.gather [hbm4b:s23+s7], $0x8, $0x38;
	[tilespmem:$0x1F5C0] =	vst v63  }
0x161: {  	s12 =	sor.u32 s28, s9;
	s4 =	sand.u32 $0xF, s24  }
0x162: {  	p5 =	sne.s32 s12, $0x1;
	s17 =	sshrl.u32 s9, $0x1C;
	p6 =	sne.s32 s4, $0x0  }
0x163: {  	s17 =	sadd.s32 s17, s24;
	p0 =	por !p6, !p5  }
0x164: {  	s17 =	sshra.s32 s17, $0x4;
	s23 =	simm.s32 $0x1;
	p0 =	por !p0, !p0  }
0x165: {  	s17 =	sadd.s32 s10, s17;
	s23 =	simm.s32 @!p0 $0x0  }
0x166: {  	s24 =	ssub.s32 s17, s23  }
0x167: {  	p0 =	slt.s32 s24, $0x4E1FF;
	s28 =	smov.u32 s24  }
0x168: {  	s28 =	simm.s32 @!p0 $0x4E1FF  }
0x169: {  	s17 =	sand.u32 $0xFFFFFFF8, s28  }
0x16a: {  	p0 =	slt.s32 s17, $0x4E1F8  }
0x16b: {  	s17 =	simm.s32 @!p0 $0x4E1F8  }
0x16c: {  	s4 =	sshrl.u32 s17, $0x3  }
0x16d: {  	s12 =	sshll.u32 s25, $0x4;
	s9 =	rddreg [dreg:$0x13];
	s4 =	sadd.s32 s30, s4  }
0x16e: {  	[tilespmem:s9], [sflag:$0x19] =	stream.linear.gather [hbm4b:s4+s7], $0x8, $0x38;
	[tilespmem:$0x1F5C0] =	vst v63  }
0x16f: {  	s4 =	sshra.s32 s12, $0x4  }
0x170: {  	s23 =	sadd.s32 s10, s4  }
0x171: {  	p0 =	slt.s32 s23, $0x4E1FF;
	s25 =	smov.u32 s23  }
0x172: {  	s25 =	simm.s32 @!p0 $0x4E1FF  }
0x173: {  	s4 =	sand.u32 $0xFFFFFFF8, s25  }
0x174: {  	p0 =	slt.s32 s4, $0x4E1F8  }
0x175: {  	s4 =	simm.s32 @!p0 $0x4E1F8  }
0x176: {  	s9 =	sshrl.u32 s4, $0x3  }
0x177: {  	s12 =	rddreg [dreg:$0x14];
	s9 =	sadd.s32 s30, s9  }
0x178: {  	[tilespmem:s12], [sflag:$0x19] =	stream.linear.gather [hbm4b:s9+s7], $0x8, $0x38;
	[tilespmem:$0x1F5C0] =	vst v63  }
0x179: {  	_ =	swait.ge [sflag:s16], $0x8  }
0x17a: {  	[sflag:s16] =	ssyncset.done $0x0  }
0x17b: {  	[sflag:s16] =	ssyncadd.s32 $0xFFFFFFF8  }
0x17c: {  	_ =	swait.ge [sflag:s16], $0x8  }
0x17d: {  	[sflag:s16] =	ssyncset.done $0x0  }
0x17e: {  	[sflag:s16] =	ssyncadd.s32 $0xFFFFFFF8  }
0x17f: {  	_ =	swait.ge [sflag:s16], $0x8  }
0x180: {  	[sflag:s16] =	ssyncset.done $0x0  }
0x181: {  	[sflag:s16] =	ssyncadd.s32 $0xFFFFFFF8  }
0x182: {  	_ =	swait.ge [sflag:s16], $0x8  }
0x183: {  	[sflag:s16] =	ssyncset.done $0x0  }
0x184: {  	[sflag:s16] =	ssyncadd.s32 $0xFFFFFFF8  }
0x185: {  	_ =	swait.ge [sflag:s16], $0x8  }
0x186: {  	[sflag:s16] =	ssyncset.done $0x0  }
0x187: {  	[sflag:s16] =	ssyncadd.s32 $0xFFFFFFF8  }
0x188: {  	_ =	swait.ge [sflag:s16], $0x8  }
0x189: {  	[sflag:s16] =	ssyncset.done $0x0  }
0x18a: {  	[sflag:s16] =	ssyncadd.s32 $0xFFFFFFF8  }
0x18b: {  	_ =	swait.ge [sflag:s16], $0x8  }
0x18c: {  	[sflag:s16] =	ssyncset.done $0x0  }
0x18d: {  	[sflag:s16] =	ssyncadd.s32 $0xFFFFFFF8  }
0x18e: {  	_ =	swait.ge [sflag:s16], $0x8  }
0x18f: {  	[sflag:s16] =	ssyncset.done $0x0  }
0x190: {  	[sflag:s16] =	ssyncadd.s32 $0xFFFFFFF8  }
0x191: {  	_ =	swait.ge [sflag:s16], $0x8  }
0x192: {  	[sflag:s16] =	ssyncset.done $0x0  }
0x193: {  	[sflag:s16] =	ssyncadd.s32 $0xFFFFFFF8  }
0x194: {  	_ =	swait.ge [sflag:s16], $0x8  }
0x195: {  	[sflag:s16] =	ssyncset.done $0x0  }
0x196: {  	[sflag:s16] =	ssyncadd.s32 $0xFFFFFFF8  }
0x197: {  	_ =	swait.ge [sflag:s16], $0x8  }
0x198: {  	[sflag:s16] =	ssyncset.done $0x0  }
0x199: {  	[sflag:s16] =	ssyncadd.s32 $0xFFFFFFF8  }
0x19a: {  	_ =	swait.ge [sflag:s16], $0x8  }
0x19b: {  	[sflag:s16] =	ssyncset.done $0x0  }
0x19c: {  	[sflag:s16] =	ssyncadd.s32 $0xFFFFFFF8  }
0x19d: {  	_ =	swait.ge [sflag:s16], $0x8  }
0x19e: {  	[sflag:s16] =	ssyncset.done $0x0  }
0x19f: {  	[sflag:s16] =	ssyncadd.s32 $0xFFFFFFF8  }
0x1a0: {  	_ =	swait.ge [sflag:s16], $0x8  }
0x1a1: {  	[sflag:s16] =	ssyncset.done $0x0  }
0x1a2: {  	[sflag:s16] =	ssyncadd.s32 $0xFFFFFFF8  }
0x1a3: {  	_ =	swait.ge [sflag:s16], $0x8  }
0x1a4: {  	[sflag:s16] =	ssyncset.done $0x0  }
0x1a5: {  	[sflag:s16] =	ssyncadd.s32 $0xFFFFFFF8  }
0x1a6: {  	_ =	swait.ge [sflag:s16], $0x8  }
0x1a7: {  	[sflag:s16] =	ssyncset.done $0x0  }
0x1a8: {  	s12 =	simm.s32 $0xBC00;
	s9 =	rddreg [dreg:$0x1d];
	[sflag:s16] =	ssyncadd.s32 $0xFFFFFFF8  }
0x1a9: {  	[spmem:s9] =	stream.linear.scatter [tilespmem:s12], [sflag:$0x1A], $0x80, $0x38;
	[tilespmem:$0x1F5C0] =	vst v63  }
0x1aa: {  	s12 =	simm.s32 $0x1A  }
0x1ab: {  	_ =	swait.ge [sflag:s12], $0x80  }
0x1ac: {  	[sflag:s12] =	ssyncset.done $0x0  }
0x1ad: {  	[sflag:s12] =	ssyncadd.s32 $0xFFFFFF80  }
0x1ae: {  	[smem:s7], [sflag:$0x1A] =	stream.linear.gather [spmem:s9], $0x80, $0x38;
	[tilespmem:$0x1F5C0] =	vst v63  }
0x1af: {  	_ =	swait.ge [sflag:s12], $0x80  }
0x1b0: {  	s21 =	ssub.s32 s26, s21;
	s26 =	sld [smem:$0x7C7]  }
0x1b1: {  	s0 =	ssub.s32 s15, s0;
	s17 =	ssub.s32 s28, s17;
	s28 =	sld [smem:$0x7C8]  }
0x1b2: {  	s13 =	ssub.s32 s13, s20;
	[sflag:s12] =	ssyncset.done $0x0;
	s15 =	sld [smem:$0x7CB]  }
0x1b3: {  	s4 =	ssub.s32 s25, s4;
	s20 =	sld [smem:$0x7CE];
	[sflag:s12] =	ssyncadd.s32 $0xFFFFFF80  }
0x1b4: {  	s4 =	sld [smem:s4+$0x78]  }
0x1b5: {  	s9 =	sld [smem:s17+$0x70]  }
0x1b6: {  	s12 =	sld [smem:s21+$0x68]  }
0x1b7: {  	s22 =	ssub.s32 s22, s31;
	s13 =	sld [smem:s13+$0x60]  }
0x1b8: {  	s25 =	sld [smem:s22+$0x58]  }
0x1b9: {  	s0 =	sld [smem:s0+$0x50]  }
0x1ba: {  	s21 =	sld [smem:$0x7CF]  }
0x1bb: {  	s22 =	sld [smem:$0x7D0]  }
0x1bc: {  	s17 =	ssub.s32 s26, s28;
	s26 =	sld [smem:$0x7D2]  }
0x1bd: {  	s28 =	sld [smem:$0x7D3]  }
0x1be: {  	s3 =	ssub.s32 s15, s3;
	s15 =	sld [smem:$0x7D6]  }
0x1bf: {  	s31 =	sld [smem:s17+$0x0]  }
0x1c0: {  	s17 =	sld [smem:$0x7CC]  }
0x1c1: {  	s3 =	sld [smem:s3+$0x30]  }
0x1c2: {  	p4 =	sgt.s32 s13, $0x138F;
	s13 =	sld [smem:$0x7C9]  }
0x1c3: {  	p1 =	sgt.s32 s9, $0x138F;
	p2 =	sgt.s32 s12, $0x138F;
	s12 =	sld [smem:$0x7CA]  }
0x1c4: {  	s9 =	ssub.s32 s5, s11;
	s11 =	ssub.s32 s29, s19;
	s19 =	sld [smem:$0x7CD]  }
0x1c5: {  	p5 =	sgt.s32 s25, $0x138F;
	s25 =	sld [smem:$0x7D1]  }
0x1c6: {  	p0 =	sgt.s32 s4, $0x138F;
	s29 =	sld [smem:$0x7D4]  }
0x1c7: {  	p6 =	sgt.s32 s0, $0x138F;
	s4 =	simm.s32 @!p0 $0x0;
	s5 =	sld [smem:s11+$0x40]  }
0x1c8: {  	s11 =	ssub.s32 s26, s28;
	p3 =	sgt.s32 s31, $0x138F;
	s31 =	sld [smem:$0x7D5]  }
0x1c9: {  	s7 =	simm.s32 @!p1 $0x0;
	s4 =	simm.s32 @p0 $0x1;
	s11 =	sld [smem:s11+$0x18]  }
0x1ca: {  	s0 =	simm.s32 @!p6 $0x0;
	s7 =	simm.s32 @p1 $0x1;
	[smem:$0x7E7] =	sst s4  }
0x1cb: {  	s6 =	smov.u32 @p0 s23;
	s0 =	simm.s32 @p6 $0x1;
	[smem:$0x7E5] =	sst s7  }
0x1cc: {  	s6 =	smov.u32 @p1 s24;
	[smem:$0x7DF] =	sst s0  }
0x1cd: {  	s7 =	simm.s32 @!p2 $0x0;
	s0 =	sld [smem:s9+$0x48];
	s9 =	ssub.s32 s20, s21  }
0x1ce: {  	s4 =	simm.s32 @!p3 $0x0;
	s6 =	smov.u32 @p2 s18;
	s9 =	sld [smem:s9+$0x8]  }
0x1cf: {  	s7 =	simm.s32 @p2 $0x1;
	p2 =	sgt.s32 s3, $0x138F;
	s3 =	sld [smem:$0x7DE]  }
0x1d0: {  	s4 =	simm.s32 @p3 $0x1;
	s26 =	sld [smem:$0x7E5]  }
0x1d1: {  	s6 =	smov.u32 @p4 s1;
	[smem:$0x7E3] =	sst s7;
	s7 =	simm.s32 @!p4 $0x0  }
0x1d2: {  	[smem:$0x7E6] =	sst s4;
	s4 =	sadd.s32 $0x1, s13;
	s6 =	smov.u32 @p5 s2  }
0x1d3: {  	s7 =	simm.s32 @p4 $0x1;
	s4 =	smov.u32 @p3 s10;
	s10 =	ssub.s32 s22, s25  }
0x1d4: {  	s6 =	smov.u32 @p6 s14;
	p6 =	sgt.s32 s11, $0x138F;
	s11 =	sld [smem:$0x7D9]  }
0x1d5: {  	[smem:$0x7E1] =	sst s7;
	s7 =	simm.s32 @!p5 $0x0;
	p0 =	sgt.s32 s9, $0x138F  }
0x1d6: {  	s10 =	sld [smem:s10+$0x10];
	s7 =	simm.s32 @p5 $0x1;
	s9 =	simm.s32 @!p0 $0x0  }
0x1d7: {  	[smem:$0x7E0] =	sst s7;
	s7 =	ssub.s32 s12, s8;
	s9 =	simm.s32 @p0 $0x1  }
0x1d8: {  	s8 =	ssub.s32 s17, s19;
	[smem:$0x7E4] =	sst s9;
	s9 =	sadd.s32 $0x1, s15  }
0x1d9: {  	s17 =	sld [smem:$0x7D7];
	s9 =	smov.u32 @p0 s4;
	p0 =	sgt.s32 s10, $0x138F  }
0x1da: {  	s12 =	ssub.s32 s29, s31;
	s8 =	sld [smem:s8+$0x28];
	s10 =	simm.s32 @!p0 $0x0  }
0x1db: {  	s12 =	sld [smem:s12+$0x20];
	s10 =	simm.s32 @p0 $0x1  }
0x1dc: {  	[smem:$0x7E2] =	sst s10  }
0x1dd: {  	s10 =	sld [smem:$0x7D8]  }
0x1de: {  	s22 =	sld [smem:$0x7E3];
	s4 =	sadd.s32 $0x1, s17  }
0x1df: {  	s4 =	smov.u32 @p0 s9;
	p5 =	sgt.s32 s12, $0x138F;
	s12 =	sld [smem:$0x7DA]  }
0x1e0: {  	p4 =	sgt.s32 s8, $0x138F;
	s8 =	sld [smem:$0x7DB];
	s9 =	sadd.s32 $0x1, s10  }
0x1e1: {  	s28 =	sld [smem:$0x7E6];
	s9 =	smov.u32 @p6 s4;
	s4 =	sadd.s32 $0x1, s11  }
0x1e2: {  	s19 =	sld [smem:$0x7DC];
	s4 =	smov.u32 @p5 s9;
	s9 =	sadd.s32 $0x1, s12  }
0x1e3: {  	s7 =	sld [smem:s7+$0x38];
	s9 =	smov.u32 @p4 s4;
	s4 =	sadd.s32 $0x1, s8  }
0x1e4: {  	s4 =	smov.u32 @p2 s9;
	s9 =	sld [smem:$0x7DD]  }
0x1e5: {  	s20 =	sld [smem:$0x7E1]  }
0x1e6: {  	p1 =	sgt.s32 s5, $0x138F;
	p3 =	sgt.s32 s0, $0x138F;
	s29 =	sld [smem:$0x7E7]  }
0x1e7: {  	s6 =	smov.u32 @p3 s19;
	p0 =	sgt.s32 s7, $0x138F;
	s0 =	sadd.s32 $0x1, s9  }
0x1e8: {  	s6 =	smov.u32 @p1 s3;
	s3 =	sadd.s32 $0x1, s3;
	s0 =	smov.u32 @p0 s4  }
0x1e9: {  	s31 =	sld [smem:$0x7E8];
	s3 =	smov.u32 @p1 s0;
	s0 =	sadd.s32 $0x1, s19  }
0x1ea: {  	s0 =	smov.u32 @p3 s3;
	s3 =	sadd.s32 $0x1, s14;
	s14 =	sld [smem:$0x7DF]  }
0x1eb: {  	s6 =	smov.u32 @p0 s9;
	s19 =	sld [smem:$0x7E0]  }
0x1ec: {  	s1 =	sadd.s32 $0x1, s1;
	s25 =	sld [smem:$0x7E4];
	s6 =	smov.u32 @p2 s8  }
0x1ed: {  	s21 =	sld [smem:$0x7E2];
	s6 =	smov.u32 @p4 s12;
	p0 =	seq.s32 s14, $0x1  }
0x1ee: {  	s3 =	smov.u32 @p0 s0;
	s0 =	sadd.s32 $0x1, s2;
	p0 =	seq.s32 s19, $0x1  }
0x1ef: {  	s6 =	smov.u32 @p5 s11;
	s0 =	smov.u32 @p0 s3;
	p0 =	seq.s32 s20, $0x1  }
0x1f0: {  	s6 =	smov.u32 @p6 s10;
	s1 =	smov.u32 @p0 s0;
	p0 =	seq.s32 s21, $0x1  }
0x1f1: {  	s0 =	sadd.s32 $0x1, s18;
	s6 =	smov.u32 @p0 s17;
	p0 =	seq.s32 s22, $0x1  }
0x1f2: {  	p1 =	sne.s32 s31, $0x1;
	s0 =	smov.u32 @p0 s1;
	p0 =	seq.s32 s25, $0x1  }
0x1f3: {  	s1 =	sadd.s32 $0x1, s24;
	s6 =	smov.u32 @p0 s15;
	p0 =	seq.s32 s26, $0x1  }
.Ltmp3:
0x1f4: {  	s1 =	smov.u32 @p0 s0;
	p0 =	seq.s32 s28, $0x1;
	(pc) =	sbr.rel @p1 .LBB2_4-.Ltmp3, $4  }
0x1f5: {  	s0 =	sadd.s32 $0x1, s23;
	s6 =	smov.u32 @p0 s13;
	p0 =	seq.s32 s29, $0x1  }
0x1f6: {  	s0 =	smov.u32 @p0 s1  }
0x1f7: {  	s10 =	smov.u32 s6;
	p0 =	slt.s32 s0, s6  }
0x1f8: {  	s1 =	sadd.s32 $0xFFFFFFFF, s31;
	s10 =	smov.u32 @p0 s0  }
0x1f9: {  	s0 =	smulhi.u32 $0x66666667, s10;
	s1 =	sshra.s32 s10, $0x1F  }
0x1fa: {  	s2 =	sadd.s32 $0x27, s10;
	s1 =	smul.u32 $0x66666667, s1  }
0x1fb: {  	s3 =	smulhi.u32 $0x66666667, s2;
	s4 =	sshra.s32 s2, $0x1F  }
0x1fc: {  	s4 =	smul.u32 $0x66666667, s4  }
0x1fd: {  	s0 =	sadd.s32 s1, s0  }
0x1fe: {  	s1 =	sshrl.u32 s0, $0x1F;
	s0 =	sshra.s32 s0, $0x4;
	s3 =	sadd.s32 s4, s3  }
0x1ff: {  	s0 =	sadd.s32 s1, s0;
	s20 =	sshrl.u32 s3, $0x1F;
	s3 =	sshra.s32 s3, $0x4  }
0x200: {  	s21 =	smul.u32 $0xFFFFFFD8, s0;
	s3 =	sadd.s32 s20, s3  }
0x201: {  	s22 =	ssub.s32 $0x0, s10;
	s5 =	smul.u32 $0xFFFFFFD8, s3  }
0x202: {  	p0 =	slt.s32 s10, $0x1;
	s23 =	ssub.s32 $0xFFFFFFD9, s10;
	s24 =	sld [smem:$0x7EA]  }
0x203: {  	p6 =	slt.s32 s2, $0x1;
	p1 =	sne.s32 s21, s22;
	p2 =	sne.s32 s5, s23  }
0x204: {  	s2 =	simm.s32 $0x1;
	p0 =	por !p0, !p1;
	p1 =	por !p6, !p2  }
0x205: {  	s1 =	simm.s32 $0x1;
	p0 =	por !p0, !p0;
	p1 =	por !p1, !p1  }
0x206: {  	s1 =	simm.s32 @!p0 $0x0;
	s2 =	simm.s32 @!p1 $0x0  }
0x207: {  	p0 =	seq.s32 s24, $0x1;
	s1 =	ssub.s32 s0, s1;
	s0 =	ssub.s32 s3, s2  }
0x208: {  	s1 =	simm.s32 @p0 $0x0;
	s0 =	simm.s32 @!p0 $0x1F40  }
0x209: {  	s12 =	stileid.u32;
	s0 =	ssub.s32 s0, s1  }
0x20a: {  	s29 =	rddreg [dreg:$0x1e];
	s25 =	smul.u32 s12, s0  }
0x20b: {  	s0 =	smul.u32 s29, s0  }
0x20c: {  	s26 =	sshra.s32 s25, $0x1F  }
0x20d: {  	s28 =	sand.u32 $0xF, s25;
	p3 =	slt.s32 s25, $0x1;
	s31 =	sand.u32 $0xF, s0  }
0x20e: {  	s4 =	sshra.s32 s0, $0x1F;
	p5 =	slt.s32 s0, $0x1;
	s3 =	sshrl.u32 s26, $0x1C  }
0x20f: {  	p4 =	sne.s32 s28, $0x0;
	p6 =	sne.s32 s31, $0x0;
	s4 =	sshrl.u32 s4, $0x1C  }
0x210: {  	s2 =	sadd.s32 s3, s25;
	p0 =	por !p3, !p4;
	s3 =	simm.s32 $0x1  }
0x211: {  	s0 =	sadd.s32 s4, s0;
	p2 =	por !p0, !p0;
	p0 =	por !p5, !p6  }
0x212: {  	s4 =	simm.s32 $0x1;
	s2 =	sshra.s32 s2, $0x4;
	p0 =	por !p0, !p0  }
0x213: {  	s0 =	sshra.s32 s0, $0x4;
	s3 =	simm.s32 @!p2 $0x0;
	s4 =	simm.s32 @!p0 $0x0  }
0x214: {  	s3 =	ssub.s32 s2, s3;
	s0 =	ssub.s32 s0, s4  }
0x215: {  	s6 =	ssub.s32 s0, s3  }
0x216: {  	s0 =	sadd.s32 s1, s3;
	p1 =	slt.s32 s6, $0x1  }
0x217: {  	s3 =	smul.u32 @!p1 $0x1400, s0  }
0x218: {  	s5 =	simm.s32 @!p2 $0x0  }
0x219: {  	s10 =	rddreg [dreg:$0x0];
	s5 =	simm.s32 @p2 $0x1;
	s3 =	sshrl.u32 @!p1 s3, $0x3  }
0x21a: {  	s0 =	smul.u32 @!p1 $0x28, s0;
	s4 =	simm.s32 @!p1 $0x0;
	s3 =	sadd.s32 @!p1 s10, s3  }
0x21b: {  	[tilespmem:s4], [sflag:$0x1] =	stream.linear.gather @!p1 [hbm4b:s3+s4], $0x1400, $0x38;
	[tilespmem:$0x1F5C0] =	vst v63  }
0x21c: {  	[smem:$0x7C5] =	sst s5;
	p0 =	seq.s32 @!p1 s6, $0x1;
	s3 =	sshrl.u32 @!p1 s0, $0x3  }
0x21d: {  	s5 =	simm.s32 @!p1 $0xA000;
	p2 =	por p1, p0;
	s3 =	sadd.s32 @!p1 s30, s3  }
0x21e: {  	[tilespmem:s5], [sflag:$0x9] =	stream.linear.gather @!p1 [hbm4b:s3+s4], $0x28, $0x38;
	[tilespmem:$0x1F5C0] =	vst v63  }
0x21f: {  	p0 =	slt.u32 @!p2 s6, $0x3;
	s3 =	sadd.s32 @!p2 $0x28, s0  }
0x220: {  	s7 =	simm.s32 @!p2 $0x1400;
	p0 =	por p2, p0;
	s4 =	sshll.u32 @!p2 s3, $0x4  }
0x221: {  	s5 =	simm.s32 @!p2 $0x0;
	s3 =	sshrl.u32 @!p2 s3, $0x3;
	s4 =	sadd.s32 @!p2 s10, s4  }
0x222: {  	[tilespmem:s7], [sflag:$0x2] =	stream.linear.gather @!p2 [hbm4b:s4+s5], $0x1400, $0x38;
	[tilespmem:$0x1F5C0] =	vst v63  }
.Ltmp4:
0x223: {  	s3 =	sadd.s32 @!p2 s30, s3;
	s4 =	simm.s32 @!p2 $0xA080;
	(pc) =	sbr.rel @p0 .LBB2_6-.Ltmp4, $4  }
0x224: {  	[tilespmem:s4], [sflag:$0xA] =	stream.linear.gather @!p2 [hbm4b:s3+s5], $0x28, $0x38;
	[tilespmem:$0x1F5C0] =	vst v63  }
0x225: {  	s3 =	simm.s32 @!p1 $0x0  }
0x226: {  	s3 =	simm.s32 @p1 $0x1  }
0x227: {  	[smem:$0x7C6] =	sst s3  }
0x228: {  	s3 =	sadd.s32 $0x50, s0  }
0x229: {  	s5 =	simm.s32 $0x0;
	s4 =	sshll.u32 s3, $0x4  }
0x22a: {  	s7 =	simm.s32 $0x2800;
	s3 =	sshrl.u32 s3, $0x3;
	s4 =	sadd.s32 s10, s4  }
0x22b: {  	[tilespmem:s7], [sflag:$0x3] =	stream.linear.gather [hbm4b:s4+s5], $0x1400, $0x38;
	[tilespmem:$0x1F5C0] =	vst v63  }
0x22c: {  	s31 =	simm.s32 $0xA100;
	p2 =	seq.s32 s6, $0x3;
	s3 =	sadd.s32 s30, s3  }
0x22d: {  	[tilespmem:s31], [sflag:$0xB] =	stream.linear.gather [hbm4b:s3+s5], $0x28, $0x38;
	[tilespmem:$0x1F5C0] =	vst v63  }
0x22e: {  	p0 =	slt.u32 @!p2 s6, $0x5;
	s3 =	sadd.s32 @!p2 $0x78, s0  }
0x22f: {  	p1 =	por p0, p2;
	s7 =	simm.s32 @!p2 $0x3C00;
	s4 =	sshll.u32 @!p2 s3, $0x4  }
0x230: {  	s5 =	simm.s32 @!p2 $0x0;
	s3 =	sshrl.u32 @!p2 s3, $0x3;
	s4 =	sadd.s32 @!p2 s10, s4  }
0x231: {  	[tilespmem:s7], [sflag:$0x4] =	stream.linear.gather @!p2 [hbm4b:s4+s5], $0x1400, $0x38;
	[tilespmem:$0x1F5C0] =	vst v63  }
0x232: {  	p4 =	seq.s32 @!p1 s6, $0x5;
	s3 =	sadd.s32 @!p2 s30, s3;
	s4 =	simm.s32 @!p2 $0xA180  }
0x233: {  	[tilespmem:s4], [sflag:$0xC] =	stream.linear.gather @!p2 [hbm4b:s3+s5], $0x28, $0x38;
	[tilespmem:$0x1F5C0] =	vst v63  }
0x234: {  	p3 =	por @!p1 $0x1, $0x1;
	p5 =	por @!p2 p4, p0;
	s3 =	sadd.s32 @!p1 $0xA0, s0  }
0x235: {  	p5 =	por p5, p2;
	s7 =	simm.s32 @!p1 $0x5000;
	s4 =	sshll.u32 @!p1 s3, $0x4  }
0x236: {  	s5 =	simm.s32 @!p1 $0x0;
	s3 =	sshrl.u32 @!p1 s3, $0x3;
	s4 =	sadd.s32 @!p1 s10, s4  }
0x237: {  	[tilespmem:s7], [sflag:$0x5] =	stream.linear.gather @!p1 [hbm4b:s4+s5], $0x1400, $0x38;
	[tilespmem:$0x1F5C0] =	vst v63  }
0x238: {  	s0 =	sadd.s32 @!p5 $0xC8, s0;
	s3 =	sadd.s32 @!p1 s30, s3;
	s4 =	simm.s32 @!p1 $0xA200  }
0x239: {  	[tilespmem:s4], [sflag:$0xD] =	stream.linear.gather @!p1 [hbm4b:s3+s5], $0x28, $0x38;
	[tilespmem:$0x1F5C0] =	vst v63  }
0x23a: {  	p6 =	por @!p2 !p4, p0;
	s3 =	sshll.u32 @!p5 s0, $0x4;
	s4 =	simm.s32 @!p5 $0x0  }
0x23b: {  	s5 =	simm.s32 @!p5 $0x6400;
	s0 =	sshrl.u32 @!p5 s0, $0x3;
	s3 =	sadd.s32 @!p5 s10, s3  }
0x23c: {  	[tilespmem:s5], [sflag:$0x6] =	stream.linear.gather @!p5 [hbm4b:s3+s4], $0x1400, $0x38;
	[tilespmem:$0x1F5C0] =	vst v63  }
0x23d: {  	p0 =	por !p0, p2;
	s0 =	sadd.s32 @!p5 s30, s0;
	s3 =	simm.s32 @!p5 $0xA280  }
0x23e: {  	[tilespmem:s3], [sflag:$0xE] =	stream.linear.gather @!p5 [hbm4b:s0+s4], $0x28, $0x38;
	[tilespmem:$0x1F5C0] =	vst v63  }
0x23f: {  	p6 =	por !p6, p2;
	p1 =	por @!p1 $0x0, $0x0;
	p5 =	por @!p5 $0x1, $0x1  }
0x240: {  	p3 =	por @!p6 p5, p5;
	p1 =	por @!p6 p5, p5;
	p5 =	por @!p2 $0x0, $0x0  }
0x241: {  	p6 =	por @!p2 $0x1, $0x1;
	p4 =	por p3, p3;
	p1 =	por @!p0 p5, p5  }
0x242: {  	p3 =	por @!p0 p5, p5;
	p4 =	por @!p0 p6, p6;
	p0 =	por $0x0, $0x0  }
0x243: {  	s11 =	rddreg [dreg:$0x4];
	p0 =	por @!p2 p1, p1  }
.Ltmp5:
0x244: {  	p5 =	por $0x0, $0x0;
	s0 =	simm.s32 @!p0 $0x0;
	(pc) =	sbr.rel .LBB2_8-.Ltmp5, $4  }
0x245: {  	p5 =	por @!p2 p4, p4;
	p1 =	por $0x1, $0x1;
	s0 =	simm.s32 @p0 $0x1  }
0x246: {  	p1 =	por @!p2 p4, p4;
	[smem:$0x7C3] =	sst s0;
	s0 =	simm.s32 @!p5 $0x0  }
0x247: {  	p0 =	por $0x1, $0x1;
	s0 =	simm.s32 @p5 $0x1;
	p5 =	por $0x0, $0x0  }
0x248: {  	p0 =	por @!p2 p4, p4;
	[smem:$0x7C4] =	sst s0;
	p5 =	por @!p2 p3, p3  }
.LBB2_6:
0x249: {  	p0 =	por @!p1 $0x0, $0x0;
	p5 =	por $0x0, $0x0  }
0x24a: {  	p5 =	por @!p1 p0, p0  }
0x24b: {  	p4 =	por @!p2 $0x0, $0x0;
	p0 =	por p5, p5  }
0x24c: {  	p0 =	por @!p2 p4, p4  }
0x24d: {  	s11 =	rddreg [dreg:$0x4];
	p3 =	por p5, p5;
	s0 =	simm.s32 @!p0 $0x0  }
0x24e: {  	p1 =	por @!p2 $0x1, $0x1;
	p3 =	por @!p2 p4, p4;
	s0 =	simm.s32 @p0 $0x1  }
0x24f: {  	p0 =	por p5, p5;
	[smem:$0x7C3] =	sst s0;
	s0 =	simm.s32 @!p3 $0x0  }
0x250: {  	p0 =	por @!p2 p1, p1;
	p1 =	por p5, p5;
	s0 =	simm.s32 @p3 $0x1  }
0x251: {  	p5 =	por @!p2 p4, p4;
	p1 =	por @!p2 p4, p4;
	[smem:$0x7C4] =	sst s0  }
.LBB2_8:
0x252: {  	s0 =	sadd.s32 $0x7, s6  }
0x253: {  	s3 =	sand.u32 $0x7, s0  }
0x254: {  	p2 =	slt.s32 s6, $0xFFFFFFFA;
	s4 =	sshra.s32 s0, $0x1F;
	p3 =	sne.s32 s3, $0x0  }
0x255: {  	s31 =	sshrl.u32 s4, $0x1D;
	p2 =	por !p2, !p3  }
0x256: {  	s3 =	simm.s32 $0x1;
	s0 =	sadd.s32 s31, s0;
	p2 =	por !p2, !p2  }
0x257: {  	s0 =	sshra.s32 s0, $0x3;
	s3 =	simm.s32 @!p2 $0x0  }
0x258: {  	s0 =	ssub.s32 s0, s3  }
0x259: {  	p2 =	slt.s32 s0, $0x1  }
.Ltmp6:
0x25a: {  	_ = 	snop;
	(pc) =	sbr.rel @p2 .LBB2_11-.Ltmp6, $2  }
0x25b: {  	_ =	sdelay $0x1  }
0x25c: {  	[bflag:$0x0] =	sbarrier.arrive $0xFFFF;
	_ =	sdelay $0x1  }
0x25d: {  	s3 =	simm.s32 $0xFFFFFFFF;
	s4 =	sld [smem:$0x7C5]  }
0x25e: {  	s20 =	sadd.s32 $0xFFFFFFFF, s6;
	s21 =	sadd.s32 $0xFFFFFFFE, s6;
	s5 =	smul.u32 $0x1400, s1  }
0x25f: {  	s22 =	sadd.s32 $0xFFFFFFFD, s6;
	s7 =	smul.u32 $0x1400, s2;
	[dreg:$0x15] =	wrdreg s20  }
0x260: {  	s23 =	sadd.s32 $0xFFFFFFFC, s6;
	s24 =	sadd.s32 $0xFFFFFFFB, s6;
	[dreg:$0x16] =	wrdreg s21  }
0x261: {  	s25 =	smul.u32 $0x28, s1;
	[dreg:$0x17] =	wrdreg s22;
	p2 =	seq.s32 s4, $0x1  }
0x262: {  	s28 =	smul.u32 $0x28, s2;
	[dreg:$0x18] =	wrdreg s23;
	s3 =	simm.s32 @!p2 $0x0  }
0x263: {  	s26 =	sadd.s32 $0xFFFFFFFA, s6;
	[dreg:$0x19] =	wrdreg s24;
	s8 =	smul.u32 $0x1400, s3  }
0x264: {  	s29 =	sadd.s32 $0xFFFFFFF9, s6;
	[dreg:$0x1a] =	wrdreg s26;
	s3 =	smul.u32 $0x28, s3  }
0x265: {  	[dreg:$0x1b] =	wrdreg s29;
	s31 =	sadd.s32 s7, s5;
	s2 =	sadd.s32 s28, s25  }
0x266: {  	s1 =	sadd.s32 s8, s31;
	s2 =	sadd.s32 s3, s2;
	s3 =	simm.s32 $0xD  }
.LBB2_10:
0x267: {  	s4 =	sadd.s32 $0xFFFFFFF3, s3  }
0x268: {  	p4 =	sge.s32 s4, s6  }
0x269: {  	s5 =	simm.s32 @!p4 $0x1  }
0x26a: {  	_ =	swait.ge @!p4 [sflag:s5], $0x1400  }
0x26b: {  	[sflag:s5] =	ssyncset.done @!p4 $0x0  }
0x26c: {  	[sflag:s5] =	ssyncadd.s32 @!p4 $0xFFFFEC00;
	s5 =	simm.s32 @!p4 $0x9  }
0x26d: {  	_ =	swait.ge @!p4 [sflag:s5], $0x28  }
0x26e: {  	s7 =	simm.s32 @!p4 $0xA000;
	[sflag:s5] =	ssyncset.done @!p4 $0x0  }
0x26f: {  	s8 =	simm.s32 @!p4 $0x0;
	[sflag:s5] =	ssyncadd.s32 @!p4 $0xFFFFFFD8;
	s5 =	simm.s32 @!p4 $0x28  }
0x270: {  	[spmem:s11] =	stream.indirect.scatter.add.f32 @!p4 [tilespmem:s8], [sflag:$0x11], $0x80, s7, s5, $0xb8;
	[tilespmem:$0x1F5C0] =	vst v63  }
0x271: {  	s5 =	sadd.s32 @!p4 $0xFFFFFFF9, s3  }
0x272: {  	p3 =	sge.s32 @!p4 s5, s6  }
0x273: {  	p2 =	por p3, p4  }
0x274: {  	p6 =	seq.s32 @!p2 s3, $0xD  }
0x275: {  	p3 =	por @!p4 p6, p3  }
0x276: {  	p3 =	por p3, p4  }
0x277: {  	s5 =	simm.s32 @!p3 $0x17  }
0x278: {  	s7 =	sadd.s32 @!p2 $0x7800, s1;
	s8 =	simm.s32 @!p2 $0x0;
	_ =	swait.ge @!p3 [sflag:s5], $0x1400  }
0x279: {  	s9 =	simm.s32 @!p2 $0x7800;
	s7 =	sshrl.u32 @!p2 s7, $0x3;
	[sflag:s5] =	ssyncset.done @!p3 $0x0  }
0x27a: {  	s7 =	sadd.s32 @!p2 s10, s7;
	[sflag:s5] =	ssyncadd.s32 @!p3 $0xFFFFEC00;
	s5 =	sadd.s32 @!p2 $0xF0, s2  }
0x27b: {  	[tilespmem:s9], [sflag:$0x7] =	stream.linear.gather @!p2 [hbm4b:s7+s8], $0x1400, $0x38;
	[tilespmem:$0x1F5C0] =	vst v63  }
0x27c: {  	s23 =	rddreg [dreg:$0x15];
	s5 =	sshrl.u32 @!p2 s5, $0x3  }
0x27d: {  	p4 =	sge.s32 s4, s23;
	s9 =	simm.s32 @!p2 $0xA300;
	s5 =	sadd.s32 @!p2 s30, s5  }
0x27e: {  	[tilespmem:s9], [sflag:$0xF] =	stream.linear.gather @!p2 [hbm4b:s5+s8], $0x28, $0x38;
	[tilespmem:$0x1F5C0] =	vst v63  }
0x27f: {  	s5 =	simm.s32 @!p4 $0x2  }
0x280: {  	_ =	swait.ge @!p4 [sflag:s5], $0x1400  }
0x281: {  	[sflag:s5] =	ssyncset.done @!p4 $0x0  }
0x282: {  	[sflag:s5] =	ssyncadd.s32 @!p4 $0xFFFFEC00;
	s5 =	simm.s32 @!p4 $0xA  }
0x283: {  	_ =	swait.ge @!p4 [sflag:s5], $0x28  }
0x284: {  	s7 =	simm.s32 @!p4 $0xA080;
	[sflag:s5] =	ssyncset.done @!p4 $0x0  }
0x285: {  	s8 =	simm.s32 @!p4 $0x1400;
	[sflag:s5] =	ssyncadd.s32 @!p4 $0xFFFFFFD8;
	s5 =	simm.s32 @!p4 $0x28  }
0x286: {  	[spmem:s11] =	stream.indirect.scatter.add.f32 @!p4 [tilespmem:s8], [sflag:$0x12], $0x80, s7, s5, $0xb8;
	[tilespmem:$0x1F5C0] =	vst v63  }
0x287: {  	s5 =	sadd.s32 @!p4 $0xFFFFFFFA, s3  }
0x288: {  	p3 =	sge.s32 @!p4 s5, s6  }
0x289: {  	p2 =	por p3, p4  }
0x28a: {  	p6 =	seq.s32 @!p2 s3, $0xD  }
0x28b: {  	p3 =	por @!p4 p6, p3  }
0x28c: {  	p3 =	por p3, p4  }
0x28d: {  	s5 =	simm.s32 @!p3 $0x18  }
0x28e: {  	s7 =	sadd.s32 @!p2 $0x8C00, s1;
	s8 =	simm.s32 @!p2 $0x0;
	_ =	swait.ge @!p3 [sflag:s5], $0x1400  }
0x28f: {  	s9 =	simm.s32 @!p2 $0x8C00;
	s7 =	sshrl.u32 @!p2 s7, $0x3;
	[sflag:s5] =	ssyncset.done @!p3 $0x0  }
0x290: {  	s7 =	sadd.s32 @!p2 s10, s7;
	[sflag:s5] =	ssyncadd.s32 @!p3 $0xFFFFEC00;
	s5 =	sadd.s32 @!p2 $0x118, s2  }
0x291: {  	[tilespmem:s9], [sflag:$0x8] =	stream.linear.gather @!p2 [hbm4b:s7+s8], $0x1400, $0x38;
	[tilespmem:$0x1F5C0] =	vst v63  }
0x292: {  	s5 =	sshrl.u32 @!p2 s5, $0x3  }
0x293: {  	s24 =	rddreg [dreg:$0x16];
	s9 =	simm.s32 @!p2 $0xA380;
	s5 =	sadd.s32 @!p2 s30, s5  }
0x294: {  	[tilespmem:s9], [sflag:$0x10] =	stream.linear.gather @!p2 [hbm4b:s5+s8], $0x28, $0x38;
	[tilespmem:$0x1F5C0] =	vst v63  }
0x295: {  	p2 =	sge.s32 s4, s24  }
0x296: {  	s5 =	simm.s32 @!p2 $0x3  }
0x297: {  	_ =	swait.ge @!p2 [sflag:s5], $0x1400  }
0x298: {  	[sflag:s5] =	ssyncset.done @!p2 $0x0  }
0x299: {  	[sflag:s5] =	ssyncadd.s32 @!p2 $0xFFFFEC00;
	s5 =	simm.s32 @!p2 $0xB  }
0x29a: {  	_ =	swait.ge @!p2 [sflag:s5], $0x28  }
0x29b: {  	s7 =	simm.s32 @!p2 $0xA100;
	[sflag:s5] =	ssyncset.done @!p2 $0x0  }
0x29c: {  	s8 =	simm.s32 @!p2 $0x2800;
	[sflag:s5] =	ssyncadd.s32 @!p2 $0xFFFFFFD8;
	s5 =	simm.s32 @!p2 $0x28  }
0x29d: {  	[spmem:s11] =	stream.indirect.scatter.add.f32 @!p2 [tilespmem:s8], [sflag:$0x13], $0x80, s7, s5, $0xb8;
	[tilespmem:$0x1F5C0] =	vst v63  }
0x29e: {  	s5 =	sadd.s32 @!p2 $0xFFFFFFFB, s3  }
0x29f: {  	p3 =	sge.s32 @!p2 s5, s6  }
0x2a0: {  	p2 =	por p3, p2  }
0x2a1: {  	s5 =	simm.s32 @!p2 $0x11  }
0x2a2: {  	_ =	swait.ge @!p2 [sflag:s5], $0x1400  }
0x2a3: {  	s7 =	sadd.s32 @!p2 $0xA000, s1;
	[sflag:s5] =	ssyncset.done @!p2 $0x0  }
0x2a4: {  	[sflag:s5] =	ssyncadd.s32 @!p2 $0xFFFFEC00;
	s5 =	sshrl.u32 @!p2 s7, $0x3  }
0x2a5: {  	s8 =	simm.s32 @!p2 $0x0;
	s7 =	sadd.s32 @!p2 $0x140, s2;
	s5 =	sadd.s32 @!p2 s10, s5  }
0x2a6: {  	[tilespmem:s8], [sflag:$0x1] =	stream.linear.gather @!p2 [hbm4b:s5+s8], $0x1400, $0x38;
	[tilespmem:$0x1F5C0] =	vst v63  }
0x2a7: {  	s5 =	sshrl.u32 @!p2 s7, $0x3  }
0x2a8: {  	s9 =	simm.s32 @!p2 $0xA000;
	s25 =	rddreg [dreg:$0x17];
	s5 =	sadd.s32 @!p2 s30, s5  }
0x2a9: {  	[tilespmem:s9], [sflag:$0x9] =	stream.linear.gather @!p2 [hbm4b:s5+s8], $0x28, $0x38;
	[tilespmem:$0x1F5C0] =	vst v63  }
0x2aa: {  	p2 =	sge.s32 s4, s25  }
0x2ab: {  	s5 =	simm.s32 @!p2 $0x4  }
0x2ac: {  	_ =	swait.ge @!p2 [sflag:s5], $0x1400  }
0x2ad: {  	[sflag:s5] =	ssyncset.done @!p2 $0x0  }
0x2ae: {  	[sflag:s5] =	ssyncadd.s32 @!p2 $0xFFFFEC00;
	s5 =	simm.s32 @!p2 $0xC  }
0x2af: {  	_ =	swait.ge @!p2 [sflag:s5], $0x28  }
0x2b0: {  	s7 =	simm.s32 @!p2 $0xA180;
	[sflag:s5] =	ssyncset.done @!p2 $0x0  }
0x2b1: {  	s8 =	simm.s32 @!p2 $0x3C00;
	[sflag:s5] =	ssyncadd.s32 @!p2 $0xFFFFFFD8;
	s5 =	simm.s32 @!p2 $0x28  }
0x2b2: {  	[spmem:s11] =	stream.indirect.scatter.add.f32 @!p2 [tilespmem:s8], [sflag:$0x14], $0x80, s7, s5, $0xb8;
	[tilespmem:$0x1F5C0] =	vst v63  }
0x2b3: {  	s5 =	sadd.s32 @!p2 $0xFFFFFFFC, s3  }
0x2b4: {  	p3 =	sge.s32 @!p2 s5, s6  }
0x2b5: {  	p2 =	por p3, p2  }
0x2b6: {  	s5 =	simm.s32 @!p2 $0x12  }
0x2b7: {  	s7 =	sadd.s32 @!p2 $0xB400, s1;
	s8 =	simm.s32 @!p2 $0x0;
	_ =	swait.ge @!p2 [sflag:s5], $0x1400  }
0x2b8: {  	s9 =	simm.s32 @!p2 $0x1400;
	s7 =	sshrl.u32 @!p2 s7, $0x3;
	[sflag:s5] =	ssyncset.done @!p2 $0x0  }
0x2b9: {  	s7 =	sadd.s32 @!p2 s10, s7;
	[sflag:s5] =	ssyncadd.s32 @!p2 $0xFFFFEC00;
	s5 =	sadd.s32 @!p2 $0x168, s2  }
0x2ba: {  	[tilespmem:s9], [sflag:$0x2] =	stream.linear.gather @!p2 [hbm4b:s7+s8], $0x1400, $0x38;
	[tilespmem:$0x1F5C0] =	vst v63  }
0x2bb: {  	s5 =	sshrl.u32 @!p2 s5, $0x3  }
0x2bc: {  	s26 =	rddreg [dreg:$0x18];
	s9 =	simm.s32 @!p2 $0xA080;
	s5 =	sadd.s32 @!p2 s30, s5  }
0x2bd: {  	[tilespmem:s9], [sflag:$0xA] =	stream.linear.gather @!p2 [hbm4b:s5+s8], $0x28, $0x38;
	[tilespmem:$0x1F5C0] =	vst v63  }
0x2be: {  	p2 =	sge.s32 s4, s26  }
0x2bf: {  	s5 =	simm.s32 @!p2 $0x5  }
0x2c0: {  	_ =	swait.ge @!p2 [sflag:s5], $0x1400  }
0x2c1: {  	[sflag:s5] =	ssyncset.done @!p2 $0x0  }
0x2c2: {  	[sflag:s5] =	ssyncadd.s32 @!p2 $0xFFFFEC00;
	s5 =	simm.s32 @!p2 $0xD  }
0x2c3: {  	_ =	swait.ge @!p2 [sflag:s5], $0x28  }
0x2c4: {  	s7 =	simm.s32 @!p2 $0xA200;
	[sflag:s5] =	ssyncset.done @!p2 $0x0  }
0x2c5: {  	s8 =	simm.s32 @!p2 $0x5000;
	[sflag:s5] =	ssyncadd.s32 @!p2 $0xFFFFFFD8;
	s5 =	simm.s32 @!p2 $0x28  }
0x2c6: {  	[spmem:s11] =	stream.indirect.scatter.add.f32 @!p2 [tilespmem:s8], [sflag:$0x15], $0x80, s7, s5, $0xb8;
	[tilespmem:$0x1F5C0] =	vst v63  }
0x2c7: {  	s5 =	sadd.s32 @!p2 $0xFFFFFFFD, s3  }
0x2c8: {  	p3 =	sge.s32 @!p2 s5, s6  }
0x2c9: {  	p2 =	por p3, p2  }
0x2ca: {  	s5 =	simm.s32 @!p2 $0x13  }
0x2cb: {  	s7 =	sadd.s32 @!p2 $0xC800, s1;
	s8 =	simm.s32 @!p2 $0x0;
	_ =	swait.ge @!p2 [sflag:s5], $0x1400  }
0x2cc: {  	s9 =	simm.s32 @!p2 $0x2800;
	s7 =	sshrl.u32 @!p2 s7, $0x3;
	[sflag:s5] =	ssyncset.done @!p2 $0x0  }
0x2cd: {  	s7 =	sadd.s32 @!p2 s10, s7;
	[sflag:s5] =	ssyncadd.s32 @!p2 $0xFFFFEC00;
	s5 =	sadd.s32 @!p2 $0x190, s2  }
0x2ce: {  	[tilespmem:s9], [sflag:$0x3] =	stream.linear.gather @!p2 [hbm4b:s7+s8], $0x1400, $0x38;
	[tilespmem:$0x1F5C0] =	vst v63  }
0x2cf: {  	s5 =	sshrl.u32 @!p2 s5, $0x3  }
0x2d0: {  	s28 =	rddreg [dreg:$0x19];
	s9 =	simm.s32 @!p2 $0xA100;
	s5 =	sadd.s32 @!p2 s30, s5  }
0x2d1: {  	[tilespmem:s9], [sflag:$0xB] =	stream.linear.gather @!p2 [hbm4b:s5+s8], $0x28, $0x38;
	[tilespmem:$0x1F5C0] =	vst v63  }
0x2d2: {  	p2 =	sge.s32 s4, s28  }
0x2d3: {  	s5 =	simm.s32 @!p2 $0x6  }
0x2d4: {  	_ =	swait.ge @!p2 [sflag:s5], $0x1400  }
0x2d5: {  	[sflag:s5] =	ssyncset.done @!p2 $0x0  }
0x2d6: {  	[sflag:s5] =	ssyncadd.s32 @!p2 $0xFFFFEC00;
	s5 =	simm.s32 @!p2 $0xE  }
0x2d7: {  	_ =	swait.ge @!p2 [sflag:s5], $0x28  }
0x2d8: {  	s7 =	simm.s32 @!p2 $0xA280;
	[sflag:s5] =	ssyncset.done @!p2 $0x0  }
0x2d9: {  	s8 =	simm.s32 @!p2 $0x6400;
	[sflag:s5] =	ssyncadd.s32 @!p2 $0xFFFFFFD8;
	s5 =	simm.s32 @!p2 $0x28  }
0x2da: {  	[spmem:s11] =	stream.indirect.scatter.add.f32 @!p2 [tilespmem:s8], [sflag:$0x16], $0x80, s7, s5, $0xb8;
	[tilespmem:$0x1F5C0] =	vst v63  }
0x2db: {  	s5 =	sadd.s32 @!p2 $0xFFFFFFFE, s3  }
0x2dc: {  	p3 =	sge.s32 @!p2 s5, s6  }
0x2dd: {  	p2 =	por p3, p2  }
0x2de: {  	s5 =	simm.s32 @!p2 $0x14  }
0x2df: {  	s7 =	sadd.s32 @!p2 $0xDC00, s1;
	s8 =	simm.s32 @!p2 $0x0;
	_ =	swait.ge @!p2 [sflag:s5], $0x1400  }
0x2e0: {  	s9 =	simm.s32 @!p2 $0x3C00;
	s7 =	sshrl.u32 @!p2 s7, $0x3;
	[sflag:s5] =	ssyncset.done @!p2 $0x0  }
0x2e1: {  	s7 =	sadd.s32 @!p2 s10, s7;
	[sflag:s5] =	ssyncadd.s32 @!p2 $0xFFFFEC00;
	s5 =	sadd.s32 @!p2 $0x1B8, s2  }
0x2e2: {  	[tilespmem:s9], [sflag:$0x4] =	stream.linear.gather @!p2 [hbm4b:s7+s8], $0x1400, $0x38;
	[tilespmem:$0x1F5C0] =	vst v63  }
0x2e3: {  	s5 =	sshrl.u32 @!p2 s5, $0x3  }
0x2e4: {  	s29 =	rddreg [dreg:$0x1a];
	s9 =	simm.s32 @!p2 $0xA180;
	s5 =	sadd.s32 @!p2 s30, s5  }
0x2e5: {  	[tilespmem:s9], [sflag:$0xC] =	stream.linear.gather @!p2 [hbm4b:s5+s8], $0x28, $0x38;
	[tilespmem:$0x1F5C0] =	vst v63  }
0x2e6: {  	p2 =	sge.s32 s4, s29  }
0x2e7: {  	s5 =	simm.s32 @!p2 $0x7  }
0x2e8: {  	_ =	swait.ge @!p2 [sflag:s5], $0x1400  }
0x2e9: {  	[sflag:s5] =	ssyncset.done @!p2 $0x0  }
0x2ea: {  	[sflag:s5] =	ssyncadd.s32 @!p2 $0xFFFFEC00;
	s5 =	simm.s32 @!p2 $0xF  }
0x2eb: {  	_ =	swait.ge @!p2 [sflag:s5], $0x28  }
0x2ec: {  	s7 =	simm.s32 @!p2 $0xA300;
	[sflag:s5] =	ssyncset.done @!p2 $0x0  }
0x2ed: {  	s8 =	simm.s32 @!p2 $0x7800;
	[sflag:s5] =	ssyncadd.s32 @!p2 $0xFFFFFFD8;
	s5 =	simm.s32 @!p2 $0x28  }
0x2ee: {  	[spmem:s11] =	stream.indirect.scatter.add.f32 @!p2 [tilespmem:s8], [sflag:$0x17], $0x80, s7, s5, $0xb8;
	[tilespmem:$0x1F5C0] =	vst v63  }
0x2ef: {  	s5 =	sadd.s32 @!p2 $0xFFFFFFFF, s3  }
0x2f0: {  	p3 =	sge.s32 @!p2 s5, s6  }
0x2f1: {  	p2 =	por p3, p2  }
0x2f2: {  	s5 =	simm.s32 @!p2 $0x15  }
0x2f3: {  	s7 =	sadd.s32 @!p2 $0xF000, s1;
	s8 =	simm.s32 @!p2 $0x0;
	_ =	swait.ge @!p2 [sflag:s5], $0x1400  }
0x2f4: {  	s9 =	simm.s32 @!p2 $0x5000;
	s7 =	sshrl.u32 @!p2 s7, $0x3;
	[sflag:s5] =	ssyncset.done @!p2 $0x0  }
0x2f5: {  	s7 =	sadd.s32 @!p2 s10, s7;
	[sflag:s5] =	ssyncadd.s32 @!p2 $0xFFFFEC00;
	s5 =	sadd.s32 @!p2 $0x1E0, s2  }
0x2f6: {  	[tilespmem:s9], [sflag:$0x5] =	stream.linear.gather @!p2 [hbm4b:s7+s8], $0x1400, $0x38;
	[tilespmem:$0x1F5C0] =	vst v63  }
0x2f7: {  	s5 =	sshrl.u32 @!p2 s5, $0x3  }
0x2f8: {  	s31 =	rddreg [dreg:$0x1b];
	s9 =	simm.s32 @!p2 $0xA200;
	s5 =	sadd.s32 @!p2 s30, s5  }
0x2f9: {  	[tilespmem:s9], [sflag:$0xD] =	stream.linear.gather @!p2 [hbm4b:s5+s8], $0x28, $0x38;
	[tilespmem:$0x1F5C0] =	vst v63  }
0x2fa: {  	p2 =	sge.s32 s4, s31  }
0x2fb: {  	s4 =	simm.s32 @!p2 $0x8  }
0x2fc: {  	_ =	swait.ge @!p2 [sflag:s4], $0x1400  }
0x2fd: {  	[sflag:s4] =	ssyncset.done @!p2 $0x0  }
0x2fe: {  	[sflag:s4] =	ssyncadd.s32 @!p2 $0xFFFFEC00;
	s4 =	simm.s32 @!p2 $0x10  }
0x2ff: {  	_ =	swait.ge @!p2 [sflag:s4], $0x28  }
0x300: {  	s5 =	simm.s32 @!p2 $0xA380;
	s7 =	simm.s32 @!p2 $0x8C00;
	[sflag:s4] =	ssyncset.done @!p2 $0x0  }
0x301: {  	p3 =	sge.s32 @!p2 s3, s6;
	[sflag:s4] =	ssyncadd.s32 @!p2 $0xFFFFFFD8;
	s4 =	simm.s32 @!p2 $0x28  }
0x302: {  	[spmem:s11] =	stream.indirect.scatter.add.f32 @!p2 [tilespmem:s7], [sflag:$0x18], $0x80, s5, s4, $0xb8;
	[tilespmem:$0x1F5C0] =	vst v63  }
0x303: {  	p2 =	por p3, p2  }
0x304: {  	s4 =	simm.s32 @!p2 $0x16  }
0x305: {  	s5 =	sadd.s32 @!p2 $0x10400, s1;
	s7 =	simm.s32 @!p2 $0x0;
	_ =	swait.ge @!p2 [sflag:s4], $0x1400  }
0x306: {  	s8 =	simm.s32 @!p2 $0x6400;
	s5 =	sshrl.u32 @!p2 s5, $0x3;
	[sflag:s4] =	ssyncset.done @!p2 $0x0  }
0x307: {  	s5 =	sadd.s32 @!p2 s10, s5;
	[sflag:s4] =	ssyncadd.s32 @!p2 $0xFFFFEC00;
	s4 =	sadd.s32 @!p2 $0x208, s2  }
0x308: {  	[tilespmem:s8], [sflag:$0x6] =	stream.linear.gather @!p2 [hbm4b:s5+s7], $0x1400, $0x38;
	[tilespmem:$0x1F5C0] =	vst v63  }
0x309: {  	s4 =	sshrl.u32 @!p2 s4, $0x3  }
0x30a: {  	s0 =	sadd.s32 $0xFFFFFFFF, s0;
	s5 =	simm.s32 @!p2 $0xA280;
	s4 =	sadd.s32 @!p2 s30, s4  }
0x30b: {  	[tilespmem:s5], [sflag:$0xE] =	stream.linear.gather @!p2 [hbm4b:s4+s7], $0x28, $0x38;
	[tilespmem:$0x1F5C0] =	vst v63  }
0x30c: {  	p2 =	sne.s32 s0, $0x0  }
.Ltmp7:
0x30d: {  	_ = 	snop;
	(pc) =	sbr.rel @p2 .LBB2_10-.Ltmp7, $2  }
0x30e: {  	_ =	sdelay $0x2  }
0x30f: {  	s3 =	sadd.s32 $0x8, s3;
	s1 =	sadd.s32 $0xA000, s1;
	s2 =	sadd.s32 $0x140, s2  }
.Ltmp8:
0x310: {  	_ = 	snop;
	(pc) =	sbr.rel .LBB2_11-.Ltmp8, $1  }
0x311: {  	_ =	sdelay $0x3  }
.LBB2_12:
0x312: {  	_ =	sfence.sel $0x180000  }
0x313: {  	[bflag:$0x0] =	sbarrier.arrive $0xFFFF  }
0x314: {  	_ =	strace $0x90000047  }
0x315: {  	[bflag:$0x2] =	sbarrier.arrive $0xFFFF  }
0x316: {  	p0 =	sne.s32 s12, $0x0;
	s0 =	rddreg [dreg:$0x5]  }
0x317: {  	s0 =	sadd.s32 @!p0 $0x100000, s0  }
0x318: {  	[sflag:s0] =	ssyncadd.tile.s32 @!p0 $0x1;
	_ =	shalt  }
.Lfunc_end2:
_tile_overlayer_lowered:
.L_overlay_start_2:
0x319: {  	(tag) =	ssettag $0x2  }
0x31a: {  	s0 =	rddreg [dreg:$0x0];
	s2 =	stileid.u32  }
0x31b: {  	s1 =	rddreg [dreg:$0x1];
	p0 =	sne.s32 s2, $0x0  }
0x31c: {  	s3 =	rddreg [dreg:$0x2];
	[bflag:$0x3] =	sbarrier.arrive $0xFFFF;
	s2 =	simm.s32 @!p0 $0x1C1A  }
0x31d: {  	[timem:s3], [sflag:s2] =	dma.local @!p0 [hbm:s0], s1  }
0x31e: {  	s0 =	simm.s32 @!p0 $0x1A  }
0x31f: {  	_ =	swait.ge @!p0 [sflag:s0], s1  }
0x320: {  	s1 =	ssub.s32 @!p0 $0x0, s1;
	[sflag:s0] =	ssyncset.done @!p0 $0x0  }
0x321: {  	[sflag:s0] =	ssyncadd.s32 @!p0 s1  }
0x322: {  	[bflag:$0x3] =	sbarrier.arrive $0xFFFF  }
0x323: {  	_ =	shalt  }

</sc_bundles>
